<compile_context>
chip_gen: v7x
topology: tpu7x:2x2x1
jax: 0.10.2.dev20260603
libtpu: 0.0.44.dev20260713+nightly
codegen_flags: <defaults>
</compile_context>

<pallas_src>
import functools

import jax
import jax.numpy as jnp
import numpy as np
from jax import lax
from jax.experimental import pallas as pl
from jax.experimental.pallas import tpu as pltpu
from jax.experimental.pallas import tpu_sc as plsc

NC = 2
NS = 16
NW = NC * NS
L = 16
CH = 128
SLAB = 8


def _bincount_body(row_hbm, degp_hbm, hist, idx_v, sumb, stage, sem,
                   *, n_real):
    c = lax.axis_index("c")
    s = lax.axis_index("s")
    w = c * NS + s
    tpw = idx_v.shape[0]
    hn = hist.shape[0]
    seg = hn // NS

    def _z(i, _):
        for q in range(8):
            hist[pl.ds(i * 8 * L + q * L, L)] = jnp.zeros((L,), jnp.float32)
        return 0
    lax.fori_loop(0, hn // (8 * L), _z, 0)

    pltpu.async_copy(row_hbm.at[pl.ds(w * tpw, tpw)], idx_v, sem).wait()
    ones = jnp.ones((L,), jnp.float32)
    nfull = tpw // (8 * L)

    def _acc(t, _):
        for q in range(8):
            iv = idx_v[pl.ds(t * 8 * L + q * L, L)]
            plsc.addupdate_scatter(hist, [iv], ones)
        return 0
    lax.fori_loop(0, nfull, _acc, 0)
    for q in range((tpw - nfull * 8 * L) // L):
        iv = idx_v[pl.ds(nfull * 8 * L + q * L, L)]
        plsc.addupdate_scatter(hist, [iv], ones)

    pltpu.sync_copy(hist, stage.at[s])
    plsc.subcore_barrier()
    pltpu.sync_copy(stage.at[:, pl.ds(s * seg, seg)], sumb)

    def _sum(k, _):
        acc = sumb[0, pl.ds(k * L, L)]
        for i in range(1, NS):
            acc = acc + sumb[i, pl.ds(k * L, L)]
        hist[pl.ds(s * seg + k * L, L)] = acc
        return 0
    lax.fori_loop(0, seg // L, _sum, 0)
    pltpu.sync_copy(hist.at[pl.ds(s * seg, seg)],
                    degp_hbm.at[pl.ds(c * hn + s * seg, seg)])


def _edges_body(g_hbm, row_hbm, col_hbm, yp_hbm,
                ridx0, cidx0, ridx1, cidx1, buf0, buf1, ysh,
                sem0, sem1, semi):
    c = lax.axis_index("c")
    s = lax.axis_index("s")
    w = c * NS + s
    nslab = row_hbm.shape[0] // (NW * SLAB)
    yr = ysh.shape[0]
    yr_t = yr // NS
    nz = yr_t // CH
    base = w * nslab * SLAB

    def _z(i, _):
        for q in range(buf0.shape[1] // L):
            buf0[i, pl.ds(q * L, L)] = jnp.zeros((L,), jnp.float32)
        return 0
    lax.fori_loop(0, CH, _z, 0)
    for k in range(nz):
        pltpu.sync_copy(buf0, ysh.at[pl.ds(s * yr_t + k * CH, CH)])
    plsc.subcore_barrier()

    pltpu.sync_copy(row_hbm.at[pl.ds(base, SLAB)], ridx0)
    pltpu.sync_copy(col_hbm.at[pl.ds(base, SLAB)], cidx0)
    pltpu.async_copy(g_hbm.at[ridx0.at[0]], buf0, sem0)

    for sl in range(nslab):
        rs, cs = (ridx0, cidx0) if sl % 2 == 0 else (ridx1, cidx1)
        rn, cn = (ridx1, cidx1) if sl % 2 == 0 else (ridx0, cidx0)
        last = sl + 1 == nslab
        if not last:
            nxt = base + (sl + 1) * SLAB
            pltpu.async_copy(row_hbm.at[pl.ds(nxt, SLAB)], rn, semi)
            pltpu.async_copy(col_hbm.at[pl.ds(nxt, SLAB)], cn, semi)

        def _step(t, _):
            j = 2 * t
            pltpu.async_copy(g_hbm.at[rs.at[j + 1]], buf1, sem1)
            pltpu.make_async_copy(g_hbm.at[rs.at[j]], buf0, sem0).wait()
            pltpu.sync_copy(buf0, ysh.at[cs.at[j]], add=True)
            pltpu.async_copy(g_hbm.at[rs.at[j + 2]], buf0, sem0)
            pltpu.make_async_copy(g_hbm.at[rs.at[j + 1]], buf1, sem1).wait()
            pltpu.sync_copy(buf1, ysh.at[cs.at[j + 1]], add=True)
            return 0
        lax.fori_loop(0, SLAB // 2 - 1, _step, 0)

        pltpu.async_copy(g_hbm.at[rs.at[SLAB - 1]], buf1, sem1)
        pltpu.make_async_copy(g_hbm.at[rs.at[SLAB - 2]], buf0, sem0).wait()
        pltpu.sync_copy(buf0, ysh.at[cs.at[SLAB - 2]], add=True)
        if not last:
            pltpu.make_async_copy(row_hbm.at[pl.ds(0, SLAB)], rn, semi).wait()
            pltpu.make_async_copy(col_hbm.at[pl.ds(0, SLAB)], cn, semi).wait()
            pltpu.async_copy(g_hbm.at[rn.at[0]], buf0, sem0)
        pltpu.make_async_copy(g_hbm.at[rs.at[SLAB - 1]], buf1, sem1).wait()
        pltpu.sync_copy(buf1, ysh.at[cs.at[SLAB - 1]], add=True)

    plsc.subcore_barrier()
    for k in range(nz):
        sl2 = pl.ds(s * yr_t + k * CH, CH)
        pltpu.sync_copy(ysh.at[sl2], yp_hbm.at[c, sl2])


def _matmul_body(x_ref, w_ref, b_ref, h_ref):
    h_ref[...] = lax.dot_general(x_ref[...], w_ref[...],
                                 (((1,), (1,)), ((), ())),
                                 preferred_element_type=jnp.float32) + b_ref[...]


def _scale_body(h_ref, deg_ref, g_ref, dinv_ref):
    deg = jnp.sum(deg_ref[...], axis=1, keepdims=True)
    dinv = jnp.where(deg > 0.0, lax.rsqrt(deg), 0.0)
    dinv_ref[...] = dinv
    g_ref[...] = dinv * h_ref[...]


def _finish_body(yp_ref, dinv_ref, y_ref):
    y_ref[...] = (yp_ref[0] + yp_ref[1]) * dinv_ref[...]


def kernel(x, e_, W, b):
    BN, C1 = x.shape
    C2 = W.shape[0]
    E = e_.shape[1]
    BN2 = ((BN + 1279) // 1280) * 1280
    CPW = -(-E // (NW * CH))
    CPW += CPW % 2
    E_pad = NW * CPW * CH
    TPW = E_pad // NW
    HR = BN2 // CH

    row = e_[0]
    col = e_[1]
    pad = E_pad - E
    dummy = jnp.asarray(BN + np.arange(pad) % (BN2 - BN), jnp.int32)
    spread = jnp.asarray(np.arange(pad) % BN, jnp.int32)
    rowC_flat = jnp.concatenate([row, spread])
    rowC = rowC_flat.reshape(-1, CH)
    colC = jnp.concatenate([col, dummy]).reshape(-1, CH)
    b2 = b.reshape(1, C2)

    mesh = plsc.VectorSubcoreMesh(core_axis_name="c", subcore_axis_name="s")

    degp = pl.kernel(
        functools.partial(_bincount_body, n_real=E),
        out_type=jax.ShapeDtypeStruct((NC * BN2,), jnp.float32),
        mesh=mesh,
        scratch_types=[
            pltpu.VMEM((BN2,), jnp.float32),
            pltpu.VMEM((E // NW,), jnp.int32),
            pltpu.VMEM((NS, BN2 // NS), jnp.float32),
            pltpu.VMEM_SHARED((NS, BN2), jnp.float32),
            pltpu.SemaphoreType.DMA,
        ],
        compiler_params=pltpu.CompilerParams(needs_layout_passes=False),
        name="gcn_bincount_sc",
    )(row)

    degT = degp.reshape(NC, BN2).T
    BR = 2000
    h = pl.pallas_call(
        _matmul_body,
        grid=(BN // BR,),
        in_specs=[
            pl.BlockSpec((BR, C1), lambda r: (r, 0)),
            pl.BlockSpec((C2, C1), lambda r: (0, 0)),
            pl.BlockSpec((1, C2), lambda r: (0, 0)),
        ],
        out_specs=pl.BlockSpec((BR, C2), lambda r: (r, 0)),
        out_shape=jax.ShapeDtypeStruct((BN, C2), jnp.float32),
        name="gcn_matmul_tc",
    )(x, W, b2)
    g, dinv = pl.pallas_call(
        _scale_body,
        grid=(BN // BR,),
        in_specs=[
            pl.BlockSpec((BR, C2), lambda r: (r, 0)),
            pl.BlockSpec((BR, NC), lambda r: (r, 0)),
        ],
        out_specs=[
            pl.BlockSpec((BR, C2), lambda r: (r, 0)),
            pl.BlockSpec((BR, 1), lambda r: (r, 0)),
        ],
        out_shape=[
            jax.ShapeDtypeStruct((BN, C2), jnp.float32),
            jax.ShapeDtypeStruct((BN, 1), jnp.float32),
        ],
        name="gcn_scale_tc",
    )(h, degT)

    yp = pl.kernel(
        _edges_body,
        out_type=jax.ShapeDtypeStruct((NC, BN2, C2), jnp.float32),
        mesh=mesh,
        scratch_types=[
            pltpu.VMEM((SLAB, CH), jnp.int32),
            pltpu.VMEM((SLAB, CH), jnp.int32),
            pltpu.VMEM((SLAB, CH), jnp.int32),
            pltpu.VMEM((SLAB, CH), jnp.int32),
            pltpu.VMEM((CH, C2), jnp.float32),
            pltpu.VMEM((CH, C2), jnp.float32),
            pltpu.VMEM_SHARED((BN2, C2), jnp.float32),
            pltpu.SemaphoreType.DMA,
            pltpu.SemaphoreType.DMA,
            pltpu.SemaphoreType.DMA,
        ],
        name="gcn_edges_sc",
    )(g, rowC, colC)

    BRD = 2000
    y = pl.pallas_call(
        _finish_body,
        grid=(BN // BRD,),
        in_specs=[
            pl.BlockSpec((NC, BRD, C2), lambda r: (0, r, 0)),
            pl.BlockSpec((BRD, 1), lambda r: (r, 0)),
        ],
        out_specs=pl.BlockSpec((BRD, C2), lambda r: (r, 0)),
        out_shape=jax.ShapeDtypeStruct((BN, C2), jnp.float32),
        name="gcn_finish_tc",
    )(yp, dinv)
    return y

# --- scband reference (transcript-rebuilt; emitter-appended) ---
"""Pipeline reference for scband-gcn-block-47296179863966 (READ-ONLY COPY).

The authoritative reference and input builder live on the scoring server;
editing this copy changes nothing except your own understanding.
"""

import jax, jax.numpy as jnp
import numpy as np


def setup_inputs(seed: int = 0) -> dict:
    key = jax.random.key(seed)
    k1, k2, k3, k4 = jax.random.split(key, 4)
    BN, E, C1, C2 = 10000, 320000, 128, 128
    x = jax.random.normal(k1, (BN, C1), dtype=jnp.float32)
    e_ = jax.random.randint(k2, (2, E), 0, BN, dtype=jnp.int32)
    # nn.Linear(C1, C2) params: W has shape (C2, C1), b has shape (C2,)
    W = jax.random.normal(k3, (C2, C1), dtype=jnp.float32) * (1.0 / np.sqrt(C1))
    b = jax.random.normal(k4, (C2,), dtype=jnp.float32) * 0.01
    return {"x": x, "e_": e_, "W": W, "b": b}


def reference(x, e_, W, b):
    BN = x.shape[0]
    row = e_[0]
    col = e_[1]
    # symmetric normalization coefficients
    deg = jnp.bincount(row, length=BN).astype(jnp.float32)
    deg_inv_sqrt = jnp.where(deg > 0, deg ** -0.5, 0.0)
    norm = deg_inv_sqrt[row] * deg_inv_sqrt[col]
    # linear transform
    h = x @ W.T + b
    # gather source messages, scale, scatter-add to destination
    messages = norm[:, None] * h[row]
    y = jnp.zeros_like(h).at[col].add(messages)
    return y

if __name__ == "__main__":
    import jax
    _d = setup_inputs()
    print(jax.jit(kernel)(*tuple(_d.values())))

</pallas_src>

<mosaic_0001>
#map = affine_map<(d0, d1) -> (0)>
module attributes {stable_mosaic.version = 14 : i64} {
  func.func @gcn_bincount_sc(%arg0: i32, %arg1: i32, %arg2: memref<320000xi32, #tpu.memory_space<hbm>>, %arg3: memref<20480xf32, #tpu.memory_space<hbm>>, %arg4: memref<10240xf32, #tpu.memory_space<vmem>>, %arg5: memref<10000xi32, #tpu.memory_space<vmem>>, %arg6: memref<16x640xf32, #tpu.memory_space<vmem>>, %arg7: memref<16x10240xf32, #tpu.memory_space<vmem_shared>>, %arg8: memref<!tpu.dma_semaphore, #tpu.memory_space<semaphore_mem>>) attributes {dimension_semantics = [#tpu.dimension_semantics<core_parallel>, #tpu.dimension_semantics<subcore_parallel>], iteration_bounds = array<i64: 2, 16>, scalar_prefetch = 0 : i64, scratch_operands = 5 : i64, tpu.core_type = #tpu.core_type<sc_vector_subcore>, window_params = [{transform_indices = #map}, {transform_indices = #map}]} {
    %mul3A = arith.constant 16 : i32
    %mul3A_0 = arith.muli %arg0, %mul3A : i32
    %add3A = arith.addi %mul3A_0, %arg1 : i32
    %scan3A = arith.constant 0 : i32
    %scan3A_1 = arith.constant 0 : i32
    %scan3A_2 = arith.constant 80 : i32
    %scan3A_3 = arith.addi %scan3A_1, %scan3A_2 : i32
    %scan3A_4 = arith.constant 1 : i32
    %scan3A_5 = scf.for %scan3A_36 = %scan3A_1 to %scan3A_3 step %scan3A_4 iter_args(%scan3A_37 = %scan3A) -> (i32)  : i32 {
      %broadcast_in_dim3A_38 = arith.constant 0.000000e+00 : f32
      %broadcast_in_dim3A_39 = vector.broadcast %broadcast_in_dim3A_38 : f32 to vector<16xf32>
      %mul3A_40 = arith.constant 8 : i32
      %mul3A_41 = arith.muli %scan3A_36, %mul3A_40 : i32
      %mul3A_42 = arith.constant 16 : i32
      %mul3A_43 = arith.muli %mul3A_41, %mul3A_42 : i32
      %add3A_44 = arith.constant 0 : i32
      %add3A_45 = arith.addi %mul3A_43, %add3A_44 : i32
      %swap3A = arith.index_cast %add3A_45 : i32 to index
      %swap3A_46 = tpu.vector_load %arg4[%swap3A] {strides = array<i32>} : memref<10240xf32, #tpu.memory_space<vmem>>, vector<16xf32>,
      tpu.vector_store %arg4[%swap3A], %broadcast_in_dim3A_39 {strides = array<i32>} : memref<10240xf32, #tpu.memory_space<vmem>>, vector<16xf32>,
      %broadcast_in_dim3A_47 = arith.constant 0.000000e+00 : f32
      %broadcast_in_dim3A_48 = vector.broadcast %broadcast_in_dim3A_47 : f32 to vector<16xf32>
      %mul3A_49 = arith.constant 8 : i32
      %mul3A_50 = arith.muli %scan3A_36, %mul3A_49 : i32
      %mul3A_51 = arith.constant 16 : i32
      %mul3A_52 = arith.muli %mul3A_50, %mul3A_51 : i32
      %add3A_53 = arith.constant 16 : i32
      %add3A_54 = arith.addi %mul3A_52, %add3A_53 : i32
      %swap3A_55 = arith.index_cast %add3A_54 : i32 to index
      %swap3A_56 = tpu.vector_load %arg4[%swap3A_55] {strides = array<i32>} : memref<10240xf32, #tpu.memory_space<vmem>>, vector<16xf32>,
      tpu.vector_store %arg4[%swap3A_55], %broadcast_in_dim3A_48 {strides = array<i32>} : memref<10240xf32, #tpu.memory_space<vmem>>, vector<16xf32>,
      %broadcast_in_dim3A_57 = arith.constant 0.000000e+00 : f32
      %broadcast_in_dim3A_58 = vector.broadcast %broadcast_in_dim3A_57 : f32 to vector<16xf32>
      %mul3A_59 = arith.constant 8 : i32
      %mul3A_60 = arith.muli %scan3A_36, %mul3A_59 : i32
      %mul3A_61 = arith.constant 16 : i32
      %mul3A_62 = arith.muli %mul3A_60, %mul3A_61 : i32
      %add3A_63 = arith.constant 32 : i32
      %add3A_64 = arith.addi %mul3A_62, %add3A_63 : i32
      %swap3A_65 = arith.index_cast %add3A_64 : i32 to index
      %swap3A_66 = tpu.vector_load %arg4[%swap3A_65] {strides = array<i32>} : memref<10240xf32, #tpu.memory_space<vmem>>, vector<16xf32>,
      tpu.vector_store %arg4[%swap3A_65], %broadcast_in_dim3A_58 {strides = array<i32>} : memref<10240xf32, #tpu.memory_space<vmem>>, vector<16xf32>,
      %broadcast_in_dim3A_67 = arith.constant 0.000000e+00 : f32
      %broadcast_in_dim3A_68 = vector.broadcast %broadcast_in_dim3A_67 : f32 to vector<16xf32>
      %mul3A_69 = arith.constant 8 : i32
      %mul3A_70 = arith.muli %scan3A_36, %mul3A_69 : i32
      %mul3A_71 = arith.constant 16 : i32
      %mul3A_72 = arith.muli %mul3A_70, %mul3A_71 : i32
      %add3A_73 = arith.constant 48 : i32
      %add3A_74 = arith.addi %mul3A_72, %add3A_73 : i32
      %swap3A_75 = arith.index_cast %add3A_74 : i32 to index
      %swap3A_76 = tpu.vector_load %arg4[%swap3A_75] {strides = array<i32>} : memref<10240xf32, #tpu.memory_space<vmem>>, vector<16xf32>,
      tpu.vector_store %arg4[%swap3A_75], %broadcast_in_dim3A_68 {strides = array<i32>} : memref<10240xf32, #tpu.memory_space<vmem>>, vector<16xf32>,
      %broadcast_in_dim3A_77 = arith.constant 0.000000e+00 : f32
      %broadcast_in_dim3A_78 = vector.broadcast %broadcast_in_dim3A_77 : f32 to vector<16xf32>
      %mul3A_79 = arith.constant 8 : i32
      %mul3A_80 = arith.muli %scan3A_36, %mul3A_79 : i32
      %mul3A_81 = arith.constant 16 : i32
      %mul3A_82 = arith.muli %mul3A_80, %mul3A_81 : i32
      %add3A_83 = arith.constant 64 : i32
      %add3A_84 = arith.addi %mul3A_82, %add3A_83 : i32
      %swap3A_85 = arith.index_cast %add3A_84 : i32 to index
      %swap3A_86 = tpu.vector_load %arg4[%swap3A_85] {strides = array<i32>} : memref<10240xf32, #tpu.memory_space<vmem>>, vector<16xf32>,
      tpu.vector_store %arg4[%swap3A_85], %broadcast_in_dim3A_78 {strides = array<i32>} : memref<10240xf32, #tpu.memory_space<vmem>>, vector<16xf32>,
      %broadcast_in_dim3A_87 = arith.constant 0.000000e+00 : f32
      %broadcast_in_dim3A_88 = vector.broadcast %broadcast_in_dim3A_87 : f32 to vector<16xf32>
      %mul3A_89 = arith.constant 8 : i32
      %mul3A_90 = arith.muli %scan3A_36, %mul3A_89 : i32
      %mul3A_91 = arith.constant 16 : i32
      %mul3A_92 = arith.muli %mul3A_90, %mul3A_91 : i32
      %add3A_93 = arith.constant 80 : i32
      %add3A_94 = arith.addi %mul3A_92, %add3A_93 : i32
      %swap3A_95 = arith.index_cast %add3A_94 : i32 to index
      %swap3A_96 = tpu.vector_load %arg4[%swap3A_95] {strides = array<i32>} : memref<10240xf32, #tpu.memory_space<vmem>>, vector<16xf32>,
      tpu.vector_store %arg4[%swap3A_95], %broadcast_in_dim3A_88 {strides = array<i32>} : memref<10240xf32, #tpu.memory_space<vmem>>, vector<16xf32>,
      %broadcast_in_dim3A_97 = arith.constant 0.000000e+00 : f32
      %broadcast_in_dim3A_98 = vector.broadcast %broadcast_in_dim3A_97 : f32 to vector<16xf32>
      %mul3A_99 = arith.constant 8 : i32
      %mul3A_100 = arith.muli %scan3A_36, %mul3A_99 : i32
      %mul3A_101 = arith.constant 16 : i32
      %mul3A_102 = arith.muli %mul3A_100, %mul3A_101 : i32
      %add3A_103 = arith.constant 96 : i32
      %add3A_104 = arith.addi %mul3A_102, %add3A_103 : i32
      %swap3A_105 = arith.index_cast %add3A_104 : i32 to index
      %swap3A_106 = tpu.vector_load %arg4[%swap3A_105] {strides = array<i32>} : memref<10240xf32, #tpu.memory_space<vmem>>, vector<16xf32>,
      tpu.vector_store %arg4[%swap3A_105], %broadcast_in_dim3A_98 {strides = array<i32>} : memref<10240xf32, #tpu.memory_space<vmem>>, vector<16xf32>,
      %broadcast_in_dim3A_107 = arith.constant 0.000000e+00 : f32
      %broadcast_in_dim3A_108 = vector.broadcast %broadcast_in_dim3A_107 : f32 to vector<16xf32>
      %mul3A_109 = arith.constant 8 : i32
      %mul3A_110 = arith.muli %scan3A_36, %mul3A_109 : i32
      %mul3A_111 = arith.constant 16 : i32
      %mul3A_112 = arith.muli %mul3A_110, %mul3A_111 : i32
      %add3A_113 = arith.constant 112 : i32
      %add3A_114 = arith.addi %mul3A_112, %add3A_113 : i32
      %swap3A_115 = arith.index_cast %add3A_114 : i32 to index
      %swap3A_116 = tpu.vector_load %arg4[%swap3A_115] {strides = array<i32>} : memref<10240xf32, #tpu.memory_space<vmem>>, vector<16xf32>,
      tpu.vector_store %arg4[%swap3A_115], %broadcast_in_dim3A_108 {strides = array<i32>} : memref<10240xf32, #tpu.memory_space<vmem>>, vector<16xf32>,
      %scan3A_117 = arith.constant 0 : i32
      scf.yield %scan3A_117 : i32
    }
    %scan3A_6 = arith.constant 80 : i32
    %mul3A_7 = arith.constant 10000 : i32
    %mul3A_8 = arith.muli %add3A, %mul3A_7 : i32
    %dma_start3A = tpu.memref_slice %arg2[%mul3A_8] : memref<320000xi32, #tpu.memory_space<hbm>> -> memref<10000xi32, #tpu.memory_space<hbm>>
    %dma_start3A_9 = tpu.memref_slice %arg2[%mul3A_8] : memref<320000xi32, #tpu.memory_space<hbm>> -> memref<10000xi32, #tpu.memory_space<hbm>>
    tpu.enqueue_dma source(%dma_start3A_9 : memref<10000xi32, #tpu.memory_space<hbm>>) target(%arg5 : memref<10000xi32, #tpu.memory_space<vmem>>) target_semaphore(%arg8 : memref<!tpu.dma_semaphore, #tpu.memory_space<semaphore_mem>>)
    %dma_wait3A = tpu.memref_slice %arg2[%mul3A_8] : memref<320000xi32, #tpu.memory_space<hbm>> -> memref<10000xi32, #tpu.memory_space<hbm>>
    %dma_wait3A_10 = tpu.memref_slice %arg2[%mul3A_8] : memref<320000xi32, #tpu.memory_space<hbm>> -> memref<10000xi32, #tpu.memory_space<hbm>>
    tpu.wait_dma2 semaphore(%arg8 : memref<!tpu.dma_semaphore, #tpu.memory_space<semaphore_mem>>) src(%dma_wait3A_10 : memref<10000xi32, #tpu.memory_space<hbm>>) dst(%arg5 : memref<10000xi32, #tpu.memory_space<vmem>>)
    %broadcast_in_dim3A = arith.constant 1.000000e+00 : f32
    %broadcast_in_dim3A_11 = vector.broadcast %broadcast_in_dim3A : f32 to vector<16xf32>
    %scan3A_12 = arith.constant 0 : i32
    %scan3A_13 = arith.constant 0 : i32
    %scan3A_14 = arith.constant 78 : i32
    %scan3A_15 = arith.addi %scan3A_13, %scan3A_14 : i32
    %scan3A_16 = arith.constant 1 : i32
    %scan3A_17 = scf.for %scan3A_36 = %scan3A_13 to %scan3A_15 step %scan3A_16 iter_args(%scan3A_37 = %scan3A_12) -> (i32)  : i32 {
      %mul3A_38 = arith.constant 8 : i32
      %mul3A_39 = arith.muli %scan3A_36, %mul3A_38 : i32
      %mul3A_40 = arith.constant 16 : i32
      %mul3A_41 = arith.muli %mul3A_39, %mul3A_40 : i32
      %add3A_42 = arith.constant 0 : i32
      %add3A_43 = arith.addi %mul3A_41, %add3A_42 : i32
      %get3A_44 = arith.index_cast %add3A_43 : i32 to index
      %get3A_45 = tpu.vector_load %arg5[%get3A_44] {strides = array<i32>} : memref<10000xi32, #tpu.memory_space<vmem>>, vector<16xi32>,
      tpu.vector_store_idx %arg4[%get3A_45], %broadcast_in_dim3A_11 {add = true} : memref<10240xf32, #tpu.memory_space<vmem>>[vector<16xi32>], vector<16xf32>,
      %mul3A_46 = arith.constant 8 : i32
      %mul3A_47 = arith.muli %scan3A_36, %mul3A_46 : i32
      %mul3A_48 = arith.constant 16 : i32
      %mul3A_49 = arith.muli %mul3A_47, %mul3A_48 : i32
      %add3A_50 = arith.constant 16 : i32
      %add3A_51 = arith.addi %mul3A_49, %add3A_50 : i32
      %get3A_52 = arith.index_cast %add3A_51 : i32 to index
      %get3A_53 = tpu.vector_load %arg5[%get3A_52] {strides = array<i32>} : memref<10000xi32, #tpu.memory_space<vmem>>, vector<16xi32>,
      tpu.vector_store_idx %arg4[%get3A_53], %broadcast_in_dim3A_11 {add = true} : memref<10240xf32, #tpu.memory_space<vmem>>[vector<16xi32>], vector<16xf32>,
      %mul3A_54 = arith.constant 8 : i32
      %mul3A_55 = arith.muli %scan3A_36, %mul3A_54 : i32
      %mul3A_56 = arith.constant 16 : i32
      %mul3A_57 = arith.muli %mul3A_55, %mul3A_56 : i32
      %add3A_58 = arith.constant 32 : i32
      %add3A_59 = arith.addi %mul3A_57, %add3A_58 : i32
      %get3A_60 = arith.index_cast %add3A_59 : i32 to index
      %get3A_61 = tpu.vector_load %arg5[%get3A_60] {strides = array<i32>} : memref<10000xi32, #tpu.memory_space<vmem>>, vector<16xi32>,
      tpu.vector_store_idx %arg4[%get3A_61], %broadcast_in_dim3A_11 {add = true} : memref<10240xf32, #tpu.memory_space<vmem>>[vector<16xi32>], vector<16xf32>,
      %mul3A_62 = arith.constant 8 : i32
      %mul3A_63 = arith.muli %scan3A_36, %mul3A_62 : i32
      %mul3A_64 = arith.constant 16 : i32
      %mul3A_65 = arith.muli %mul3A_63, %mul3A_64 : i32
      %add3A_66 = arith.constant 48 : i32
      %add3A_67 = arith.addi %mul3A_65, %add3A_66 : i32
      %get3A_68 = arith.index_cast %add3A_67 : i32 to index
      %get3A_69 = tpu.vector_load %arg5[%get3A_68] {strides = array<i32>} : memref<10000xi32, #tpu.memory_space<vmem>>, vector<16xi32>,
      tpu.vector_store_idx %arg4[%get3A_69], %broadcast_in_dim3A_11 {add = true} : memref<10240xf32, #tpu.memory_space<vmem>>[vector<16xi32>], vector<16xf32>,
      %mul3A_70 = arith.constant 8 : i32
      %mul3A_71 = arith.muli %scan3A_36, %mul3A_70 : i32
      %mul3A_72 = arith.constant 16 : i32
      %mul3A_73 = arith.muli %mul3A_71, %mul3A_72 : i32
      %add3A_74 = arith.constant 64 : i32
      %add3A_75 = arith.addi %mul3A_73, %add3A_74 : i32
      %get3A_76 = arith.index_cast %add3A_75 : i32 to index
      %get3A_77 = tpu.vector_load %arg5[%get3A_76] {strides = array<i32>} : memref<10000xi32, #tpu.memory_space<vmem>>, vector<16xi32>,
      tpu.vector_store_idx %arg4[%get3A_77], %broadcast_in_dim3A_11 {add = true} : memref<10240xf32, #tpu.memory_space<vmem>>[vector<16xi32>], vector<16xf32>,
      %mul3A_78 = arith.constant 8 : i32
      %mul3A_79 = arith.muli %scan3A_36, %mul3A_78 : i32
      %mul3A_80 = arith.constant 16 : i32
      %mul3A_81 = arith.muli %mul3A_79, %mul3A_80 : i32
      %add3A_82 = arith.constant 80 : i32
      %add3A_83 = arith.addi %mul3A_81, %add3A_82 : i32
      %get3A_84 = arith.index_cast %add3A_83 : i32 to index
      %get3A_85 = tpu.vector_load %arg5[%get3A_84] {strides = array<i32>} : memref<10000xi32, #tpu.memory_space<vmem>>, vector<16xi32>,
      tpu.vector_store_idx %arg4[%get3A_85], %broadcast_in_dim3A_11 {add = true} : memref<10240xf32, #tpu.memory_space<vmem>>[vector<16xi32>], vector<16xf32>,
      %mul3A_86 = arith.constant 8 : i32
      %mul3A_87 = arith.muli %scan3A_36, %mul3A_86 : i32
      %mul3A_88 = arith.constant 16 : i32
      %mul3A_89 = arith.muli %mul3A_87, %mul3A_88 : i32
      %add3A_90 = arith.constant 96 : i32
      %add3A_91 = arith.addi %mul3A_89, %add3A_90 : i32
      %get3A_92 = arith.index_cast %add3A_91 : i32 to index
      %get3A_93 = tpu.vector_load %arg5[%get3A_92] {strides = array<i32>} : memref<10000xi32, #tpu.memory_space<vmem>>, vector<16xi32>,
      tpu.vector_store_idx %arg4[%get3A_93], %broadcast_in_dim3A_11 {add = true} : memref<10240xf32, #tpu.memory_space<vmem>>[vector<16xi32>], vector<16xf32>,
      %mul3A_94 = arith.constant 8 : i32
      %mul3A_95 = arith.muli %scan3A_36, %mul3A_94 : i32
      %mul3A_96 = arith.constant 16 : i32
      %mul3A_97 = arith.muli %mul3A_95, %mul3A_96 : i32
      %add3A_98 = arith.constant 112 : i32
      %add3A_99 = arith.addi %mul3A_97, %add3A_98 : i32
      %get3A_100 = arith.index_cast %add3A_99 : i32 to index
      %get3A_101 = tpu.vector_load %arg5[%get3A_100] {strides = array<i32>} : memref<10000xi32, #tpu.memory_space<vmem>>, vector<16xi32>,
      tpu.vector_store_idx %arg4[%get3A_101], %broadcast_in_dim3A_11 {add = true} : memref<10240xf32, #tpu.memory_space<vmem>>[vector<16xi32>], vector<16xf32>,
      %scan3A_102 = arith.constant 0 : i32
      scf.yield %scan3A_102 : i32
    }
    %scan3A_18 = arith.constant 78 : i32
    %get3A = arith.constant 9984 : index
    %get3A_19 = tpu.vector_load %arg5[%get3A] {strides = array<i32>} : memref<10000xi32, #tpu.memory_space<vmem>>, vector<16xi32>,
    tpu.vector_store_idx %arg4[%get3A_19], %broadcast_in_dim3A_11 {add = true} : memref<10240xf32, #tpu.memory_space<vmem>>[vector<16xi32>], vector<16xf32>,
    "tpu.region"() ({
      %run_scoped3A = tpu.sem_alloc : memref<!tpu.dma_semaphore, #tpu.memory_space<semaphore_mem>>
      %dma_start3A_36 = arith.constant 0 : i32
      %dma_start3A_37 = tpu.memref_slice %arg7[%arg1, %dma_start3A_36] : memref<16x10240xf32, #tpu.memory_space<vmem_shared>> -> memref<1x10240xf32, #tpu.memory_space<vmem_shared>>
      %dma_start3A_38 = tpu.memref_squeeze %dma_start3A_37 : memref<1x10240xf32, #tpu.memory_space<vmem_shared>> -> memref<10240xf32, #tpu.memory_space<vmem_shared>>
      %dma_start3A_39 = arith.constant 0 : i32
      %dma_start3A_40 = tpu.memref_slice %arg7[%arg1, %dma_start3A_39] : memref<16x10240xf32, #tpu.memory_space<vmem_shared>> -> memref<1x10240xf32, #tpu.memory_space<vmem_shared>>
      %dma_start3A_41 = tpu.memref_squeeze %dma_start3A_40 : memref<1x10240xf32, #tpu.memory_space<vmem_shared>> -> memref<10240xf32, #tpu.memory_space<vmem_shared>>
      tpu.enqueue_dma source(%arg4 : memref<10240xf32, #tpu.memory_space<vmem>>) target(%dma_start3A_41 : memref<10240xf32, #tpu.memory_space<vmem_shared>>) target_semaphore(%run_scoped3A : memref<!tpu.dma_semaphore, #tpu.memory_space<semaphore_mem>>)
      %dma_wait3A_42 = arith.constant 0 : i32
      %dma_wait3A_43 = tpu.memref_slice %arg7[%arg1, %dma_wait3A_42] : memref<16x10240xf32, #tpu.memory_space<vmem_shared>> -> memref<1x10240xf32, #tpu.memory_space<vmem_shared>>
      %dma_wait3A_44 = tpu.memref_squeeze %dma_wait3A_43 : memref<1x10240xf32, #tpu.memory_space<vmem_shared>> -> memref<10240xf32, #tpu.memory_space<vmem_shared>>
      %dma_wait3A_45 = arith.constant 0 : i32
      %dma_wait3A_46 = tpu.memref_slice %arg7[%arg1, %dma_wait3A_45] : memref<16x10240xf32, #tpu.memory_space<vmem_shared>> -> memref<1x10240xf32, #tpu.memory_space<vmem_shared>>
      %dma_wait3A_47 = tpu.memref_squeeze %dma_wait3A_46 : memref<1x10240xf32, #tpu.memory_space<vmem_shared>> -> memref<10240xf32, #tpu.memory_space<vmem_shared>>
      tpu.wait_dma2 semaphore(%run_scoped3A : memref<!tpu.dma_semaphore, #tpu.memory_space<semaphore_mem>>) src(%arg4 : memref<10240xf32, #tpu.memory_space<vmem>>) dst(%dma_wait3A_47 : memref<10240xf32, #tpu.memory_space<vmem_shared>>)
      tpu.yield
    }) : () -> ()
    %barrier3A = arith.constant 0 : index
    tpu.barrier barrier_id(%barrier3A)
    %mul3A_20 = arith.constant 640 : i32
    %mul3A_21 = arith.muli %arg1, %mul3A_20 : i32
    "tpu.region"() ({
      %run_scoped3A = tpu.sem_alloc : memref<!tpu.dma_semaphore, #tpu.memory_space<semaphore_mem>>
      %dma_start3A_36 = arith.constant 0 : i32
      %dma_start3A_37 = tpu.memref_slice %arg7[%dma_start3A_36, %mul3A_21] : memref<16x10240xf32, #tpu.memory_space<vmem_shared>> -> memref<16x640xf32, #tpu.memory_space<vmem_shared>>
      %dma_start3A_38 = arith.constant 0 : i32
      %dma_start3A_39 = tpu.memref_slice %arg7[%dma_start3A_38, %mul3A_21] : memref<16x10240xf32, #tpu.memory_space<vmem_shared>> -> memref<16x640xf32, #tpu.memory_space<vmem_shared>>
      tpu.enqueue_dma source(%dma_start3A_39 : memref<16x640xf32, #tpu.memory_space<vmem_shared>>) target(%arg6 : memref<16x640xf32, #tpu.memory_space<vmem>>) target_semaphore(%run_scoped3A : memref<!tpu.dma_semaphore, #tpu.memory_space<semaphore_mem>>)
      %dma_wait3A_40 = arith.constant 0 : i32
      %dma_wait3A_41 = tpu.memref_slice %arg7[%dma_wait3A_40, %mul3A_21] : memref<16x10240xf32, #tpu.memory_space<vmem_shared>> -> memref<16x640xf32, #tpu.memory_space<vmem_shared>>
      %dma_wait3A_42 = arith.constant 0 : i32
      %dma_wait3A_43 = tpu.memref_slice %arg7[%dma_wait3A_42, %mul3A_21] : memref<16x10240xf32, #tpu.memory_space<vmem_shared>> -> memref<16x640xf32, #tpu.memory_space<vmem_shared>>
      tpu.wait_dma2 semaphore(%run_scoped3A : memref<!tpu.dma_semaphore, #tpu.memory_space<semaphore_mem>>) src(%dma_wait3A_43 : memref<16x640xf32, #tpu.memory_space<vmem_shared>>) dst(%arg6 : memref<16x640xf32, #tpu.memory_space<vmem>>)
      tpu.yield
    }) : () -> ()
    %scan3A_22 = arith.constant 0 : i32
    %scan3A_23 = arith.constant 0 : i32
    %scan3A_24 = arith.constant 40 : i32
    %scan3A_25 = arith.addi %scan3A_23, %scan3A_24 : i32
    %scan3A_26 = arith.constant 1 : i32
    %scan3A_27 = scf.for %scan3A_36 = %scan3A_23 to %scan3A_25 step %scan3A_26 iter_args(%scan3A_37 = %scan3A_22) -> (i32)  : i32 {
      %mul3A_38 = arith.constant 16 : i32
      %mul3A_39 = arith.muli %scan3A_36, %mul3A_38 : i32
      %get3A_40 = arith.constant 0 : i32
      %get3A_41 = arith.index_cast %get3A_40 : i32 to index
      %get3A_42 = arith.index_cast %mul3A_39 : i32 to index
      %get3A_43 = tpu.vector_load %arg6[%get3A_41, %get3A_42] {strides = array<i32>} : memref<16x640xf32, #tpu.memory_space<vmem>>, vector<16xf32>,
      %mul3A_44 = arith.constant 16 : i32
      %mul3A_45 = arith.muli %scan3A_36, %mul3A_44 : i32
      %get3A_46 = arith.constant 1 : i32
      %get3A_47 = arith.index_cast %get3A_46 : i32 to index
      %get3A_48 = arith.index_cast %mul3A_45 : i32 to index
      %get3A_49 = tpu.vector_load %arg6[%get3A_47, %get3A_48] {strides = array<i32>} : memref<16x640xf32, #tpu.memory_space<vmem>>, vector<16xf32>,
      %add3A_50 = arith.addf %get3A_43, %get3A_49 : vector<16xf32>
      %mul3A_51 = arith.constant 16 : i32
      %mul3A_52 = arith.muli %scan3A_36, %mul3A_51 : i32
      %get3A_53 = arith.constant 2 : i32
      %get3A_54 = arith.index_cast %get3A_53 : i32 to index
      %get3A_55 = arith.index_cast %mul3A_52 : i32 to index
      %get3A_56 = tpu.vector_load %arg6[%get3A_54, %get3A_55] {strides = array<i32>} : memref<16x640xf32, #tpu.memory_space<vmem>>, vector<16xf32>,
      %add3A_57 = arith.addf %add3A_50, %get3A_56 : vector<16xf32>
      %mul3A_58 = arith.constant 16 : i32
      %mul3A_59 = arith.muli %scan3A_36, %mul3A_58 : i32
      %get3A_60 = arith.constant 3 : i32
      %get3A_61 = arith.index_cast %get3A_60 : i32 to index
      %get3A_62 = arith.index_cast %mul3A_59 : i32 to index
      %get3A_63 = tpu.vector_load %arg6[%get3A_61, %get3A_62] {strides = array<i32>} : memref<16x640xf32, #tpu.memory_space<vmem>>, vector<16xf32>,
      %add3A_64 = arith.addf %add3A_57, %get3A_63 : vector<16xf32>
      %mul3A_65 = arith.constant 16 : i32
      %mul3A_66 = arith.muli %scan3A_36, %mul3A_65 : i32
      %get3A_67 = arith.constant 4 : i32
      %get3A_68 = arith.index_cast %get3A_67 : i32 to index
      %get3A_69 = arith.index_cast %mul3A_66 : i32 to index
      %get3A_70 = tpu.vector_load %arg6[%get3A_68, %get3A_69] {strides = array<i32>} : memref<16x640xf32, #tpu.memory_space<vmem>>, vector<16xf32>,
      %add3A_71 = arith.addf %add3A_64, %get3A_70 : vector<16xf32>
      %mul3A_72 = arith.constant 16 : i32
      %mul3A_73 = arith.muli %scan3A_36, %mul3A_72 : i32
      %get3A_74 = arith.constant 5 : i32
      %get3A_75 = arith.index_cast %get3A_74 : i32 to index
      %get3A_76 = arith.index_cast %mul3A_73 : i32 to index
      %get3A_77 = tpu.vector_load %arg6[%get3A_75, %get3A_76] {strides = array<i32>} : memref<16x640xf32, #tpu.memory_space<vmem>>, vector<16xf32>,
      %add3A_78 = arith.addf %add3A_71, %get3A_77 : vector<16xf32>
      %mul3A_79 = arith.constant 16 : i32
      %mul3A_80 = arith.muli %scan3A_36, %mul3A_79 : i32
      %get3A_81 = arith.constant 6 : i32
      %get3A_82 = arith.index_cast %get3A_81 : i32 to index
      %get3A_83 = arith.index_cast %mul3A_80 : i32 to index
      %get3A_84 = tpu.vector_load %arg6[%get3A_82, %get3A_83] {strides = array<i32>} : memref<16x640xf32, #tpu.memory_space<vmem>>, vector<16xf32>,
      %add3A_85 = arith.addf %add3A_78, %get3A_84 : vector<16xf32>
      %mul3A_86 = arith.constant 16 : i32
      %mul3A_87 = arith.muli %scan3A_36, %mul3A_86 : i32
      %get3A_88 = arith.constant 7 : i32
      %get3A_89 = arith.index_cast %get3A_88 : i32 to index
      %get3A_90 = arith.index_cast %mul3A_87 : i32 to index
      %get3A_91 = tpu.vector_load %arg6[%get3A_89, %get3A_90] {strides = array<i32>} : memref<16x640xf32, #tpu.memory_space<vmem>>, vector<16xf32>,
      %add3A_92 = arith.addf %add3A_85, %get3A_91 : vector<16xf32>
      %mul3A_93 = arith.constant 16 : i32
      %mul3A_94 = arith.muli %scan3A_36, %mul3A_93 : i32
      %get3A_95 = arith.constant 8 : i32
      %get3A_96 = arith.index_cast %get3A_95 : i32 to index
      %get3A_97 = arith.index_cast %mul3A_94 : i32 to index
      %get3A_98 = tpu.vector_load %arg6[%get3A_96, %get3A_97] {strides = array<i32>} : memref<16x640xf32, #tpu.memory_space<vmem>>, vector<16xf32>,
      %add3A_99 = arith.addf %add3A_92, %get3A_98 : vector<16xf32>
      %mul3A_100 = arith.constant 16 : i32
      %mul3A_101 = arith.muli %scan3A_36, %mul3A_100 : i32
      %get3A_102 = arith.constant 9 : i32
      %get3A_103 = arith.index_cast %get3A_102 : i32 to index
      %get3A_104 = arith.index_cast %mul3A_101 : i32 to index
      %get3A_105 = tpu.vector_load %arg6[%get3A_103, %get3A_104] {strides = array<i32>} : memref<16x640xf32, #tpu.memory_space<vmem>>, vector<16xf32>,
      %add3A_106 = arith.addf %add3A_99, %get3A_105 : vector<16xf32>
      %mul3A_107 = arith.constant 16 : i32
      %mul3A_108 = arith.muli %scan3A_36, %mul3A_107 : i32
      %get3A_109 = arith.constant 10 : i32
      %get3A_110 = arith.index_cast %get3A_109 : i32 to index
      %get3A_111 = arith.index_cast %mul3A_108 : i32 to index
      %get3A_112 = tpu.vector_load %arg6[%get3A_110, %get3A_111] {strides = array<i32>} : memref<16x640xf32, #tpu.memory_space<vmem>>, vector<16xf32>,
      %add3A_113 = arith.addf %add3A_106, %get3A_112 : vector<16xf32>
      %mul3A_114 = arith.constant 16 : i32
      %mul3A_115 = arith.muli %scan3A_36, %mul3A_114 : i32
      %get3A_116 = arith.constant 11 : i32
      %get3A_117 = arith.index_cast %get3A_116 : i32 to index
      %get3A_118 = arith.index_cast %mul3A_115 : i32 to index
      %get3A_119 = tpu.vector_load %arg6[%get3A_117, %get3A_118] {strides = array<i32>} : memref<16x640xf32, #tpu.memory_space<vmem>>, vector<16xf32>,
      %add3A_120 = arith.addf %add3A_113, %get3A_119 : vector<16xf32>
      %mul3A_121 = arith.constant 16 : i32
      %mul3A_122 = arith.muli %scan3A_36, %mul3A_121 : i32
      %get3A_123 = arith.constant 12 : i32
      %get3A_124 = arith.index_cast %get3A_123 : i32 to index
      %get3A_125 = arith.index_cast %mul3A_122 : i32 to index
      %get3A_126 = tpu.vector_load %arg6[%get3A_124, %get3A_125] {strides = array<i32>} : memref<16x640xf32, #tpu.memory_space<vmem>>, vector<16xf32>,
      %add3A_127 = arith.addf %add3A_120, %get3A_126 : vector<16xf32>
      %mul3A_128 = arith.constant 16 : i32
      %mul3A_129 = arith.muli %scan3A_36, %mul3A_128 : i32
      %get3A_130 = arith.constant 13 : i32
      %get3A_131 = arith.index_cast %get3A_130 : i32 to index
      %get3A_132 = arith.index_cast %mul3A_129 : i32 to index
      %get3A_133 = tpu.vector_load %arg6[%get3A_131, %get3A_132] {strides = array<i32>} : memref<16x640xf32, #tpu.memory_space<vmem>>, vector<16xf32>,
      %add3A_134 = arith.addf %add3A_127, %get3A_133 : vector<16xf32>
      %mul3A_135 = arith.constant 16 : i32
      %mul3A_136 = arith.muli %scan3A_36, %mul3A_135 : i32
      %get3A_137 = arith.constant 14 : i32
      %get3A_138 = arith.index_cast %get3A_137 : i32 to index
      %get3A_139 = arith.index_cast %mul3A_136 : i32 to index
      %get3A_140 = tpu.vector_load %arg6[%get3A_138, %get3A_139] {strides = array<i32>} : memref<16x640xf32, #tpu.memory_space<vmem>>, vector<16xf32>,
      %add3A_141 = arith.addf %add3A_134, %get3A_140 : vector<16xf32>
      %mul3A_142 = arith.constant 16 : i32
      %mul3A_143 = arith.muli %scan3A_36, %mul3A_142 : i32
      %get3A_144 = arith.constant 15 : i32
      %get3A_145 = arith.index_cast %get3A_144 : i32 to index
      %get3A_146 = arith.index_cast %mul3A_143 : i32 to index
      %get3A_147 = tpu.vector_load %arg6[%get3A_145, %get3A_146] {strides = array<i32>} : memref<16x640xf32, #tpu.memory_space<vmem>>, vector<16xf32>,
      %add3A_148 = arith.addf %add3A_141, %get3A_147 : vector<16xf32>
      %mul3A_149 = arith.constant 640 : i32
      %mul3A_150 = arith.muli %arg1, %mul3A_149 : i32
      %mul3A_151 = arith.constant 16 : i32
      %mul3A_152 = arith.muli %scan3A_36, %mul3A_151 : i32
      %add3A_153 = arith.addi %mul3A_150, %mul3A_152 : i32
      %swap3A = arith.index_cast %add3A_153 : i32 to index
      %swap3A_154 = tpu.vector_load %arg4[%swap3A] {strides = array<i32>} : memref<10240xf32, #tpu.memory_space<vmem>>, vector<16xf32>,
      tpu.vector_store %arg4[%swap3A], %add3A_148 {strides = array<i32>} : memref<10240xf32, #tpu.memory_space<vmem>>, vector<16xf32>,
      %scan3A_155 = arith.constant 0 : i32
      scf.yield %scan3A_155 : i32
    }
    %scan3A_28 = arith.constant 40 : i32
    %mul3A_29 = arith.constant 640 : i32
    %mul3A_30 = arith.muli %arg1, %mul3A_29 : i32
    %mul3A_31 = arith.constant 10240 : i32
    %mul3A_32 = arith.muli %arg0, %mul3A_31 : i32
    %mul3A_33 = arith.constant 640 : i32
    %mul3A_34 = arith.muli %arg1, %mul3A_33 : i32
    %add3A_35 = arith.addi %mul3A_32, %mul3A_34 : i32
    "tpu.region"() ({
      %run_scoped3A = tpu.sem_alloc : memref<!tpu.dma_semaphore, #tpu.memory_space<semaphore_mem>>
      %dma_start3A_36 = tpu.memref_slice %arg4[%mul3A_30] : memref<10240xf32, #tpu.memory_space<vmem>> -> memref<640xf32, #tpu.memory_space<vmem>>
      %dma_start3A_37 = tpu.memref_slice %arg3[%add3A_35] : memref<20480xf32, #tpu.memory_space<hbm>> -> memref<640xf32, #tpu.memory_space<hbm>>
      %dma_start3A_38 = tpu.memref_slice %arg3[%add3A_35] : memref<20480xf32, #tpu.memory_space<hbm>> -> memref<640xf32, #tpu.memory_space<hbm>>
      %dma_start3A_39 = tpu.memref_slice %arg4[%mul3A_30] : memref<10240xf32, #tpu.memory_space<vmem>> -> memref<640xf32, #tpu.memory_space<vmem>>
      tpu.enqueue_dma source(%dma_start3A_39 : memref<640xf32, #tpu.memory_space<vmem>>) target(%dma_start3A_38 : memref<640xf32, #tpu.memory_space<hbm>>) target_semaphore(%run_scoped3A : memref<!tpu.dma_semaphore, #tpu.memory_space<semaphore_mem>>)
      %dma_wait3A_40 = tpu.memref_slice %arg4[%mul3A_30] : memref<10240xf32, #tpu.memory_space<vmem>> -> memref<640xf32, #tpu.memory_space<vmem>>
      %dma_wait3A_41 = tpu.memref_slice %arg3[%add3A_35] : memref<20480xf32, #tpu.memory_space<hbm>> -> memref<640xf32, #tpu.memory_space<hbm>>
      %dma_wait3A_42 = tpu.memref_slice %arg3[%add3A_35] : memref<20480xf32, #tpu.memory_space<hbm>> -> memref<640xf32, #tpu.memory_space<hbm>>
      %dma_wait3A_43 = tpu.memref_slice %arg4[%mul3A_30] : memref<10240xf32, #tpu.memory_space<vmem>> -> memref<640xf32, #tpu.memory_space<vmem>>
      tpu.wait_dma2 semaphore(%run_scoped3A : memref<!tpu.dma_semaphore, #tpu.memory_space<semaphore_mem>>) src(%dma_wait3A_43 : memref<640xf32, #tpu.memory_space<vmem>>) dst(%dma_wait3A_42 : memref<640xf32, #tpu.memory_space<hbm>>)
      tpu.yield
    }) : () -> ()
    return
  }
}

#map = affine_map<(d0, d1) -> (0, 0)>
#map1 = affine_map<(d0, d1) -> (0, 0, 0)>
module attributes {stable_mosaic.version = 14 : i64} {
  func.func @gcn_edges_sc(%arg0: i32, %arg1: i32, %arg2: memref<10000x128xf32, #tpu.memory_space<hbm>>, %arg3: memref<2560x128xi32, #tpu.memory_space<hbm>>, %arg4: memref<2560x128xi32, #tpu.memory_space<hbm>>, %arg5: memref<2x10240x128xf32, #tpu.memory_space<hbm>>, %arg6: memref<8x128xi32, #tpu.memory_space<vmem>>, %arg7: memref<8x128xi32, #tpu.memory_space<vmem>>, %arg8: memref<8x128xi32, #tpu.memory_space<vmem>>, %arg9: memref<8x128xi32, #tpu.memory_space<vmem>>, %arg10: memref<128x128xf32, #tpu.memory_space<vmem>>, %arg11: memref<128x128xf32, #tpu.memory_space<vmem>>, %arg12: memref<10240x128xf32, #tpu.memory_space<vmem_shared>>, %arg13: memref<!tpu.dma_semaphore, #tpu.memory_space<semaphore_mem>>, %arg14: memref<!tpu.dma_semaphore, #tpu.memory_space<semaphore_mem>>, %arg15: memref<!tpu.dma_semaphore, #tpu.memory_space<semaphore_mem>>) attributes {dimension_semantics = [#tpu.dimension_semantics<core_parallel>, #tpu.dimension_semantics<subcore_parallel>], iteration_bounds = array<i64: 2, 16>, scalar_prefetch = 0 : i64, scratch_operands = 10 : i64, tpu.core_type = #tpu.core_type<sc_vector_subcore>, window_params = [{transform_indices = #map}, {transform_indices = #map}, {transform_indices = #map}, {transform_indices = #map1}]} {
    %mul3A = arith.constant 16 : i32
    %mul3A_0 = arith.muli %arg0, %mul3A : i32
    %add3A = arith.addi %mul3A_0, %arg1 : i32
    %mul3A_1 = arith.constant 10 : i32
    %mul3A_2 = arith.muli %add3A, %mul3A_1 : i32
    %mul3A_3 = arith.constant 8 : i32
    %mul3A_4 = arith.muli %mul3A_2, %mul3A_3 : i32
    %scan3A = arith.constant 0 : i32
    %scan3A_5 = arith.constant 0 : i32
    %scan3A_6 = arith.constant 128 : i32
    %scan3A_7 = arith.addi %scan3A_5, %scan3A_6 : i32
    %scan3A_8 = arith.constant 1 : i32
    %scan3A_9 = scf.for %scan3A_617 = %scan3A_5 to %scan3A_7 step %scan3A_8 iter_args(%scan3A_618 = %scan3A) -> (i32)  : i32 {
      %broadcast_in_dim3A = arith.constant 0.000000e+00 : f32
      %broadcast_in_dim3A_619 = vector.broadcast %broadcast_in_dim3A : f32 to vector<16xf32>
      %swap3A = arith.index_cast %scan3A_617 : i32 to index
      %swap3A_620 = arith.constant 0 : index
      %swap3A_621 = tpu.vector_load %arg10[%swap3A, %swap3A_620] {strides = array<i32>} : memref<128x128xf32, #tpu.memory_space<vmem>>, vector<1x16xf32>,
      %swap3A_622 = vector.shape_cast %swap3A_621 : vector<1x16xf32> to vector<16xf32>
      %swap3A_623 = vector.shape_cast %broadcast_in_dim3A_619 : vector<16xf32> to vector<1x16xf32>
      tpu.vector_store %arg10[%swap3A, %swap3A_620], %swap3A_623 {strides = array<i32>} : memref<128x128xf32, #tpu.memory_space<vmem>>, vector<1x16xf32>,
      %broadcast_in_dim3A_624 = arith.constant 0.000000e+00 : f32
      %broadcast_in_dim3A_625 = vector.broadcast %broadcast_in_dim3A_624 : f32 to vector<16xf32>
      %swap3A_626 = arith.index_cast %scan3A_617 : i32 to index
      %swap3A_627 = arith.constant 16 : index
      %swap3A_628 = tpu.vector_load %arg10[%swap3A_626, %swap3A_627] {strides = array<i32>} : memref<128x128xf32, #tpu.memory_space<vmem>>, vector<1x16xf32>,
      %swap3A_629 = vector.shape_cast %swap3A_628 : vector<1x16xf32> to vector<16xf32>
      %swap3A_630 = vector.shape_cast %broadcast_in_dim3A_625 : vector<16xf32> to vector<1x16xf32>
      tpu.vector_store %arg10[%swap3A_626, %swap3A_627], %swap3A_630 {strides = array<i32>} : memref<128x128xf32, #tpu.memory_space<vmem>>, vector<1x16xf32>,
      %broadcast_in_dim3A_631 = arith.constant 0.000000e+00 : f32
      %broadcast_in_dim3A_632 = vector.broadcast %broadcast_in_dim3A_631 : f32 to vector<16xf32>
      %swap3A_633 = arith.index_cast %scan3A_617 : i32 to index
      %swap3A_634 = arith.constant 32 : index
      %swap3A_635 = tpu.vector_load %arg10[%swap3A_633, %swap3A_634] {strides = array<i32>} : memref<128x128xf32, #tpu.memory_space<vmem>>, vector<1x16xf32>,
      %swap3A_636 = vector.shape_cast %swap3A_635 : vector<1x16xf32> to vector<16xf32>
      %swap3A_637 = vector.shape_cast %broadcast_in_dim3A_632 : vector<16xf32> to vector<1x16xf32>
      tpu.vector_store %arg10[%swap3A_633, %swap3A_634], %swap3A_637 {strides = array<i32>} : memref<128x128xf32, #tpu.memory_space<vmem>>, vector<1x16xf32>,
      %broadcast_in_dim3A_638 = arith.constant 0.000000e+00 : f32
      %broadcast_in_dim3A_639 = vector.broadcast %broadcast_in_dim3A_638 : f32 to vector<16xf32>
      %swap3A_640 = arith.index_cast %scan3A_617 : i32 to index
      %swap3A_641 = arith.constant 48 : index
      %swap3A_642 = tpu.vector_load %arg10[%swap3A_640, %swap3A_641] {strides = array<i32>} : memref<128x128xf32, #tpu.memory_space<vmem>>, vector<1x16xf32>,
      %swap3A_643 = vector.shape_cast %swap3A_642 : vector<1x16xf32> to vector<16xf32>
      %swap3A_644 = vector.shape_cast %broadcast_in_dim3A_639 : vector<16xf32> to vector<1x16xf32>
      tpu.vector_store %arg10[%swap3A_640, %swap3A_641], %swap3A_644 {strides = array<i32>} : memref<128x128xf32, #tpu.memory_space<vmem>>, vector<1x16xf32>,
      %broadcast_in_dim3A_645 = arith.constant 0.000000e+00 : f32
      %broadcast_in_dim3A_646 = vector.broadcast %broadcast_in_dim3A_645 : f32 to vector<16xf32>
      %swap3A_647 = arith.index_cast %scan3A_617 : i32 to index
      %swap3A_648 = arith.constant 64 : index
      %swap3A_649 = tpu.vector_load %arg10[%swap3A_647, %swap3A_648] {strides = array<i32>} : memref<128x128xf32, #tpu.memory_space<vmem>>, vector<1x16xf32>,
      %swap3A_650 = vector.shape_cast %swap3A_649 : vector<1x16xf32> to vector<16xf32>
      %swap3A_651 = vector.shape_cast %broadcast_in_dim3A_646 : vector<16xf32> to vector<1x16xf32>
      tpu.vector_store %arg10[%swap3A_647, %swap3A_648], %swap3A_651 {strides = array<i32>} : memref<128x128xf32, #tpu.memory_space<vmem>>, vector<1x16xf32>,
      %broadcast_in_dim3A_652 = arith.constant 0.000000e+00 : f32
      %broadcast_in_dim3A_653 = vector.broadcast %broadcast_in_dim3A_652 : f32 to vector<16xf32>
      %swap3A_654 = arith.index_cast %scan3A_617 : i32 to index
      %swap3A_655 = arith.constant 80 : index
      %swap3A_656 = tpu.vector_load %arg10[%swap3A_654, %swap3A_655] {strides = array<i32>} : memref<128x128xf32, #tpu.memory_space<vmem>>, vector<1x16xf32>,
      %swap3A_657 = vector.shape_cast %swap3A_656 : vector<1x16xf32> to vector<16xf32>
      %swap3A_658 = vector.shape_cast %broadcast_in_dim3A_653 : vector<16xf32> to vector<1x16xf32>
      tpu.vector_store %arg10[%swap3A_654, %swap3A_655], %swap3A_658 {strides = array<i32>} : memref<128x128xf32, #tpu.memory_space<vmem>>, vector<1x16xf32>,
      %broadcast_in_dim3A_659 = arith.constant 0.000000e+00 : f32
      %broadcast_in_dim3A_660 = vector.broadcast %broadcast_in_dim3A_659 : f32 to vector<16xf32>
      %swap3A_661 = arith.index_cast %scan3A_617 : i32 to index
      %swap3A_662 = arith.constant 96 : index
      %swap3A_663 = tpu.vector_load %arg10[%swap3A_661, %swap3A_662] {strides = array<i32>} : memref<128x128xf32, #tpu.memory_space<vmem>>, vector<1x16xf32>,
      %swap3A_664 = vector.shape_cast %swap3A_663 : vector<1x16xf32> to vector<16xf32>
      %swap3A_665 = vector.shape_cast %broadcast_in_dim3A_660 : vector<16xf32> to vector<1x16xf32>
      tpu.vector_store %arg10[%swap3A_661, %swap3A_662], %swap3A_665 {strides = array<i32>} : memref<128x128xf32, #tpu.memory_space<vmem>>, vector<1x16xf32>,
      %broadcast_in_dim3A_666 = arith.constant 0.000000e+00 : f32
      %broadcast_in_dim3A_667 = vector.broadcast %broadcast_in_dim3A_666 : f32 to vector<16xf32>
      %swap3A_668 = arith.index_cast %scan3A_617 : i32 to index
      %swap3A_669 = arith.constant 112 : index
      %swap3A_670 = tpu.vector_load %arg10[%swap3A_668, %swap3A_669] {strides = array<i32>} : memref<128x128xf32, #tpu.memory_space<vmem>>, vector<1x16xf32>,
      %swap3A_671 = vector.shape_cast %swap3A_670 : vector<1x16xf32> to vector<16xf32>
      %swap3A_672 = vector.shape_cast %broadcast_in_dim3A_667 : vector<16xf32> to vector<1x16xf32>
      tpu.vector_store %arg10[%swap3A_668, %swap3A_669], %swap3A_672 {strides = array<i32>} : memref<128x128xf32, #tpu.memory_space<vmem>>, vector<1x16xf32>,
      %scan3A_673 = arith.constant 0 : i32
      scf.yield %scan3A_673 : i32
    }
    %scan3A_10 = arith.constant 128 : i32
    %mul3A_11 = arith.constant 640 : i32
    %mul3A_12 = arith.muli %arg1, %mul3A_11 : i32
    %add3A_13 = arith.constant 0 : i32
    %add3A_14 = arith.addi %mul3A_12, %add3A_13 : i32
    "tpu.region"() ({
      %run_scoped3A_617 = tpu.sem_alloc : memref<!tpu.dma_semaphore, #tpu.memory_space<semaphore_mem>>
      %dma_start3A_618 = arith.constant 0 : i32
      %dma_start3A_619 = tpu.memref_slice %arg12[%add3A_14, %dma_start3A_618] : memref<10240x128xf32, #tpu.memory_space<vmem_shared>> -> memref<128x128xf32, #tpu.memory_space<vmem_shared>>
      %dma_start3A_620 = arith.constant 0 : i32
      %dma_start3A_621 = tpu.memref_slice %arg12[%add3A_14, %dma_start3A_620] : memref<10240x128xf32, #tpu.memory_space<vmem_shared>> -> memref<128x128xf32, #tpu.memory_space<vmem_shared>>
      tpu.enqueue_dma source(%arg10 : memref<128x128xf32, #tpu.memory_space<vmem>>) target(%dma_start3A_621 : memref<128x128xf32, #tpu.memory_space<vmem_shared>>) target_semaphore(%run_scoped3A_617 : memref<!tpu.dma_semaphore, #tpu.memory_space<semaphore_mem>>)
      %dma_wait3A_622 = arith.constant 0 : i32
      %dma_wait3A_623 = tpu.memref_slice %arg12[%add3A_14, %dma_wait3A_622] : memref<10240x128xf32, #tpu.memory_space<vmem_shared>> -> memref<128x128xf32, #tpu.memory_space<vmem_shared>>
      %dma_wait3A_624 = arith.constant 0 : i32
      %dma_wait3A_625 = tpu.memref_slice %arg12[%add3A_14, %dma_wait3A_624] : memref<10240x128xf32, #tpu.memory_space<vmem_shared>> -> memref<128x128xf32, #tpu.memory_space<vmem_shared>>
      tpu.wait_dma2 semaphore(%run_scoped3A_617 : memref<!tpu.dma_semaphore, #tpu.memory_space<semaphore_mem>>) src(%arg10 : memref<128x128xf32, #tpu.memory_space<vmem>>) dst(%dma_wait3A_625 : memref<128x128xf32, #tpu.memory_space<vmem_shared>>)
      tpu.yield
    }) : () -> ()
    %mul3A_15 = arith.constant 640 : i32
    %mul3A_16 = arith.muli %arg1, %mul3A_15 : i32
    %add3A_17 = arith.constant 128 : i32
    %add3A_18 = arith.addi %mul3A_16, %add3A_17 : i32
    "tpu.region"() ({
      %run_scoped3A_617 = tpu.sem_alloc : memref<!tpu.dma_semaphore, #tpu.memory_space<semaphore_mem>>
      %dma_start3A_618 = arith.constant 0 : i32
      %dma_start3A_619 = tpu.memref_slice %arg12[%add3A_18, %dma_start3A_618] : memref<10240x128xf32, #tpu.memory_space<vmem_shared>> -> memref<128x128xf32, #tpu.memory_space<vmem_shared>>
      %dma_start3A_620 = arith.constant 0 : i32
      %dma_start3A_621 = tpu.memref_slice %arg12[%add3A_18, %dma_start3A_620] : memref<10240x128xf32, #tpu.memory_space<vmem_shared>> -> memref<128x128xf32, #tpu.memory_space<vmem_shared>>
      tpu.enqueue_dma source(%arg10 : memref<128x128xf32, #tpu.memory_space<vmem>>) target(%dma_start3A_621 : memref<128x128xf32, #tpu.memory_space<vmem_shared>>) target_semaphore(%run_scoped3A_617 : memref<!tpu.dma_semaphore, #tpu.memory_space<semaphore_mem>>)
      %dma_wait3A_622 = arith.constant 0 : i32
      %dma_wait3A_623 = tpu.memref_slice %arg12[%add3A_18, %dma_wait3A_622] : memref<10240x128xf32, #tpu.memory_space<vmem_shared>> -> memref<128x128xf32, #tpu.memory_space<vmem_shared>>
      %dma_wait3A_624 = arith.constant 0 : i32
      %dma_wait3A_625 = tpu.memref_slice %arg12[%add3A_18, %dma_wait3A_624] : memref<10240x128xf32, #tpu.memory_space<vmem_shared>> -> memref<128x128xf32, #tpu.memory_space<vmem_shared>>
      tpu.wait_dma2 semaphore(%run_scoped3A_617 : memref<!tpu.dma_semaphore, #tpu.memory_space<semaphore_mem>>) src(%arg10 : memref<128x128xf32, #tpu.memory_space<vmem>>) dst(%dma_wait3A_625 : memref<128x128xf32, #tpu.memory_space<vmem_shared>>)
      tpu.yield
    }) : () -> ()
    %mul3A_19 = arith.constant 640 : i32
    %mul3A_20 = arith.muli %arg1, %mul3A_19 : i32
    %add3A_21 = arith.constant 256 : i32
    %add3A_22 = arith.addi %mul3A_20, %add3A_21 : i32
    "tpu.region"() ({
      %run_scoped3A_617 = tpu.sem_alloc : memref<!tpu.dma_semaphore, #tpu.memory_space<semaphore_mem>>
      %dma_start3A_618 = arith.constant 0 : i32
      %dma_start3A_619 = tpu.memref_slice %arg12[%add3A_22, %dma_start3A_618] : memref<10240x128xf32, #tpu.memory_space<vmem_shared>> -> memref<128x128xf32, #tpu.memory_space<vmem_shared>>
      %dma_start3A_620 = arith.constant 0 : i32
      %dma_start3A_621 = tpu.memref_slice %arg12[%add3A_22, %dma_start3A_620] : memref<10240x128xf32, #tpu.memory_space<vmem_shared>> -> memref<128x128xf32, #tpu.memory_space<vmem_shared>>
      tpu.enqueue_dma source(%arg10 : memref<128x128xf32, #tpu.memory_space<vmem>>) target(%dma_start3A_621 : memref<128x128xf32, #tpu.memory_space<vmem_shared>>) target_semaphore(%run_scoped3A_617 : memref<!tpu.dma_semaphore, #tpu.memory_space<semaphore_mem>>)
      %dma_wait3A_622 = arith.constant 0 : i32
      %dma_wait3A_623 = tpu.memref_slice %arg12[%add3A_22, %dma_wait3A_622] : memref<10240x128xf32, #tpu.memory_space<vmem_shared>> -> memref<128x128xf32, #tpu.memory_space<vmem_shared>>
      %dma_wait3A_624 = arith.constant 0 : i32
      %dma_wait3A_625 = tpu.memref_slice %arg12[%add3A_22, %dma_wait3A_624] : memref<10240x128xf32, #tpu.memory_space<vmem_shared>> -> memref<128x128xf32, #tpu.memory_space<vmem_shared>>
      tpu.wait_dma2 semaphore(%run_scoped3A_617 : memref<!tpu.dma_semaphore, #tpu.memory_space<semaphore_mem>>) src(%arg10 : memref<128x128xf32, #tpu.memory_space<vmem>>) dst(%dma_wait3A_625 : memref<128x128xf32, #tpu.memory_space<vmem_shared>>)
      tpu.yield
    }) : () -> ()
    %mul3A_23 = arith.constant 640 : i32
    %mul3A_24 = arith.muli %arg1, %mul3A_23 : i32
    %add3A_25 = arith.constant 384 : i32
    %add3A_26 = arith.addi %mul3A_24, %add3A_25 : i32
    "tpu.region"() ({
      %run_scoped3A_617 = tpu.sem_alloc : memref<!tpu.dma_semaphore, #tpu.memory_space<semaphore_mem>>
      %dma_start3A_618 = arith.constant 0 : i32
      %dma_start3A_619 = tpu.memref_slice %arg12[%add3A_26, %dma_start3A_618] : memref<10240x128xf32, #tpu.memory_space<vmem_shared>> -> memref<128x128xf32, #tpu.memory_space<vmem_shared>>
      %dma_start3A_620 = arith.constant 0 : i32
      %dma_start3A_621 = tpu.memref_slice %arg12[%add3A_26, %dma_start3A_620] : memref<10240x128xf32, #tpu.memory_space<vmem_shared>> -> memref<128x128xf32, #tpu.memory_space<vmem_shared>>
      tpu.enqueue_dma source(%arg10 : memref<128x128xf32, #tpu.memory_space<vmem>>) target(%dma_start3A_621 : memref<128x128xf32, #tpu.memory_space<vmem_shared>>) target_semaphore(%run_scoped3A_617 : memref<!tpu.dma_semaphore, #tpu.memory_space<semaphore_mem>>)
      %dma_wait3A_622 = arith.constant 0 : i32
      %dma_wait3A_623 = tpu.memref_slice %arg12[%add3A_26, %dma_wait3A_622] : memref<10240x128xf32, #tpu.memory_space<vmem_shared>> -> memref<128x128xf32, #tpu.memory_space<vmem_shared>>
      %dma_wait3A_624 = arith.constant 0 : i32
      %dma_wait3A_625 = tpu.memref_slice %arg12[%add3A_26, %dma_wait3A_624] : memref<10240x128xf32, #tpu.memory_space<vmem_shared>> -> memref<128x128xf32, #tpu.memory_space<vmem_shared>>
      tpu.wait_dma2 semaphore(%run_scoped3A_617 : memref<!tpu.dma_semaphore, #tpu.memory_space<semaphore_mem>>) src(%arg10 : memref<128x128xf32, #tpu.memory_space<vmem>>) dst(%dma_wait3A_625 : memref<128x128xf32, #tpu.memory_space<vmem_shared>>)
      tpu.yield
    }) : () -> ()
    %mul3A_27 = arith.constant 640 : i32
    %mul3A_28 = arith.muli %arg1, %mul3A_27 : i32
    %add3A_29 = arith.constant 512 : i32
    %add3A_30 = arith.addi %mul3A_28, %add3A_29 : i32
    "tpu.region"() ({
      %run_scoped3A_617 = tpu.sem_alloc : memref<!tpu.dma_semaphore, #tpu.memory_space<semaphore_mem>>
      %dma_start3A_618 = arith.constant 0 : i32
      %dma_start3A_619 = tpu.memref_slice %arg12[%add3A_30, %dma_start3A_618] : memref<10240x128xf32, #tpu.memory_space<vmem_shared>> -> memref<128x128xf32, #tpu.memory_space<vmem_shared>>
      %dma_start3A_620 = arith.constant 0 : i32
      %dma_start3A_621 = tpu.memref_slice %arg12[%add3A_30, %dma_start3A_620] : memref<10240x128xf32, #tpu.memory_space<vmem_shared>> -> memref<128x128xf32, #tpu.memory_space<vmem_shared>>
      tpu.enqueue_dma source(%arg10 : memref<128x128xf32, #tpu.memory_space<vmem>>) target(%dma_start3A_621 : memref<128x128xf32, #tpu.memory_space<vmem_shared>>) target_semaphore(%run_scoped3A_617 : memref<!tpu.dma_semaphore, #tpu.memory_space<semaphore_mem>>)
      %dma_wait3A_622 = arith.constant 0 : i32
      %dma_wait3A_623 = tpu.memref_slice %arg12[%add3A_30, %dma_wait3A_622] : memref<10240x128xf32, #tpu.memory_space<vmem_shared>> -> memref<128x128xf32, #tpu.memory_space<vmem_shared>>
      %dma_wait3A_624 = arith.constant 0 : i32
      %dma_wait3A_625 = tpu.memref_slice %arg12[%add3A_30, %dma_wait3A_624] : memref<10240x128xf32, #tpu.memory_space<vmem_shared>> -> memref<128x128xf32, #tpu.memory_space<vmem_shared>>
      tpu.wait_dma2 semaphore(%run_scoped3A_617 : memref<!tpu.dma_semaphore, #tpu.memory_space<semaphore_mem>>) src(%arg10 : memref<128x128xf32, #tpu.memory_space<vmem>>) dst(%dma_wait3A_625 : memref<128x128xf32, #tpu.memory_space<vmem_shared>>)
      tpu.yield
    }) : () -> ()
    %barrier3A = arith.constant 0 : index
    tpu.barrier barrier_id(%barrier3A)
    "tpu.region"() ({
      %run_scoped3A_617 = tpu.sem_alloc : memref<!tpu.dma_semaphore, #tpu.memory_space<semaphore_mem>>
      %dma_start3A_618 = arith.constant 0 : i32
      %dma_start3A_619 = tpu.memref_slice %arg3[%mul3A_4, %dma_start3A_618] : memref<2560x128xi32, #tpu.memory_space<hbm>> -> memref<8x128xi32, #tpu.memory_space<hbm>>
      %dma_start3A_620 = arith.constant 0 : i32
      %dma_start3A_621 = tpu.memref_slice %arg3[%mul3A_4, %dma_start3A_620] : memref<2560x128xi32, #tpu.memory_space<hbm>> -> memref<8x128xi32, #tpu.memory_space<hbm>>
      tpu.enqueue_dma source(%dma_start3A_621 : memref<8x128xi32, #tpu.memory_space<hbm>>) target(%arg6 : memref<8x128xi32, #tpu.memory_space<vmem>>) target_semaphore(%run_scoped3A_617 : memref<!tpu.dma_semaphore, #tpu.memory_space<semaphore_mem>>)
      %dma_wait3A_622 = arith.constant 0 : i32
      %dma_wait3A_623 = tpu.memref_slice %arg3[%mul3A_4, %dma_wait3A_622] : memref<2560x128xi32, #tpu.memory_space<hbm>> -> memref<8x128xi32, #tpu.memory_space<hbm>>
      %dma_wait3A_624 = arith.constant 0 : i32
      %dma_wait3A_625 = tpu.memref_slice %arg3[%mul3A_4, %dma_wait3A_624] : memref<2560x128xi32, #tpu.memory_space<hbm>> -> memref<8x128xi32, #tpu.memory_space<hbm>>
      tpu.wait_dma2 semaphore(%run_scoped3A_617 : memref<!tpu.dma_semaphore, #tpu.memory_space<semaphore_mem>>) src(%dma_wait3A_625 : memref<8x128xi32, #tpu.memory_space<hbm>>) dst(%arg6 : memref<8x128xi32, #tpu.memory_space<vmem>>)
      tpu.yield
    }) : () -> ()
    "tpu.region"() ({
      %run_scoped3A_617 = tpu.sem_alloc : memref<!tpu.dma_semaphore, #tpu.memory_space<semaphore_mem>>
      %dma_start3A_618 = arith.constant 0 : i32
      %dma_start3A_619 = tpu.memref_slice %arg4[%mul3A_4, %dma_start3A_618] : memref<2560x128xi32, #tpu.memory_space<hbm>> -> memref<8x128xi32, #tpu.memory_space<hbm>>
      %dma_start3A_620 = arith.constant 0 : i32
      %dma_start3A_621 = tpu.memref_slice %arg4[%mul3A_4, %dma_start3A_620] : memref<2560x128xi32, #tpu.memory_space<hbm>> -> memref<8x128xi32, #tpu.memory_space<hbm>>
      tpu.enqueue_dma source(%dma_start3A_621 : memref<8x128xi32, #tpu.memory_space<hbm>>) target(%arg7 : memref<8x128xi32, #tpu.memory_space<vmem>>) target_semaphore(%run_scoped3A_617 : memref<!tpu.dma_semaphore, #tpu.memory_space<semaphore_mem>>)
      %dma_wait3A_622 = arith.constant 0 : i32
      %dma_wait3A_623 = tpu.memref_slice %arg4[%mul3A_4, %dma_wait3A_622] : memref<2560x128xi32, #tpu.memory_space<hbm>> -> memref<8x128xi32, #tpu.memory_space<hbm>>
      %dma_wait3A_624 = arith.constant 0 : i32
      %dma_wait3A_625 = tpu.memref_slice %arg4[%mul3A_4, %dma_wait3A_624] : memref<2560x128xi32, #tpu.memory_space<hbm>> -> memref<8x128xi32, #tpu.memory_space<hbm>>
      tpu.wait_dma2 semaphore(%run_scoped3A_617 : memref<!tpu.dma_semaphore, #tpu.memory_space<semaphore_mem>>) src(%dma_wait3A_625 : memref<8x128xi32, #tpu.memory_space<hbm>>) dst(%arg7 : memref<8x128xi32, #tpu.memory_space<vmem>>)
      tpu.yield
    }) : () -> ()
    %dma_start3A = arith.constant 0 : i32
    %dma_start3A_31 = arith.constant 0 : i32
    %dma_start3A_32 = tpu.memref_slice %arg6[%dma_start3A, %dma_start3A_31] : memref<8x128xi32, #tpu.memory_space<vmem>> -> memref<1x128xi32, #tpu.memory_space<vmem>>
    %dma_start3A_33 = tpu.memref_squeeze %dma_start3A_32 : memref<1x128xi32, #tpu.memory_space<vmem>> -> memref<128xi32, #tpu.memory_space<vmem>>
    %dma_start3A_34 = arith.constant 0 : i32
    %dma_start3A_35 = arith.constant 0 : i32
    %dma_start3A_36 = tpu.memref_slice %arg2[%dma_start3A_34, %dma_start3A_35] : memref<10000x128xf32, #tpu.memory_space<hbm>> -> memref<10000x128xf32, #tpu.memory_space<hbm>>
    tpu.enqueue_indirect_dma source(%dma_start3A_36 : memref<10000x128xf32, #tpu.memory_space<hbm>>) target(%arg10 : memref<128x128xf32, #tpu.memory_space<vmem>>) offsets(%dma_start3A_33 : memref<128xi32, #tpu.memory_space<vmem>>) semaphore(%arg13 : memref<!tpu.dma_semaphore, #tpu.memory_space<semaphore_mem>>)
    %add3A_37 = arith.constant 8 : i32
    %add3A_38 = arith.addi %mul3A_4, %add3A_37 : i32
    %dma_start3A_39 = arith.constant 0 : i32
    %dma_start3A_40 = tpu.memref_slice %arg3[%add3A_38, %dma_start3A_39] : memref<2560x128xi32, #tpu.memory_space<hbm>> -> memref<8x128xi32, #tpu.memory_space<hbm>>
    %dma_start3A_41 = arith.constant 0 : i32
    %dma_start3A_42 = tpu.memref_slice %arg3[%add3A_38, %dma_start3A_41] : memref<2560x128xi32, #tpu.memory_space<hbm>> -> memref<8x128xi32, #tpu.memory_space<hbm>>
    tpu.enqueue_dma source(%dma_start3A_42 : memref<8x128xi32, #tpu.memory_space<hbm>>) target(%arg8 : memref<8x128xi32, #tpu.memory_space<vmem>>) target_semaphore(%arg15 : memref<!tpu.dma_semaphore, #tpu.memory_space<semaphore_mem>>)
    %dma_start3A_43 = arith.constant 0 : i32
    %dma_start3A_44 = tpu.memref_slice %arg4[%add3A_38, %dma_start3A_43] : memref<2560x128xi32, #tpu.memory_space<hbm>> -> memref<8x128xi32, #tpu.memory_space<hbm>>
    %dma_start3A_45 = arith.constant 0 : i32
    %dma_start3A_46 = tpu.memref_slice %arg4[%add3A_38, %dma_start3A_45] : memref<2560x128xi32, #tpu.memory_space<hbm>> -> memref<8x128xi32, #tpu.memory_space<hbm>>
    tpu.enqueue_dma source(%dma_start3A_46 : memref<8x128xi32, #tpu.memory_space<hbm>>) target(%arg9 : memref<8x128xi32, #tpu.memory_space<vmem>>) target_semaphore(%arg15 : memref<!tpu.dma_semaphore, #tpu.memory_space<semaphore_mem>>)
    %scan3A_47 = arith.constant 0 : i32
    %scan3A_48 = arith.constant 0 : i32
    %scan3A_49 = arith.constant 3 : i32
    %scan3A_50 = arith.addi %scan3A_48, %scan3A_49 : i32
    %scan3A_51 = arith.constant 1 : i32
    %scan3A_52 = scf.for %scan3A_617 = %scan3A_48 to %scan3A_50 step %scan3A_51 iter_args(%scan3A_618 = %scan3A_47) -> (i32)  : i32 {
      %mul3A_619 = arith.constant 2 : i32
      %mul3A_620 = arith.muli %mul3A_619, %scan3A_617 : i32
      %add3A_621 = arith.constant 1 : i32
      %add3A_622 = arith.addi %mul3A_620, %add3A_621 : i32
      %dma_start3A_623 = arith.constant 0 : i32
      %dma_start3A_624 = tpu.memref_slice %arg6[%add3A_622, %dma_start3A_623] : memref<8x128xi32, #tpu.memory_space<vmem>> -> memref<1x128xi32, #tpu.memory_space<vmem>>
      %dma_start3A_625 = tpu.memref_squeeze %dma_start3A_624 : memref<1x128xi32, #tpu.memory_space<vmem>> -> memref<128xi32, #tpu.memory_space<vmem>>
      %dma_start3A_626 = arith.constant 0 : i32
      %dma_start3A_627 = arith.constant 0 : i32
      %dma_start3A_628 = tpu.memref_slice %arg2[%dma_start3A_626, %dma_start3A_627] : memref<10000x128xf32, #tpu.memory_space<hbm>> -> memref<10000x128xf32, #tpu.memory_space<hbm>>
      tpu.enqueue_indirect_dma source(%dma_start3A_628 : memref<10000x128xf32, #tpu.memory_space<hbm>>) target(%arg11 : memref<128x128xf32, #tpu.memory_space<vmem>>) offsets(%dma_start3A_625 : memref<128xi32, #tpu.memory_space<vmem>>) semaphore(%arg14 : memref<!tpu.dma_semaphore, #tpu.memory_space<semaphore_mem>>)
      %dma_wait3A_629 = arith.constant 0 : i32
      %dma_wait3A_630 = tpu.memref_slice %arg6[%mul3A_620, %dma_wait3A_629] : memref<8x128xi32, #tpu.memory_space<vmem>> -> memref<1x128xi32, #tpu.memory_space<vmem>>
      %dma_wait3A_631 = tpu.memref_squeeze %dma_wait3A_630 : memref<1x128xi32, #tpu.memory_space<vmem>> -> memref<128xi32, #tpu.memory_space<vmem>>
      %dma_wait3A_632 = arith.constant 0 : i32
      %dma_wait3A_633 = arith.constant 0 : i32
      %dma_wait3A_634 = tpu.memref_slice %arg2[%dma_wait3A_632, %dma_wait3A_633] : memref<10000x128xf32, #tpu.memory_space<hbm>> -> memref<10000x128xf32, #tpu.memory_space<hbm>>
      tpu.wait_indirect_dma semaphore(%arg13 : memref<!tpu.dma_semaphore, #tpu.memory_space<semaphore_mem>>) src(%dma_wait3A_634 : memref<10000x128xf32, #tpu.memory_space<hbm>>) dst(%arg10 : memref<128x128xf32, #tpu.memory_space<vmem>>)
      "tpu.region"() ({
        %run_scoped3A_654 = tpu.sem_alloc : memref<!tpu.dma_semaphore, #tpu.memory_space<semaphore_mem>>
        %dma_start3A_655 = arith.constant 0 : i32
        %dma_start3A_656 = tpu.memref_slice %arg7[%mul3A_620, %dma_start3A_655] : memref<8x128xi32, #tpu.memory_space<vmem>> -> memref<1x128xi32, #tpu.memory_space<vmem>>
        %dma_start3A_657 = tpu.memref_squeeze %dma_start3A_656 : memref<1x128xi32, #tpu.memory_space<vmem>> -> memref<128xi32, #tpu.memory_space<vmem>>
        %dma_start3A_658 = arith.constant 0 : i32
        %dma_start3A_659 = arith.constant 0 : i32
        %dma_start3A_660 = tpu.memref_slice %arg12[%dma_start3A_658, %dma_start3A_659] : memref<10240x128xf32, #tpu.memory_space<vmem_shared>> -> memref<10240x128xf32, #tpu.memory_space<vmem_shared>>
        tpu.enqueue_indirect_dma source(%arg10 : memref<128x128xf32, #tpu.memory_space<vmem>>) target(%dma_start3A_660 : memref<10240x128xf32, #tpu.memory_space<vmem_shared>>) offsets(%dma_start3A_657 : memref<128xi32, #tpu.memory_space<vmem>>) semaphore(%run_scoped3A_654 : memref<!tpu.dma_semaphore, #tpu.memory_space<semaphore_mem>>) {add = true}
        %dma_wait3A_661 = arith.constant 0 : i32
        %dma_wait3A_662 = tpu.memref_slice %arg7[%mul3A_620, %dma_wait3A_661] : memref<8x128xi32, #tpu.memory_space<vmem>> -> memref<1x128xi32, #tpu.memory_space<vmem>>
        %dma_wait3A_663 = tpu.memref_squeeze %dma_wait3A_662 : memref<1x128xi32, #tpu.memory_space<vmem>> -> memref<128xi32, #tpu.memory_space<vmem>>
        %dma_wait3A_664 = arith.constant 0 : i32
        %dma_wait3A_665 = arith.constant 0 : i32
        %dma_wait3A_666 = tpu.memref_slice %arg12[%dma_wait3A_664, %dma_wait3A_665] : memref<10240x128xf32, #tpu.memory_space<vmem_shared>> -> memref<10240x128xf32, #tpu.memory_space<vmem_shared>>
        tpu.wait_indirect_dma semaphore(%run_scoped3A_654 : memref<!tpu.dma_semaphore, #tpu.memory_space<semaphore_mem>>) src(%arg10 : memref<128x128xf32, #tpu.memory_space<vmem>>) dst(%dma_wait3A_666 : memref<10240x128xf32, #tpu.memory_space<vmem_shared>>)
        tpu.yield
      }) : () -> ()
      %add3A_635 = arith.constant 2 : i32
      %add3A_636 = arith.addi %mul3A_620, %add3A_635 : i32
      %dma_start3A_637 = arith.constant 0 : i32
      %dma_start3A_638 = tpu.memref_slice %arg6[%add3A_636, %dma_start3A_637] : memref<8x128xi32, #tpu.memory_space<vmem>> -> memref<1x128xi32, #tpu.memory_space<vmem>>
      %dma_start3A_639 = tpu.memref_squeeze %dma_start3A_638 : memref<1x128xi32, #tpu.memory_space<vmem>> -> memref<128xi32, #tpu.memory_space<vmem>>
      %dma_start3A_640 = arith.constant 0 : i32
      %dma_start3A_641 = arith.constant 0 : i32
      %dma_start3A_642 = tpu.memref_slice %arg2[%dma_start3A_640, %dma_start3A_641] : memref<10000x128xf32, #tpu.memory_space<hbm>> -> memref<10000x128xf32, #tpu.memory_space<hbm>>
      tpu.enqueue_indirect_dma source(%dma_start3A_642 : memref<10000x128xf32, #tpu.memory_space<hbm>>) target(%arg10 : memref<128x128xf32, #tpu.memory_space<vmem>>) offsets(%dma_start3A_639 : memref<128xi32, #tpu.memory_space<vmem>>) semaphore(%arg13 : memref<!tpu.dma_semaphore, #tpu.memory_space<semaphore_mem>>)
      %add3A_643 = arith.constant 1 : i32
      %add3A_644 = arith.addi %mul3A_620, %add3A_643 : i32
      %dma_wait3A_645 = arith.constant 0 : i32
      %dma_wait3A_646 = tpu.memref_slice %arg6[%add3A_644, %dma_wait3A_645] : memref<8x128xi32, #tpu.memory_space<vmem>> -> memref<1x128xi32, #tpu.memory_space<vmem>>
      %dma_wait3A_647 = tpu.memref_squeeze %dma_wait3A_646 : memref<1x128xi32, #tpu.memory_space<vmem>> -> memref<128xi32, #tpu.memory_space<vmem>>
      %dma_wait3A_648 = arith.constant 0 : i32
      %dma_wait3A_649 = arith.constant 0 : i32
      %dma_wait3A_650 = tpu.memref_slice %arg2[%dma_wait3A_648, %dma_wait3A_649] : memref<10000x128xf32, #tpu.memory_space<hbm>> -> memref<10000x128xf32, #tpu.memory_space<hbm>>
      tpu.wait_indirect_dma semaphore(%arg14 : memref<!tpu.dma_semaphore, #tpu.memory_space<semaphore_mem>>) src(%dma_wait3A_650 : memref<10000x128xf32, #tpu.memory_space<hbm>>) dst(%arg11 : memref<128x128xf32, #tpu.memory_space<vmem>>)
      %add3A_651 = arith.constant 1 : i32
      %add3A_652 = arith.addi %mul3A_620, %add3A_651 : i32
      "tpu.region"() ({
        %run_scoped3A_654 = tpu.sem_alloc : memref<!tpu.dma_semaphore, #tpu.memory_space<semaphore_mem>>
        %dma_start3A_655 = arith.constant 0 : i32
        %dma_start3A_656 = tpu.memref_slice %arg7[%add3A_652, %dma_start3A_655] : memref<8x128xi32, #tpu.memory_space<vmem>> -> memref<1x128xi32, #tpu.memory_space<vmem>>
        %dma_start3A_657 = tpu.memref_squeeze %dma_start3A_656 : memref<1x128xi32, #tpu.memory_space<vmem>> -> memref<128xi32, #tpu.memory_space<vmem>>
        %dma_start3A_658 = arith.constant 0 : i32
        %dma_start3A_659 = arith.constant 0 : i32
        %dma_start3A_660 = tpu.memref_slice %arg12[%dma_start3A_658, %dma_start3A_659] : memref<10240x128xf32, #tpu.memory_space<vmem_shared>> -> memref<10240x128xf32, #tpu.memory_space<vmem_shared>>
        tpu.enqueue_indirect_dma source(%arg11 : memref<128x128xf32, #tpu.memory_space<vmem>>) target(%dma_start3A_660 : memref<10240x128xf32, #tpu.memory_space<vmem_shared>>) offsets(%dma_start3A_657 : memref<128xi32, #tpu.memory_space<vmem>>) semaphore(%run_scoped3A_654 : memref<!tpu.dma_semaphore, #tpu.memory_space<semaphore_mem>>) {add = true}
        %dma_wait3A_661 = arith.constant 0 : i32
        %dma_wait3A_662 = tpu.memref_slice %arg7[%add3A_652, %dma_wait3A_661] : memref<8x128xi32, #tpu.memory_space<vmem>> -> memref<1x128xi32, #tpu.memory_space<vmem>>
        %dma_wait3A_663 = tpu.memref_squeeze %dma_wait3A_662 : memref<1x128xi32, #tpu.memory_space<vmem>> -> memref<128xi32, #tpu.memory_space<vmem>>
        %dma_wait3A_664 = arith.constant 0 : i32
        %dma_wait3A_665 = arith.constant 0 : i32
        %dma_wait3A_666 = tpu.memref_slice %arg12[%dma_wait3A_664, %dma_wait3A_665] : memref<10240x128xf32, #tpu.memory_space<vmem_shared>> -> memref<10240x128xf32, #tpu.memory_space<vmem_shared>>
        tpu.wait_indirect_dma semaphore(%run_scoped3A_654 : memref<!tpu.dma_semaphore, #tpu.memory_space<semaphore_mem>>) src(%arg11 : memref<128x128xf32, #tpu.memory_space<vmem>>) dst(%dma_wait3A_666 : memref<10240x128xf32, #tpu.memory_space<vmem_shared>>)
        tpu.yield
      }) : () -> ()
      %scan3A_653 = arith.constant 0 : i32
      scf.yield %scan3A_653 : i32
    }
    %scan3A_53 = arith.constant 3 : i32
    %dma_start3A_54 = arith.constant 7 : i32
    %dma_start3A_55 = arith.constant 0 : i32
    %dma_start3A_56 = tpu.memref_slice %arg6[%dma_start3A_54, %dma_start3A_55] : memref<8x128xi32, #tpu.memory_space<vmem>> -> memref<1x128xi32, #tpu.memory_space<vmem>>
    %dma_start3A_57 = tpu.memref_squeeze %dma_start3A_56 : memref<1x128xi32, #tpu.memory_space<vmem>> -> memref<128xi32, #tpu.memory_space<vmem>>
    %dma_start3A_58 = arith.constant 0 : i32
    %dma_start3A_59 = arith.constant 0 : i32
    %dma_start3A_60 = tpu.memref_slice %arg2[%dma_start3A_58, %dma_start3A_59] : memref<10000x128xf32, #tpu.memory_space<hbm>> -> memref<10000x128xf32, #tpu.memory_space<hbm>>
    tpu.enqueue_indirect_dma source(%dma_start3A_60 : memref<10000x128xf32, #tpu.memory_space<hbm>>) target(%arg11 : memref<128x128xf32, #tpu.memory_space<vmem>>) offsets(%dma_start3A_57 : memref<128xi32, #tpu.memory_space<vmem>>) semaphore(%arg14 : memref<!tpu.dma_semaphore, #tpu.memory_space<semaphore_mem>>)
    %dma_wait3A = arith.constant 6 : i32
    %dma_wait3A_61 = arith.constant 0 : i32
    %dma_wait3A_62 = tpu.memref_slice %arg6[%dma_wait3A, %dma_wait3A_61] : memref<8x128xi32, #tpu.memory_space<vmem>> -> memref<1x128xi32, #tpu.memory_space<vmem>>
    %dma_wait3A_63 = tpu.memref_squeeze %dma_wait3A_62 : memref<1x128xi32, #tpu.memory_space<vmem>> -> memref<128xi32, #tpu.memory_space<vmem>>
    %dma_wait3A_64 = arith.constant 0 : i32
    %dma_wait3A_65 = arith.constant 0 : i32
    %dma_wait3A_66 = tpu.memref_slice %arg2[%dma_wait3A_64, %dma_wait3A_65] : memref<10000x128xf32, #tpu.memory_space<hbm>> -> memref<10000x128xf32, #tpu.memory_space<hbm>>
    tpu.wait_indirect_dma semaphore(%arg13 : memref<!tpu.dma_semaphore, #tpu.memory_space<semaphore_mem>>) src(%dma_wait3A_66 : memref<10000x128xf32, #tpu.memory_space<hbm>>) dst(%arg10 : memref<128x128xf32, #tpu.memory_space<vmem>>)
    %run_scoped3A = arith.constant 6 : i32
    "tpu.region"() ({
      %run_scoped3A_617 = tpu.sem_alloc : memref<!tpu.dma_semaphore, #tpu.memory_space<semaphore_mem>>
      %dma_start3A_618 = arith.constant 0 : i32
      %dma_start3A_619 = tpu.memref_slice %arg7[%run_scoped3A, %dma_start3A_618] : memref<8x128xi32, #tpu.memory_space<vmem>> -> memref<1x128xi32, #tpu.memory_space<vmem>>
      %dma_start3A_620 = tpu.memref_squeeze %dma_start3A_619 : memref<1x128xi32, #tpu.memory_space<vmem>> -> memref<128xi32, #tpu.memory_space<vmem>>
      %dma_start3A_621 = arith.constant 0 : i32
      %dma_start3A_622 = arith.constant 0 : i32
      %dma_start3A_623 = tpu.memref_slice %arg12[%dma_start3A_621, %dma_start3A_622] : memref<10240x128xf32, #tpu.memory_space<vmem_shared>> -> memref<10240x128xf32, #tpu.memory_space<vmem_shared>>
      tpu.enqueue_indirect_dma source(%arg10 : memref<128x128xf32, #tpu.memory_space<vmem>>) target(%dma_start3A_623 : memref<10240x128xf32, #tpu.memory_space<vmem_shared>>) offsets(%dma_start3A_620 : memref<128xi32, #tpu.memory_space<vmem>>) semaphore(%run_scoped3A_617 : memref<!tpu.dma_semaphore, #tpu.memory_space<semaphore_mem>>) {add = true}
      %dma_wait3A_624 = arith.constant 0 : i32
      %dma_wait3A_625 = tpu.memref_slice %arg7[%run_scoped3A, %dma_wait3A_624] : memref<8x128xi32, #tpu.memory_space<vmem>> -> memref<1x128xi32, #tpu.memory_space<vmem>>
      %dma_wait3A_626 = tpu.memref_squeeze %dma_wait3A_625 : memref<1x128xi32, #tpu.memory_space<vmem>> -> memref<128xi32, #tpu.memory_space<vmem>>
      %dma_wait3A_627 = arith.constant 0 : i32
      %dma_wait3A_628 = arith.constant 0 : i32
      %dma_wait3A_629 = tpu.memref_slice %arg12[%dma_wait3A_627, %dma_wait3A_628] : memref<10240x128xf32, #tpu.memory_space<vmem_shared>> -> memref<10240x128xf32, #tpu.memory_space<vmem_shared>>
      tpu.wait_indirect_dma semaphore(%run_scoped3A_617 : memref<!tpu.dma_semaphore, #tpu.memory_space<semaphore_mem>>) src(%arg10 : memref<128x128xf32, #tpu.memory_space<vmem>>) dst(%dma_wait3A_629 : memref<10240x128xf32, #tpu.memory_space<vmem_shared>>)
      tpu.yield
    }) : () -> ()
    %dma_wait3A_67 = arith.constant 0 : i32
    %dma_wait3A_68 = arith.constant 0 : i32
    %dma_wait3A_69 = tpu.memref_slice %arg3[%dma_wait3A_67, %dma_wait3A_68] : memref<2560x128xi32, #tpu.memory_space<hbm>> -> memref<8x128xi32, #tpu.memory_space<hbm>>
    %dma_wait3A_70 = arith.constant 0 : i32
    %dma_wait3A_71 = arith.constant 0 : i32
    %dma_wait3A_72 = tpu.memref_slice %arg3[%dma_wait3A_70, %dma_wait3A_71] : memref<2560x128xi32, #tpu.memory_space<hbm>> -> memref<8x128xi32, #tpu.memory_space<hbm>>
    tpu.wait_dma2 semaphore(%arg15 : memref<!tpu.dma_semaphore, #tpu.memory_space<semaphore_mem>>) src(%dma_wait3A_72 : memref<8x128xi32, #tpu.memory_space<hbm>>) dst(%arg8 : memref<8x128xi32, #tpu.memory_space<vmem>>)
    %dma_wait3A_73 = arith.constant 0 : i32
    %dma_wait3A_74 = arith.constant 0 : i32
    %dma_wait3A_75 = tpu.memref_slice %arg4[%dma_wait3A_73, %dma_wait3A_74] : memref<2560x128xi32, #tpu.memory_space<hbm>> -> memref<8x128xi32, #tpu.memory_space<hbm>>
    %dma_wait3A_76 = arith.constant 0 : i32
    %dma_wait3A_77 = arith.constant 0 : i32
    %dma_wait3A_78 = tpu.memref_slice %arg4[%dma_wait3A_76, %dma_wait3A_77] : memref<2560x128xi32, #tpu.memory_space<hbm>> -> memref<8x128xi32, #tpu.memory_space<hbm>>
    tpu.wait_dma2 semaphore(%arg15 : memref<!tpu.dma_semaphore, #tpu.memory_space<semaphore_mem>>) src(%dma_wait3A_78 : memref<8x128xi32, #tpu.memory_space<hbm>>) dst(%arg9 : memref<8x128xi32, #tpu.memory_space<vmem>>)
    %dma_start3A_79 = arith.constant 0 : i32
    %dma_start3A_80 = arith.constant 0 : i32
    %dma_start3A_81 = tpu.memref_slice %arg8[%dma_start3A_79, %dma_start3A_80] : memref<8x128xi32, #tpu.memory_space<vmem>> -> memref<1x128xi32, #tpu.memory_space<vmem>>
    %dma_start3A_82 = tpu.memref_squeeze %dma_start3A_81 : memref<1x128xi32, #tpu.memory_space<vmem>> -> memref<128xi32, #tpu.memory_space<vmem>>
    %dma_start3A_83 = arith.constant 0 : i32
    %dma_start3A_84 = arith.constant 0 : i32
    %dma_start3A_85 = tpu.memref_slice %arg2[%dma_start3A_83, %dma_start3A_84] : memref<10000x128xf32, #tpu.memory_space<hbm>> -> memref<10000x128xf32, #tpu.memory_space<hbm>>
    tpu.enqueue_indirect_dma source(%dma_start3A_85 : memref<10000x128xf32, #tpu.memory_space<hbm>>) target(%arg10 : memref<128x128xf32, #tpu.memory_space<vmem>>) offsets(%dma_start3A_82 : memref<128xi32, #tpu.memory_space<vmem>>) semaphore(%arg13 : memref<!tpu.dma_semaphore, #tpu.memory_space<semaphore_mem>>)
    %dma_wait3A_86 = arith.constant 7 : i32
    %dma_wait3A_87 = arith.constant 0 : i32
    %dma_wait3A_88 = tpu.memref_slice %arg6[%dma_wait3A_86, %dma_wait3A_87] : memref<8x128xi32, #tpu.memory_space<vmem>> -> memref<1x128xi32, #tpu.memory_space<vmem>>
    %dma_wait3A_89 = tpu.memref_squeeze %dma_wait3A_88 : memref<1x128xi32, #tpu.memory_space<vmem>> -> memref<128xi32, #tpu.memory_space<vmem>>
    %dma_wait3A_90 = arith.constant 0 : i32
    %dma_wait3A_91 = arith.constant 0 : i32
    %dma_wait3A_92 = tpu.memref_slice %arg2[%dma_wait3A_90, %dma_wait3A_91] : memref<10000x128xf32, #tpu.memory_space<hbm>> -> memref<10000x128xf32, #tpu.memory_space<hbm>>
    tpu.wait_indirect_dma semaphore(%arg14 : memref<!tpu.dma_semaphore, #tpu.memory_space<semaphore_mem>>) src(%dma_wait3A_92 : memref<10000x128xf32, #tpu.memory_space<hbm>>) dst(%arg11 : memref<128x128xf32, #tpu.memory_space<vmem>>)
    %run_scoped3A_93 = arith.constant 7 : i32
    "tpu.region"() ({
      %run_scoped3A_617 = tpu.sem_alloc : memref<!tpu.dma_semaphore, #tpu.memory_space<semaphore_mem>>
      %dma_start3A_618 = arith.constant 0 : i32
      %dma_start3A_619 = tpu.memref_slice %arg7[%run_scoped3A_93, %dma_start3A_618] : memref<8x128xi32, #tpu.memory_space<vmem>> -> memref<1x128xi32, #tpu.memory_space<vmem>>
      %dma_start3A_620 = tpu.memref_squeeze %dma_start3A_619 : memref<1x128xi32, #tpu.memory_space<vmem>> -> memref<128xi32, #tpu.memory_space<vmem>>
      %dma_start3A_621 = arith.constant 0 : i32
      %dma_start3A_622 = arith.constant 0 : i32
      %dma_start3A_623 = tpu.memref_slice %arg12[%dma_start3A_621, %dma_start3A_622] : memref<10240x128xf32, #tpu.memory_space<vmem_shared>> -> memref<10240x128xf32, #tpu.memory_space<vmem_shared>>
      tpu.enqueue_indirect_dma source(%arg11 : memref<128x128xf32, #tpu.memory_space<vmem>>) target(%dma_start3A_623 : memref<10240x128xf32, #tpu.memory_space<vmem_shared>>) offsets(%dma_start3A_620 : memref<128xi32, #tpu.memory_space<vmem>>) semaphore(%run_scoped3A_617 : memref<!tpu.dma_semaphore, #tpu.memory_space<semaphore_mem>>) {add = true}
      %dma_wait3A_624 = arith.constant 0 : i32
      %dma_wait3A_625 = tpu.memref_slice %arg7[%run_scoped3A_93, %dma_wait3A_624] : memref<8x128xi32, #tpu.memory_space<vmem>> -> memref<1x128xi32, #tpu.memory_space<vmem>>
      %dma_wait3A_626 = tpu.memref_squeeze %dma_wait3A_625 : memref<1x128xi32, #tpu.memory_space<vmem>> -> memref<128xi32, #tpu.memory_space<vmem>>
      %dma_wait3A_627 = arith.constant 0 : i32
      %dma_wait3A_628 = arith.constant 0 : i32
      %dma_wait3A_629 = tpu.memref_slice %arg12[%dma_wait3A_627, %dma_wait3A_628] : memref<10240x128xf32, #tpu.memory_space<vmem_shared>> -> memref<10240x128xf32, #tpu.memory_space<vmem_shared>>
      tpu.wait_indirect_dma semaphore(%run_scoped3A_617 : memref<!tpu.dma_semaphore, #tpu.memory_space<semaphore_mem>>) src(%arg11 : memref<128x128xf32, #tpu.memory_space<vmem>>) dst(%dma_wait3A_629 : memref<10240x128xf32, #tpu.memory_space<vmem_shared>>)
      tpu.yield
    }) : () -> ()
    %add3A_94 = arith.constant 16 : i32
    %add3A_95 = arith.addi %mul3A_4, %add3A_94 : i32
    %dma_start3A_96 = arith.constant 0 : i32
    %dma_start3A_97 = tpu.memref_slice %arg3[%add3A_95, %dma_start3A_96] : memref<2560x128xi32, #tpu.memory_space<hbm>> -> memref<8x128xi32, #tpu.memory_space<hbm>>
    %dma_start3A_98 = arith.constant 0 : i32
    %dma_start3A_99 = tpu.memref_slice %arg3[%add3A_95, %dma_start3A_98] : memref<2560x128xi32, #tpu.memory_space<hbm>> -> memref<8x128xi32, #tpu.memory_space<hbm>>
    tpu.enqueue_dma source(%dma_start3A_99 : memref<8x128xi32, #tpu.memory_space<hbm>>) target(%arg6 : memref<8x128xi32, #tpu.memory_space<vmem>>) target_semaphore(%arg15 : memref<!tpu.dma_semaphore, #tpu.memory_space<semaphore_mem>>)
    %dma_start3A_100 = arith.constant 0 : i32
    %dma_start3A_101 = tpu.memref_slice %arg4[%add3A_95, %dma_start3A_100] : memref<2560x128xi32, #tpu.memory_space<hbm>> -> memref<8x128xi32, #tpu.memory_space<hbm>>
    %dma_start3A_102 = arith.constant 0 : i32
    %dma_start3A_103 = tpu.memref_slice %arg4[%add3A_95, %dma_start3A_102] : memref<2560x128xi32, #tpu.memory_space<hbm>> -> memref<8x128xi32, #tpu.memory_space<hbm>>
    tpu.enqueue_dma source(%dma_start3A_103 : memref<8x128xi32, #tpu.memory_space<hbm>>) target(%arg7 : memref<8x128xi32, #tpu.memory_space<vmem>>) target_semaphore(%arg15 : memref<!tpu.dma_semaphore, #tpu.memory_space<semaphore_mem>>)
    %scan3A_104 = arith.constant 0 : i32
    %scan3A_105 = arith.constant 0 : i32
    %scan3A_106 = arith.constant 3 : i32
    %scan3A_107 = arith.addi %scan3A_105, %scan3A_106 : i32
    %scan3A_108 = arith.constant 1 : i32
    %scan3A_109 = scf.for %scan3A_617 = %scan3A_105 to %scan3A_107 step %scan3A_108 iter_args(%scan3A_618 = %scan3A_104) -> (i32)  : i32 {
      %mul3A_619 = arith.constant 2 : i32
      %mul3A_620 = arith.muli %mul3A_619, %scan3A_617 : i32
      %add3A_621 = arith.constant 1 : i32
      %add3A_622 = arith.addi %mul3A_620, %add3A_621 : i32
      %dma_start3A_623 = arith.constant 0 : i32
      %dma_start3A_624 = tpu.memref_slice %arg8[%add3A_622, %dma_start3A_623] : memref<8x128xi32, #tpu.memory_space<vmem>> -> memref<1x128xi32, #tpu.memory_space<vmem>>
      %dma_start3A_625 = tpu.memref_squeeze %dma_start3A_624 : memref<1x128xi32, #tpu.memory_space<vmem>> -> memref<128xi32, #tpu.memory_space<vmem>>
      %dma_start3A_626 = arith.constant 0 : i32
      %dma_start3A_627 = arith.constant 0 : i32
      %dma_start3A_628 = tpu.memref_slice %arg2[%dma_start3A_626, %dma_start3A_627] : memref<10000x128xf32, #tpu.memory_space<hbm>> -> memref<10000x128xf32, #tpu.memory_space<hbm>>
      tpu.enqueue_indirect_dma source(%dma_start3A_628 : memref<10000x128xf32, #tpu.memory_space<hbm>>) target(%arg11 : memref<128x128xf32, #tpu.memory_space<vmem>>) offsets(%dma_start3A_625 : memref<128xi32, #tpu.memory_space<vmem>>) semaphore(%arg14 : memref<!tpu.dma_semaphore, #tpu.memory_space<semaphore_mem>>)
      %dma_wait3A_629 = arith.constant 0 : i32
      %dma_wait3A_630 = tpu.memref_slice %arg8[%mul3A_620, %dma_wait3A_629] : memref<8x128xi32, #tpu.memory_space<vmem>> -> memref<1x128xi32, #tpu.memory_space<vmem>>
      %dma_wait3A_631 = tpu.memref_squeeze %dma_wait3A_630 : memref<1x128xi32, #tpu.memory_space<vmem>> -> memref<128xi32, #tpu.memory_space<vmem>>
      %dma_wait3A_632 = arith.constant 0 : i32
      %dma_wait3A_633 = arith.constant 0 : i32
      %dma_wait3A_634 = tpu.memref_slice %arg2[%dma_wait3A_632, %dma_wait3A_633] : memref<10000x128xf32, #tpu.memory_space<hbm>> -> memref<10000x128xf32, #tpu.memory_space<hbm>>
      tpu.wait_indirect_dma semaphore(%arg13 : memref<!tpu.dma_semaphore, #tpu.memory_space<semaphore_mem>>) src(%dma_wait3A_634 : memref<10000x128xf32, #tpu.memory_space<hbm>>) dst(%arg10 : memref<128x128xf32, #tpu.memory_space<vmem>>)
      "tpu.region"() ({
        %run_scoped3A_654 = tpu.sem_alloc : memref<!tpu.dma_semaphore, #tpu.memory_space<semaphore_mem>>
        %dma_start3A_655 = arith.constant 0 : i32
        %dma_start3A_656 = tpu.memref_slice %arg9[%mul3A_620, %dma_start3A_655] : memref<8x128xi32, #tpu.memory_space<vmem>> -> memref<1x128xi32, #tpu.memory_space<vmem>>
        %dma_start3A_657 = tpu.memref_squeeze %dma_start3A_656 : memref<1x128xi32, #tpu.memory_space<vmem>> -> memref<128xi32, #tpu.memory_space<vmem>>
        %dma_start3A_658 = arith.constant 0 : i32
        %dma_start3A_659 = arith.constant 0 : i32
        %dma_start3A_660 = tpu.memref_slice %arg12[%dma_start3A_658, %dma_start3A_659] : memref<10240x128xf32, #tpu.memory_space<vmem_shared>> -> memref<10240x128xf32, #tpu.memory_space<vmem_shared>>
        tpu.enqueue_indirect_dma source(%arg10 : memref<128x128xf32, #tpu.memory_space<vmem>>) target(%dma_start3A_660 : memref<10240x128xf32, #tpu.memory_space<vmem_shared>>) offsets(%dma_start3A_657 : memref<128xi32, #tpu.memory_space<vmem>>) semaphore(%run_scoped3A_654 : memref<!tpu.dma_semaphore, #tpu.memory_space<semaphore_mem>>) {add = true}
        %dma_wait3A_661 = arith.constant 0 : i32
        %dma_wait3A_662 = tpu.memref_slice %arg9[%mul3A_620, %dma_wait3A_661] : memref<8x128xi32, #tpu.memory_space<vmem>> -> memref<1x128xi32, #tpu.memory_space<vmem>>
        %dma_wait3A_663 = tpu.memref_squeeze %dma_wait3A_662 : memref<1x128xi32, #tpu.memory_space<vmem>> -> memref<128xi32, #tpu.memory_space<vmem>>
        %dma_wait3A_664 = arith.constant 0 : i32
        %dma_wait3A_665 = arith.constant 0 : i32
        %dma_wait3A_666 = tpu.memref_slice %arg12[%dma_wait3A_664, %dma_wait3A_665] : memref<10240x128xf32, #tpu.memory_space<vmem_shared>> -> memref<10240x128xf32, #tpu.memory_space<vmem_shared>>
        tpu.wait_indirect_dma semaphore(%run_scoped3A_654 : memref<!tpu.dma_semaphore, #tpu.memory_space<semaphore_mem>>) src(%arg10 : memref<128x128xf32, #tpu.memory_space<vmem>>) dst(%dma_wait3A_666 : memref<10240x128xf32, #tpu.memory_space<vmem_shared>>)
        tpu.yield
      }) : () -> ()
      %add3A_635 = arith.constant 2 : i32
      %add3A_636 = arith.addi %mul3A_620, %add3A_635 : i32
      %dma_start3A_637 = arith.constant 0 : i32
      %dma_start3A_638 = tpu.memref_slice %arg8[%add3A_636, %dma_start3A_637] : memref<8x128xi32, #tpu.memory_space<vmem>> -> memref<1x128xi32, #tpu.memory_space<vmem>>
      %dma_start3A_639 = tpu.memref_squeeze %dma_start3A_638 : memref<1x128xi32, #tpu.memory_space<vmem>> -> memref<128xi32, #tpu.memory_space<vmem>>
      %dma_start3A_640 = arith.constant 0 : i32
      %dma_start3A_641 = arith.constant 0 : i32
      %dma_start3A_642 = tpu.memref_slice %arg2[%dma_start3A_640, %dma_start3A_641] : memref<10000x128xf32, #tpu.memory_space<hbm>> -> memref<10000x128xf32, #tpu.memory_space<hbm>>
      tpu.enqueue_indirect_dma source(%dma_start3A_642 : memref<10000x128xf32, #tpu.memory_space<hbm>>) target(%arg10 : memref<128x128xf32, #tpu.memory_space<vmem>>) offsets(%dma_start3A_639 : memref<128xi32, #tpu.memory_space<vmem>>) semaphore(%arg13 : memref<!tpu.dma_semaphore, #tpu.memory_space<semaphore_mem>>)
      %add3A_643 = arith.constant 1 : i32
      %add3A_644 = arith.addi %mul3A_620, %add3A_643 : i32
      %dma_wait3A_645 = arith.constant 0 : i32
      %dma_wait3A_646 = tpu.memref_slice %arg8[%add3A_644, %dma_wait3A_645] : memref<8x128xi32, #tpu.memory_space<vmem>> -> memref<1x128xi32, #tpu.memory_space<vmem>>
      %dma_wait3A_647 = tpu.memref_squeeze %dma_wait3A_646 : memref<1x128xi32, #tpu.memory_space<vmem>> -> memref<128xi32, #tpu.memory_space<vmem>>
      %dma_wait3A_648 = arith.constant 0 : i32
      %dma_wait3A_649 = arith.constant 0 : i32
      %dma_wait3A_650 = tpu.memref_slice %arg2[%dma_wait3A_648, %dma_wait3A_649] : memref<10000x128xf32, #tpu.memory_space<hbm>> -> memref<10000x128xf32, #tpu.memory_space<hbm>>
      tpu.wait_indirect_dma semaphore(%arg14 : memref<!tpu.dma_semaphore, #tpu.memory_space<semaphore_mem>>) src(%dma_wait3A_650 : memref<10000x128xf32, #tpu.memory_space<hbm>>) dst(%arg11 : memref<128x128xf32, #tpu.memory_space<vmem>>)
      %add3A_651 = arith.constant 1 : i32
      %add3A_652 = arith.addi %mul3A_620, %add3A_651 : i32
      "tpu.region"() ({
        %run_scoped3A_654 = tpu.sem_alloc : memref<!tpu.dma_semaphore, #tpu.memory_space<semaphore_mem>>
        %dma_start3A_655 = arith.constant 0 : i32
        %dma_start3A_656 = tpu.memref_slice %arg9[%add3A_652, %dma_start3A_655] : memref<8x128xi32, #tpu.memory_space<vmem>> -> memref<1x128xi32, #tpu.memory_space<vmem>>
        %dma_start3A_657 = tpu.memref_squeeze %dma_start3A_656 : memref<1x128xi32, #tpu.memory_space<vmem>> -> memref<128xi32, #tpu.memory_space<vmem>>
        %dma_start3A_658 = arith.constant 0 : i32
        %dma_start3A_659 = arith.constant 0 : i32
        %dma_start3A_660 = tpu.memref_slice %arg12[%dma_start3A_658, %dma_start3A_659] : memref<10240x128xf32, #tpu.memory_space<vmem_shared>> -> memref<10240x128xf32, #tpu.memory_space<vmem_shared>>
        tpu.enqueue_indirect_dma source(%arg11 : memref<128x128xf32, #tpu.memory_space<vmem>>) target(%dma_start3A_660 : memref<10240x128xf32, #tpu.memory_space<vmem_shared>>) offsets(%dma_start3A_657 : memref<128xi32, #tpu.memory_space<vmem>>) semaphore(%run_scoped3A_654 : memref<!tpu.dma_semaphore, #tpu.memory_space<semaphore_mem>>) {add = true}
        %dma_wait3A_661 = arith.constant 0 : i32
        %dma_wait3A_662 = tpu.memref_slice %arg9[%add3A_652, %dma_wait3A_661] : memref<8x128xi32, #tpu.memory_space<vmem>> -> memref<1x128xi32, #tpu.memory_space<vmem>>
        %dma_wait3A_663 = tpu.memref_squeeze %dma_wait3A_662 : memref<1x128xi32, #tpu.memory_space<vmem>> -> memref<128xi32, #tpu.memory_space<vmem>>
        %dma_wait3A_664 = arith.constant 0 : i32
        %dma_wait3A_665 = arith.constant 0 : i32
        %dma_wait3A_666 = tpu.memref_slice %arg12[%dma_wait3A_664, %dma_wait3A_665] : memref<10240x128xf32, #tpu.memory_space<vmem_shared>> -> memref<10240x128xf32, #tpu.memory_space<vmem_shared>>
        tpu.wait_indirect_dma semaphore(%run_scoped3A_654 : memref<!tpu.dma_semaphore, #tpu.memory_space<semaphore_mem>>) src(%arg11 : memref<128x128xf32, #tpu.memory_space<vmem>>) dst(%dma_wait3A_666 : memref<10240x128xf32, #tpu.memory_space<vmem_shared>>)
        tpu.yield
      }) : () -> ()
      %scan3A_653 = arith.constant 0 : i32
      scf.yield %scan3A_653 : i32
    }
    %scan3A_110 = arith.constant 3 : i32
    %dma_start3A_111 = arith.constant 7 : i32
    %dma_start3A_112 = arith.constant 0 : i32
    %dma_start3A_113 = tpu.memref_slice %arg8[%dma_start3A_111, %dma_start3A_112] : memref<8x128xi32, #tpu.memory_space<vmem>> -> memref<1x128xi32, #tpu.memory_space<vmem>>
    %dma_start3A_114 = tpu.memref_squeeze %dma_start3A_113 : memref<1x128xi32, #tpu.memory_space<vmem>> -> memref<128xi32, #tpu.memory_space<vmem>>
    %dma_start3A_115 = arith.constant 0 : i32
    %dma_start3A_116 = arith.constant 0 : i32
    %dma_start3A_117 = tpu.memref_slice %arg2[%dma_start3A_115, %dma_start3A_116] : memref<10000x128xf32, #tpu.memory_space<hbm>> -> memref<10000x128xf32, #tpu.memory_space<hbm>>
    tpu.enqueue_indirect_dma source(%dma_start3A_117 : memref<10000x128xf32, #tpu.memory_space<hbm>>) target(%arg11 : memref<128x128xf32, #tpu.memory_space<vmem>>) offsets(%dma_start3A_114 : memref<128xi32, #tpu.memory_space<vmem>>) semaphore(%arg14 : memref<!tpu.dma_semaphore, #tpu.memory_space<semaphore_mem>>)
    %dma_wait3A_118 = arith.constant 6 : i32
    %dma_wait3A_119 = arith.constant 0 : i32
    %dma_wait3A_120 = tpu.memref_slice %arg8[%dma_wait3A_118, %dma_wait3A_119] : memref<8x128xi32, #tpu.memory_space<vmem>> -> memref<1x128xi32, #tpu.memory_space<vmem>>
    %dma_wait3A_121 = tpu.memref_squeeze %dma_wait3A_120 : memref<1x128xi32, #tpu.memory_space<vmem>> -> memref<128xi32, #tpu.memory_space<vmem>>
    %dma_wait3A_122 = arith.constant 0 : i32
    %dma_wait3A_123 = arith.constant 0 : i32
    %dma_wait3A_124 = tpu.memref_slice %arg2[%dma_wait3A_122, %dma_wait3A_123] : memref<10000x128xf32, #tpu.memory_space<hbm>> -> memref<10000x128xf32, #tpu.memory_space<hbm>>
    tpu.wait_indirect_dma semaphore(%arg13 : memref<!tpu.dma_semaphore, #tpu.memory_space<semaphore_mem>>) src(%dma_wait3A_124 : memref<10000x128xf32, #tpu.memory_space<hbm>>) dst(%arg10 : memref<128x128xf32, #tpu.memory_space<vmem>>)
    %run_scoped3A_125 = arith.constant 6 : i32
    "tpu.region"() ({
      %run_scoped3A_617 = tpu.sem_alloc : memref<!tpu.dma_semaphore, #tpu.memory_space<semaphore_mem>>
      %dma_start3A_618 = arith.constant 0 : i32
      %dma_start3A_619 = tpu.memref_slice %arg9[%run_scoped3A_125, %dma_start3A_618] : memref<8x128xi32, #tpu.memory_space<vmem>> -> memref<1x128xi32, #tpu.memory_space<vmem>>
      %dma_start3A_620 = tpu.memref_squeeze %dma_start3A_619 : memref<1x128xi32, #tpu.memory_space<vmem>> -> memref<128xi32, #tpu.memory_space<vmem>>
      %dma_start3A_621 = arith.constant 0 : i32
      %dma_start3A_622 = arith.constant 0 : i32
      %dma_start3A_623 = tpu.memref_slice %arg12[%dma_start3A_621, %dma_start3A_622] : memref<10240x128xf32, #tpu.memory_space<vmem_shared>> -> memref<10240x128xf32, #tpu.memory_space<vmem_shared>>
      tpu.enqueue_indirect_dma source(%arg10 : memref<128x128xf32, #tpu.memory_space<vmem>>) target(%dma_start3A_623 : memref<10240x128xf32, #tpu.memory_space<vmem_shared>>) offsets(%dma_start3A_620 : memref<128xi32, #tpu.memory_space<vmem>>) semaphore(%run_scoped3A_617 : memref<!tpu.dma_semaphore, #tpu.memory_space<semaphore_mem>>) {add = true}
      %dma_wait3A_624 = arith.constant 0 : i32
      %dma_wait3A_625 = tpu.memref_slice %arg9[%run_scoped3A_125, %dma_wait3A_624] : memref<8x128xi32, #tpu.memory_space<vmem>> -> memref<1x128xi32, #tpu.memory_space<vmem>>
      %dma_wait3A_626 = tpu.memref_squeeze %dma_wait3A_625 : memref<1x128xi32, #tpu.memory_space<vmem>> -> memref<128xi32, #tpu.memory_space<vmem>>
      %dma_wait3A_627 = arith.constant 0 : i32
      %dma_wait3A_628 = arith.constant 0 : i32
      %dma_wait3A_629 = tpu.memref_slice %arg12[%dma_wait3A_627, %dma_wait3A_628] : memref<10240x128xf32, #tpu.memory_space<vmem_shared>> -> memref<10240x128xf32, #tpu.memory_space<vmem_shared>>
      tpu.wait_indirect_dma semaphore(%run_scoped3A_617 : memref<!tpu.dma_semaphore, #tpu.memory_space<semaphore_mem>>) src(%arg10 : memref<128x128xf32, #tpu.memory_space<vmem>>) dst(%dma_wait3A_629 : memref<10240x128xf32, #tpu.memory_space<vmem_shared>>)
      tpu.yield
    }) : () -> ()
    %dma_wait3A_126 = arith.constant 0 : i32
    %dma_wait3A_127 = arith.constant 0 : i32
    %dma_wait3A_128 = tpu.memref_slice %arg3[%dma_wait3A_126, %dma_wait3A_127] : memref<2560x128xi32, #tpu.memory_space<hbm>> -> memref<8x128xi32, #tpu.memory_space<hbm>>
    %dma_wait3A_129 = arith.constant 0 : i32
    %dma_wait3A_130 = arith.constant 0 : i32
    %dma_wait3A_131 = tpu.memref_slice %arg3[%dma_wait3A_129, %dma_wait3A_130] : memref<2560x128xi32, #tpu.memory_space<hbm>> -> memref<8x128xi32, #tpu.memory_space<hbm>>
    tpu.wait_dma2 semaphore(%arg15 : memref<!tpu.dma_semaphore, #tpu.memory_space<semaphore_mem>>) src(%dma_wait3A_131 : memref<8x128xi32, #tpu.memory_space<hbm>>) dst(%arg6 : memref<8x128xi32, #tpu.memory_space<vmem>>)
    %dma_wait3A_132 = arith.constant 0 : i32
    %dma_wait3A_133 = arith.constant 0 : i32
    %dma_wait3A_134 = tpu.memref_slice %arg4[%dma_wait3A_132, %dma_wait3A_133] : memref<2560x128xi32, #tpu.memory_space<hbm>> -> memref<8x128xi32, #tpu.memory_space<hbm>>
    %dma_wait3A_135 = arith.constant 0 : i32
    %dma_wait3A_136 = arith.constant 0 : i32
    %dma_wait3A_137 = tpu.memref_slice %arg4[%dma_wait3A_135, %dma_wait3A_136] : memref<2560x128xi32, #tpu.memory_space<hbm>> -> memref<8x128xi32, #tpu.memory_space<hbm>>
    tpu.wait_dma2 semaphore(%arg15 : memref<!tpu.dma_semaphore, #tpu.memory_space<semaphore_mem>>) src(%dma_wait3A_137 : memref<8x128xi32, #tpu.memory_space<hbm>>) dst(%arg7 : memref<8x128xi32, #tpu.memory_space<vmem>>)
    %dma_start3A_138 = arith.constant 0 : i32
    %dma_start3A_139 = arith.constant 0 : i32
    %dma_start3A_140 = tpu.memref_slice %arg6[%dma_start3A_138, %dma_start3A_139] : memref<8x128xi32, #tpu.memory_space<vmem>> -> memref<1x128xi32, #tpu.memory_space<vmem>>
    %dma_start3A_141 = tpu.memref_squeeze %dma_start3A_140 : memref<1x128xi32, #tpu.memory_space<vmem>> -> memref<128xi32, #tpu.memory_space<vmem>>
    %dma_start3A_142 = arith.constant 0 : i32
    %dma_start3A_143 = arith.constant 0 : i32
    %dma_start3A_144 = tpu.memref_slice %arg2[%dma_start3A_142, %dma_start3A_143] : memref<10000x128xf32, #tpu.memory_space<hbm>> -> memref<10000x128xf32, #tpu.memory_space<hbm>>
    tpu.enqueue_indirect_dma source(%dma_start3A_144 : memref<10000x128xf32, #tpu.memory_space<hbm>>) target(%arg10 : memref<128x128xf32, #tpu.memory_space<vmem>>) offsets(%dma_start3A_141 : memref<128xi32, #tpu.memory_space<vmem>>) semaphore(%arg13 : memref<!tpu.dma_semaphore, #tpu.memory_space<semaphore_mem>>)
    %dma_wait3A_145 = arith.constant 7 : i32
    %dma_wait3A_146 = arith.constant 0 : i32
    %dma_wait3A_147 = tpu.memref_slice %arg8[%dma_wait3A_145, %dma_wait3A_146] : memref<8x128xi32, #tpu.memory_space<vmem>> -> memref<1x128xi32, #tpu.memory_space<vmem>>
    %dma_wait3A_148 = tpu.memref_squeeze %dma_wait3A_147 : memref<1x128xi32, #tpu.memory_space<vmem>> -> memref<128xi32, #tpu.memory_space<vmem>>
    %dma_wait3A_149 = arith.constant 0 : i32
    %dma_wait3A_150 = arith.constant 0 : i32
    %dma_wait3A_151 = tpu.memref_slice %arg2[%dma_wait3A_149, %dma_wait3A_150] : memref<10000x128xf32, #tpu.memory_space<hbm>> -> memref<10000x128xf32, #tpu.memory_space<hbm>>
    tpu.wait_indirect_dma semaphore(%arg14 : memref<!tpu.dma_semaphore, #tpu.memory_space<semaphore_mem>>) src(%dma_wait3A_151 : memref<10000x128xf32, #tpu.memory_space<hbm>>) dst(%arg11 : memref<128x128xf32, #tpu.memory_space<vmem>>)
    %run_scoped3A_152 = arith.constant 7 : i32
    "tpu.region"() ({
      %run_scoped3A_617 = tpu.sem_alloc : memref<!tpu.dma_semaphore, #tpu.memory_space<semaphore_mem>>
      %dma_start3A_618 = arith.constant 0 : i32
      %dma_start3A_619 = tpu.memref_slice %arg9[%run_scoped3A_152, %dma_start3A_618] : memref<8x128xi32, #tpu.memory_space<vmem>> -> memref<1x128xi32, #tpu.memory_space<vmem>>
      %dma_start3A_620 = tpu.memref_squeeze %dma_start3A_619 : memref<1x128xi32, #tpu.memory_space<vmem>> -> memref<128xi32, #tpu.memory_space<vmem>>
      %dma_start3A_621 = arith.constant 0 : i32
      %dma_start3A_622 = arith.constant 0 : i32
      %dma_start3A_623 = tpu.memref_slice %arg12[%dma_start3A_621, %dma_start3A_622] : memref<10240x128xf32, #tpu.memory_space<vmem_shared>> -> memref<10240x128xf32, #tpu.memory_space<vmem_shared>>
      tpu.enqueue_indirect_dma source(%arg11 : memref<128x128xf32, #tpu.memory_space<vmem>>) target(%dma_start3A_623 : memref<10240x128xf32, #tpu.memory_space<vmem_shared>>) offsets(%dma_start3A_620 : memref<128xi32, #tpu.memory_space<vmem>>) semaphore(%run_scoped3A_617 : memref<!tpu.dma_semaphore, #tpu.memory_space<semaphore_mem>>) {add = true}
      %dma_wait3A_624 = arith.constant 0 : i32
      %dma_wait3A_625 = tpu.memref_slice %arg9[%run_scoped3A_152, %dma_wait3A_624] : memref<8x128xi32, #tpu.memory_space<vmem>> -> memref<1x128xi32, #tpu.memory_space<vmem>>
      %dma_wait3A_626 = tpu.memref_squeeze %dma_wait3A_625 : memref<1x128xi32, #tpu.memory_space<vmem>> -> memref<128xi32, #tpu.memory_space<vmem>>
      %dma_wait3A_627 = arith.constant 0 : i32
      %dma_wait3A_628 = arith.constant 0 : i32
      %dma_wait3A_629 = tpu.memref_slice %arg12[%dma_wait3A_627, %dma_wait3A_628] : memref<10240x128xf32, #tpu.memory_space<vmem_shared>> -> memref<10240x128xf32, #tpu.memory_space<vmem_shared>>
      tpu.wait_indirect_dma semaphore(%run_scoped3A_617 : memref<!tpu.dma_semaphore, #tpu.memory_space<semaphore_mem>>) src(%arg11 : memref<128x128xf32, #tpu.memory_space<vmem>>) dst(%dma_wait3A_629 : memref<10240x128xf32, #tpu.memory_space<vmem_shared>>)
      tpu.yield
    }) : () -> ()
    %add3A_153 = arith.constant 24 : i32
    %add3A_154 = arith.addi %mul3A_4, %add3A_153 : i32
    %dma_start3A_155 = arith.constant 0 : i32
    %dma_start3A_156 = tpu.memref_slice %arg3[%add3A_154, %dma_start3A_155] : memref<2560x128xi32, #tpu.memory_space<hbm>> -> memref<8x128xi32, #tpu.memory_space<hbm>>
    %dma_start3A_157 = arith.constant 0 : i32
    %dma_start3A_158 = tpu.memref_slice %arg3[%add3A_154, %dma_start3A_157] : memref<2560x128xi32, #tpu.memory_space<hbm>> -> memref<8x128xi32, #tpu.memory_space<hbm>>
    tpu.enqueue_dma source(%dma_start3A_158 : memref<8x128xi32, #tpu.memory_space<hbm>>) target(%arg8 : memref<8x128xi32, #tpu.memory_space<vmem>>) target_semaphore(%arg15 : memref<!tpu.dma_semaphore, #tpu.memory_space<semaphore_mem>>)
    %dma_start3A_159 = arith.constant 0 : i32
    %dma_start3A_160 = tpu.memref_slice %arg4[%add3A_154, %dma_start3A_159] : memref<2560x128xi32, #tpu.memory_space<hbm>> -> memref<8x128xi32, #tpu.memory_space<hbm>>
    %dma_start3A_161 = arith.constant 0 : i32
    %dma_start3A_162 = tpu.memref_slice %arg4[%add3A_154, %dma_start3A_161] : memref<2560x128xi32, #tpu.memory_space<hbm>> -> memref<8x128xi32, #tpu.memory_space<hbm>>
    tpu.enqueue_dma source(%dma_start3A_162 : memref<8x128xi32, #tpu.memory_space<hbm>>) target(%arg9 : memref<8x128xi32, #tpu.memory_space<vmem>>) target_semaphore(%arg15 : memref<!tpu.dma_semaphore, #tpu.memory_space<semaphore_mem>>)
    %scan3A_163 = arith.constant 0 : i32
    %scan3A_164 = arith.constant 0 : i32
    %scan3A_165 = arith.constant 3 : i32
    %scan3A_166 = arith.addi %scan3A_164, %scan3A_165 : i32
    %scan3A_167 = arith.constant 1 : i32
    %scan3A_168 = scf.for %scan3A_617 = %scan3A_164 to %scan3A_166 step %scan3A_167 iter_args(%scan3A_618 = %scan3A_163) -> (i32)  : i32 {
      %mul3A_619 = arith.constant 2 : i32
      %mul3A_620 = arith.muli %mul3A_619, %scan3A_617 : i32
      %add3A_621 = arith.constant 1 : i32
      %add3A_622 = arith.addi %mul3A_620, %add3A_621 : i32
      %dma_start3A_623 = arith.constant 0 : i32
      %dma_start3A_624 = tpu.memref_slice %arg6[%add3A_622, %dma_start3A_623] : memref<8x128xi32, #tpu.memory_space<vmem>> -> memref<1x128xi32, #tpu.memory_space<vmem>>
      %dma_start3A_625 = tpu.memref_squeeze %dma_start3A_624 : memref<1x128xi32, #tpu.memory_space<vmem>> -> memref<128xi32, #tpu.memory_space<vmem>>
      %dma_start3A_626 = arith.constant 0 : i32
      %dma_start3A_627 = arith.constant 0 : i32
      %dma_start3A_628 = tpu.memref_slice %arg2[%dma_start3A_626, %dma_start3A_627] : memref<10000x128xf32, #tpu.memory_space<hbm>> -> memref<10000x128xf32, #tpu.memory_space<hbm>>
      tpu.enqueue_indirect_dma source(%dma_start3A_628 : memref<10000x128xf32, #tpu.memory_space<hbm>>) target(%arg11 : memref<128x128xf32, #tpu.memory_space<vmem>>) offsets(%dma_start3A_625 : memref<128xi32, #tpu.memory_space<vmem>>) semaphore(%arg14 : memref<!tpu.dma_semaphore, #tpu.memory_space<semaphore_mem>>)
      %dma_wait3A_629 = arith.constant 0 : i32
      %dma_wait3A_630 = tpu.memref_slice %arg6[%mul3A_620, %dma_wait3A_629] : memref<8x128xi32, #tpu.memory_space<vmem>> -> memref<1x128xi32, #tpu.memory_space<vmem>>
      %dma_wait3A_631 = tpu.memref_squeeze %dma_wait3A_630 : memref<1x128xi32, #tpu.memory_space<vmem>> -> memref<128xi32, #tpu.memory_space<vmem>>
      %dma_wait3A_632 = arith.constant 0 : i32
      %dma_wait3A_633 = arith.constant 0 : i32
      %dma_wait3A_634 = tpu.memref_slice %arg2[%dma_wait3A_632, %dma_wait3A_633] : memref<10000x128xf32, #tpu.memory_space<hbm>> -> memref<10000x128xf32, #tpu.memory_space<hbm>>
      tpu.wait_indirect_dma semaphore(%arg13 : memref<!tpu.dma_semaphore, #tpu.memory_space<semaphore_mem>>) src(%dma_wait3A_634 : memref<10000x128xf32, #tpu.memory_space<hbm>>) dst(%arg10 : memref<128x128xf32, #tpu.memory_space<vmem>>)
      "tpu.region"() ({
        %run_scoped3A_654 = tpu.sem_alloc : memref<!tpu.dma_semaphore, #tpu.memory_space<semaphore_mem>>
        %dma_start3A_655 = arith.constant 0 : i32
        %dma_start3A_656 = tpu.memref_slice %arg7[%mul3A_620, %dma_start3A_655] : memref<8x128xi32, #tpu.memory_space<vmem>> -> memref<1x128xi32, #tpu.memory_space<vmem>>
        %dma_start3A_657 = tpu.memref_squeeze %dma_start3A_656 : memref<1x128xi32, #tpu.memory_space<vmem>> -> memref<128xi32, #tpu.memory_space<vmem>>
        %dma_start3A_658 = arith.constant 0 : i32
        %dma_start3A_659 = arith.constant 0 : i32
        %dma_start3A_660 = tpu.memref_slice %arg12[%dma_start3A_658, %dma_start3A_659] : memref<10240x128xf32, #tpu.memory_space<vmem_shared>> -> memref<10240x128xf32, #tpu.memory_space<vmem_shared>>
        tpu.enqueue_indirect_dma source(%arg10 : memref<128x128xf32, #tpu.memory_space<vmem>>) target(%dma_start3A_660 : memref<10240x128xf32, #tpu.memory_space<vmem_shared>>) offsets(%dma_start3A_657 : memref<128xi32, #tpu.memory_space<vmem>>) semaphore(%run_scoped3A_654 : memref<!tpu.dma_semaphore, #tpu.memory_space<semaphore_mem>>) {add = true}
        %dma_wait3A_661 = arith.constant 0 : i32
        %dma_wait3A_662 = tpu.memref_slice %arg7[%mul3A_620, %dma_wait3A_661] : memref<8x128xi32, #tpu.memory_space<vmem>> -> memref<1x128xi32, #tpu.memory_space<vmem>>
        %dma_wait3A_663 = tpu.memref_squeeze %dma_wait3A_662 : memref<1x128xi32, #tpu.memory_space<vmem>> -> memref<128xi32, #tpu.memory_space<vmem>>
        %dma_wait3A_664 = arith.constant 0 : i32
        %dma_wait3A_665 = arith.constant 0 : i32
        %dma_wait3A_666 = tpu.memref_slice %arg12[%dma_wait3A_664, %dma_wait3A_665] : memref<10240x128xf32, #tpu.memory_space<vmem_shared>> -> memref<10240x128xf32, #tpu.memory_space<vmem_shared>>
        tpu.wait_indirect_dma semaphore(%run_scoped3A_654 : memref<!tpu.dma_semaphore, #tpu.memory_space<semaphore_mem>>) src(%arg10 : memref<128x128xf32, #tpu.memory_space<vmem>>) dst(%dma_wait3A_666 : memref<10240x128xf32, #tpu.memory_space<vmem_shared>>)
        tpu.yield
      }) : () -> ()
      %add3A_635 = arith.constant 2 : i32
      %add3A_636 = arith.addi %mul3A_620, %add3A_635 : i32
      %dma_start3A_637 = arith.constant 0 : i32
      %dma_start3A_638 = tpu.memref_slice %arg6[%add3A_636, %dma_start3A_637] : memref<8x128xi32, #tpu.memory_space<vmem>> -> memref<1x128xi32, #tpu.memory_space<vmem>>
      %dma_start3A_639 = tpu.memref_squeeze %dma_start3A_638 : memref<1x128xi32, #tpu.memory_space<vmem>> -> memref<128xi32, #tpu.memory_space<vmem>>
      %dma_start3A_640 = arith.constant 0 : i32
      %dma_start3A_641 = arith.constant 0 : i32
      %dma_start3A_642 = tpu.memref_slice %arg2[%dma_start3A_640, %dma_start3A_641] : memref<10000x128xf32, #tpu.memory_space<hbm>> -> memref<10000x128xf32, #tpu.memory_space<hbm>>
      tpu.enqueue_indirect_dma source(%dma_start3A_642 : memref<10000x128xf32, #tpu.memory_space<hbm>>) target(%arg10 : memref<128x128xf32, #tpu.memory_space<vmem>>) offsets(%dma_start3A_639 : memref<128xi32, #tpu.memory_space<vmem>>) semaphore(%arg13 : memref<!tpu.dma_semaphore, #tpu.memory_space<semaphore_mem>>)
      %add3A_643 = arith.constant 1 : i32
      %add3A_644 = arith.addi %mul3A_620, %add3A_643 : i32
      %dma_wait3A_645 = arith.constant 0 : i32
      %dma_wait3A_646 = tpu.memref_slice %arg6[%add3A_644, %dma_wait3A_645] : memref<8x128xi32, #tpu.memory_space<vmem>> -> memref<1x128xi32, #tpu.memory_space<vmem>>
      %dma_wait3A_647 = tpu.memref_squeeze %dma_wait3A_646 : memref<1x128xi32, #tpu.memory_space<vmem>> -> memref<128xi32, #tpu.memory_space<vmem>>
      %dma_wait3A_648 = arith.constant 0 : i32
      %dma_wait3A_649 = arith.constant 0 : i32
      %dma_wait3A_650 = tpu.memref_slice %arg2[%dma_wait3A_648, %dma_wait3A_649] : memref<10000x128xf32, #tpu.memory_space<hbm>> -> memref<10000x128xf32, #tpu.memory_space<hbm>>
      tpu.wait_indirect_dma semaphore(%arg14 : memref<!tpu.dma_semaphore, #tpu.memory_space<semaphore_mem>>) src(%dma_wait3A_650 : memref<10000x128xf32, #tpu.memory_space<hbm>>) dst(%arg11 : memref<128x128xf32, #tpu.memory_space<vmem>>)
      %add3A_651 = arith.constant 1 : i32
      %add3A_652 = arith.addi %mul3A_620, %add3A_651 : i32
      "tpu.region"() ({
        %run_scoped3A_654 = tpu.sem_alloc : memref<!tpu.dma_semaphore, #tpu.memory_space<semaphore_mem>>
        %dma_start3A_655 = arith.constant 0 : i32
        %dma_start3A_656 = tpu.memref_slice %arg7[%add3A_652, %dma_start3A_655] : memref<8x128xi32, #tpu.memory_space<vmem>> -> memref<1x128xi32, #tpu.memory_space<vmem>>
        %dma_start3A_657 = tpu.memref_squeeze %dma_start3A_656 : memref<1x128xi32, #tpu.memory_space<vmem>> -> memref<128xi32, #tpu.memory_space<vmem>>
        %dma_start3A_658 = arith.constant 0 : i32
        %dma_start3A_659 = arith.constant 0 : i32
        %dma_start3A_660 = tpu.memref_slice %arg12[%dma_start3A_658, %dma_start3A_659] : memref<10240x128xf32, #tpu.memory_space<vmem_shared>> -> memref<10240x128xf32, #tpu.memory_space<vmem_shared>>
        tpu.enqueue_indirect_dma source(%arg11 : memref<128x128xf32, #tpu.memory_space<vmem>>) target(%dma_start3A_660 : memref<10240x128xf32, #tpu.memory_space<vmem_shared>>) offsets(%dma_start3A_657 : memref<128xi32, #tpu.memory_space<vmem>>) semaphore(%run_scoped3A_654 : memref<!tpu.dma_semaphore, #tpu.memory_space<semaphore_mem>>) {add = true}
        %dma_wait3A_661 = arith.constant 0 : i32
        %dma_wait3A_662 = tpu.memref_slice %arg7[%add3A_652, %dma_wait3A_661] : memref<8x128xi32, #tpu.memory_space<vmem>> -> memref<1x128xi32, #tpu.memory_space<vmem>>
        %dma_wait3A_663 = tpu.memref_squeeze %dma_wait3A_662 : memref<1x128xi32, #tpu.memory_space<vmem>> -> memref<128xi32, #tpu.memory_space<vmem>>
        %dma_wait3A_664 = arith.constant 0 : i32
        %dma_wait3A_665 = arith.constant 0 : i32
        %dma_wait3A_666 = tpu.memref_slice %arg12[%dma_wait3A_664, %dma_wait3A_665] : memref<10240x128xf32, #tpu.memory_space<vmem_shared>> -> memref<10240x128xf32, #tpu.memory_space<vmem_shared>>
        tpu.wait_indirect_dma semaphore(%run_scoped3A_654 : memref<!tpu.dma_semaphore, #tpu.memory_space<semaphore_mem>>) src(%arg11 : memref<128x128xf32, #tpu.memory_space<vmem>>) dst(%dma_wait3A_666 : memref<10240x128xf32, #tpu.memory_space<vmem_shared>>)
        tpu.yield
      }) : () -> ()
      %scan3A_653 = arith.constant 0 : i32
      scf.yield %scan3A_653 : i32
    }
    %scan3A_169 = arith.constant 3 : i32
    %dma_start3A_170 = arith.constant 7 : i32
    %dma_start3A_171 = arith.constant 0 : i32
    %dma_start3A_172 = tpu.memref_slice %arg6[%dma_start3A_170, %dma_start3A_171] : memref<8x128xi32, #tpu.memory_space<vmem>> -> memref<1x128xi32, #tpu.memory_space<vmem>>
    %dma_start3A_173 = tpu.memref_squeeze %dma_start3A_172 : memref<1x128xi32, #tpu.memory_space<vmem>> -> memref<128xi32, #tpu.memory_space<vmem>>
    %dma_start3A_174 = arith.constant 0 : i32
    %dma_start3A_175 = arith.constant 0 : i32
    %dma_start3A_176 = tpu.memref_slice %arg2[%dma_start3A_174, %dma_start3A_175] : memref<10000x128xf32, #tpu.memory_space<hbm>> -> memref<10000x128xf32, #tpu.memory_space<hbm>>
    tpu.enqueue_indirect_dma source(%dma_start3A_176 : memref<10000x128xf32, #tpu.memory_space<hbm>>) target(%arg11 : memref<128x128xf32, #tpu.memory_space<vmem>>) offsets(%dma_start3A_173 : memref<128xi32, #tpu.memory_space<vmem>>) semaphore(%arg14 : memref<!tpu.dma_semaphore, #tpu.memory_space<semaphore_mem>>)
    %dma_wait3A_177 = arith.constant 6 : i32
    %dma_wait3A_178 = arith.constant 0 : i32
    %dma_wait3A_179 = tpu.memref_slice %arg6[%dma_wait3A_177, %dma_wait3A_178] : memref<8x128xi32, #tpu.memory_space<vmem>> -> memref<1x128xi32, #tpu.memory_space<vmem>>
    %dma_wait3A_180 = tpu.memref_squeeze %dma_wait3A_179 : memref<1x128xi32, #tpu.memory_space<vmem>> -> memref<128xi32, #tpu.memory_space<vmem>>
    %dma_wait3A_181 = arith.constant 0 : i32
    %dma_wait3A_182 = arith.constant 0 : i32
    %dma_wait3A_183 = tpu.memref_slice %arg2[%dma_wait3A_181, %dma_wait3A_182] : memref<10000x128xf32, #tpu.memory_space<hbm>> -> memref<10000x128xf32, #tpu.memory_space<hbm>>
    tpu.wait_indirect_dma semaphore(%arg13 : memref<!tpu.dma_semaphore, #tpu.memory_space<semaphore_mem>>) src(%dma_wait3A_183 : memref<10000x128xf32, #tpu.memory_space<hbm>>) dst(%arg10 : memref<128x128xf32, #tpu.memory_space<vmem>>)
    %run_scoped3A_184 = arith.constant 6 : i32
    "tpu.region"() ({
      %run_scoped3A_617 = tpu.sem_alloc : memref<!tpu.dma_semaphore, #tpu.memory_space<semaphore_mem>>
      %dma_start3A_618 = arith.constant 0 : i32
      %dma_start3A_619 = tpu.memref_slice %arg7[%run_scoped3A_184, %dma_start3A_618] : memref<8x128xi32, #tpu.memory_space<vmem>> -> memref<1x128xi32, #tpu.memory_space<vmem>>
      %dma_start3A_620 = tpu.memref_squeeze %dma_start3A_619 : memref<1x128xi32, #tpu.memory_space<vmem>> -> memref<128xi32, #tpu.memory_space<vmem>>
      %dma_start3A_621 = arith.constant 0 : i32
      %dma_start3A_622 = arith.constant 0 : i32
      %dma_start3A_623 = tpu.memref_slice %arg12[%dma_start3A_621, %dma_start3A_622] : memref<10240x128xf32, #tpu.memory_space<vmem_shared>> -> memref<10240x128xf32, #tpu.memory_space<vmem_shared>>
      tpu.enqueue_indirect_dma source(%arg10 : memref<128x128xf32, #tpu.memory_space<vmem>>) target(%dma_start3A_623 : memref<10240x128xf32, #tpu.memory_space<vmem_shared>>) offsets(%dma_start3A_620 : memref<128xi32, #tpu.memory_space<vmem>>) semaphore(%run_scoped3A_617 : memref<!tpu.dma_semaphore, #tpu.memory_space<semaphore_mem>>) {add = true}
      %dma_wait3A_624 = arith.constant 0 : i32
      %dma_wait3A_625 = tpu.memref_slice %arg7[%run_scoped3A_184, %dma_wait3A_624] : memref<8x128xi32, #tpu.memory_space<vmem>> -> memref<1x128xi32, #tpu.memory_space<vmem>>
      %dma_wait3A_626 = tpu.memref_squeeze %dma_wait3A_625 : memref<1x128xi32, #tpu.memory_space<vmem>> -> memref<128xi32, #tpu.memory_space<vmem>>
      %dma_wait3A_627 = arith.constant 0 : i32
      %dma_wait3A_628 = arith.constant 0 : i32
      %dma_wait3A_629 = tpu.memref_slice %arg12[%dma_wait3A_627, %dma_wait3A_628] : memref<10240x128xf32, #tpu.memory_space<vmem_shared>> -> memref<10240x128xf32, #tpu.memory_space<vmem_shared>>
      tpu.wait_indirect_dma semaphore(%run_scoped3A_617 : memref<!tpu.dma_semaphore, #tpu.memory_space<semaphore_mem>>) src(%arg10 : memref<128x128xf32, #tpu.memory_space<vmem>>) dst(%dma_wait3A_629 : memref<10240x128xf32, #tpu.memory_space<vmem_shared>>)
      tpu.yield
    }) : () -> ()
    %dma_wait3A_185 = arith.constant 0 : i32
    %dma_wait3A_186 = arith.constant 0 : i32
    %dma_wait3A_187 = tpu.memref_slice %arg3[%dma_wait3A_185, %dma_wait3A_186] : memref<2560x128xi32, #tpu.memory_space<hbm>> -> memref<8x128xi32, #tpu.memory_space<hbm>>
    %dma_wait3A_188 = arith.constant 0 : i32
    %dma_wait3A_189 = arith.constant 0 : i32
    %dma_wait3A_190 = tpu.memref_slice %arg3[%dma_wait3A_188, %dma_wait3A_189] : memref<2560x128xi32, #tpu.memory_space<hbm>> -> memref<8x128xi32, #tpu.memory_space<hbm>>
    tpu.wait_dma2 semaphore(%arg15 : memref<!tpu.dma_semaphore, #tpu.memory_space<semaphore_mem>>) src(%dma_wait3A_190 : memref<8x128xi32, #tpu.memory_space<hbm>>) dst(%arg8 : memref<8x128xi32, #tpu.memory_space<vmem>>)
    %dma_wait3A_191 = arith.constant 0 : i32
    %dma_wait3A_192 = arith.constant 0 : i32
    %dma_wait3A_193 = tpu.memref_slice %arg4[%dma_wait3A_191, %dma_wait3A_192] : memref<2560x128xi32, #tpu.memory_space<hbm>> -> memref<8x128xi32, #tpu.memory_space<hbm>>
    %dma_wait3A_194 = arith.constant 0 : i32
    %dma_wait3A_195 = arith.constant 0 : i32
    %dma_wait3A_196 = tpu.memref_slice %arg4[%dma_wait3A_194, %dma_wait3A_195] : memref<2560x128xi32, #tpu.memory_space<hbm>> -> memref<8x128xi32, #tpu.memory_space<hbm>>
    tpu.wait_dma2 semaphore(%arg15 : memref<!tpu.dma_semaphore, #tpu.memory_space<semaphore_mem>>) src(%dma_wait3A_196 : memref<8x128xi32, #tpu.memory_space<hbm>>) dst(%arg9 : memref<8x128xi32, #tpu.memory_space<vmem>>)
    %dma_start3A_197 = arith.constant 0 : i32
    %dma_start3A_198 = arith.constant 0 : i32
    %dma_start3A_199 = tpu.memref_slice %arg8[%dma_start3A_197, %dma_start3A_198] : memref<8x128xi32, #tpu.memory_space<vmem>> -> memref<1x128xi32, #tpu.memory_space<vmem>>
    %dma_start3A_200 = tpu.memref_squeeze %dma_start3A_199 : memref<1x128xi32, #tpu.memory_space<vmem>> -> memref<128xi32, #tpu.memory_space<vmem>>
    %dma_start3A_201 = arith.constant 0 : i32
    %dma_start3A_202 = arith.constant 0 : i32
    %dma_start3A_203 = tpu.memref_slice %arg2[%dma_start3A_201, %dma_start3A_202] : memref<10000x128xf32, #tpu.memory_space<hbm>> -> memref<10000x128xf32, #tpu.memory_space<hbm>>
    tpu.enqueue_indirect_dma source(%dma_start3A_203 : memref<10000x128xf32, #tpu.memory_space<hbm>>) target(%arg10 : memref<128x128xf32, #tpu.memory_space<vmem>>) offsets(%dma_start3A_200 : memref<128xi32, #tpu.memory_space<vmem>>) semaphore(%arg13 : memref<!tpu.dma_semaphore, #tpu.memory_space<semaphore_mem>>)
    %dma_wait3A_204 = arith.constant 7 : i32
    %dma_wait3A_205 = arith.constant 0 : i32
    %dma_wait3A_206 = tpu.memref_slice %arg6[%dma_wait3A_204, %dma_wait3A_205] : memref<8x128xi32, #tpu.memory_space<vmem>> -> memref<1x128xi32, #tpu.memory_space<vmem>>
    %dma_wait3A_207 = tpu.memref_squeeze %dma_wait3A_206 : memref<1x128xi32, #tpu.memory_space<vmem>> -> memref<128xi32, #tpu.memory_space<vmem>>
    %dma_wait3A_208 = arith.constant 0 : i32
    %dma_wait3A_209 = arith.constant 0 : i32
    %dma_wait3A_210 = tpu.memref_slice %arg2[%dma_wait3A_208, %dma_wait3A_209] : memref<10000x128xf32, #tpu.memory_space<hbm>> -> memref<10000x128xf32, #tpu.memory_space<hbm>>
    tpu.wait_indirect_dma semaphore(%arg14 : memref<!tpu.dma_semaphore, #tpu.memory_space<semaphore_mem>>) src(%dma_wait3A_210 : memref<10000x128xf32, #tpu.memory_space<hbm>>) dst(%arg11 : memref<128x128xf32, #tpu.memory_space<vmem>>)
    %run_scoped3A_211 = arith.constant 7 : i32
    "tpu.region"() ({
      %run_scoped3A_617 = tpu.sem_alloc : memref<!tpu.dma_semaphore, #tpu.memory_space<semaphore_mem>>
      %dma_start3A_618 = arith.constant 0 : i32
      %dma_start3A_619 = tpu.memref_slice %arg7[%run_scoped3A_211, %dma_start3A_618] : memref<8x128xi32, #tpu.memory_space<vmem>> -> memref<1x128xi32, #tpu.memory_space<vmem>>
      %dma_start3A_620 = tpu.memref_squeeze %dma_start3A_619 : memref<1x128xi32, #tpu.memory_space<vmem>> -> memref<128xi32, #tpu.memory_space<vmem>>
      %dma_start3A_621 = arith.constant 0 : i32
      %dma_start3A_622 = arith.constant 0 : i32
      %dma_start3A_623 = tpu.memref_slice %arg12[%dma_start3A_621, %dma_start3A_622] : memref<10240x128xf32, #tpu.memory_space<vmem_shared>> -> memref<10240x128xf32, #tpu.memory_space<vmem_shared>>
      tpu.enqueue_indirect_dma source(%arg11 : memref<128x128xf32, #tpu.memory_space<vmem>>) target(%dma_start3A_623 : memref<10240x128xf32, #tpu.memory_space<vmem_shared>>) offsets(%dma_start3A_620 : memref<128xi32, #tpu.memory_space<vmem>>) semaphore(%run_scoped3A_617 : memref<!tpu.dma_semaphore, #tpu.memory_space<semaphore_mem>>) {add = true}
      %dma_wait3A_624 = arith.constant 0 : i32
      %dma_wait3A_625 = tpu.memref_slice %arg7[%run_scoped3A_211, %dma_wait3A_624] : memref<8x128xi32, #tpu.memory_space<vmem>> -> memref<1x128xi32, #tpu.memory_space<vmem>>
      %dma_wait3A_626 = tpu.memref_squeeze %dma_wait3A_625 : memref<1x128xi32, #tpu.memory_space<vmem>> -> memref<128xi32, #tpu.memory_space<vmem>>
      %dma_wait3A_627 = arith.constant 0 : i32
      %dma_wait3A_628 = arith.constant 0 : i32
      %dma_wait3A_629 = tpu.memref_slice %arg12[%dma_wait3A_627, %dma_wait3A_628] : memref<10240x128xf32, #tpu.memory_space<vmem_shared>> -> memref<10240x128xf32, #tpu.memory_space<vmem_shared>>
      tpu.wait_indirect_dma semaphore(%run_scoped3A_617 : memref<!tpu.dma_semaphore, #tpu.memory_space<semaphore_mem>>) src(%arg11 : memref<128x128xf32, #tpu.memory_space<vmem>>) dst(%dma_wait3A_629 : memref<10240x128xf32, #tpu.memory_space<vmem_shared>>)
      tpu.yield
    }) : () -> ()
    %add3A_212 = arith.constant 32 : i32
    %add3A_213 = arith.addi %mul3A_4, %add3A_212 : i32
    %dma_start3A_214 = arith.constant 0 : i32
    %dma_start3A_215 = tpu.memref_slice %arg3[%add3A_213, %dma_start3A_214] : memref<2560x128xi32, #tpu.memory_space<hbm>> -> memref<8x128xi32, #tpu.memory_space<hbm>>
    %dma_start3A_216 = arith.constant 0 : i32
    %dma_start3A_217 = tpu.memref_slice %arg3[%add3A_213, %dma_start3A_216] : memref<2560x128xi32, #tpu.memory_space<hbm>> -> memref<8x128xi32, #tpu.memory_space<hbm>>
    tpu.enqueue_dma source(%dma_start3A_217 : memref<8x128xi32, #tpu.memory_space<hbm>>) target(%arg6 : memref<8x128xi32, #tpu.memory_space<vmem>>) target_semaphore(%arg15 : memref<!tpu.dma_semaphore, #tpu.memory_space<semaphore_mem>>)
    %dma_start3A_218 = arith.constant 0 : i32
    %dma_start3A_219 = tpu.memref_slice %arg4[%add3A_213, %dma_start3A_218] : memref<2560x128xi32, #tpu.memory_space<hbm>> -> memref<8x128xi32, #tpu.memory_space<hbm>>
    %dma_start3A_220 = arith.constant 0 : i32
    %dma_start3A_221 = tpu.memref_slice %arg4[%add3A_213, %dma_start3A_220] : memref<2560x128xi32, #tpu.memory_space<hbm>> -> memref<8x128xi32, #tpu.memory_space<hbm>>
    tpu.enqueue_dma source(%dma_start3A_221 : memref<8x128xi32, #tpu.memory_space<hbm>>) target(%arg7 : memref<8x128xi32, #tpu.memory_space<vmem>>) target_semaphore(%arg15 : memref<!tpu.dma_semaphore, #tpu.memory_space<semaphore_mem>>)
    %scan3A_222 = arith.constant 0 : i32
    %scan3A_223 = arith.constant 0 : i32
    %scan3A_224 = arith.constant 3 : i32
    %scan3A_225 = arith.addi %scan3A_223, %scan3A_224 : i32
    %scan3A_226 = arith.constant 1 : i32
    %scan3A_227 = scf.for %scan3A_617 = %scan3A_223 to %scan3A_225 step %scan3A_226 iter_args(%scan3A_618 = %scan3A_222) -> (i32)  : i32 {
      %mul3A_619 = arith.constant 2 : i32
      %mul3A_620 = arith.muli %mul3A_619, %scan3A_617 : i32
      %add3A_621 = arith.constant 1 : i32
      %add3A_622 = arith.addi %mul3A_620, %add3A_621 : i32
      %dma_start3A_623 = arith.constant 0 : i32
      %dma_start3A_624 = tpu.memref_slice %arg8[%add3A_622, %dma_start3A_623] : memref<8x128xi32, #tpu.memory_space<vmem>> -> memref<1x128xi32, #tpu.memory_space<vmem>>
      %dma_start3A_625 = tpu.memref_squeeze %dma_start3A_624 : memref<1x128xi32, #tpu.memory_space<vmem>> -> memref<128xi32, #tpu.memory_space<vmem>>
      %dma_start3A_626 = arith.constant 0 : i32
      %dma_start3A_627 = arith.constant 0 : i32
      %dma_start3A_628 = tpu.memref_slice %arg2[%dma_start3A_626, %dma_start3A_627] : memref<10000x128xf32, #tpu.memory_space<hbm>> -> memref<10000x128xf32, #tpu.memory_space<hbm>>
      tpu.enqueue_indirect_dma source(%dma_start3A_628 : memref<10000x128xf32, #tpu.memory_space<hbm>>) target(%arg11 : memref<128x128xf32, #tpu.memory_space<vmem>>) offsets(%dma_start3A_625 : memref<128xi32, #tpu.memory_space<vmem>>) semaphore(%arg14 : memref<!tpu.dma_semaphore, #tpu.memory_space<semaphore_mem>>)
      %dma_wait3A_629 = arith.constant 0 : i32
      %dma_wait3A_630 = tpu.memref_slice %arg8[%mul3A_620, %dma_wait3A_629] : memref<8x128xi32, #tpu.memory_space<vmem>> -> memref<1x128xi32, #tpu.memory_space<vmem>>
      %dma_wait3A_631 = tpu.memref_squeeze %dma_wait3A_630 : memref<1x128xi32, #tpu.memory_space<vmem>> -> memref<128xi32, #tpu.memory_space<vmem>>
      %dma_wait3A_632 = arith.constant 0 : i32
      %dma_wait3A_633 = arith.constant 0 : i32
      %dma_wait3A_634 = tpu.memref_slice %arg2[%dma_wait3A_632, %dma_wait3A_633] : memref<10000x128xf32, #tpu.memory_space<hbm>> -> memref<10000x128xf32, #tpu.memory_space<hbm>>
      tpu.wait_indirect_dma semaphore(%arg13 : memref<!tpu.dma_semaphore, #tpu.memory_space<semaphore_mem>>) src(%dma_wait3A_634 : memref<10000x128xf32, #tpu.memory_space<hbm>>) dst(%arg10 : memref<128x128xf32, #tpu.memory_space<vmem>>)
      "tpu.region"() ({
        %run_scoped3A_654 = tpu.sem_alloc : memref<!tpu.dma_semaphore, #tpu.memory_space<semaphore_mem>>
        %dma_start3A_655 = arith.constant 0 : i32
        %dma_start3A_656 = tpu.memref_slice %arg9[%mul3A_620, %dma_start3A_655] : memref<8x128xi32, #tpu.memory_space<vmem>> -> memref<1x128xi32, #tpu.memory_space<vmem>>
        %dma_start3A_657 = tpu.memref_squeeze %dma_start3A_656 : memref<1x128xi32, #tpu.memory_space<vmem>> -> memref<128xi32, #tpu.memory_space<vmem>>
        %dma_start3A_658 = arith.constant 0 : i32
        %dma_start3A_659 = arith.constant 0 : i32
        %dma_start3A_660 = tpu.memref_slice %arg12[%dma_start3A_658, %dma_start3A_659] : memref<10240x128xf32, #tpu.memory_space<vmem_shared>> -> memref<10240x128xf32, #tpu.memory_space<vmem_shared>>
        tpu.enqueue_indirect_dma source(%arg10 : memref<128x128xf32, #tpu.memory_space<vmem>>) target(%dma_start3A_660 : memref<10240x128xf32, #tpu.memory_space<vmem_shared>>) offsets(%dma_start3A_657 : memref<128xi32, #tpu.memory_space<vmem>>) semaphore(%run_scoped3A_654 : memref<!tpu.dma_semaphore, #tpu.memory_space<semaphore_mem>>) {add = true}
        %dma_wait3A_661 = arith.constant 0 : i32
        %dma_wait3A_662 = tpu.memref_slice %arg9[%mul3A_620, %dma_wait3A_661] : memref<8x128xi32, #tpu.memory_space<vmem>> -> memref<1x128xi32, #tpu.memory_space<vmem>>
        %dma_wait3A_663 = tpu.memref_squeeze %dma_wait3A_662 : memref<1x128xi32, #tpu.memory_space<vmem>> -> memref<128xi32, #tpu.memory_space<vmem>>
        %dma_wait3A_664 = arith.constant 0 : i32
        %dma_wait3A_665 = arith.constant 0 : i32
        %dma_wait3A_666 = tpu.memref_slice %arg12[%dma_wait3A_664, %dma_wait3A_665] : memref<10240x128xf32, #tpu.memory_space<vmem_shared>> -> memref<10240x128xf32, #tpu.memory_space<vmem_shared>>
        tpu.wait_indirect_dma semaphore(%run_scoped3A_654 : memref<!tpu.dma_semaphore, #tpu.memory_space<semaphore_mem>>) src(%arg10 : memref<128x128xf32, #tpu.memory_space<vmem>>) dst(%dma_wait3A_666 : memref<10240x128xf32, #tpu.memory_space<vmem_shared>>)
        tpu.yield
      }) : () -> ()
      %add3A_635 = arith.constant 2 : i32
      %add3A_636 = arith.addi %mul3A_620, %add3A_635 : i32
      %dma_start3A_637 = arith.constant 0 : i32
      %dma_start3A_638 = tpu.memref_slice %arg8[%add3A_636, %dma_start3A_637] : memref<8x128xi32, #tpu.memory_space<vmem>> -> memref<1x128xi32, #tpu.memory_space<vmem>>
      %dma_start3A_639 = tpu.memref_squeeze %dma_start3A_638 : memref<1x128xi32, #tpu.memory_space<vmem>> -> memref<128xi32, #tpu.memory_space<vmem>>
      %dma_start3A_640 = arith.constant 0 : i32
      %dma_start3A_641 = arith.constant 0 : i32
      %dma_start3A_642 = tpu.memref_slice %arg2[%dma_start3A_640, %dma_start3A_641] : memref<10000x128xf32, #tpu.memory_space<hbm>> -> memref<10000x128xf32, #tpu.memory_space<hbm>>
      tpu.enqueue_indirect_dma source(%dma_start3A_642 : memref<10000x128xf32, #tpu.memory_space<hbm>>) target(%arg10 : memref<128x128xf32, #tpu.memory_space<vmem>>) offsets(%dma_start3A_639 : memref<128xi32, #tpu.memory_space<vmem>>) semaphore(%arg13 : memref<!tpu.dma_semaphore, #tpu.memory_space<semaphore_mem>>)
      %add3A_643 = arith.constant 1 : i32
      %add3A_644 = arith.addi %mul3A_620, %add3A_643 : i32
      %dma_wait3A_645 = arith.constant 0 : i32
      %dma_wait3A_646 = tpu.memref_slice %arg8[%add3A_644, %dma_wait3A_645] : memref<8x128xi32, #tpu.memory_space<vmem>> -> memref<1x128xi32, #tpu.memory_space<vmem>>
      %dma_wait3A_647 = tpu.memref_squeeze %dma_wait3A_646 : memref<1x128xi32, #tpu.memory_space<vmem>> -> memref<128xi32, #tpu.memory_space<vmem>>
      %dma_wait3A_648 = arith.constant 0 : i32
      %dma_wait3A_649 = arith.constant 0 : i32
      %dma_wait3A_650 = tpu.memref_slice %arg2[%dma_wait3A_648, %dma_wait3A_649] : memref<10000x128xf32, #tpu.memory_space<hbm>> -> memref<10000x128xf32, #tpu.memory_space<hbm>>
      tpu.wait_indirect_dma semaphore(%arg14 : memref<!tpu.dma_semaphore, #tpu.memory_space<semaphore_mem>>) src(%dma_wait3A_650 : memref<10000x128xf32, #tpu.memory_space<hbm>>) dst(%arg11 : memref<128x128xf32, #tpu.memory_space<vmem>>)
      %add3A_651 = arith.constant 1 : i32
      %add3A_652 = arith.addi %mul3A_620, %add3A_651 : i32
      "tpu.region"() ({
        %run_scoped3A_654 = tpu.sem_alloc : memref<!tpu.dma_semaphore, #tpu.memory_space<semaphore_mem>>
        %dma_start3A_655 = arith.constant 0 : i32
        %dma_start3A_656 = tpu.memref_slice %arg9[%add3A_652, %dma_start3A_655] : memref<8x128xi32, #tpu.memory_space<vmem>> -> memref<1x128xi32, #tpu.memory_space<vmem>>
        %dma_start3A_657 = tpu.memref_squeeze %dma_start3A_656 : memref<1x128xi32, #tpu.memory_space<vmem>> -> memref<128xi32, #tpu.memory_space<vmem>>
        %dma_start3A_658 = arith.constant 0 : i32
        %dma_start3A_659 = arith.constant 0 : i32
        %dma_start3A_660 = tpu.memref_slice %arg12[%dma_start3A_658, %dma_start3A_659] : memref<10240x128xf32, #tpu.memory_space<vmem_shared>> -> memref<10240x128xf32, #tpu.memory_space<vmem_shared>>
        tpu.enqueue_indirect_dma source(%arg11 : memref<128x128xf32, #tpu.memory_space<vmem>>) target(%dma_start3A_660 : memref<10240x128xf32, #tpu.memory_space<vmem_shared>>) offsets(%dma_start3A_657 : memref<128xi32, #tpu.memory_space<vmem>>) semaphore(%run_scoped3A_654 : memref<!tpu.dma_semaphore, #tpu.memory_space<semaphore_mem>>) {add = true}
        %dma_wait3A_661 = arith.constant 0 : i32
        %dma_wait3A_662 = tpu.memref_slice %arg9[%add3A_652, %dma_wait3A_661] : memref<8x128xi32, #tpu.memory_space<vmem>> -> memref<1x128xi32, #tpu.memory_space<vmem>>
        %dma_wait3A_663 = tpu.memref_squeeze %dma_wait3A_662 : memref<1x128xi32, #tpu.memory_space<vmem>> -> memref<128xi32, #tpu.memory_space<vmem>>
        %dma_wait3A_664 = arith.constant 0 : i32
        %dma_wait3A_665 = arith.constant 0 : i32
        %dma_wait3A_666 = tpu.memref_slice %arg12[%dma_wait3A_664, %dma_wait3A_665] : memref<10240x128xf32, #tpu.memory_space<vmem_shared>> -> memref<10240x128xf32, #tpu.memory_space<vmem_shared>>
        tpu.wait_indirect_dma semaphore(%run_scoped3A_654 : memref<!tpu.dma_semaphore, #tpu.memory_space<semaphore_mem>>) src(%arg11 : memref<128x128xf32, #tpu.memory_space<vmem>>) dst(%dma_wait3A_666 : memref<10240x128xf32, #tpu.memory_space<vmem_shared>>)
        tpu.yield
      }) : () -> ()
      %scan3A_653 = arith.constant 0 : i32
      scf.yield %scan3A_653 : i32
    }
    %scan3A_228 = arith.constant 3 : i32
    %dma_start3A_229 = arith.constant 7 : i32
    %dma_start3A_230 = arith.constant 0 : i32
    %dma_start3A_231 = tpu.memref_slice %arg8[%dma_start3A_229, %dma_start3A_230] : memref<8x128xi32, #tpu.memory_space<vmem>> -> memref<1x128xi32, #tpu.memory_space<vmem>>
    %dma_start3A_232 = tpu.memref_squeeze %dma_start3A_231 : memref<1x128xi32, #tpu.memory_space<vmem>> -> memref<128xi32, #tpu.memory_space<vmem>>
    %dma_start3A_233 = arith.constant 0 : i32
    %dma_start3A_234 = arith.constant 0 : i32
    %dma_start3A_235 = tpu.memref_slice %arg2[%dma_start3A_233, %dma_start3A_234] : memref<10000x128xf32, #tpu.memory_space<hbm>> -> memref<10000x128xf32, #tpu.memory_space<hbm>>
    tpu.enqueue_indirect_dma source(%dma_start3A_235 : memref<10000x128xf32, #tpu.memory_space<hbm>>) target(%arg11 : memref<128x128xf32, #tpu.memory_space<vmem>>) offsets(%dma_start3A_232 : memref<128xi32, #tpu.memory_space<vmem>>) semaphore(%arg14 : memref<!tpu.dma_semaphore, #tpu.memory_space<semaphore_mem>>)
    %dma_wait3A_236 = arith.constant 6 : i32
    %dma_wait3A_237 = arith.constant 0 : i32
    %dma_wait3A_238 = tpu.memref_slice %arg8[%dma_wait3A_236, %dma_wait3A_237] : memref<8x128xi32, #tpu.memory_space<vmem>> -> memref<1x128xi32, #tpu.memory_space<vmem>>
    %dma_wait3A_239 = tpu.memref_squeeze %dma_wait3A_238 : memref<1x128xi32, #tpu.memory_space<vmem>> -> memref<128xi32, #tpu.memory_space<vmem>>
    %dma_wait3A_240 = arith.constant 0 : i32
    %dma_wait3A_241 = arith.constant 0 : i32
    %dma_wait3A_242 = tpu.memref_slice %arg2[%dma_wait3A_240, %dma_wait3A_241] : memref<10000x128xf32, #tpu.memory_space<hbm>> -> memref<10000x128xf32, #tpu.memory_space<hbm>>
    tpu.wait_indirect_dma semaphore(%arg13 : memref<!tpu.dma_semaphore, #tpu.memory_space<semaphore_mem>>) src(%dma_wait3A_242 : memref<10000x128xf32, #tpu.memory_space<hbm>>) dst(%arg10 : memref<128x128xf32, #tpu.memory_space<vmem>>)
    %run_scoped3A_243 = arith.constant 6 : i32
    "tpu.region"() ({
      %run_scoped3A_617 = tpu.sem_alloc : memref<!tpu.dma_semaphore, #tpu.memory_space<semaphore_mem>>
      %dma_start3A_618 = arith.constant 0 : i32
      %dma_start3A_619 = tpu.memref_slice %arg9[%run_scoped3A_243, %dma_start3A_618] : memref<8x128xi32, #tpu.memory_space<vmem>> -> memref<1x128xi32, #tpu.memory_space<vmem>>
      %dma_start3A_620 = tpu.memref_squeeze %dma_start3A_619 : memref<1x128xi32, #tpu.memory_space<vmem>> -> memref<128xi32, #tpu.memory_space<vmem>>
      %dma_start3A_621 = arith.constant 0 : i32
      %dma_start3A_622 = arith.constant 0 : i32
      %dma_start3A_623 = tpu.memref_slice %arg12[%dma_start3A_621, %dma_start3A_622] : memref<10240x128xf32, #tpu.memory_space<vmem_shared>> -> memref<10240x128xf32, #tpu.memory_space<vmem_shared>>
      tpu.enqueue_indirect_dma source(%arg10 : memref<128x128xf32, #tpu.memory_space<vmem>>) target(%dma_start3A_623 : memref<10240x128xf32, #tpu.memory_space<vmem_shared>>) offsets(%dma_start3A_620 : memref<128xi32, #tpu.memory_space<vmem>>) semaphore(%run_scoped3A_617 : memref<!tpu.dma_semaphore, #tpu.memory_space<semaphore_mem>>) {add = true}
      %dma_wait3A_624 = arith.constant 0 : i32
      %dma_wait3A_625 = tpu.memref_slice %arg9[%run_scoped3A_243, %dma_wait3A_624] : memref<8x128xi32, #tpu.memory_space<vmem>> -> memref<1x128xi32, #tpu.memory_space<vmem>>
      %dma_wait3A_626 = tpu.memref_squeeze %dma_wait3A_625 : memref<1x128xi32, #tpu.memory_space<vmem>> -> memref<128xi32, #tpu.memory_space<vmem>>
      %dma_wait3A_627 = arith.constant 0 : i32
      %dma_wait3A_628 = arith.constant 0 : i32
      %dma_wait3A_629 = tpu.memref_slice %arg12[%dma_wait3A_627, %dma_wait3A_628] : memref<10240x128xf32, #tpu.memory_space<vmem_shared>> -> memref<10240x128xf32, #tpu.memory_space<vmem_shared>>
      tpu.wait_indirect_dma semaphore(%run_scoped3A_617 : memref<!tpu.dma_semaphore, #tpu.memory_space<semaphore_mem>>) src(%arg10 : memref<128x128xf32, #tpu.memory_space<vmem>>) dst(%dma_wait3A_629 : memref<10240x128xf32, #tpu.memory_space<vmem_shared>>)
      tpu.yield
    }) : () -> ()
    %dma_wait3A_244 = arith.constant 0 : i32
    %dma_wait3A_245 = arith.constant 0 : i32
    %dma_wait3A_246 = tpu.memref_slice %arg3[%dma_wait3A_244, %dma_wait3A_245] : memref<2560x128xi32, #tpu.memory_space<hbm>> -> memref<8x128xi32, #tpu.memory_space<hbm>>
    %dma_wait3A_247 = arith.constant 0 : i32
    %dma_wait3A_248 = arith.constant 0 : i32
    %dma_wait3A_249 = tpu.memref_slice %arg3[%dma_wait3A_247, %dma_wait3A_248] : memref<2560x128xi32, #tpu.memory_space<hbm>> -> memref<8x128xi32, #tpu.memory_space<hbm>>
    tpu.wait_dma2 semaphore(%arg15 : memref<!tpu.dma_semaphore, #tpu.memory_space<semaphore_mem>>) src(%dma_wait3A_249 : memref<8x128xi32, #tpu.memory_space<hbm>>) dst(%arg6 : memref<8x128xi32, #tpu.memory_space<vmem>>)
    %dma_wait3A_250 = arith.constant 0 : i32
    %dma_wait3A_251 = arith.constant 0 : i32
    %dma_wait3A_252 = tpu.memref_slice %arg4[%dma_wait3A_250, %dma_wait3A_251] : memref<2560x128xi32, #tpu.memory_space<hbm>> -> memref<8x128xi32, #tpu.memory_space<hbm>>
    %dma_wait3A_253 = arith.constant 0 : i32
    %dma_wait3A_254 = arith.constant 0 : i32
    %dma_wait3A_255 = tpu.memref_slice %arg4[%dma_wait3A_253, %dma_wait3A_254] : memref<2560x128xi32, #tpu.memory_space<hbm>> -> memref<8x128xi32, #tpu.memory_space<hbm>>
    tpu.wait_dma2 semaphore(%arg15 : memref<!tpu.dma_semaphore, #tpu.memory_space<semaphore_mem>>) src(%dma_wait3A_255 : memref<8x128xi32, #tpu.memory_space<hbm>>) dst(%arg7 : memref<8x128xi32, #tpu.memory_space<vmem>>)
    %dma_start3A_256 = arith.constant 0 : i32
    %dma_start3A_257 = arith.constant 0 : i32
    %dma_start3A_258 = tpu.memref_slice %arg6[%dma_start3A_256, %dma_start3A_257] : memref<8x128xi32, #tpu.memory_space<vmem>> -> memref<1x128xi32, #tpu.memory_space<vmem>>
    %dma_start3A_259 = tpu.memref_squeeze %dma_start3A_258 : memref<1x128xi32, #tpu.memory_space<vmem>> -> memref<128xi32, #tpu.memory_space<vmem>>
    %dma_start3A_260 = arith.constant 0 : i32
    %dma_start3A_261 = arith.constant 0 : i32
    %dma_start3A_262 = tpu.memref_slice %arg2[%dma_start3A_260, %dma_start3A_261] : memref<10000x128xf32, #tpu.memory_space<hbm>> -> memref<10000x128xf32, #tpu.memory_space<hbm>>
    tpu.enqueue_indirect_dma source(%dma_start3A_262 : memref<10000x128xf32, #tpu.memory_space<hbm>>) target(%arg10 : memref<128x128xf32, #tpu.memory_space<vmem>>) offsets(%dma_start3A_259 : memref<128xi32, #tpu.memory_space<vmem>>) semaphore(%arg13 : memref<!tpu.dma_semaphore, #tpu.memory_space<semaphore_mem>>)
    %dma_wait3A_263 = arith.constant 7 : i32
    %dma_wait3A_264 = arith.constant 0 : i32
    %dma_wait3A_265 = tpu.memref_slice %arg8[%dma_wait3A_263, %dma_wait3A_264] : memref<8x128xi32, #tpu.memory_space<vmem>> -> memref<1x128xi32, #tpu.memory_space<vmem>>
    %dma_wait3A_266 = tpu.memref_squeeze %dma_wait3A_265 : memref<1x128xi32, #tpu.memory_space<vmem>> -> memref<128xi32, #tpu.memory_space<vmem>>
    %dma_wait3A_267 = arith.constant 0 : i32
    %dma_wait3A_268 = arith.constant 0 : i32
    %dma_wait3A_269 = tpu.memref_slice %arg2[%dma_wait3A_267, %dma_wait3A_268] : memref<10000x128xf32, #tpu.memory_space<hbm>> -> memref<10000x128xf32, #tpu.memory_space<hbm>>
    tpu.wait_indirect_dma semaphore(%arg14 : memref<!tpu.dma_semaphore, #tpu.memory_space<semaphore_mem>>) src(%dma_wait3A_269 : memref<10000x128xf32, #tpu.memory_space<hbm>>) dst(%arg11 : memref<128x128xf32, #tpu.memory_space<vmem>>)
    %run_scoped3A_270 = arith.constant 7 : i32
    "tpu.region"() ({
      %run_scoped3A_617 = tpu.sem_alloc : memref<!tpu.dma_semaphore, #tpu.memory_space<semaphore_mem>>
      %dma_start3A_618 = arith.constant 0 : i32
      %dma_start3A_619 = tpu.memref_slice %arg9[%run_scoped3A_270, %dma_start3A_618] : memref<8x128xi32, #tpu.memory_space<vmem>> -> memref<1x128xi32, #tpu.memory_space<vmem>>
      %dma_start3A_620 = tpu.memref_squeeze %dma_start3A_619 : memref<1x128xi32, #tpu.memory_space<vmem>> -> memref<128xi32, #tpu.memory_space<vmem>>
      %dma_start3A_621 = arith.constant 0 : i32
      %dma_start3A_622 = arith.constant 0 : i32
      %dma_start3A_623 = tpu.memref_slice %arg12[%dma_start3A_621, %dma_start3A_622] : memref<10240x128xf32, #tpu.memory_space<vmem_shared>> -> memref<10240x128xf32, #tpu.memory_space<vmem_shared>>
      tpu.enqueue_indirect_dma source(%arg11 : memref<128x128xf32, #tpu.memory_space<vmem>>) target(%dma_start3A_623 : memref<10240x128xf32, #tpu.memory_space<vmem_shared>>) offsets(%dma_start3A_620 : memref<128xi32, #tpu.memory_space<vmem>>) semaphore(%run_scoped3A_617 : memref<!tpu.dma_semaphore, #tpu.memory_space<semaphore_mem>>) {add = true}
      %dma_wait3A_624 = arith.constant 0 : i32
      %dma_wait3A_625 = tpu.memref_slice %arg9[%run_scoped3A_270, %dma_wait3A_624] : memref<8x128xi32, #tpu.memory_space<vmem>> -> memref<1x128xi32, #tpu.memory_space<vmem>>
      %dma_wait3A_626 = tpu.memref_squeeze %dma_wait3A_625 : memref<1x128xi32, #tpu.memory_space<vmem>> -> memref<128xi32, #tpu.memory_space<vmem>>
      %dma_wait3A_627 = arith.constant 0 : i32
      %dma_wait3A_628 = arith.constant 0 : i32
      %dma_wait3A_629 = tpu.memref_slice %arg12[%dma_wait3A_627, %dma_wait3A_628] : memref<10240x128xf32, #tpu.memory_space<vmem_shared>> -> memref<10240x128xf32, #tpu.memory_space<vmem_shared>>
      tpu.wait_indirect_dma semaphore(%run_scoped3A_617 : memref<!tpu.dma_semaphore, #tpu.memory_space<semaphore_mem>>) src(%arg11 : memref<128x128xf32, #tpu.memory_space<vmem>>) dst(%dma_wait3A_629 : memref<10240x128xf32, #tpu.memory_space<vmem_shared>>)
      tpu.yield
    }) : () -> ()
    %add3A_271 = arith.constant 40 : i32
    %add3A_272 = arith.addi %mul3A_4, %add3A_271 : i32
    %dma_start3A_273 = arith.constant 0 : i32
    %dma_start3A_274 = tpu.memref_slice %arg3[%add3A_272, %dma_start3A_273] : memref<2560x128xi32, #tpu.memory_space<hbm>> -> memref<8x128xi32, #tpu.memory_space<hbm>>
    %dma_start3A_275 = arith.constant 0 : i32
    %dma_start3A_276 = tpu.memref_slice %arg3[%add3A_272, %dma_start3A_275] : memref<2560x128xi32, #tpu.memory_space<hbm>> -> memref<8x128xi32, #tpu.memory_space<hbm>>
    tpu.enqueue_dma source(%dma_start3A_276 : memref<8x128xi32, #tpu.memory_space<hbm>>) target(%arg8 : memref<8x128xi32, #tpu.memory_space<vmem>>) target_semaphore(%arg15 : memref<!tpu.dma_semaphore, #tpu.memory_space<semaphore_mem>>)
    %dma_start3A_277 = arith.constant 0 : i32
    %dma_start3A_278 = tpu.memref_slice %arg4[%add3A_272, %dma_start3A_277] : memref<2560x128xi32, #tpu.memory_space<hbm>> -> memref<8x128xi32, #tpu.memory_space<hbm>>
    %dma_start3A_279 = arith.constant 0 : i32
    %dma_start3A_280 = tpu.memref_slice %arg4[%add3A_272, %dma_start3A_279] : memref<2560x128xi32, #tpu.memory_space<hbm>> -> memref<8x128xi32, #tpu.memory_space<hbm>>
    tpu.enqueue_dma source(%dma_start3A_280 : memref<8x128xi32, #tpu.memory_space<hbm>>) target(%arg9 : memref<8x128xi32, #tpu.memory_space<vmem>>) target_semaphore(%arg15 : memref<!tpu.dma_semaphore, #tpu.memory_space<semaphore_mem>>)
    %scan3A_281 = arith.constant 0 : i32
    %scan3A_282 = arith.constant 0 : i32
    %scan3A_283 = arith.constant 3 : i32
    %scan3A_284 = arith.addi %scan3A_282, %scan3A_283 : i32
    %scan3A_285 = arith.constant 1 : i32
    %scan3A_286 = scf.for %scan3A_617 = %scan3A_282 to %scan3A_284 step %scan3A_285 iter_args(%scan3A_618 = %scan3A_281) -> (i32)  : i32 {
      %mul3A_619 = arith.constant 2 : i32
      %mul3A_620 = arith.muli %mul3A_619, %scan3A_617 : i32
      %add3A_621 = arith.constant 1 : i32
      %add3A_622 = arith.addi %mul3A_620, %add3A_621 : i32
      %dma_start3A_623 = arith.constant 0 : i32
      %dma_start3A_624 = tpu.memref_slice %arg6[%add3A_622, %dma_start3A_623] : memref<8x128xi32, #tpu.memory_space<vmem>> -> memref<1x128xi32, #tpu.memory_space<vmem>>
      %dma_start3A_625 = tpu.memref_squeeze %dma_start3A_624 : memref<1x128xi32, #tpu.memory_space<vmem>> -> memref<128xi32, #tpu.memory_space<vmem>>
      %dma_start3A_626 = arith.constant 0 : i32
      %dma_start3A_627 = arith.constant 0 : i32
      %dma_start3A_628 = tpu.memref_slice %arg2[%dma_start3A_626, %dma_start3A_627] : memref<10000x128xf32, #tpu.memory_space<hbm>> -> memref<10000x128xf32, #tpu.memory_space<hbm>>
      tpu.enqueue_indirect_dma source(%dma_start3A_628 : memref<10000x128xf32, #tpu.memory_space<hbm>>) target(%arg11 : memref<128x128xf32, #tpu.memory_space<vmem>>) offsets(%dma_start3A_625 : memref<128xi32, #tpu.memory_space<vmem>>) semaphore(%arg14 : memref<!tpu.dma_semaphore, #tpu.memory_space<semaphore_mem>>)
      %dma_wait3A_629 = arith.constant 0 : i32
      %dma_wait3A_630 = tpu.memref_slice %arg6[%mul3A_620, %dma_wait3A_629] : memref<8x128xi32, #tpu.memory_space<vmem>> -> memref<1x128xi32, #tpu.memory_space<vmem>>
      %dma_wait3A_631 = tpu.memref_squeeze %dma_wait3A_630 : memref<1x128xi32, #tpu.memory_space<vmem>> -> memref<128xi32, #tpu.memory_space<vmem>>
      %dma_wait3A_632 = arith.constant 0 : i32
      %dma_wait3A_633 = arith.constant 0 : i32
      %dma_wait3A_634 = tpu.memref_slice %arg2[%dma_wait3A_632, %dma_wait3A_633] : memref<10000x128xf32, #tpu.memory_space<hbm>> -> memref<10000x128xf32, #tpu.memory_space<hbm>>
      tpu.wait_indirect_dma semaphore(%arg13 : memref<!tpu.dma_semaphore, #tpu.memory_space<semaphore_mem>>) src(%dma_wait3A_634 : memref<10000x128xf32, #tpu.memory_space<hbm>>) dst(%arg10 : memref<128x128xf32, #tpu.memory_space<vmem>>)
      "tpu.region"() ({
        %run_scoped3A_654 = tpu.sem_alloc : memref<!tpu.dma_semaphore, #tpu.memory_space<semaphore_mem>>
        %dma_start3A_655 = arith.constant 0 : i32
        %dma_start3A_656 = tpu.memref_slice %arg7[%mul3A_620, %dma_start3A_655] : memref<8x128xi32, #tpu.memory_space<vmem>> -> memref<1x128xi32, #tpu.memory_space<vmem>>
        %dma_start3A_657 = tpu.memref_squeeze %dma_start3A_656 : memref<1x128xi32, #tpu.memory_space<vmem>> -> memref<128xi32, #tpu.memory_space<vmem>>
        %dma_start3A_658 = arith.constant 0 : i32
        %dma_start3A_659 = arith.constant 0 : i32
        %dma_start3A_660 = tpu.memref_slice %arg12[%dma_start3A_658, %dma_start3A_659] : memref<10240x128xf32, #tpu.memory_space<vmem_shared>> -> memref<10240x128xf32, #tpu.memory_space<vmem_shared>>
        tpu.enqueue_indirect_dma source(%arg10 : memref<128x128xf32, #tpu.memory_space<vmem>>) target(%dma_start3A_660 : memref<10240x128xf32, #tpu.memory_space<vmem_shared>>) offsets(%dma_start3A_657 : memref<128xi32, #tpu.memory_space<vmem>>) semaphore(%run_scoped3A_654 : memref<!tpu.dma_semaphore, #tpu.memory_space<semaphore_mem>>) {add = true}
        %dma_wait3A_661 = arith.constant 0 : i32
        %dma_wait3A_662 = tpu.memref_slice %arg7[%mul3A_620, %dma_wait3A_661] : memref<8x128xi32, #tpu.memory_space<vmem>> -> memref<1x128xi32, #tpu.memory_space<vmem>>
        %dma_wait3A_663 = tpu.memref_squeeze %dma_wait3A_662 : memref<1x128xi32, #tpu.memory_space<vmem>> -> memref<128xi32, #tpu.memory_space<vmem>>
        %dma_wait3A_664 = arith.constant 0 : i32
        %dma_wait3A_665 = arith.constant 0 : i32
        %dma_wait3A_666 = tpu.memref_slice %arg12[%dma_wait3A_664, %dma_wait3A_665] : memref<10240x128xf32, #tpu.memory_space<vmem_shared>> -> memref<10240x128xf32, #tpu.memory_space<vmem_shared>>
        tpu.wait_indirect_dma semaphore(%run_scoped3A_654 : memref<!tpu.dma_semaphore, #tpu.memory_space<semaphore_mem>>) src(%arg10 : memref<128x128xf32, #tpu.memory_space<vmem>>) dst(%dma_wait3A_666 : memref<10240x128xf32, #tpu.memory_space<vmem_shared>>)
        tpu.yield
      }) : () -> ()
      %add3A_635 = arith.constant 2 : i32
      %add3A_636 = arith.addi %mul3A_620, %add3A_635 : i32
      %dma_start3A_637 = arith.constant 0 : i32
      %dma_start3A_638 = tpu.memref_slice %arg6[%add3A_636, %dma_start3A_637] : memref<8x128xi32, #tpu.memory_space<vmem>> -> memref<1x128xi32, #tpu.memory_space<vmem>>
      %dma_start3A_639 = tpu.memref_squeeze %dma_start3A_638 : memref<1x128xi32, #tpu.memory_space<vmem>> -> memref<128xi32, #tpu.memory_space<vmem>>
      %dma_start3A_640 = arith.constant 0 : i32
      %dma_start3A_641 = arith.constant 0 : i32
      %dma_start3A_642 = tpu.memref_slice %arg2[%dma_start3A_640, %dma_start3A_641] : memref<10000x128xf32, #tpu.memory_space<hbm>> -> memref<10000x128xf32, #tpu.memory_space<hbm>>
      tpu.enqueue_indirect_dma source(%dma_start3A_642 : memref<10000x128xf32, #tpu.memory_space<hbm>>) target(%arg10 : memref<128x128xf32, #tpu.memory_space<vmem>>) offsets(%dma_start3A_639 : memref<128xi32, #tpu.memory_space<vmem>>) semaphore(%arg13 : memref<!tpu.dma_semaphore, #tpu.memory_space<semaphore_mem>>)
      %add3A_643 = arith.constant 1 : i32
      %add3A_644 = arith.addi %mul3A_620, %add3A_643 : i32
      %dma_wait3A_645 = arith.constant 0 : i32
      %dma_wait3A_646 = tpu.memref_slice %arg6[%add3A_644, %dma_wait3A_645] : memref<8x128xi32, #tpu.memory_space<vmem>> -> memref<1x128xi32, #tpu.memory_space<vmem>>
      %dma_wait3A_647 = tpu.memref_squeeze %dma_wait3A_646 : memref<1x128xi32, #tpu.memory_space<vmem>> -> memref<128xi32, #tpu.memory_space<vmem>>
      %dma_wait3A_648 = arith.constant 0 : i32
      %dma_wait3A_649 = arith.constant 0 : i32
      %dma_wait3A_650 = tpu.memref_slice %arg2[%dma_wait3A_648, %dma_wait3A_649] : memref<10000x128xf32, #tpu.memory_space<hbm>> -> memref<10000x128xf32, #tpu.memory_space<hbm>>
      tpu.wait_indirect_dma semaphore(%arg14 : memref<!tpu.dma_semaphore, #tpu.memory_space<semaphore_mem>>) src(%dma_wait3A_650 : memref<10000x128xf32, #tpu.memory_space<hbm>>) dst(%arg11 : memref<128x128xf32, #tpu.memory_space<vmem>>)
      %add3A_651 = arith.constant 1 : i32
      %add3A_652 = arith.addi %mul3A_620, %add3A_651 : i32
      "tpu.region"() ({
        %run_scoped3A_654 = tpu.sem_alloc : memref<!tpu.dma_semaphore, #tpu.memory_space<semaphore_mem>>
        %dma_start3A_655 = arith.constant 0 : i32
        %dma_start3A_656 = tpu.memref_slice %arg7[%add3A_652, %dma_start3A_655] : memref<8x128xi32, #tpu.memory_space<vmem>> -> memref<1x128xi32, #tpu.memory_space<vmem>>
        %dma_start3A_657 = tpu.memref_squeeze %dma_start3A_656 : memref<1x128xi32, #tpu.memory_space<vmem>> -> memref<128xi32, #tpu.memory_space<vmem>>
        %dma_start3A_658 = arith.constant 0 : i32
        %dma_start3A_659 = arith.constant 0 : i32
        %dma_start3A_660 = tpu.memref_slice %arg12[%dma_start3A_658, %dma_start3A_659] : memref<10240x128xf32, #tpu.memory_space<vmem_shared>> -> memref<10240x128xf32, #tpu.memory_space<vmem_shared>>
        tpu.enqueue_indirect_dma source(%arg11 : memref<128x128xf32, #tpu.memory_space<vmem>>) target(%dma_start3A_660 : memref<10240x128xf32, #tpu.memory_space<vmem_shared>>) offsets(%dma_start3A_657 : memref<128xi32, #tpu.memory_space<vmem>>) semaphore(%run_scoped3A_654 : memref<!tpu.dma_semaphore, #tpu.memory_space<semaphore_mem>>) {add = true}
        %dma_wait3A_661 = arith.constant 0 : i32
        %dma_wait3A_662 = tpu.memref_slice %arg7[%add3A_652, %dma_wait3A_661] : memref<8x128xi32, #tpu.memory_space<vmem>> -> memref<1x128xi32, #tpu.memory_space<vmem>>
        %dma_wait3A_663 = tpu.memref_squeeze %dma_wait3A_662 : memref<1x128xi32, #tpu.memory_space<vmem>> -> memref<128xi32, #tpu.memory_space<vmem>>
        %dma_wait3A_664 = arith.constant 0 : i32
        %dma_wait3A_665 = arith.constant 0 : i32
        %dma_wait3A_666 = tpu.memref_slice %arg12[%dma_wait3A_664, %dma_wait3A_665] : memref<10240x128xf32, #tpu.memory_space<vmem_shared>> -> memref<10240x128xf32, #tpu.memory_space<vmem_shared>>
        tpu.wait_indirect_dma semaphore(%run_scoped3A_654 : memref<!tpu.dma_semaphore, #tpu.memory_space<semaphore_mem>>) src(%arg11 : memref<128x128xf32, #tpu.memory_space<vmem>>) dst(%dma_wait3A_666 : memref<10240x128xf32, #tpu.memory_space<vmem_shared>>)
        tpu.yield
      }) : () -> ()
      %scan3A_653 = arith.constant 0 : i32
      scf.yield %scan3A_653 : i32
    }
    %scan3A_287 = arith.constant 3 : i32
    %dma_start3A_288 = arith.constant 7 : i32
    %dma_start3A_289 = arith.constant 0 : i32
    %dma_start3A_290 = tpu.memref_slice %arg6[%dma_start3A_288, %dma_start3A_289] : memref<8x128xi32, #tpu.memory_space<vmem>> -> memref<1x128xi32, #tpu.memory_space<vmem>>
    %dma_start3A_291 = tpu.memref_squeeze %dma_start3A_290 : memref<1x128xi32, #tpu.memory_space<vmem>> -> memref<128xi32, #tpu.memory_space<vmem>>
    %dma_start3A_292 = arith.constant 0 : i32
    %dma_start3A_293 = arith.constant 0 : i32
    %dma_start3A_294 = tpu.memref_slice %arg2[%dma_start3A_292, %dma_start3A_293] : memref<10000x128xf32, #tpu.memory_space<hbm>> -> memref<10000x128xf32, #tpu.memory_space<hbm>>
    tpu.enqueue_indirect_dma source(%dma_start3A_294 : memref<10000x128xf32, #tpu.memory_space<hbm>>) target(%arg11 : memref<128x128xf32, #tpu.memory_space<vmem>>) offsets(%dma_start3A_291 : memref<128xi32, #tpu.memory_space<vmem>>) semaphore(%arg14 : memref<!tpu.dma_semaphore, #tpu.memory_space<semaphore_mem>>)
    %dma_wait3A_295 = arith.constant 6 : i32
    %dma_wait3A_296 = arith.constant 0 : i32
    %dma_wait3A_297 = tpu.memref_slice %arg6[%dma_wait3A_295, %dma_wait3A_296] : memref<8x128xi32, #tpu.memory_space<vmem>> -> memref<1x128xi32, #tpu.memory_space<vmem>>
    %dma_wait3A_298 = tpu.memref_squeeze %dma_wait3A_297 : memref<1x128xi32, #tpu.memory_space<vmem>> -> memref<128xi32, #tpu.memory_space<vmem>>
    %dma_wait3A_299 = arith.constant 0 : i32
    %dma_wait3A_300 = arith.constant 0 : i32
    %dma_wait3A_301 = tpu.memref_slice %arg2[%dma_wait3A_299, %dma_wait3A_300] : memref<10000x128xf32, #tpu.memory_space<hbm>> -> memref<10000x128xf32, #tpu.memory_space<hbm>>
    tpu.wait_indirect_dma semaphore(%arg13 : memref<!tpu.dma_semaphore, #tpu.memory_space<semaphore_mem>>) src(%dma_wait3A_301 : memref<10000x128xf32, #tpu.memory_space<hbm>>) dst(%arg10 : memref<128x128xf32, #tpu.memory_space<vmem>>)
    %run_scoped3A_302 = arith.constant 6 : i32
    "tpu.region"() ({
      %run_scoped3A_617 = tpu.sem_alloc : memref<!tpu.dma_semaphore, #tpu.memory_space<semaphore_mem>>
      %dma_start3A_618 = arith.constant 0 : i32
      %dma_start3A_619 = tpu.memref_slice %arg7[%run_scoped3A_302, %dma_start3A_618] : memref<8x128xi32, #tpu.memory_space<vmem>> -> memref<1x128xi32, #tpu.memory_space<vmem>>
      %dma_start3A_620 = tpu.memref_squeeze %dma_start3A_619 : memref<1x128xi32, #tpu.memory_space<vmem>> -> memref<128xi32, #tpu.memory_space<vmem>>
      %dma_start3A_621 = arith.constant 0 : i32
      %dma_start3A_622 = arith.constant 0 : i32
      %dma_start3A_623 = tpu.memref_slice %arg12[%dma_start3A_621, %dma_start3A_622] : memref<10240x128xf32, #tpu.memory_space<vmem_shared>> -> memref<10240x128xf32, #tpu.memory_space<vmem_shared>>
      tpu.enqueue_indirect_dma source(%arg10 : memref<128x128xf32, #tpu.memory_space<vmem>>) target(%dma_start3A_623 : memref<10240x128xf32, #tpu.memory_space<vmem_shared>>) offsets(%dma_start3A_620 : memref<128xi32, #tpu.memory_space<vmem>>) semaphore(%run_scoped3A_617 : memref<!tpu.dma_semaphore, #tpu.memory_space<semaphore_mem>>) {add = true}
      %dma_wait3A_624 = arith.constant 0 : i32
      %dma_wait3A_625 = tpu.memref_slice %arg7[%run_scoped3A_302, %dma_wait3A_624] : memref<8x128xi32, #tpu.memory_space<vmem>> -> memref<1x128xi32, #tpu.memory_space<vmem>>
      %dma_wait3A_626 = tpu.memref_squeeze %dma_wait3A_625 : memref<1x128xi32, #tpu.memory_space<vmem>> -> memref<128xi32, #tpu.memory_space<vmem>>
      %dma_wait3A_627 = arith.constant 0 : i32
      %dma_wait3A_628 = arith.constant 0 : i32
      %dma_wait3A_629 = tpu.memref_slice %arg12[%dma_wait3A_627, %dma_wait3A_628] : memref<10240x128xf32, #tpu.memory_space<vmem_shared>> -> memref<10240x128xf32, #tpu.memory_space<vmem_shared>>
      tpu.wait_indirect_dma semaphore(%run_scoped3A_617 : memref<!tpu.dma_semaphore, #tpu.memory_space<semaphore_mem>>) src(%arg10 : memref<128x128xf32, #tpu.memory_space<vmem>>) dst(%dma_wait3A_629 : memref<10240x128xf32, #tpu.memory_space<vmem_shared>>)
      tpu.yield
    }) : () -> ()
    %dma_wait3A_303 = arith.constant 0 : i32
    %dma_wait3A_304 = arith.constant 0 : i32
    %dma_wait3A_305 = tpu.memref_slice %arg3[%dma_wait3A_303, %dma_wait3A_304] : memref<2560x128xi32, #tpu.memory_space<hbm>> -> memref<8x128xi32, #tpu.memory_space<hbm>>
    %dma_wait3A_306 = arith.constant 0 : i32
    %dma_wait3A_307 = arith.constant 0 : i32
    %dma_wait3A_308 = tpu.memref_slice %arg3[%dma_wait3A_306, %dma_wait3A_307] : memref<2560x128xi32, #tpu.memory_space<hbm>> -> memref<8x128xi32, #tpu.memory_space<hbm>>
    tpu.wait_dma2 semaphore(%arg15 : memref<!tpu.dma_semaphore, #tpu.memory_space<semaphore_mem>>) src(%dma_wait3A_308 : memref<8x128xi32, #tpu.memory_space<hbm>>) dst(%arg8 : memref<8x128xi32, #tpu.memory_space<vmem>>)
    %dma_wait3A_309 = arith.constant 0 : i32
    %dma_wait3A_310 = arith.constant 0 : i32
    %dma_wait3A_311 = tpu.memref_slice %arg4[%dma_wait3A_309, %dma_wait3A_310] : memref<2560x128xi32, #tpu.memory_space<hbm>> -> memref<8x128xi32, #tpu.memory_space<hbm>>
    %dma_wait3A_312 = arith.constant 0 : i32
    %dma_wait3A_313 = arith.constant 0 : i32
    %dma_wait3A_314 = tpu.memref_slice %arg4[%dma_wait3A_312, %dma_wait3A_313] : memref<2560x128xi32, #tpu.memory_space<hbm>> -> memref<8x128xi32, #tpu.memory_space<hbm>>
    tpu.wait_dma2 semaphore(%arg15 : memref<!tpu.dma_semaphore, #tpu.memory_space<semaphore_mem>>) src(%dma_wait3A_314 : memref<8x128xi32, #tpu.memory_space<hbm>>) dst(%arg9 : memref<8x128xi32, #tpu.memory_space<vmem>>)
    %dma_start3A_315 = arith.constant 0 : i32
    %dma_start3A_316 = arith.constant 0 : i32
    %dma_start3A_317 = tpu.memref_slice %arg8[%dma_start3A_315, %dma_start3A_316] : memref<8x128xi32, #tpu.memory_space<vmem>> -> memref<1x128xi32, #tpu.memory_space<vmem>>
    %dma_start3A_318 = tpu.memref_squeeze %dma_start3A_317 : memref<1x128xi32, #tpu.memory_space<vmem>> -> memref<128xi32, #tpu.memory_space<vmem>>
    %dma_start3A_319 = arith.constant 0 : i32
    %dma_start3A_320 = arith.constant 0 : i32
    %dma_start3A_321 = tpu.memref_slice %arg2[%dma_start3A_319, %dma_start3A_320] : memref<10000x128xf32, #tpu.memory_space<hbm>> -> memref<10000x128xf32, #tpu.memory_space<hbm>>
    tpu.enqueue_indirect_dma source(%dma_start3A_321 : memref<10000x128xf32, #tpu.memory_space<hbm>>) target(%arg10 : memref<128x128xf32, #tpu.memory_space<vmem>>) offsets(%dma_start3A_318 : memref<128xi32, #tpu.memory_space<vmem>>) semaphore(%arg13 : memref<!tpu.dma_semaphore, #tpu.memory_space<semaphore_mem>>)
    %dma_wait3A_322 = arith.constant 7 : i32
    %dma_wait3A_323 = arith.constant 0 : i32
    %dma_wait3A_324 = tpu.memref_slice %arg6[%dma_wait3A_322, %dma_wait3A_323] : memref<8x128xi32, #tpu.memory_space<vmem>> -> memref<1x128xi32, #tpu.memory_space<vmem>>
    %dma_wait3A_325 = tpu.memref_squeeze %dma_wait3A_324 : memref<1x128xi32, #tpu.memory_space<vmem>> -> memref<128xi32, #tpu.memory_space<vmem>>
    %dma_wait3A_326 = arith.constant 0 : i32
    %dma_wait3A_327 = arith.constant 0 : i32
    %dma_wait3A_328 = tpu.memref_slice %arg2[%dma_wait3A_326, %dma_wait3A_327] : memref<10000x128xf32, #tpu.memory_space<hbm>> -> memref<10000x128xf32, #tpu.memory_space<hbm>>
    tpu.wait_indirect_dma semaphore(%arg14 : memref<!tpu.dma_semaphore, #tpu.memory_space<semaphore_mem>>) src(%dma_wait3A_328 : memref<10000x128xf32, #tpu.memory_space<hbm>>) dst(%arg11 : memref<128x128xf32, #tpu.memory_space<vmem>>)
    %run_scoped3A_329 = arith.constant 7 : i32
    "tpu.region"() ({
      %run_scoped3A_617 = tpu.sem_alloc : memref<!tpu.dma_semaphore, #tpu.memory_space<semaphore_mem>>
      %dma_start3A_618 = arith.constant 0 : i32
      %dma_start3A_619 = tpu.memref_slice %arg7[%run_scoped3A_329, %dma_start3A_618] : memref<8x128xi32, #tpu.memory_space<vmem>> -> memref<1x128xi32, #tpu.memory_space<vmem>>
      %dma_start3A_620 = tpu.memref_squeeze %dma_start3A_619 : memref<1x128xi32, #tpu.memory_space<vmem>> -> memref<128xi32, #tpu.memory_space<vmem>>
      %dma_start3A_621 = arith.constant 0 : i32
      %dma_start3A_622 = arith.constant 0 : i32
      %dma_start3A_623 = tpu.memref_slice %arg12[%dma_start3A_621, %dma_start3A_622] : memref<10240x128xf32, #tpu.memory_space<vmem_shared>> -> memref<10240x128xf32, #tpu.memory_space<vmem_shared>>
      tpu.enqueue_indirect_dma source(%arg11 : memref<128x128xf32, #tpu.memory_space<vmem>>) target(%dma_start3A_623 : memref<10240x128xf32, #tpu.memory_space<vmem_shared>>) offsets(%dma_start3A_620 : memref<128xi32, #tpu.memory_space<vmem>>) semaphore(%run_scoped3A_617 : memref<!tpu.dma_semaphore, #tpu.memory_space<semaphore_mem>>) {add = true}
      %dma_wait3A_624 = arith.constant 0 : i32
      %dma_wait3A_625 = tpu.memref_slice %arg7[%run_scoped3A_329, %dma_wait3A_624] : memref<8x128xi32, #tpu.memory_space<vmem>> -> memref<1x128xi32, #tpu.memory_space<vmem>>
      %dma_wait3A_626 = tpu.memref_squeeze %dma_wait3A_625 : memref<1x128xi32, #tpu.memory_space<vmem>> -> memref<128xi32, #tpu.memory_space<vmem>>
      %dma_wait3A_627 = arith.constant 0 : i32
      %dma_wait3A_628 = arith.constant 0 : i32
      %dma_wait3A_629 = tpu.memref_slice %arg12[%dma_wait3A_627, %dma_wait3A_628] : memref<10240x128xf32, #tpu.memory_space<vmem_shared>> -> memref<10240x128xf32, #tpu.memory_space<vmem_shared>>
      tpu.wait_indirect_dma semaphore(%run_scoped3A_617 : memref<!tpu.dma_semaphore, #tpu.memory_space<semaphore_mem>>) src(%arg11 : memref<128x128xf32, #tpu.memory_space<vmem>>) dst(%dma_wait3A_629 : memref<10240x128xf32, #tpu.memory_space<vmem_shared>>)
      tpu.yield
    }) : () -> ()
    %add3A_330 = arith.constant 48 : i32
    %add3A_331 = arith.addi %mul3A_4, %add3A_330 : i32
    %dma_start3A_332 = arith.constant 0 : i32
    %dma_start3A_333 = tpu.memref_slice %arg3[%add3A_331, %dma_start3A_332] : memref<2560x128xi32, #tpu.memory_space<hbm>> -> memref<8x128xi32, #tpu.memory_space<hbm>>
    %dma_start3A_334 = arith.constant 0 : i32
    %dma_start3A_335 = tpu.memref_slice %arg3[%add3A_331, %dma_start3A_334] : memref<2560x128xi32, #tpu.memory_space<hbm>> -> memref<8x128xi32, #tpu.memory_space<hbm>>
    tpu.enqueue_dma source(%dma_start3A_335 : memref<8x128xi32, #tpu.memory_space<hbm>>) target(%arg6 : memref<8x128xi32, #tpu.memory_space<vmem>>) target_semaphore(%arg15 : memref<!tpu.dma_semaphore, #tpu.memory_space<semaphore_mem>>)
    %dma_start3A_336 = arith.constant 0 : i32
    %dma_start3A_337 = tpu.memref_slice %arg4[%add3A_331, %dma_start3A_336] : memref<2560x128xi32, #tpu.memory_space<hbm>> -> memref<8x128xi32, #tpu.memory_space<hbm>>
    %dma_start3A_338 = arith.constant 0 : i32
    %dma_start3A_339 = tpu.memref_slice %arg4[%add3A_331, %dma_start3A_338] : memref<2560x128xi32, #tpu.memory_space<hbm>> -> memref<8x128xi32, #tpu.memory_space<hbm>>
    tpu.enqueue_dma source(%dma_start3A_339 : memref<8x128xi32, #tpu.memory_space<hbm>>) target(%arg7 : memref<8x128xi32, #tpu.memory_space<vmem>>) target_semaphore(%arg15 : memref<!tpu.dma_semaphore, #tpu.memory_space<semaphore_mem>>)
    %scan3A_340 = arith.constant 0 : i32
    %scan3A_341 = arith.constant 0 : i32
    %scan3A_342 = arith.constant 3 : i32
    %scan3A_343 = arith.addi %scan3A_341, %scan3A_342 : i32
    %scan3A_344 = arith.constant 1 : i32
    %scan3A_345 = scf.for %scan3A_617 = %scan3A_341 to %scan3A_343 step %scan3A_344 iter_args(%scan3A_618 = %scan3A_340) -> (i32)  : i32 {
      %mul3A_619 = arith.constant 2 : i32
      %mul3A_620 = arith.muli %mul3A_619, %scan3A_617 : i32
      %add3A_621 = arith.constant 1 : i32
      %add3A_622 = arith.addi %mul3A_620, %add3A_621 : i32
      %dma_start3A_623 = arith.constant 0 : i32
      %dma_start3A_624 = tpu.memref_slice %arg8[%add3A_622, %dma_start3A_623] : memref<8x128xi32, #tpu.memory_space<vmem>> -> memref<1x128xi32, #tpu.memory_space<vmem>>
      %dma_start3A_625 = tpu.memref_squeeze %dma_start3A_624 : memref<1x128xi32, #tpu.memory_space<vmem>> -> memref<128xi32, #tpu.memory_space<vmem>>
      %dma_start3A_626 = arith.constant 0 : i32
      %dma_start3A_627 = arith.constant 0 : i32
      %dma_start3A_628 = tpu.memref_slice %arg2[%dma_start3A_626, %dma_start3A_627] : memref<10000x128xf32, #tpu.memory_space<hbm>> -> memref<10000x128xf32, #tpu.memory_space<hbm>>
      tpu.enqueue_indirect_dma source(%dma_start3A_628 : memref<10000x128xf32, #tpu.memory_space<hbm>>) target(%arg11 : memref<128x128xf32, #tpu.memory_space<vmem>>) offsets(%dma_start3A_625 : memref<128xi32, #tpu.memory_space<vmem>>) semaphore(%arg14 : memref<!tpu.dma_semaphore, #tpu.memory_space<semaphore_mem>>)
      %dma_wait3A_629 = arith.constant 0 : i32
      %dma_wait3A_630 = tpu.memref_slice %arg8[%mul3A_620, %dma_wait3A_629] : memref<8x128xi32, #tpu.memory_space<vmem>> -> memref<1x128xi32, #tpu.memory_space<vmem>>
      %dma_wait3A_631 = tpu.memref_squeeze %dma_wait3A_630 : memref<1x128xi32, #tpu.memory_space<vmem>> -> memref<128xi32, #tpu.memory_space<vmem>>
      %dma_wait3A_632 = arith.constant 0 : i32
      %dma_wait3A_633 = arith.constant 0 : i32
      %dma_wait3A_634 = tpu.memref_slice %arg2[%dma_wait3A_632, %dma_wait3A_633] : memref<10000x128xf32, #tpu.memory_space<hbm>> -> memref<10000x128xf32, #tpu.memory_space<hbm>>
      tpu.wait_indirect_dma semaphore(%arg13 : memref<!tpu.dma_semaphore, #tpu.memory_space<semaphore_mem>>) src(%dma_wait3A_634 : memref<10000x128xf32, #tpu.memory_space<hbm>>) dst(%arg10 : memref<128x128xf32, #tpu.memory_space<vmem>>)
      "tpu.region"() ({
        %run_scoped3A_654 = tpu.sem_alloc : memref<!tpu.dma_semaphore, #tpu.memory_space<semaphore_mem>>
        %dma_start3A_655 = arith.constant 0 : i32
        %dma_start3A_656 = tpu.memref_slice %arg9[%mul3A_620, %dma_start3A_655] : memref<8x128xi32, #tpu.memory_space<vmem>> -> memref<1x128xi32, #tpu.memory_space<vmem>>
        %dma_start3A_657 = tpu.memref_squeeze %dma_start3A_656 : memref<1x128xi32, #tpu.memory_space<vmem>> -> memref<128xi32, #tpu.memory_space<vmem>>
        %dma_start3A_658 = arith.constant 0 : i32
        %dma_start3A_659 = arith.constant 0 : i32
        %dma_start3A_660 = tpu.memref_slice %arg12[%dma_start3A_658, %dma_start3A_659] : memref<10240x128xf32, #tpu.memory_space<vmem_shared>> -> memref<10240x128xf32, #tpu.memory_space<vmem_shared>>
        tpu.enqueue_indirect_dma source(%arg10 : memref<128x128xf32, #tpu.memory_space<vmem>>) target(%dma_start3A_660 : memref<10240x128xf32, #tpu.memory_space<vmem_shared>>) offsets(%dma_start3A_657 : memref<128xi32, #tpu.memory_space<vmem>>) semaphore(%run_scoped3A_654 : memref<!tpu.dma_semaphore, #tpu.memory_space<semaphore_mem>>) {add = true}
        %dma_wait3A_661 = arith.constant 0 : i32
        %dma_wait3A_662 = tpu.memref_slice %arg9[%mul3A_620, %dma_wait3A_661] : memref<8x128xi32, #tpu.memory_space<vmem>> -> memref<1x128xi32, #tpu.memory_space<vmem>>
        %dma_wait3A_663 = tpu.memref_squeeze %dma_wait3A_662 : memref<1x128xi32, #tpu.memory_space<vmem>> -> memref<128xi32, #tpu.memory_space<vmem>>
        %dma_wait3A_664 = arith.constant 0 : i32
        %dma_wait3A_665 = arith.constant 0 : i32
        %dma_wait3A_666 = tpu.memref_slice %arg12[%dma_wait3A_664, %dma_wait3A_665] : memref<10240x128xf32, #tpu.memory_space<vmem_shared>> -> memref<10240x128xf32, #tpu.memory_space<vmem_shared>>
        tpu.wait_indirect_dma semaphore(%run_scoped3A_654 : memref<!tpu.dma_semaphore, #tpu.memory_space<semaphore_mem>>) src(%arg10 : memref<128x128xf32, #tpu.memory_space<vmem>>) dst(%dma_wait3A_666 : memref<10240x128xf32, #tpu.memory_space<vmem_shared>>)
        tpu.yield
      }) : () -> ()
      %add3A_635 = arith.constant 2 : i32
      %add3A_636 = arith.addi %mul3A_620, %add3A_635 : i32
      %dma_start3A_637 = arith.constant 0 : i32
      %dma_start3A_638 = tpu.memref_slice %arg8[%add3A_636, %dma_start3A_637] : memref<8x128xi32, #tpu.memory_space<vmem>> -> memref<1x128xi32, #tpu.memory_space<vmem>>
      %dma_start3A_639 = tpu.memref_squeeze %dma_start3A_638 : memref<1x128xi32, #tpu.memory_space<vmem>> -> memref<128xi32, #tpu.memory_space<vmem>>
      %dma_start3A_640 = arith.constant 0 : i32
      %dma_start3A_641 = arith.constant 0 : i32
      %dma_start3A_642 = tpu.memref_slice %arg2[%dma_start3A_640, %dma_start3A_641] : memref<10000x128xf32, #tpu.memory_space<hbm>> -> memref<10000x128xf32, #tpu.memory_space<hbm>>
      tpu.enqueue_indirect_dma source(%dma_start3A_642 : memref<10000x128xf32, #tpu.memory_space<hbm>>) target(%arg10 : memref<128x128xf32, #tpu.memory_space<vmem>>) offsets(%dma_start3A_639 : memref<128xi32, #tpu.memory_space<vmem>>) semaphore(%arg13 : memref<!tpu.dma_semaphore, #tpu.memory_space<semaphore_mem>>)
      %add3A_643 = arith.constant 1 : i32
      %add3A_644 = arith.addi %mul3A_620, %add3A_643 : i32
      %dma_wait3A_645 = arith.constant 0 : i32
      %dma_wait3A_646 = tpu.memref_slice %arg8[%add3A_644, %dma_wait3A_645] : memref<8x128xi32, #tpu.memory_space<vmem>> -> memref<1x128xi32, #tpu.memory_space<vmem>>
      %dma_wait3A_647 = tpu.memref_squeeze %dma_wait3A_646 : memref<1x128xi32, #tpu.memory_space<vmem>> -> memref<128xi32, #tpu.memory_space<vmem>>
      %dma_wait3A_648 = arith.constant 0 : i32
      %dma_wait3A_649 = arith.constant 0 : i32
      %dma_wait3A_650 = tpu.memref_slice %arg2[%dma_wait3A_648, %dma_wait3A_649] : memref<10000x128xf32, #tpu.memory_space<hbm>> -> memref<10000x128xf32, #tpu.memory_space<hbm>>
      tpu.wait_indirect_dma semaphore(%arg14 : memref<!tpu.dma_semaphore, #tpu.memory_space<semaphore_mem>>) src(%dma_wait3A_650 : memref<10000x128xf32, #tpu.memory_space<hbm>>) dst(%arg11 : memref<128x128xf32, #tpu.memory_space<vmem>>)
      %add3A_651 = arith.constant 1 : i32
      %add3A_652 = arith.addi %mul3A_620, %add3A_651 : i32
      "tpu.region"() ({
        %run_scoped3A_654 = tpu.sem_alloc : memref<!tpu.dma_semaphore, #tpu.memory_space<semaphore_mem>>
        %dma_start3A_655 = arith.constant 0 : i32
        %dma_start3A_656 = tpu.memref_slice %arg9[%add3A_652, %dma_start3A_655] : memref<8x128xi32, #tpu.memory_space<vmem>> -> memref<1x128xi32, #tpu.memory_space<vmem>>
        %dma_start3A_657 = tpu.memref_squeeze %dma_start3A_656 : memref<1x128xi32, #tpu.memory_space<vmem>> -> memref<128xi32, #tpu.memory_space<vmem>>
        %dma_start3A_658 = arith.constant 0 : i32
        %dma_start3A_659 = arith.constant 0 : i32
        %dma_start3A_660 = tpu.memref_slice %arg12[%dma_start3A_658, %dma_start3A_659] : memref<10240x128xf32, #tpu.memory_space<vmem_shared>> -> memref<10240x128xf32, #tpu.memory_space<vmem_shared>>
        tpu.enqueue_indirect_dma source(%arg11 : memref<128x128xf32, #tpu.memory_space<vmem>>) target(%dma_start3A_660 : memref<10240x128xf32, #tpu.memory_space<vmem_shared>>) offsets(%dma_start3A_657 : memref<128xi32, #tpu.memory_space<vmem>>) semaphore(%run_scoped3A_654 : memref<!tpu.dma_semaphore, #tpu.memory_space<semaphore_mem>>) {add = true}
        %dma_wait3A_661 = arith.constant 0 : i32
        %dma_wait3A_662 = tpu.memref_slice %arg9[%add3A_652, %dma_wait3A_661] : memref<8x128xi32, #tpu.memory_space<vmem>> -> memref<1x128xi32, #tpu.memory_space<vmem>>
        %dma_wait3A_663 = tpu.memref_squeeze %dma_wait3A_662 : memref<1x128xi32, #tpu.memory_space<vmem>> -> memref<128xi32, #tpu.memory_space<vmem>>
        %dma_wait3A_664 = arith.constant 0 : i32
        %dma_wait3A_665 = arith.constant 0 : i32
        %dma_wait3A_666 = tpu.memref_slice %arg12[%dma_wait3A_664, %dma_wait3A_665] : memref<10240x128xf32, #tpu.memory_space<vmem_shared>> -> memref<10240x128xf32, #tpu.memory_space<vmem_shared>>
        tpu.wait_indirect_dma semaphore(%run_scoped3A_654 : memref<!tpu.dma_semaphore, #tpu.memory_space<semaphore_mem>>) src(%arg11 : memref<128x128xf32, #tpu.memory_space<vmem>>) dst(%dma_wait3A_666 : memref<10240x128xf32, #tpu.memory_space<vmem_shared>>)
        tpu.yield
      }) : () -> ()
      %scan3A_653 = arith.constant 0 : i32
      scf.yield %scan3A_653 : i32
    }
    %scan3A_346 = arith.constant 3 : i32
    %dma_start3A_347 = arith.constant 7 : i32
    %dma_start3A_348 = arith.constant 0 : i32
    %dma_start3A_349 = tpu.memref_slice %arg8[%dma_start3A_347, %dma_start3A_348] : memref<8x128xi32, #tpu.memory_space<vmem>> -> memref<1x128xi32, #tpu.memory_space<vmem>>
    %dma_start3A_350 = tpu.memref_squeeze %dma_start3A_349 : memref<1x128xi32, #tpu.memory_space<vmem>> -> memref<128xi32, #tpu.memory_space<vmem>>
    %dma_start3A_351 = arith.constant 0 : i32
    %dma_start3A_352 = arith.constant 0 : i32
    %dma_start3A_353 = tpu.memref_slice %arg2[%dma_start3A_351, %dma_start3A_352] : memref<10000x128xf32, #tpu.memory_space<hbm>> -> memref<10000x128xf32, #tpu.memory_space<hbm>>
    tpu.enqueue_indirect_dma source(%dma_start3A_353 : memref<10000x128xf32, #tpu.memory_space<hbm>>) target(%arg11 : memref<128x128xf32, #tpu.memory_space<vmem>>) offsets(%dma_start3A_350 : memref<128xi32, #tpu.memory_space<vmem>>) semaphore(%arg14 : memref<!tpu.dma_semaphore, #tpu.memory_space<semaphore_mem>>)
    %dma_wait3A_354 = arith.constant 6 : i32
    %dma_wait3A_355 = arith.constant 0 : i32
    %dma_wait3A_356 = tpu.memref_slice %arg8[%dma_wait3A_354, %dma_wait3A_355] : memref<8x128xi32, #tpu.memory_space<vmem>> -> memref<1x128xi32, #tpu.memory_space<vmem>>
    %dma_wait3A_357 = tpu.memref_squeeze %dma_wait3A_356 : memref<1x128xi32, #tpu.memory_space<vmem>> -> memref<128xi32, #tpu.memory_space<vmem>>
    %dma_wait3A_358 = arith.constant 0 : i32
    %dma_wait3A_359 = arith.constant 0 : i32
    %dma_wait3A_360 = tpu.memref_slice %arg2[%dma_wait3A_358, %dma_wait3A_359] : memref<10000x128xf32, #tpu.memory_space<hbm>> -> memref<10000x128xf32, #tpu.memory_space<hbm>>
    tpu.wait_indirect_dma semaphore(%arg13 : memref<!tpu.dma_semaphore, #tpu.memory_space<semaphore_mem>>) src(%dma_wait3A_360 : memref<10000x128xf32, #tpu.memory_space<hbm>>) dst(%arg10 : memref<128x128xf32, #tpu.memory_space<vmem>>)
    %run_scoped3A_361 = arith.constant 6 : i32
    "tpu.region"() ({
      %run_scoped3A_617 = tpu.sem_alloc : memref<!tpu.dma_semaphore, #tpu.memory_space<semaphore_mem>>
      %dma_start3A_618 = arith.constant 0 : i32
      %dma_start3A_619 = tpu.memref_slice %arg9[%run_scoped3A_361, %dma_start3A_618] : memref<8x128xi32, #tpu.memory_space<vmem>> -> memref<1x128xi32, #tpu.memory_space<vmem>>
      %dma_start3A_620 = tpu.memref_squeeze %dma_start3A_619 : memref<1x128xi32, #tpu.memory_space<vmem>> -> memref<128xi32, #tpu.memory_space<vmem>>
      %dma_start3A_621 = arith.constant 0 : i32
      %dma_start3A_622 = arith.constant 0 : i32
      %dma_start3A_623 = tpu.memref_slice %arg12[%dma_start3A_621, %dma_start3A_622] : memref<10240x128xf32, #tpu.memory_space<vmem_shared>> -> memref<10240x128xf32, #tpu.memory_space<vmem_shared>>
      tpu.enqueue_indirect_dma source(%arg10 : memref<128x128xf32, #tpu.memory_space<vmem>>) target(%dma_start3A_623 : memref<10240x128xf32, #tpu.memory_space<vmem_shared>>) offsets(%dma_start3A_620 : memref<128xi32, #tpu.memory_space<vmem>>) semaphore(%run_scoped3A_617 : memref<!tpu.dma_semaphore, #tpu.memory_space<semaphore_mem>>) {add = true}
      %dma_wait3A_624 = arith.constant 0 : i32
      %dma_wait3A_625 = tpu.memref_slice %arg9[%run_scoped3A_361, %dma_wait3A_624] : memref<8x128xi32, #tpu.memory_space<vmem>> -> memref<1x128xi32, #tpu.memory_space<vmem>>
      %dma_wait3A_626 = tpu.memref_squeeze %dma_wait3A_625 : memref<1x128xi32, #tpu.memory_space<vmem>> -> memref<128xi32, #tpu.memory_space<vmem>>
      %dma_wait3A_627 = arith.constant 0 : i32
      %dma_wait3A_628 = arith.constant 0 : i32
      %dma_wait3A_629 = tpu.memref_slice %arg12[%dma_wait3A_627, %dma_wait3A_628] : memref<10240x128xf32, #tpu.memory_space<vmem_shared>> -> memref<10240x128xf32, #tpu.memory_space<vmem_shared>>
      tpu.wait_indirect_dma semaphore(%run_scoped3A_617 : memref<!tpu.dma_semaphore, #tpu.memory_space<semaphore_mem>>) src(%arg10 : memref<128x128xf32, #tpu.memory_space<vmem>>) dst(%dma_wait3A_629 : memref<10240x128xf32, #tpu.memory_space<vmem_shared>>)
      tpu.yield
    }) : () -> ()
    %dma_wait3A_362 = arith.constant 0 : i32
    %dma_wait3A_363 = arith.constant 0 : i32
    %dma_wait3A_364 = tpu.memref_slice %arg3[%dma_wait3A_362, %dma_wait3A_363] : memref<2560x128xi32, #tpu.memory_space<hbm>> -> memref<8x128xi32, #tpu.memory_space<hbm>>
    %dma_wait3A_365 = arith.constant 0 : i32
    %dma_wait3A_366 = arith.constant 0 : i32
    %dma_wait3A_367 = tpu.memref_slice %arg3[%dma_wait3A_365, %dma_wait3A_366] : memref<2560x128xi32, #tpu.memory_space<hbm>> -> memref<8x128xi32, #tpu.memory_space<hbm>>
    tpu.wait_dma2 semaphore(%arg15 : memref<!tpu.dma_semaphore, #tpu.memory_space<semaphore_mem>>) src(%dma_wait3A_367 : memref<8x128xi32, #tpu.memory_space<hbm>>) dst(%arg6 : memref<8x128xi32, #tpu.memory_space<vmem>>)
    %dma_wait3A_368 = arith.constant 0 : i32
    %dma_wait3A_369 = arith.constant 0 : i32
    %dma_wait3A_370 = tpu.memref_slice %arg4[%dma_wait3A_368, %dma_wait3A_369] : memref<2560x128xi32, #tpu.memory_space<hbm>> -> memref<8x128xi32, #tpu.memory_space<hbm>>
    %dma_wait3A_371 = arith.constant 0 : i32
    %dma_wait3A_372 = arith.constant 0 : i32
    %dma_wait3A_373 = tpu.memref_slice %arg4[%dma_wait3A_371, %dma_wait3A_372] : memref<2560x128xi32, #tpu.memory_space<hbm>> -> memref<8x128xi32, #tpu.memory_space<hbm>>
    tpu.wait_dma2 semaphore(%arg15 : memref<!tpu.dma_semaphore, #tpu.memory_space<semaphore_mem>>) src(%dma_wait3A_373 : memref<8x128xi32, #tpu.memory_space<hbm>>) dst(%arg7 : memref<8x128xi32, #tpu.memory_space<vmem>>)
    %dma_start3A_374 = arith.constant 0 : i32
    %dma_start3A_375 = arith.constant 0 : i32
    %dma_start3A_376 = tpu.memref_slice %arg6[%dma_start3A_374, %dma_start3A_375] : memref<8x128xi32, #tpu.memory_space<vmem>> -> memref<1x128xi32, #tpu.memory_space<vmem>>
    %dma_start3A_377 = tpu.memref_squeeze %dma_start3A_376 : memref<1x128xi32, #tpu.memory_space<vmem>> -> memref<128xi32, #tpu.memory_space<vmem>>
    %dma_start3A_378 = arith.constant 0 : i32
    %dma_start3A_379 = arith.constant 0 : i32
    %dma_start3A_380 = tpu.memref_slice %arg2[%dma_start3A_378, %dma_start3A_379] : memref<10000x128xf32, #tpu.memory_space<hbm>> -> memref<10000x128xf32, #tpu.memory_space<hbm>>
    tpu.enqueue_indirect_dma source(%dma_start3A_380 : memref<10000x128xf32, #tpu.memory_space<hbm>>) target(%arg10 : memref<128x128xf32, #tpu.memory_space<vmem>>) offsets(%dma_start3A_377 : memref<128xi32, #tpu.memory_space<vmem>>) semaphore(%arg13 : memref<!tpu.dma_semaphore, #tpu.memory_space<semaphore_mem>>)
    %dma_wait3A_381 = arith.constant 7 : i32
    %dma_wait3A_382 = arith.constant 0 : i32
    %dma_wait3A_383 = tpu.memref_slice %arg8[%dma_wait3A_381, %dma_wait3A_382] : memref<8x128xi32, #tpu.memory_space<vmem>> -> memref<1x128xi32, #tpu.memory_space<vmem>>
    %dma_wait3A_384 = tpu.memref_squeeze %dma_wait3A_383 : memref<1x128xi32, #tpu.memory_space<vmem>> -> memref<128xi32, #tpu.memory_space<vmem>>
    %dma_wait3A_385 = arith.constant 0 : i32
    %dma_wait3A_386 = arith.constant 0 : i32
    %dma_wait3A_387 = tpu.memref_slice %arg2[%dma_wait3A_385, %dma_wait3A_386] : memref<10000x128xf32, #tpu.memory_space<hbm>> -> memref<10000x128xf32, #tpu.memory_space<hbm>>
    tpu.wait_indirect_dma semaphore(%arg14 : memref<!tpu.dma_semaphore, #tpu.memory_space<semaphore_mem>>) src(%dma_wait3A_387 : memref<10000x128xf32, #tpu.memory_space<hbm>>) dst(%arg11 : memref<128x128xf32, #tpu.memory_space<vmem>>)
    %run_scoped3A_388 = arith.constant 7 : i32
    "tpu.region"() ({
      %run_scoped3A_617 = tpu.sem_alloc : memref<!tpu.dma_semaphore, #tpu.memory_space<semaphore_mem>>
      %dma_start3A_618 = arith.constant 0 : i32
      %dma_start3A_619 = tpu.memref_slice %arg9[%run_scoped3A_388, %dma_start3A_618] : memref<8x128xi32, #tpu.memory_space<vmem>> -> memref<1x128xi32, #tpu.memory_space<vmem>>
      %dma_start3A_620 = tpu.memref_squeeze %dma_start3A_619 : memref<1x128xi32, #tpu.memory_space<vmem>> -> memref<128xi32, #tpu.memory_space<vmem>>
      %dma_start3A_621 = arith.constant 0 : i32
      %dma_start3A_622 = arith.constant 0 : i32
      %dma_start3A_623 = tpu.memref_slice %arg12[%dma_start3A_621, %dma_start3A_622] : memref<10240x128xf32, #tpu.memory_space<vmem_shared>> -> memref<10240x128xf32, #tpu.memory_space<vmem_shared>>
      tpu.enqueue_indirect_dma source(%arg11 : memref<128x128xf32, #tpu.memory_space<vmem>>) target(%dma_start3A_623 : memref<10240x128xf32, #tpu.memory_space<vmem_shared>>) offsets(%dma_start3A_620 : memref<128xi32, #tpu.memory_space<vmem>>) semaphore(%run_scoped3A_617 : memref<!tpu.dma_semaphore, #tpu.memory_space<semaphore_mem>>) {add = true}
      %dma_wait3A_624 = arith.constant 0 : i32
      %dma_wait3A_625 = tpu.memref_slice %arg9[%run_scoped3A_388, %dma_wait3A_624] : memref<8x128xi32, #tpu.memory_space<vmem>> -> memref<1x128xi32, #tpu.memory_space<vmem>>
      %dma_wait3A_626 = tpu.memref_squeeze %dma_wait3A_625 : memref<1x128xi32, #tpu.memory_space<vmem>> -> memref<128xi32, #tpu.memory_space<vmem>>
      %dma_wait3A_627 = arith.constant 0 : i32
      %dma_wait3A_628 = arith.constant 0 : i32
      %dma_wait3A_629 = tpu.memref_slice %arg12[%dma_wait3A_627, %dma_wait3A_628] : memref<10240x128xf32, #tpu.memory_space<vmem_shared>> -> memref<10240x128xf32, #tpu.memory_space<vmem_shared>>
      tpu.wait_indirect_dma semaphore(%run_scoped3A_617 : memref<!tpu.dma_semaphore, #tpu.memory_space<semaphore_mem>>) src(%arg11 : memref<128x128xf32, #tpu.memory_space<vmem>>) dst(%dma_wait3A_629 : memref<10240x128xf32, #tpu.memory_space<vmem_shared>>)
      tpu.yield
    }) : () -> ()
    %add3A_389 = arith.constant 56 : i32
    %add3A_390 = arith.addi %mul3A_4, %add3A_389 : i32
    %dma_start3A_391 = arith.constant 0 : i32
    %dma_start3A_392 = tpu.memref_slice %arg3[%add3A_390, %dma_start3A_391] : memref<2560x128xi32, #tpu.memory_space<hbm>> -> memref<8x128xi32, #tpu.memory_space<hbm>>
    %dma_start3A_393 = arith.constant 0 : i32
    %dma_start3A_394 = tpu.memref_slice %arg3[%add3A_390, %dma_start3A_393] : memref<2560x128xi32, #tpu.memory_space<hbm>> -> memref<8x128xi32, #tpu.memory_space<hbm>>
    tpu.enqueue_dma source(%dma_start3A_394 : memref<8x128xi32, #tpu.memory_space<hbm>>) target(%arg8 : memref<8x128xi32, #tpu.memory_space<vmem>>) target_semaphore(%arg15 : memref<!tpu.dma_semaphore, #tpu.memory_space<semaphore_mem>>)
    %dma_start3A_395 = arith.constant 0 : i32
    %dma_start3A_396 = tpu.memref_slice %arg4[%add3A_390, %dma_start3A_395] : memref<2560x128xi32, #tpu.memory_space<hbm>> -> memref<8x128xi32, #tpu.memory_space<hbm>>
    %dma_start3A_397 = arith.constant 0 : i32
    %dma_start3A_398 = tpu.memref_slice %arg4[%add3A_390, %dma_start3A_397] : memref<2560x128xi32, #tpu.memory_space<hbm>> -> memref<8x128xi32, #tpu.memory_space<hbm>>
    tpu.enqueue_dma source(%dma_start3A_398 : memref<8x128xi32, #tpu.memory_space<hbm>>) target(%arg9 : memref<8x128xi32, #tpu.memory_space<vmem>>) target_semaphore(%arg15 : memref<!tpu.dma_semaphore, #tpu.memory_space<semaphore_mem>>)
    %scan3A_399 = arith.constant 0 : i32
    %scan3A_400 = arith.constant 0 : i32
    %scan3A_401 = arith.constant 3 : i32
    %scan3A_402 = arith.addi %scan3A_400, %scan3A_401 : i32
    %scan3A_403 = arith.constant 1 : i32
    %scan3A_404 = scf.for %scan3A_617 = %scan3A_400 to %scan3A_402 step %scan3A_403 iter_args(%scan3A_618 = %scan3A_399) -> (i32)  : i32 {
      %mul3A_619 = arith.constant 2 : i32
      %mul3A_620 = arith.muli %mul3A_619, %scan3A_617 : i32
      %add3A_621 = arith.constant 1 : i32
      %add3A_622 = arith.addi %mul3A_620, %add3A_621 : i32
      %dma_start3A_623 = arith.constant 0 : i32
      %dma_start3A_624 = tpu.memref_slice %arg6[%add3A_622, %dma_start3A_623] : memref<8x128xi32, #tpu.memory_space<vmem>> -> memref<1x128xi32, #tpu.memory_space<vmem>>
      %dma_start3A_625 = tpu.memref_squeeze %dma_start3A_624 : memref<1x128xi32, #tpu.memory_space<vmem>> -> memref<128xi32, #tpu.memory_space<vmem>>
      %dma_start3A_626 = arith.constant 0 : i32
      %dma_start3A_627 = arith.constant 0 : i32
      %dma_start3A_628 = tpu.memref_slice %arg2[%dma_start3A_626, %dma_start3A_627] : memref<10000x128xf32, #tpu.memory_space<hbm>> -> memref<10000x128xf32, #tpu.memory_space<hbm>>
      tpu.enqueue_indirect_dma source(%dma_start3A_628 : memref<10000x128xf32, #tpu.memory_space<hbm>>) target(%arg11 : memref<128x128xf32, #tpu.memory_space<vmem>>) offsets(%dma_start3A_625 : memref<128xi32, #tpu.memory_space<vmem>>) semaphore(%arg14 : memref<!tpu.dma_semaphore, #tpu.memory_space<semaphore_mem>>)
      %dma_wait3A_629 = arith.constant 0 : i32
      %dma_wait3A_630 = tpu.memref_slice %arg6[%mul3A_620, %dma_wait3A_629] : memref<8x128xi32, #tpu.memory_space<vmem>> -> memref<1x128xi32, #tpu.memory_space<vmem>>
      %dma_wait3A_631 = tpu.memref_squeeze %dma_wait3A_630 : memref<1x128xi32, #tpu.memory_space<vmem>> -> memref<128xi32, #tpu.memory_space<vmem>>
      %dma_wait3A_632 = arith.constant 0 : i32
      %dma_wait3A_633 = arith.constant 0 : i32
      %dma_wait3A_634 = tpu.memref_slice %arg2[%dma_wait3A_632, %dma_wait3A_633] : memref<10000x128xf32, #tpu.memory_space<hbm>> -> memref<10000x128xf32, #tpu.memory_space<hbm>>
      tpu.wait_indirect_dma semaphore(%arg13 : memref<!tpu.dma_semaphore, #tpu.memory_space<semaphore_mem>>) src(%dma_wait3A_634 : memref<10000x128xf32, #tpu.memory_space<hbm>>) dst(%arg10 : memref<128x128xf32, #tpu.memory_space<vmem>>)
      "tpu.region"() ({
        %run_scoped3A_654 = tpu.sem_alloc : memref<!tpu.dma_semaphore, #tpu.memory_space<semaphore_mem>>
        %dma_start3A_655 = arith.constant 0 : i32
        %dma_start3A_656 = tpu.memref_slice %arg7[%mul3A_620, %dma_start3A_655] : memref<8x128xi32, #tpu.memory_space<vmem>> -> memref<1x128xi32, #tpu.memory_space<vmem>>
        %dma_start3A_657 = tpu.memref_squeeze %dma_start3A_656 : memref<1x128xi32, #tpu.memory_space<vmem>> -> memref<128xi32, #tpu.memory_space<vmem>>
        %dma_start3A_658 = arith.constant 0 : i32
        %dma_start3A_659 = arith.constant 0 : i32
        %dma_start3A_660 = tpu.memref_slice %arg12[%dma_start3A_658, %dma_start3A_659] : memref<10240x128xf32, #tpu.memory_space<vmem_shared>> -> memref<10240x128xf32, #tpu.memory_space<vmem_shared>>
        tpu.enqueue_indirect_dma source(%arg10 : memref<128x128xf32, #tpu.memory_space<vmem>>) target(%dma_start3A_660 : memref<10240x128xf32, #tpu.memory_space<vmem_shared>>) offsets(%dma_start3A_657 : memref<128xi32, #tpu.memory_space<vmem>>) semaphore(%run_scoped3A_654 : memref<!tpu.dma_semaphore, #tpu.memory_space<semaphore_mem>>) {add = true}
        %dma_wait3A_661 = arith.constant 0 : i32
        %dma_wait3A_662 = tpu.memref_slice %arg7[%mul3A_620, %dma_wait3A_661] : memref<8x128xi32, #tpu.memory_space<vmem>> -> memref<1x128xi32, #tpu.memory_space<vmem>>
        %dma_wait3A_663 = tpu.memref_squeeze %dma_wait3A_662 : memref<1x128xi32, #tpu.memory_space<vmem>> -> memref<128xi32, #tpu.memory_space<vmem>>
        %dma_wait3A_664 = arith.constant 0 : i32
        %dma_wait3A_665 = arith.constant 0 : i32
        %dma_wait3A_666 = tpu.memref_slice %arg12[%dma_wait3A_664, %dma_wait3A_665] : memref<10240x128xf32, #tpu.memory_space<vmem_shared>> -> memref<10240x128xf32, #tpu.memory_space<vmem_shared>>
        tpu.wait_indirect_dma semaphore(%run_scoped3A_654 : memref<!tpu.dma_semaphore, #tpu.memory_space<semaphore_mem>>) src(%arg10 : memref<128x128xf32, #tpu.memory_space<vmem>>) dst(%dma_wait3A_666 : memref<10240x128xf32, #tpu.memory_space<vmem_shared>>)
        tpu.yield
      }) : () -> ()
      %add3A_635 = arith.constant 2 : i32
      %add3A_636 = arith.addi %mul3A_620, %add3A_635 : i32
      %dma_start3A_637 = arith.constant 0 : i32
      %dma_start3A_638 = tpu.memref_slice %arg6[%add3A_636, %dma_start3A_637] : memref<8x128xi32, #tpu.memory_space<vmem>> -> memref<1x128xi32, #tpu.memory_space<vmem>>
      %dma_start3A_639 = tpu.memref_squeeze %dma_start3A_638 : memref<1x128xi32, #tpu.memory_space<vmem>> -> memref<128xi32, #tpu.memory_space<vmem>>
      %dma_start3A_640 = arith.constant 0 : i32
      %dma_start3A_641 = arith.constant 0 : i32
      %dma_start3A_642 = tpu.memref_slice %arg2[%dma_start3A_640, %dma_start3A_641] : memref<10000x128xf32, #tpu.memory_space<hbm>> -> memref<10000x128xf32, #tpu.memory_space<hbm>>
      tpu.enqueue_indirect_dma source(%dma_start3A_642 : memref<10000x128xf32, #tpu.memory_space<hbm>>) target(%arg10 : memref<128x128xf32, #tpu.memory_space<vmem>>) offsets(%dma_start3A_639 : memref<128xi32, #tpu.memory_space<vmem>>) semaphore(%arg13 : memref<!tpu.dma_semaphore, #tpu.memory_space<semaphore_mem>>)
      %add3A_643 = arith.constant 1 : i32
      %add3A_644 = arith.addi %mul3A_620, %add3A_643 : i32
      %dma_wait3A_645 = arith.constant 0 : i32
      %dma_wait3A_646 = tpu.memref_slice %arg6[%add3A_644, %dma_wait3A_645] : memref<8x128xi32, #tpu.memory_space<vmem>> -> memref<1x128xi32, #tpu.memory_space<vmem>>
      %dma_wait3A_647 = tpu.memref_squeeze %dma_wait3A_646 : memref<1x128xi32, #tpu.memory_space<vmem>> -> memref<128xi32, #tpu.memory_space<vmem>>
      %dma_wait3A_648 = arith.constant 0 : i32
      %dma_wait3A_649 = arith.constant 0 : i32
      %dma_wait3A_650 = tpu.memref_slice %arg2[%dma_wait3A_648, %dma_wait3A_649] : memref<10000x128xf32, #tpu.memory_space<hbm>> -> memref<10000x128xf32, #tpu.memory_space<hbm>>
      tpu.wait_indirect_dma semaphore(%arg14 : memref<!tpu.dma_semaphore, #tpu.memory_space<semaphore_mem>>) src(%dma_wait3A_650 : memref<10000x128xf32, #tpu.memory_space<hbm>>) dst(%arg11 : memref<128x128xf32, #tpu.memory_space<vmem>>)
      %add3A_651 = arith.constant 1 : i32
      %add3A_652 = arith.addi %mul3A_620, %add3A_651 : i32
      "tpu.region"() ({
        %run_scoped3A_654 = tpu.sem_alloc : memref<!tpu.dma_semaphore, #tpu.memory_space<semaphore_mem>>
        %dma_start3A_655 = arith.constant 0 : i32
        %dma_start3A_656 = tpu.memref_slice %arg7[%add3A_652, %dma_start3A_655] : memref<8x128xi32, #tpu.memory_space<vmem>> -> memref<1x128xi32, #tpu.memory_space<vmem>>
        %dma_start3A_657 = tpu.memref_squeeze %dma_start3A_656 : memref<1x128xi32, #tpu.memory_space<vmem>> -> memref<128xi32, #tpu.memory_space<vmem>>
        %dma_start3A_658 = arith.constant 0 : i32
        %dma_start3A_659 = arith.constant 0 : i32
        %dma_start3A_660 = tpu.memref_slice %arg12[%dma_start3A_658, %dma_start3A_659] : memref<10240x128xf32, #tpu.memory_space<vmem_shared>> -> memref<10240x128xf32, #tpu.memory_space<vmem_shared>>
        tpu.enqueue_indirect_dma source(%arg11 : memref<128x128xf32, #tpu.memory_space<vmem>>) target(%dma_start3A_660 : memref<10240x128xf32, #tpu.memory_space<vmem_shared>>) offsets(%dma_start3A_657 : memref<128xi32, #tpu.memory_space<vmem>>) semaphore(%run_scoped3A_654 : memref<!tpu.dma_semaphore, #tpu.memory_space<semaphore_mem>>) {add = true}
        %dma_wait3A_661 = arith.constant 0 : i32
        %dma_wait3A_662 = tpu.memref_slice %arg7[%add3A_652, %dma_wait3A_661] : memref<8x128xi32, #tpu.memory_space<vmem>> -> memref<1x128xi32, #tpu.memory_space<vmem>>
        %dma_wait3A_663 = tpu.memref_squeeze %dma_wait3A_662 : memref<1x128xi32, #tpu.memory_space<vmem>> -> memref<128xi32, #tpu.memory_space<vmem>>
        %dma_wait3A_664 = arith.constant 0 : i32
        %dma_wait3A_665 = arith.constant 0 : i32
        %dma_wait3A_666 = tpu.memref_slice %arg12[%dma_wait3A_664, %dma_wait3A_665] : memref<10240x128xf32, #tpu.memory_space<vmem_shared>> -> memref<10240x128xf32, #tpu.memory_space<vmem_shared>>
        tpu.wait_indirect_dma semaphore(%run_scoped3A_654 : memref<!tpu.dma_semaphore, #tpu.memory_space<semaphore_mem>>) src(%arg11 : memref<128x128xf32, #tpu.memory_space<vmem>>) dst(%dma_wait3A_666 : memref<10240x128xf32, #tpu.memory_space<vmem_shared>>)
        tpu.yield
      }) : () -> ()
      %scan3A_653 = arith.constant 0 : i32
      scf.yield %scan3A_653 : i32
    }
    %scan3A_405 = arith.constant 3 : i32
    %dma_start3A_406 = arith.constant 7 : i32
    %dma_start3A_407 = arith.constant 0 : i32
    %dma_start3A_408 = tpu.memref_slice %arg6[%dma_start3A_406, %dma_start3A_407] : memref<8x128xi32, #tpu.memory_space<vmem>> -> memref<1x128xi32, #tpu.memory_space<vmem>>
    %dma_start3A_409 = tpu.memref_squeeze %dma_start3A_408 : memref<1x128xi32, #tpu.memory_space<vmem>> -> memref<128xi32, #tpu.memory_space<vmem>>
    %dma_start3A_410 = arith.constant 0 : i32
    %dma_start3A_411 = arith.constant 0 : i32
    %dma_start3A_412 = tpu.memref_slice %arg2[%dma_start3A_410, %dma_start3A_411] : memref<10000x128xf32, #tpu.memory_space<hbm>> -> memref<10000x128xf32, #tpu.memory_space<hbm>>
    tpu.enqueue_indirect_dma source(%dma_start3A_412 : memref<10000x128xf32, #tpu.memory_space<hbm>>) target(%arg11 : memref<128x128xf32, #tpu.memory_space<vmem>>) offsets(%dma_start3A_409 : memref<128xi32, #tpu.memory_space<vmem>>) semaphore(%arg14 : memref<!tpu.dma_semaphore, #tpu.memory_space<semaphore_mem>>)
    %dma_wait3A_413 = arith.constant 6 : i32
    %dma_wait3A_414 = arith.constant 0 : i32
    %dma_wait3A_415 = tpu.memref_slice %arg6[%dma_wait3A_413, %dma_wait3A_414] : memref<8x128xi32, #tpu.memory_space<vmem>> -> memref<1x128xi32, #tpu.memory_space<vmem>>
    %dma_wait3A_416 = tpu.memref_squeeze %dma_wait3A_415 : memref<1x128xi32, #tpu.memory_space<vmem>> -> memref<128xi32, #tpu.memory_space<vmem>>
    %dma_wait3A_417 = arith.constant 0 : i32
    %dma_wait3A_418 = arith.constant 0 : i32
    %dma_wait3A_419 = tpu.memref_slice %arg2[%dma_wait3A_417, %dma_wait3A_418] : memref<10000x128xf32, #tpu.memory_space<hbm>> -> memref<10000x128xf32, #tpu.memory_space<hbm>>
    tpu.wait_indirect_dma semaphore(%arg13 : memref<!tpu.dma_semaphore, #tpu.memory_space<semaphore_mem>>) src(%dma_wait3A_419 : memref<10000x128xf32, #tpu.memory_space<hbm>>) dst(%arg10 : memref<128x128xf32, #tpu.memory_space<vmem>>)
    %run_scoped3A_420 = arith.constant 6 : i32
    "tpu.region"() ({
      %run_scoped3A_617 = tpu.sem_alloc : memref<!tpu.dma_semaphore, #tpu.memory_space<semaphore_mem>>
      %dma_start3A_618 = arith.constant 0 : i32
      %dma_start3A_619 = tpu.memref_slice %arg7[%run_scoped3A_420, %dma_start3A_618] : memref<8x128xi32, #tpu.memory_space<vmem>> -> memref<1x128xi32, #tpu.memory_space<vmem>>
      %dma_start3A_620 = tpu.memref_squeeze %dma_start3A_619 : memref<1x128xi32, #tpu.memory_space<vmem>> -> memref<128xi32, #tpu.memory_space<vmem>>
      %dma_start3A_621 = arith.constant 0 : i32
      %dma_start3A_622 = arith.constant 0 : i32
      %dma_start3A_623 = tpu.memref_slice %arg12[%dma_start3A_621, %dma_start3A_622] : memref<10240x128xf32, #tpu.memory_space<vmem_shared>> -> memref<10240x128xf32, #tpu.memory_space<vmem_shared>>
      tpu.enqueue_indirect_dma source(%arg10 : memref<128x128xf32, #tpu.memory_space<vmem>>) target(%dma_start3A_623 : memref<10240x128xf32, #tpu.memory_space<vmem_shared>>) offsets(%dma_start3A_620 : memref<128xi32, #tpu.memory_space<vmem>>) semaphore(%run_scoped3A_617 : memref<!tpu.dma_semaphore, #tpu.memory_space<semaphore_mem>>) {add = true}
      %dma_wait3A_624 = arith.constant 0 : i32
      %dma_wait3A_625 = tpu.memref_slice %arg7[%run_scoped3A_420, %dma_wait3A_624] : memref<8x128xi32, #tpu.memory_space<vmem>> -> memref<1x128xi32, #tpu.memory_space<vmem>>
      %dma_wait3A_626 = tpu.memref_squeeze %dma_wait3A_625 : memref<1x128xi32, #tpu.memory_space<vmem>> -> memref<128xi32, #tpu.memory_space<vmem>>
      %dma_wait3A_627 = arith.constant 0 : i32
      %dma_wait3A_628 = arith.constant 0 : i32
      %dma_wait3A_629 = tpu.memref_slice %arg12[%dma_wait3A_627, %dma_wait3A_628] : memref<10240x128xf32, #tpu.memory_space<vmem_shared>> -> memref<10240x128xf32, #tpu.memory_space<vmem_shared>>
      tpu.wait_indirect_dma semaphore(%run_scoped3A_617 : memref<!tpu.dma_semaphore, #tpu.memory_space<semaphore_mem>>) src(%arg10 : memref<128x128xf32, #tpu.memory_space<vmem>>) dst(%dma_wait3A_629 : memref<10240x128xf32, #tpu.memory_space<vmem_shared>>)
      tpu.yield
    }) : () -> ()
    %dma_wait3A_421 = arith.constant 0 : i32
    %dma_wait3A_422 = arith.constant 0 : i32
    %dma_wait3A_423 = tpu.memref_slice %arg3[%dma_wait3A_421, %dma_wait3A_422] : memref<2560x128xi32, #tpu.memory_space<hbm>> -> memref<8x128xi32, #tpu.memory_space<hbm>>
    %dma_wait3A_424 = arith.constant 0 : i32
    %dma_wait3A_425 = arith.constant 0 : i32
    %dma_wait3A_426 = tpu.memref_slice %arg3[%dma_wait3A_424, %dma_wait3A_425] : memref<2560x128xi32, #tpu.memory_space<hbm>> -> memref<8x128xi32, #tpu.memory_space<hbm>>
    tpu.wait_dma2 semaphore(%arg15 : memref<!tpu.dma_semaphore, #tpu.memory_space<semaphore_mem>>) src(%dma_wait3A_426 : memref<8x128xi32, #tpu.memory_space<hbm>>) dst(%arg8 : memref<8x128xi32, #tpu.memory_space<vmem>>)
    %dma_wait3A_427 = arith.constant 0 : i32
    %dma_wait3A_428 = arith.constant 0 : i32
    %dma_wait3A_429 = tpu.memref_slice %arg4[%dma_wait3A_427, %dma_wait3A_428] : memref<2560x128xi32, #tpu.memory_space<hbm>> -> memref<8x128xi32, #tpu.memory_space<hbm>>
    %dma_wait3A_430 = arith.constant 0 : i32
    %dma_wait3A_431 = arith.constant 0 : i32
    %dma_wait3A_432 = tpu.memref_slice %arg4[%dma_wait3A_430, %dma_wait3A_431] : memref<2560x128xi32, #tpu.memory_space<hbm>> -> memref<8x128xi32, #tpu.memory_space<hbm>>
    tpu.wait_dma2 semaphore(%arg15 : memref<!tpu.dma_semaphore, #tpu.memory_space<semaphore_mem>>) src(%dma_wait3A_432 : memref<8x128xi32, #tpu.memory_space<hbm>>) dst(%arg9 : memref<8x128xi32, #tpu.memory_space<vmem>>)
    %dma_start3A_433 = arith.constant 0 : i32
    %dma_start3A_434 = arith.constant 0 : i32
    %dma_start3A_435 = tpu.memref_slice %arg8[%dma_start3A_433, %dma_start3A_434] : memref<8x128xi32, #tpu.memory_space<vmem>> -> memref<1x128xi32, #tpu.memory_space<vmem>>
    %dma_start3A_436 = tpu.memref_squeeze %dma_start3A_435 : memref<1x128xi32, #tpu.memory_space<vmem>> -> memref<128xi32, #tpu.memory_space<vmem>>
    %dma_start3A_437 = arith.constant 0 : i32
    %dma_start3A_438 = arith.constant 0 : i32
    %dma_start3A_439 = tpu.memref_slice %arg2[%dma_start3A_437, %dma_start3A_438] : memref<10000x128xf32, #tpu.memory_space<hbm>> -> memref<10000x128xf32, #tpu.memory_space<hbm>>
    tpu.enqueue_indirect_dma source(%dma_start3A_439 : memref<10000x128xf32, #tpu.memory_space<hbm>>) target(%arg10 : memref<128x128xf32, #tpu.memory_space<vmem>>) offsets(%dma_start3A_436 : memref<128xi32, #tpu.memory_space<vmem>>) semaphore(%arg13 : memref<!tpu.dma_semaphore, #tpu.memory_space<semaphore_mem>>)
    %dma_wait3A_440 = arith.constant 7 : i32
    %dma_wait3A_441 = arith.constant 0 : i32
    %dma_wait3A_442 = tpu.memref_slice %arg6[%dma_wait3A_440, %dma_wait3A_441] : memref<8x128xi32, #tpu.memory_space<vmem>> -> memref<1x128xi32, #tpu.memory_space<vmem>>
    %dma_wait3A_443 = tpu.memref_squeeze %dma_wait3A_442 : memref<1x128xi32, #tpu.memory_space<vmem>> -> memref<128xi32, #tpu.memory_space<vmem>>
    %dma_wait3A_444 = arith.constant 0 : i32
    %dma_wait3A_445 = arith.constant 0 : i32
    %dma_wait3A_446 = tpu.memref_slice %arg2[%dma_wait3A_444, %dma_wait3A_445] : memref<10000x128xf32, #tpu.memory_space<hbm>> -> memref<10000x128xf32, #tpu.memory_space<hbm>>
    tpu.wait_indirect_dma semaphore(%arg14 : memref<!tpu.dma_semaphore, #tpu.memory_space<semaphore_mem>>) src(%dma_wait3A_446 : memref<10000x128xf32, #tpu.memory_space<hbm>>) dst(%arg11 : memref<128x128xf32, #tpu.memory_space<vmem>>)
    %run_scoped3A_447 = arith.constant 7 : i32
    "tpu.region"() ({
      %run_scoped3A_617 = tpu.sem_alloc : memref<!tpu.dma_semaphore, #tpu.memory_space<semaphore_mem>>
      %dma_start3A_618 = arith.constant 0 : i32
      %dma_start3A_619 = tpu.memref_slice %arg7[%run_scoped3A_447, %dma_start3A_618] : memref<8x128xi32, #tpu.memory_space<vmem>> -> memref<1x128xi32, #tpu.memory_space<vmem>>
      %dma_start3A_620 = tpu.memref_squeeze %dma_start3A_619 : memref<1x128xi32, #tpu.memory_space<vmem>> -> memref<128xi32, #tpu.memory_space<vmem>>
      %dma_start3A_621 = arith.constant 0 : i32
      %dma_start3A_622 = arith.constant 0 : i32
      %dma_start3A_623 = tpu.memref_slice %arg12[%dma_start3A_621, %dma_start3A_622] : memref<10240x128xf32, #tpu.memory_space<vmem_shared>> -> memref<10240x128xf32, #tpu.memory_space<vmem_shared>>
      tpu.enqueue_indirect_dma source(%arg11 : memref<128x128xf32, #tpu.memory_space<vmem>>) target(%dma_start3A_623 : memref<10240x128xf32, #tpu.memory_space<vmem_shared>>) offsets(%dma_start3A_620 : memref<128xi32, #tpu.memory_space<vmem>>) semaphore(%run_scoped3A_617 : memref<!tpu.dma_semaphore, #tpu.memory_space<semaphore_mem>>) {add = true}
      %dma_wait3A_624 = arith.constant 0 : i32
      %dma_wait3A_625 = tpu.memref_slice %arg7[%run_scoped3A_447, %dma_wait3A_624] : memref<8x128xi32, #tpu.memory_space<vmem>> -> memref<1x128xi32, #tpu.memory_space<vmem>>
      %dma_wait3A_626 = tpu.memref_squeeze %dma_wait3A_625 : memref<1x128xi32, #tpu.memory_space<vmem>> -> memref<128xi32, #tpu.memory_space<vmem>>
      %dma_wait3A_627 = arith.constant 0 : i32
      %dma_wait3A_628 = arith.constant 0 : i32
      %dma_wait3A_629 = tpu.memref_slice %arg12[%dma_wait3A_627, %dma_wait3A_628] : memref<10240x128xf32, #tpu.memory_space<vmem_shared>> -> memref<10240x128xf32, #tpu.memory_space<vmem_shared>>
      tpu.wait_indirect_dma semaphore(%run_scoped3A_617 : memref<!tpu.dma_semaphore, #tpu.memory_space<semaphore_mem>>) src(%arg11 : memref<128x128xf32, #tpu.memory_space<vmem>>) dst(%dma_wait3A_629 : memref<10240x128xf32, #tpu.memory_space<vmem_shared>>)
      tpu.yield
    }) : () -> ()
    %add3A_448 = arith.constant 64 : i32
    %add3A_449 = arith.addi %mul3A_4, %add3A_448 : i32
    %dma_start3A_450 = arith.constant 0 : i32
    %dma_start3A_451 = tpu.memref_slice %arg3[%add3A_449, %dma_start3A_450] : memref<2560x128xi32, #tpu.memory_space<hbm>> -> memref<8x128xi32, #tpu.memory_space<hbm>>
    %dma_start3A_452 = arith.constant 0 : i32
    %dma_start3A_453 = tpu.memref_slice %arg3[%add3A_449, %dma_start3A_452] : memref<2560x128xi32, #tpu.memory_space<hbm>> -> memref<8x128xi32, #tpu.memory_space<hbm>>
    tpu.enqueue_dma source(%dma_start3A_453 : memref<8x128xi32, #tpu.memory_space<hbm>>) target(%arg6 : memref<8x128xi32, #tpu.memory_space<vmem>>) target_semaphore(%arg15 : memref<!tpu.dma_semaphore, #tpu.memory_space<semaphore_mem>>)
    %dma_start3A_454 = arith.constant 0 : i32
    %dma_start3A_455 = tpu.memref_slice %arg4[%add3A_449, %dma_start3A_454] : memref<2560x128xi32, #tpu.memory_space<hbm>> -> memref<8x128xi32, #tpu.memory_space<hbm>>
    %dma_start3A_456 = arith.constant 0 : i32
    %dma_start3A_457 = tpu.memref_slice %arg4[%add3A_449, %dma_start3A_456] : memref<2560x128xi32, #tpu.memory_space<hbm>> -> memref<8x128xi32, #tpu.memory_space<hbm>>
    tpu.enqueue_dma source(%dma_start3A_457 : memref<8x128xi32, #tpu.memory_space<hbm>>) target(%arg7 : memref<8x128xi32, #tpu.memory_space<vmem>>) target_semaphore(%arg15 : memref<!tpu.dma_semaphore, #tpu.memory_space<semaphore_mem>>)
    %scan3A_458 = arith.constant 0 : i32
    %scan3A_459 = arith.constant 0 : i32
    %scan3A_460 = arith.constant 3 : i32
    %scan3A_461 = arith.addi %scan3A_459, %scan3A_460 : i32
    %scan3A_462 = arith.constant 1 : i32
    %scan3A_463 = scf.for %scan3A_617 = %scan3A_459 to %scan3A_461 step %scan3A_462 iter_args(%scan3A_618 = %scan3A_458) -> (i32)  : i32 {
      %mul3A_619 = arith.constant 2 : i32
      %mul3A_620 = arith.muli %mul3A_619, %scan3A_617 : i32
      %add3A_621 = arith.constant 1 : i32
      %add3A_622 = arith.addi %mul3A_620, %add3A_621 : i32
      %dma_start3A_623 = arith.constant 0 : i32
      %dma_start3A_624 = tpu.memref_slice %arg8[%add3A_622, %dma_start3A_623] : memref<8x128xi32, #tpu.memory_space<vmem>> -> memref<1x128xi32, #tpu.memory_space<vmem>>
      %dma_start3A_625 = tpu.memref_squeeze %dma_start3A_624 : memref<1x128xi32, #tpu.memory_space<vmem>> -> memref<128xi32, #tpu.memory_space<vmem>>
      %dma_start3A_626 = arith.constant 0 : i32
      %dma_start3A_627 = arith.constant 0 : i32
      %dma_start3A_628 = tpu.memref_slice %arg2[%dma_start3A_626, %dma_start3A_627] : memref<10000x128xf32, #tpu.memory_space<hbm>> -> memref<10000x128xf32, #tpu.memory_space<hbm>>
      tpu.enqueue_indirect_dma source(%dma_start3A_628 : memref<10000x128xf32, #tpu.memory_space<hbm>>) target(%arg11 : memref<128x128xf32, #tpu.memory_space<vmem>>) offsets(%dma_start3A_625 : memref<128xi32, #tpu.memory_space<vmem>>) semaphore(%arg14 : memref<!tpu.dma_semaphore, #tpu.memory_space<semaphore_mem>>)
      %dma_wait3A_629 = arith.constant 0 : i32
      %dma_wait3A_630 = tpu.memref_slice %arg8[%mul3A_620, %dma_wait3A_629] : memref<8x128xi32, #tpu.memory_space<vmem>> -> memref<1x128xi32, #tpu.memory_space<vmem>>
      %dma_wait3A_631 = tpu.memref_squeeze %dma_wait3A_630 : memref<1x128xi32, #tpu.memory_space<vmem>> -> memref<128xi32, #tpu.memory_space<vmem>>
      %dma_wait3A_632 = arith.constant 0 : i32
      %dma_wait3A_633 = arith.constant 0 : i32
      %dma_wait3A_634 = tpu.memref_slice %arg2[%dma_wait3A_632, %dma_wait3A_633] : memref<10000x128xf32, #tpu.memory_space<hbm>> -> memref<10000x128xf32, #tpu.memory_space<hbm>>
      tpu.wait_indirect_dma semaphore(%arg13 : memref<!tpu.dma_semaphore, #tpu.memory_space<semaphore_mem>>) src(%dma_wait3A_634 : memref<10000x128xf32, #tpu.memory_space<hbm>>) dst(%arg10 : memref<128x128xf32, #tpu.memory_space<vmem>>)
      "tpu.region"() ({
        %run_scoped3A_654 = tpu.sem_alloc : memref<!tpu.dma_semaphore, #tpu.memory_space<semaphore_mem>>
        %dma_start3A_655 = arith.constant 0 : i32
        %dma_start3A_656 = tpu.memref_slice %arg9[%mul3A_620, %dma_start3A_655] : memref<8x128xi32, #tpu.memory_space<vmem>> -> memref<1x128xi32, #tpu.memory_space<vmem>>
        %dma_start3A_657 = tpu.memref_squeeze %dma_start3A_656 : memref<1x128xi32, #tpu.memory_space<vmem>> -> memref<128xi32, #tpu.memory_space<vmem>>
        %dma_start3A_658 = arith.constant 0 : i32
        %dma_start3A_659 = arith.constant 0 : i32
        %dma_start3A_660 = tpu.memref_slice %arg12[%dma_start3A_658, %dma_start3A_659] : memref<10240x128xf32, #tpu.memory_space<vmem_shared>> -> memref<10240x128xf32, #tpu.memory_space<vmem_shared>>
        tpu.enqueue_indirect_dma source(%arg10 : memref<128x128xf32, #tpu.memory_space<vmem>>) target(%dma_start3A_660 : memref<10240x128xf32, #tpu.memory_space<vmem_shared>>) offsets(%dma_start3A_657 : memref<128xi32, #tpu.memory_space<vmem>>) semaphore(%run_scoped3A_654 : memref<!tpu.dma_semaphore, #tpu.memory_space<semaphore_mem>>) {add = true}
        %dma_wait3A_661 = arith.constant 0 : i32
        %dma_wait3A_662 = tpu.memref_slice %arg9[%mul3A_620, %dma_wait3A_661] : memref<8x128xi32, #tpu.memory_space<vmem>> -> memref<1x128xi32, #tpu.memory_space<vmem>>
        %dma_wait3A_663 = tpu.memref_squeeze %dma_wait3A_662 : memref<1x128xi32, #tpu.memory_space<vmem>> -> memref<128xi32, #tpu.memory_space<vmem>>
        %dma_wait3A_664 = arith.constant 0 : i32
        %dma_wait3A_665 = arith.constant 0 : i32
        %dma_wait3A_666 = tpu.memref_slice %arg12[%dma_wait3A_664, %dma_wait3A_665] : memref<10240x128xf32, #tpu.memory_space<vmem_shared>> -> memref<10240x128xf32, #tpu.memory_space<vmem_shared>>
        tpu.wait_indirect_dma semaphore(%run_scoped3A_654 : memref<!tpu.dma_semaphore, #tpu.memory_space<semaphore_mem>>) src(%arg10 : memref<128x128xf32, #tpu.memory_space<vmem>>) dst(%dma_wait3A_666 : memref<10240x128xf32, #tpu.memory_space<vmem_shared>>)
        tpu.yield
      }) : () -> ()
      %add3A_635 = arith.constant 2 : i32
      %add3A_636 = arith.addi %mul3A_620, %add3A_635 : i32
      %dma_start3A_637 = arith.constant 0 : i32
      %dma_start3A_638 = tpu.memref_slice %arg8[%add3A_636, %dma_start3A_637] : memref<8x128xi32, #tpu.memory_space<vmem>> -> memref<1x128xi32, #tpu.memory_space<vmem>>
      %dma_start3A_639 = tpu.memref_squeeze %dma_start3A_638 : memref<1x128xi32, #tpu.memory_space<vmem>> -> memref<128xi32, #tpu.memory_space<vmem>>
      %dma_start3A_640 = arith.constant 0 : i32
      %dma_start3A_641 = arith.constant 0 : i32
      %dma_start3A_642 = tpu.memref_slice %arg2[%dma_start3A_640, %dma_start3A_641] : memref<10000x128xf32, #tpu.memory_space<hbm>> -> memref<10000x128xf32, #tpu.memory_space<hbm>>
      tpu.enqueue_indirect_dma source(%dma_start3A_642 : memref<10000x128xf32, #tpu.memory_space<hbm>>) target(%arg10 : memref<128x128xf32, #tpu.memory_space<vmem>>) offsets(%dma_start3A_639 : memref<128xi32, #tpu.memory_space<vmem>>) semaphore(%arg13 : memref<!tpu.dma_semaphore, #tpu.memory_space<semaphore_mem>>)
      %add3A_643 = arith.constant 1 : i32
      %add3A_644 = arith.addi %mul3A_620, %add3A_643 : i32
      %dma_wait3A_645 = arith.constant 0 : i32
      %dma_wait3A_646 = tpu.memref_slice %arg8[%add3A_644, %dma_wait3A_645] : memref<8x128xi32, #tpu.memory_space<vmem>> -> memref<1x128xi32, #tpu.memory_space<vmem>>
      %dma_wait3A_647 = tpu.memref_squeeze %dma_wait3A_646 : memref<1x128xi32, #tpu.memory_space<vmem>> -> memref<128xi32, #tpu.memory_space<vmem>>
      %dma_wait3A_648 = arith.constant 0 : i32
      %dma_wait3A_649 = arith.constant 0 : i32
      %dma_wait3A_650 = tpu.memref_slice %arg2[%dma_wait3A_648, %dma_wait3A_649] : memref<10000x128xf32, #tpu.memory_space<hbm>> -> memref<10000x128xf32, #tpu.memory_space<hbm>>
      tpu.wait_indirect_dma semaphore(%arg14 : memref<!tpu.dma_semaphore, #tpu.memory_space<semaphore_mem>>) src(%dma_wait3A_650 : memref<10000x128xf32, #tpu.memory_space<hbm>>) dst(%arg11 : memref<128x128xf32, #tpu.memory_space<vmem>>)
      %add3A_651 = arith.constant 1 : i32
      %add3A_652 = arith.addi %mul3A_620, %add3A_651 : i32
      "tpu.region"() ({
        %run_scoped3A_654 = tpu.sem_alloc : memref<!tpu.dma_semaphore, #tpu.memory_space<semaphore_mem>>
        %dma_start3A_655 = arith.constant 0 : i32
        %dma_start3A_656 = tpu.memref_slice %arg9[%add3A_652, %dma_start3A_655] : memref<8x128xi32, #tpu.memory_space<vmem>> -> memref<1x128xi32, #tpu.memory_space<vmem>>
        %dma_start3A_657 = tpu.memref_squeeze %dma_start3A_656 : memref<1x128xi32, #tpu.memory_space<vmem>> -> memref<128xi32, #tpu.memory_space<vmem>>
        %dma_start3A_658 = arith.constant 0 : i32
        %dma_start3A_659 = arith.constant 0 : i32
        %dma_start3A_660 = tpu.memref_slice %arg12[%dma_start3A_658, %dma_start3A_659] : memref<10240x128xf32, #tpu.memory_space<vmem_shared>> -> memref<10240x128xf32, #tpu.memory_space<vmem_shared>>
        tpu.enqueue_indirect_dma source(%arg11 : memref<128x128xf32, #tpu.memory_space<vmem>>) target(%dma_start3A_660 : memref<10240x128xf32, #tpu.memory_space<vmem_shared>>) offsets(%dma_start3A_657 : memref<128xi32, #tpu.memory_space<vmem>>) semaphore(%run_scoped3A_654 : memref<!tpu.dma_semaphore, #tpu.memory_space<semaphore_mem>>) {add = true}
        %dma_wait3A_661 = arith.constant 0 : i32
        %dma_wait3A_662 = tpu.memref_slice %arg9[%add3A_652, %dma_wait3A_661] : memref<8x128xi32, #tpu.memory_space<vmem>> -> memref<1x128xi32, #tpu.memory_space<vmem>>
        %dma_wait3A_663 = tpu.memref_squeeze %dma_wait3A_662 : memref<1x128xi32, #tpu.memory_space<vmem>> -> memref<128xi32, #tpu.memory_space<vmem>>
        %dma_wait3A_664 = arith.constant 0 : i32
        %dma_wait3A_665 = arith.constant 0 : i32
        %dma_wait3A_666 = tpu.memref_slice %arg12[%dma_wait3A_664, %dma_wait3A_665] : memref<10240x128xf32, #tpu.memory_space<vmem_shared>> -> memref<10240x128xf32, #tpu.memory_space<vmem_shared>>
        tpu.wait_indirect_dma semaphore(%run_scoped3A_654 : memref<!tpu.dma_semaphore, #tpu.memory_space<semaphore_mem>>) src(%arg11 : memref<128x128xf32, #tpu.memory_space<vmem>>) dst(%dma_wait3A_666 : memref<10240x128xf32, #tpu.memory_space<vmem_shared>>)
        tpu.yield
      }) : () -> ()
      %scan3A_653 = arith.constant 0 : i32
      scf.yield %scan3A_653 : i32
    }
    %scan3A_464 = arith.constant 3 : i32
    %dma_start3A_465 = arith.constant 7 : i32
    %dma_start3A_466 = arith.constant 0 : i32
    %dma_start3A_467 = tpu.memref_slice %arg8[%dma_start3A_465, %dma_start3A_466] : memref<8x128xi32, #tpu.memory_space<vmem>> -> memref<1x128xi32, #tpu.memory_space<vmem>>
    %dma_start3A_468 = tpu.memref_squeeze %dma_start3A_467 : memref<1x128xi32, #tpu.memory_space<vmem>> -> memref<128xi32, #tpu.memory_space<vmem>>
    %dma_start3A_469 = arith.constant 0 : i32
    %dma_start3A_470 = arith.constant 0 : i32
    %dma_start3A_471 = tpu.memref_slice %arg2[%dma_start3A_469, %dma_start3A_470] : memref<10000x128xf32, #tpu.memory_space<hbm>> -> memref<10000x128xf32, #tpu.memory_space<hbm>>
    tpu.enqueue_indirect_dma source(%dma_start3A_471 : memref<10000x128xf32, #tpu.memory_space<hbm>>) target(%arg11 : memref<128x128xf32, #tpu.memory_space<vmem>>) offsets(%dma_start3A_468 : memref<128xi32, #tpu.memory_space<vmem>>) semaphore(%arg14 : memref<!tpu.dma_semaphore, #tpu.memory_space<semaphore_mem>>)
    %dma_wait3A_472 = arith.constant 6 : i32
    %dma_wait3A_473 = arith.constant 0 : i32
    %dma_wait3A_474 = tpu.memref_slice %arg8[%dma_wait3A_472, %dma_wait3A_473] : memref<8x128xi32, #tpu.memory_space<vmem>> -> memref<1x128xi32, #tpu.memory_space<vmem>>
    %dma_wait3A_475 = tpu.memref_squeeze %dma_wait3A_474 : memref<1x128xi32, #tpu.memory_space<vmem>> -> memref<128xi32, #tpu.memory_space<vmem>>
    %dma_wait3A_476 = arith.constant 0 : i32
    %dma_wait3A_477 = arith.constant 0 : i32
    %dma_wait3A_478 = tpu.memref_slice %arg2[%dma_wait3A_476, %dma_wait3A_477] : memref<10000x128xf32, #tpu.memory_space<hbm>> -> memref<10000x128xf32, #tpu.memory_space<hbm>>
    tpu.wait_indirect_dma semaphore(%arg13 : memref<!tpu.dma_semaphore, #tpu.memory_space<semaphore_mem>>) src(%dma_wait3A_478 : memref<10000x128xf32, #tpu.memory_space<hbm>>) dst(%arg10 : memref<128x128xf32, #tpu.memory_space<vmem>>)
    %run_scoped3A_479 = arith.constant 6 : i32
    "tpu.region"() ({
      %run_scoped3A_617 = tpu.sem_alloc : memref<!tpu.dma_semaphore, #tpu.memory_space<semaphore_mem>>
      %dma_start3A_618 = arith.constant 0 : i32
      %dma_start3A_619 = tpu.memref_slice %arg9[%run_scoped3A_479, %dma_start3A_618] : memref<8x128xi32, #tpu.memory_space<vmem>> -> memref<1x128xi32, #tpu.memory_space<vmem>>
      %dma_start3A_620 = tpu.memref_squeeze %dma_start3A_619 : memref<1x128xi32, #tpu.memory_space<vmem>> -> memref<128xi32, #tpu.memory_space<vmem>>
      %dma_start3A_621 = arith.constant 0 : i32
      %dma_start3A_622 = arith.constant 0 : i32
      %dma_start3A_623 = tpu.memref_slice %arg12[%dma_start3A_621, %dma_start3A_622] : memref<10240x128xf32, #tpu.memory_space<vmem_shared>> -> memref<10240x128xf32, #tpu.memory_space<vmem_shared>>
      tpu.enqueue_indirect_dma source(%arg10 : memref<128x128xf32, #tpu.memory_space<vmem>>) target(%dma_start3A_623 : memref<10240x128xf32, #tpu.memory_space<vmem_shared>>) offsets(%dma_start3A_620 : memref<128xi32, #tpu.memory_space<vmem>>) semaphore(%run_scoped3A_617 : memref<!tpu.dma_semaphore, #tpu.memory_space<semaphore_mem>>) {add = true}
      %dma_wait3A_624 = arith.constant 0 : i32
      %dma_wait3A_625 = tpu.memref_slice %arg9[%run_scoped3A_479, %dma_wait3A_624] : memref<8x128xi32, #tpu.memory_space<vmem>> -> memref<1x128xi32, #tpu.memory_space<vmem>>
      %dma_wait3A_626 = tpu.memref_squeeze %dma_wait3A_625 : memref<1x128xi32, #tpu.memory_space<vmem>> -> memref<128xi32, #tpu.memory_space<vmem>>
      %dma_wait3A_627 = arith.constant 0 : i32
      %dma_wait3A_628 = arith.constant 0 : i32
      %dma_wait3A_629 = tpu.memref_slice %arg12[%dma_wait3A_627, %dma_wait3A_628] : memref<10240x128xf32, #tpu.memory_space<vmem_shared>> -> memref<10240x128xf32, #tpu.memory_space<vmem_shared>>
      tpu.wait_indirect_dma semaphore(%run_scoped3A_617 : memref<!tpu.dma_semaphore, #tpu.memory_space<semaphore_mem>>) src(%arg10 : memref<128x128xf32, #tpu.memory_space<vmem>>) dst(%dma_wait3A_629 : memref<10240x128xf32, #tpu.memory_space<vmem_shared>>)
      tpu.yield
    }) : () -> ()
    %dma_wait3A_480 = arith.constant 0 : i32
    %dma_wait3A_481 = arith.constant 0 : i32
    %dma_wait3A_482 = tpu.memref_slice %arg3[%dma_wait3A_480, %dma_wait3A_481] : memref<2560x128xi32, #tpu.memory_space<hbm>> -> memref<8x128xi32, #tpu.memory_space<hbm>>
    %dma_wait3A_483 = arith.constant 0 : i32
    %dma_wait3A_484 = arith.constant 0 : i32
    %dma_wait3A_485 = tpu.memref_slice %arg3[%dma_wait3A_483, %dma_wait3A_484] : memref<2560x128xi32, #tpu.memory_space<hbm>> -> memref<8x128xi32, #tpu.memory_space<hbm>>
    tpu.wait_dma2 semaphore(%arg15 : memref<!tpu.dma_semaphore, #tpu.memory_space<semaphore_mem>>) src(%dma_wait3A_485 : memref<8x128xi32, #tpu.memory_space<hbm>>) dst(%arg6 : memref<8x128xi32, #tpu.memory_space<vmem>>)
    %dma_wait3A_486 = arith.constant 0 : i32
    %dma_wait3A_487 = arith.constant 0 : i32
    %dma_wait3A_488 = tpu.memref_slice %arg4[%dma_wait3A_486, %dma_wait3A_487] : memref<2560x128xi32, #tpu.memory_space<hbm>> -> memref<8x128xi32, #tpu.memory_space<hbm>>
    %dma_wait3A_489 = arith.constant 0 : i32
    %dma_wait3A_490 = arith.constant 0 : i32
    %dma_wait3A_491 = tpu.memref_slice %arg4[%dma_wait3A_489, %dma_wait3A_490] : memref<2560x128xi32, #tpu.memory_space<hbm>> -> memref<8x128xi32, #tpu.memory_space<hbm>>
    tpu.wait_dma2 semaphore(%arg15 : memref<!tpu.dma_semaphore, #tpu.memory_space<semaphore_mem>>) src(%dma_wait3A_491 : memref<8x128xi32, #tpu.memory_space<hbm>>) dst(%arg7 : memref<8x128xi32, #tpu.memory_space<vmem>>)
    %dma_start3A_492 = arith.constant 0 : i32
    %dma_start3A_493 = arith.constant 0 : i32
    %dma_start3A_494 = tpu.memref_slice %arg6[%dma_start3A_492, %dma_start3A_493] : memref<8x128xi32, #tpu.memory_space<vmem>> -> memref<1x128xi32, #tpu.memory_space<vmem>>
    %dma_start3A_495 = tpu.memref_squeeze %dma_start3A_494 : memref<1x128xi32, #tpu.memory_space<vmem>> -> memref<128xi32, #tpu.memory_space<vmem>>
    %dma_start3A_496 = arith.constant 0 : i32
    %dma_start3A_497 = arith.constant 0 : i32
    %dma_start3A_498 = tpu.memref_slice %arg2[%dma_start3A_496, %dma_start3A_497] : memref<10000x128xf32, #tpu.memory_space<hbm>> -> memref<10000x128xf32, #tpu.memory_space<hbm>>
    tpu.enqueue_indirect_dma source(%dma_start3A_498 : memref<10000x128xf32, #tpu.memory_space<hbm>>) target(%arg10 : memref<128x128xf32, #tpu.memory_space<vmem>>) offsets(%dma_start3A_495 : memref<128xi32, #tpu.memory_space<vmem>>) semaphore(%arg13 : memref<!tpu.dma_semaphore, #tpu.memory_space<semaphore_mem>>)
    %dma_wait3A_499 = arith.constant 7 : i32
    %dma_wait3A_500 = arith.constant 0 : i32
    %dma_wait3A_501 = tpu.memref_slice %arg8[%dma_wait3A_499, %dma_wait3A_500] : memref<8x128xi32, #tpu.memory_space<vmem>> -> memref<1x128xi32, #tpu.memory_space<vmem>>
    %dma_wait3A_502 = tpu.memref_squeeze %dma_wait3A_501 : memref<1x128xi32, #tpu.memory_space<vmem>> -> memref<128xi32, #tpu.memory_space<vmem>>
    %dma_wait3A_503 = arith.constant 0 : i32
    %dma_wait3A_504 = arith.constant 0 : i32
    %dma_wait3A_505 = tpu.memref_slice %arg2[%dma_wait3A_503, %dma_wait3A_504] : memref<10000x128xf32, #tpu.memory_space<hbm>> -> memref<10000x128xf32, #tpu.memory_space<hbm>>
    tpu.wait_indirect_dma semaphore(%arg14 : memref<!tpu.dma_semaphore, #tpu.memory_space<semaphore_mem>>) src(%dma_wait3A_505 : memref<10000x128xf32, #tpu.memory_space<hbm>>) dst(%arg11 : memref<128x128xf32, #tpu.memory_space<vmem>>)
    %run_scoped3A_506 = arith.constant 7 : i32
    "tpu.region"() ({
      %run_scoped3A_617 = tpu.sem_alloc : memref<!tpu.dma_semaphore, #tpu.memory_space<semaphore_mem>>
      %dma_start3A_618 = arith.constant 0 : i32
      %dma_start3A_619 = tpu.memref_slice %arg9[%run_scoped3A_506, %dma_start3A_618] : memref<8x128xi32, #tpu.memory_space<vmem>> -> memref<1x128xi32, #tpu.memory_space<vmem>>
      %dma_start3A_620 = tpu.memref_squeeze %dma_start3A_619 : memref<1x128xi32, #tpu.memory_space<vmem>> -> memref<128xi32, #tpu.memory_space<vmem>>
      %dma_start3A_621 = arith.constant 0 : i32
      %dma_start3A_622 = arith.constant 0 : i32
      %dma_start3A_623 = tpu.memref_slice %arg12[%dma_start3A_621, %dma_start3A_622] : memref<10240x128xf32, #tpu.memory_space<vmem_shared>> -> memref<10240x128xf32, #tpu.memory_space<vmem_shared>>
      tpu.enqueue_indirect_dma source(%arg11 : memref<128x128xf32, #tpu.memory_space<vmem>>) target(%dma_start3A_623 : memref<10240x128xf32, #tpu.memory_space<vmem_shared>>) offsets(%dma_start3A_620 : memref<128xi32, #tpu.memory_space<vmem>>) semaphore(%run_scoped3A_617 : memref<!tpu.dma_semaphore, #tpu.memory_space<semaphore_mem>>) {add = true}
      %dma_wait3A_624 = arith.constant 0 : i32
      %dma_wait3A_625 = tpu.memref_slice %arg9[%run_scoped3A_506, %dma_wait3A_624] : memref<8x128xi32, #tpu.memory_space<vmem>> -> memref<1x128xi32, #tpu.memory_space<vmem>>
      %dma_wait3A_626 = tpu.memref_squeeze %dma_wait3A_625 : memref<1x128xi32, #tpu.memory_space<vmem>> -> memref<128xi32, #tpu.memory_space<vmem>>
      %dma_wait3A_627 = arith.constant 0 : i32
      %dma_wait3A_628 = arith.constant 0 : i32
      %dma_wait3A_629 = tpu.memref_slice %arg12[%dma_wait3A_627, %dma_wait3A_628] : memref<10240x128xf32, #tpu.memory_space<vmem_shared>> -> memref<10240x128xf32, #tpu.memory_space<vmem_shared>>
      tpu.wait_indirect_dma semaphore(%run_scoped3A_617 : memref<!tpu.dma_semaphore, #tpu.memory_space<semaphore_mem>>) src(%arg11 : memref<128x128xf32, #tpu.memory_space<vmem>>) dst(%dma_wait3A_629 : memref<10240x128xf32, #tpu.memory_space<vmem_shared>>)
      tpu.yield
    }) : () -> ()
    %add3A_507 = arith.constant 72 : i32
    %add3A_508 = arith.addi %mul3A_4, %add3A_507 : i32
    %dma_start3A_509 = arith.constant 0 : i32
    %dma_start3A_510 = tpu.memref_slice %arg3[%add3A_508, %dma_start3A_509] : memref<2560x128xi32, #tpu.memory_space<hbm>> -> memref<8x128xi32, #tpu.memory_space<hbm>>
    %dma_start3A_511 = arith.constant 0 : i32
    %dma_start3A_512 = tpu.memref_slice %arg3[%add3A_508, %dma_start3A_511] : memref<2560x128xi32, #tpu.memory_space<hbm>> -> memref<8x128xi32, #tpu.memory_space<hbm>>
    tpu.enqueue_dma source(%dma_start3A_512 : memref<8x128xi32, #tpu.memory_space<hbm>>) target(%arg8 : memref<8x128xi32, #tpu.memory_space<vmem>>) target_semaphore(%arg15 : memref<!tpu.dma_semaphore, #tpu.memory_space<semaphore_mem>>)
    %dma_start3A_513 = arith.constant 0 : i32
    %dma_start3A_514 = tpu.memref_slice %arg4[%add3A_508, %dma_start3A_513] : memref<2560x128xi32, #tpu.memory_space<hbm>> -> memref<8x128xi32, #tpu.memory_space<hbm>>
    %dma_start3A_515 = arith.constant 0 : i32
    %dma_start3A_516 = tpu.memref_slice %arg4[%add3A_508, %dma_start3A_515] : memref<2560x128xi32, #tpu.memory_space<hbm>> -> memref<8x128xi32, #tpu.memory_space<hbm>>
    tpu.enqueue_dma source(%dma_start3A_516 : memref<8x128xi32, #tpu.memory_space<hbm>>) target(%arg9 : memref<8x128xi32, #tpu.memory_space<vmem>>) target_semaphore(%arg15 : memref<!tpu.dma_semaphore, #tpu.memory_space<semaphore_mem>>)
    %scan3A_517 = arith.constant 0 : i32
    %scan3A_518 = arith.constant 0 : i32
    %scan3A_519 = arith.constant 3 : i32
    %scan3A_520 = arith.addi %scan3A_518, %scan3A_519 : i32
    %scan3A_521 = arith.constant 1 : i32
    %scan3A_522 = scf.for %scan3A_617 = %scan3A_518 to %scan3A_520 step %scan3A_521 iter_args(%scan3A_618 = %scan3A_517) -> (i32)  : i32 {
      %mul3A_619 = arith.constant 2 : i32
      %mul3A_620 = arith.muli %mul3A_619, %scan3A_617 : i32
      %add3A_621 = arith.constant 1 : i32
      %add3A_622 = arith.addi %mul3A_620, %add3A_621 : i32
      %dma_start3A_623 = arith.constant 0 : i32
      %dma_start3A_624 = tpu.memref_slice %arg6[%add3A_622, %dma_start3A_623] : memref<8x128xi32, #tpu.memory_space<vmem>> -> memref<1x128xi32, #tpu.memory_space<vmem>>
      %dma_start3A_625 = tpu.memref_squeeze %dma_start3A_624 : memref<1x128xi32, #tpu.memory_space<vmem>> -> memref<128xi32, #tpu.memory_space<vmem>>
      %dma_start3A_626 = arith.constant 0 : i32
      %dma_start3A_627 = arith.constant 0 : i32
      %dma_start3A_628 = tpu.memref_slice %arg2[%dma_start3A_626, %dma_start3A_627] : memref<10000x128xf32, #tpu.memory_space<hbm>> -> memref<10000x128xf32, #tpu.memory_space<hbm>>
      tpu.enqueue_indirect_dma source(%dma_start3A_628 : memref<10000x128xf32, #tpu.memory_space<hbm>>) target(%arg11 : memref<128x128xf32, #tpu.memory_space<vmem>>) offsets(%dma_start3A_625 : memref<128xi32, #tpu.memory_space<vmem>>) semaphore(%arg14 : memref<!tpu.dma_semaphore, #tpu.memory_space<semaphore_mem>>)
      %dma_wait3A_629 = arith.constant 0 : i32
      %dma_wait3A_630 = tpu.memref_slice %arg6[%mul3A_620, %dma_wait3A_629] : memref<8x128xi32, #tpu.memory_space<vmem>> -> memref<1x128xi32, #tpu.memory_space<vmem>>
      %dma_wait3A_631 = tpu.memref_squeeze %dma_wait3A_630 : memref<1x128xi32, #tpu.memory_space<vmem>> -> memref<128xi32, #tpu.memory_space<vmem>>
      %dma_wait3A_632 = arith.constant 0 : i32
      %dma_wait3A_633 = arith.constant 0 : i32
      %dma_wait3A_634 = tpu.memref_slice %arg2[%dma_wait3A_632, %dma_wait3A_633] : memref<10000x128xf32, #tpu.memory_space<hbm>> -> memref<10000x128xf32, #tpu.memory_space<hbm>>
      tpu.wait_indirect_dma semaphore(%arg13 : memref<!tpu.dma_semaphore, #tpu.memory_space<semaphore_mem>>) src(%dma_wait3A_634 : memref<10000x128xf32, #tpu.memory_space<hbm>>) dst(%arg10 : memref<128x128xf32, #tpu.memory_space<vmem>>)
      "tpu.region"() ({
        %run_scoped3A_654 = tpu.sem_alloc : memref<!tpu.dma_semaphore, #tpu.memory_space<semaphore_mem>>
        %dma_start3A_655 = arith.constant 0 : i32
        %dma_start3A_656 = tpu.memref_slice %arg7[%mul3A_620, %dma_start3A_655] : memref<8x128xi32, #tpu.memory_space<vmem>> -> memref<1x128xi32, #tpu.memory_space<vmem>>
        %dma_start3A_657 = tpu.memref_squeeze %dma_start3A_656 : memref<1x128xi32, #tpu.memory_space<vmem>> -> memref<128xi32, #tpu.memory_space<vmem>>
        %dma_start3A_658 = arith.constant 0 : i32
        %dma_start3A_659 = arith.constant 0 : i32
        %dma_start3A_660 = tpu.memref_slice %arg12[%dma_start3A_658, %dma_start3A_659] : memref<10240x128xf32, #tpu.memory_space<vmem_shared>> -> memref<10240x128xf32, #tpu.memory_space<vmem_shared>>
        tpu.enqueue_indirect_dma source(%arg10 : memref<128x128xf32, #tpu.memory_space<vmem>>) target(%dma_start3A_660 : memref<10240x128xf32, #tpu.memory_space<vmem_shared>>) offsets(%dma_start3A_657 : memref<128xi32, #tpu.memory_space<vmem>>) semaphore(%run_scoped3A_654 : memref<!tpu.dma_semaphore, #tpu.memory_space<semaphore_mem>>) {add = true}
        %dma_wait3A_661 = arith.constant 0 : i32
        %dma_wait3A_662 = tpu.memref_slice %arg7[%mul3A_620, %dma_wait3A_661] : memref<8x128xi32, #tpu.memory_space<vmem>> -> memref<1x128xi32, #tpu.memory_space<vmem>>
        %dma_wait3A_663 = tpu.memref_squeeze %dma_wait3A_662 : memref<1x128xi32, #tpu.memory_space<vmem>> -> memref<128xi32, #tpu.memory_space<vmem>>
        %dma_wait3A_664 = arith.constant 0 : i32
        %dma_wait3A_665 = arith.constant 0 : i32
        %dma_wait3A_666 = tpu.memref_slice %arg12[%dma_wait3A_664, %dma_wait3A_665] : memref<10240x128xf32, #tpu.memory_space<vmem_shared>> -> memref<10240x128xf32, #tpu.memory_space<vmem_shared>>
        tpu.wait_indirect_dma semaphore(%run_scoped3A_654 : memref<!tpu.dma_semaphore, #tpu.memory_space<semaphore_mem>>) src(%arg10 : memref<128x128xf32, #tpu.memory_space<vmem>>) dst(%dma_wait3A_666 : memref<10240x128xf32, #tpu.memory_space<vmem_shared>>)
        tpu.yield
      }) : () -> ()
      %add3A_635 = arith.constant 2 : i32
      %add3A_636 = arith.addi %mul3A_620, %add3A_635 : i32
      %dma_start3A_637 = arith.constant 0 : i32
      %dma_start3A_638 = tpu.memref_slice %arg6[%add3A_636, %dma_start3A_637] : memref<8x128xi32, #tpu.memory_space<vmem>> -> memref<1x128xi32, #tpu.memory_space<vmem>>
      %dma_start3A_639 = tpu.memref_squeeze %dma_start3A_638 : memref<1x128xi32, #tpu.memory_space<vmem>> -> memref<128xi32, #tpu.memory_space<vmem>>
      %dma_start3A_640 = arith.constant 0 : i32
      %dma_start3A_641 = arith.constant 0 : i32
      %dma_start3A_642 = tpu.memref_slice %arg2[%dma_start3A_640, %dma_start3A_641] : memref<10000x128xf32, #tpu.memory_space<hbm>> -> memref<10000x128xf32, #tpu.memory_space<hbm>>
      tpu.enqueue_indirect_dma source(%dma_start3A_642 : memref<10000x128xf32, #tpu.memory_space<hbm>>) target(%arg10 : memref<128x128xf32, #tpu.memory_space<vmem>>) offsets(%dma_start3A_639 : memref<128xi32, #tpu.memory_space<vmem>>) semaphore(%arg13 : memref<!tpu.dma_semaphore, #tpu.memory_space<semaphore_mem>>)
      %add3A_643 = arith.constant 1 : i32
      %add3A_644 = arith.addi %mul3A_620, %add3A_643 : i32
      %dma_wait3A_645 = arith.constant 0 : i32
      %dma_wait3A_646 = tpu.memref_slice %arg6[%add3A_644, %dma_wait3A_645] : memref<8x128xi32, #tpu.memory_space<vmem>> -> memref<1x128xi32, #tpu.memory_space<vmem>>
      %dma_wait3A_647 = tpu.memref_squeeze %dma_wait3A_646 : memref<1x128xi32, #tpu.memory_space<vmem>> -> memref<128xi32, #tpu.memory_space<vmem>>
      %dma_wait3A_648 = arith.constant 0 : i32
      %dma_wait3A_649 = arith.constant 0 : i32
      %dma_wait3A_650 = tpu.memref_slice %arg2[%dma_wait3A_648, %dma_wait3A_649] : memref<10000x128xf32, #tpu.memory_space<hbm>> -> memref<10000x128xf32, #tpu.memory_space<hbm>>
      tpu.wait_indirect_dma semaphore(%arg14 : memref<!tpu.dma_semaphore, #tpu.memory_space<semaphore_mem>>) src(%dma_wait3A_650 : memref<10000x128xf32, #tpu.memory_space<hbm>>) dst(%arg11 : memref<128x128xf32, #tpu.memory_space<vmem>>)
      %add3A_651 = arith.constant 1 : i32
      %add3A_652 = arith.addi %mul3A_620, %add3A_651 : i32
      "tpu.region"() ({
        %run_scoped3A_654 = tpu.sem_alloc : memref<!tpu.dma_semaphore, #tpu.memory_space<semaphore_mem>>
        %dma_start3A_655 = arith.constant 0 : i32
        %dma_start3A_656 = tpu.memref_slice %arg7[%add3A_652, %dma_start3A_655] : memref<8x128xi32, #tpu.memory_space<vmem>> -> memref<1x128xi32, #tpu.memory_space<vmem>>
        %dma_start3A_657 = tpu.memref_squeeze %dma_start3A_656 : memref<1x128xi32, #tpu.memory_space<vmem>> -> memref<128xi32, #tpu.memory_space<vmem>>
        %dma_start3A_658 = arith.constant 0 : i32
        %dma_start3A_659 = arith.constant 0 : i32
        %dma_start3A_660 = tpu.memref_slice %arg12[%dma_start3A_658, %dma_start3A_659] : memref<10240x128xf32, #tpu.memory_space<vmem_shared>> -> memref<10240x128xf32, #tpu.memory_space<vmem_shared>>
        tpu.enqueue_indirect_dma source(%arg11 : memref<128x128xf32, #tpu.memory_space<vmem>>) target(%dma_start3A_660 : memref<10240x128xf32, #tpu.memory_space<vmem_shared>>) offsets(%dma_start3A_657 : memref<128xi32, #tpu.memory_space<vmem>>) semaphore(%run_scoped3A_654 : memref<!tpu.dma_semaphore, #tpu.memory_space<semaphore_mem>>) {add = true}
        %dma_wait3A_661 = arith.constant 0 : i32
        %dma_wait3A_662 = tpu.memref_slice %arg7[%add3A_652, %dma_wait3A_661] : memref<8x128xi32, #tpu.memory_space<vmem>> -> memref<1x128xi32, #tpu.memory_space<vmem>>
        %dma_wait3A_663 = tpu.memref_squeeze %dma_wait3A_662 : memref<1x128xi32, #tpu.memory_space<vmem>> -> memref<128xi32, #tpu.memory_space<vmem>>
        %dma_wait3A_664 = arith.constant 0 : i32
        %dma_wait3A_665 = arith.constant 0 : i32
        %dma_wait3A_666 = tpu.memref_slice %arg12[%dma_wait3A_664, %dma_wait3A_665] : memref<10240x128xf32, #tpu.memory_space<vmem_shared>> -> memref<10240x128xf32, #tpu.memory_space<vmem_shared>>
        tpu.wait_indirect_dma semaphore(%run_scoped3A_654 : memref<!tpu.dma_semaphore, #tpu.memory_space<semaphore_mem>>) src(%arg11 : memref<128x128xf32, #tpu.memory_space<vmem>>) dst(%dma_wait3A_666 : memref<10240x128xf32, #tpu.memory_space<vmem_shared>>)
        tpu.yield
      }) : () -> ()
      %scan3A_653 = arith.constant 0 : i32
      scf.yield %scan3A_653 : i32
    }
    %scan3A_523 = arith.constant 3 : i32
    %dma_start3A_524 = arith.constant 7 : i32
    %dma_start3A_525 = arith.constant 0 : i32
    %dma_start3A_526 = tpu.memref_slice %arg6[%dma_start3A_524, %dma_start3A_525] : memref<8x128xi32, #tpu.memory_space<vmem>> -> memref<1x128xi32, #tpu.memory_space<vmem>>
    %dma_start3A_527 = tpu.memref_squeeze %dma_start3A_526 : memref<1x128xi32, #tpu.memory_space<vmem>> -> memref<128xi32, #tpu.memory_space<vmem>>
    %dma_start3A_528 = arith.constant 0 : i32
    %dma_start3A_529 = arith.constant 0 : i32
    %dma_start3A_530 = tpu.memref_slice %arg2[%dma_start3A_528, %dma_start3A_529] : memref<10000x128xf32, #tpu.memory_space<hbm>> -> memref<10000x128xf32, #tpu.memory_space<hbm>>
    tpu.enqueue_indirect_dma source(%dma_start3A_530 : memref<10000x128xf32, #tpu.memory_space<hbm>>) target(%arg11 : memref<128x128xf32, #tpu.memory_space<vmem>>) offsets(%dma_start3A_527 : memref<128xi32, #tpu.memory_space<vmem>>) semaphore(%arg14 : memref<!tpu.dma_semaphore, #tpu.memory_space<semaphore_mem>>)
    %dma_wait3A_531 = arith.constant 6 : i32
    %dma_wait3A_532 = arith.constant 0 : i32
    %dma_wait3A_533 = tpu.memref_slice %arg6[%dma_wait3A_531, %dma_wait3A_532] : memref<8x128xi32, #tpu.memory_space<vmem>> -> memref<1x128xi32, #tpu.memory_space<vmem>>
    %dma_wait3A_534 = tpu.memref_squeeze %dma_wait3A_533 : memref<1x128xi32, #tpu.memory_space<vmem>> -> memref<128xi32, #tpu.memory_space<vmem>>
    %dma_wait3A_535 = arith.constant 0 : i32
    %dma_wait3A_536 = arith.constant 0 : i32
    %dma_wait3A_537 = tpu.memref_slice %arg2[%dma_wait3A_535, %dma_wait3A_536] : memref<10000x128xf32, #tpu.memory_space<hbm>> -> memref<10000x128xf32, #tpu.memory_space<hbm>>
    tpu.wait_indirect_dma semaphore(%arg13 : memref<!tpu.dma_semaphore, #tpu.memory_space<semaphore_mem>>) src(%dma_wait3A_537 : memref<10000x128xf32, #tpu.memory_space<hbm>>) dst(%arg10 : memref<128x128xf32, #tpu.memory_space<vmem>>)
    %run_scoped3A_538 = arith.constant 6 : i32
    "tpu.region"() ({
      %run_scoped3A_617 = tpu.sem_alloc : memref<!tpu.dma_semaphore, #tpu.memory_space<semaphore_mem>>
      %dma_start3A_618 = arith.constant 0 : i32
      %dma_start3A_619 = tpu.memref_slice %arg7[%run_scoped3A_538, %dma_start3A_618] : memref<8x128xi32, #tpu.memory_space<vmem>> -> memref<1x128xi32, #tpu.memory_space<vmem>>
      %dma_start3A_620 = tpu.memref_squeeze %dma_start3A_619 : memref<1x128xi32, #tpu.memory_space<vmem>> -> memref<128xi32, #tpu.memory_space<vmem>>
      %dma_start3A_621 = arith.constant 0 : i32
      %dma_start3A_622 = arith.constant 0 : i32
      %dma_start3A_623 = tpu.memref_slice %arg12[%dma_start3A_621, %dma_start3A_622] : memref<10240x128xf32, #tpu.memory_space<vmem_shared>> -> memref<10240x128xf32, #tpu.memory_space<vmem_shared>>
      tpu.enqueue_indirect_dma source(%arg10 : memref<128x128xf32, #tpu.memory_space<vmem>>) target(%dma_start3A_623 : memref<10240x128xf32, #tpu.memory_space<vmem_shared>>) offsets(%dma_start3A_620 : memref<128xi32, #tpu.memory_space<vmem>>) semaphore(%run_scoped3A_617 : memref<!tpu.dma_semaphore, #tpu.memory_space<semaphore_mem>>) {add = true}
      %dma_wait3A_624 = arith.constant 0 : i32
      %dma_wait3A_625 = tpu.memref_slice %arg7[%run_scoped3A_538, %dma_wait3A_624] : memref<8x128xi32, #tpu.memory_space<vmem>> -> memref<1x128xi32, #tpu.memory_space<vmem>>
      %dma_wait3A_626 = tpu.memref_squeeze %dma_wait3A_625 : memref<1x128xi32, #tpu.memory_space<vmem>> -> memref<128xi32, #tpu.memory_space<vmem>>
      %dma_wait3A_627 = arith.constant 0 : i32
      %dma_wait3A_628 = arith.constant 0 : i32
      %dma_wait3A_629 = tpu.memref_slice %arg12[%dma_wait3A_627, %dma_wait3A_628] : memref<10240x128xf32, #tpu.memory_space<vmem_shared>> -> memref<10240x128xf32, #tpu.memory_space<vmem_shared>>
      tpu.wait_indirect_dma semaphore(%run_scoped3A_617 : memref<!tpu.dma_semaphore, #tpu.memory_space<semaphore_mem>>) src(%arg10 : memref<128x128xf32, #tpu.memory_space<vmem>>) dst(%dma_wait3A_629 : memref<10240x128xf32, #tpu.memory_space<vmem_shared>>)
      tpu.yield
    }) : () -> ()
    %dma_wait3A_539 = arith.constant 0 : i32
    %dma_wait3A_540 = arith.constant 0 : i32
    %dma_wait3A_541 = tpu.memref_slice %arg3[%dma_wait3A_539, %dma_wait3A_540] : memref<2560x128xi32, #tpu.memory_space<hbm>> -> memref<8x128xi32, #tpu.memory_space<hbm>>
    %dma_wait3A_542 = arith.constant 0 : i32
    %dma_wait3A_543 = arith.constant 0 : i32
    %dma_wait3A_544 = tpu.memref_slice %arg3[%dma_wait3A_542, %dma_wait3A_543] : memref<2560x128xi32, #tpu.memory_space<hbm>> -> memref<8x128xi32, #tpu.memory_space<hbm>>
    tpu.wait_dma2 semaphore(%arg15 : memref<!tpu.dma_semaphore, #tpu.memory_space<semaphore_mem>>) src(%dma_wait3A_544 : memref<8x128xi32, #tpu.memory_space<hbm>>) dst(%arg8 : memref<8x128xi32, #tpu.memory_space<vmem>>)
    %dma_wait3A_545 = arith.constant 0 : i32
    %dma_wait3A_546 = arith.constant 0 : i32
    %dma_wait3A_547 = tpu.memref_slice %arg4[%dma_wait3A_545, %dma_wait3A_546] : memref<2560x128xi32, #tpu.memory_space<hbm>> -> memref<8x128xi32, #tpu.memory_space<hbm>>
    %dma_wait3A_548 = arith.constant 0 : i32
    %dma_wait3A_549 = arith.constant 0 : i32
    %dma_wait3A_550 = tpu.memref_slice %arg4[%dma_wait3A_548, %dma_wait3A_549] : memref<2560x128xi32, #tpu.memory_space<hbm>> -> memref<8x128xi32, #tpu.memory_space<hbm>>
    tpu.wait_dma2 semaphore(%arg15 : memref<!tpu.dma_semaphore, #tpu.memory_space<semaphore_mem>>) src(%dma_wait3A_550 : memref<8x128xi32, #tpu.memory_space<hbm>>) dst(%arg9 : memref<8x128xi32, #tpu.memory_space<vmem>>)
    %dma_start3A_551 = arith.constant 0 : i32
    %dma_start3A_552 = arith.constant 0 : i32
    %dma_start3A_553 = tpu.memref_slice %arg8[%dma_start3A_551, %dma_start3A_552] : memref<8x128xi32, #tpu.memory_space<vmem>> -> memref<1x128xi32, #tpu.memory_space<vmem>>
    %dma_start3A_554 = tpu.memref_squeeze %dma_start3A_553 : memref<1x128xi32, #tpu.memory_space<vmem>> -> memref<128xi32, #tpu.memory_space<vmem>>
    %dma_start3A_555 = arith.constant 0 : i32
    %dma_start3A_556 = arith.constant 0 : i32
    %dma_start3A_557 = tpu.memref_slice %arg2[%dma_start3A_555, %dma_start3A_556] : memref<10000x128xf32, #tpu.memory_space<hbm>> -> memref<10000x128xf32, #tpu.memory_space<hbm>>
    tpu.enqueue_indirect_dma source(%dma_start3A_557 : memref<10000x128xf32, #tpu.memory_space<hbm>>) target(%arg10 : memref<128x128xf32, #tpu.memory_space<vmem>>) offsets(%dma_start3A_554 : memref<128xi32, #tpu.memory_space<vmem>>) semaphore(%arg13 : memref<!tpu.dma_semaphore, #tpu.memory_space<semaphore_mem>>)
    %dma_wait3A_558 = arith.constant 7 : i32
    %dma_wait3A_559 = arith.constant 0 : i32
    %dma_wait3A_560 = tpu.memref_slice %arg6[%dma_wait3A_558, %dma_wait3A_559] : memref<8x128xi32, #tpu.memory_space<vmem>> -> memref<1x128xi32, #tpu.memory_space<vmem>>
    %dma_wait3A_561 = tpu.memref_squeeze %dma_wait3A_560 : memref<1x128xi32, #tpu.memory_space<vmem>> -> memref<128xi32, #tpu.memory_space<vmem>>
    %dma_wait3A_562 = arith.constant 0 : i32
    %dma_wait3A_563 = arith.constant 0 : i32
    %dma_wait3A_564 = tpu.memref_slice %arg2[%dma_wait3A_562, %dma_wait3A_563] : memref<10000x128xf32, #tpu.memory_space<hbm>> -> memref<10000x128xf32, #tpu.memory_space<hbm>>
    tpu.wait_indirect_dma semaphore(%arg14 : memref<!tpu.dma_semaphore, #tpu.memory_space<semaphore_mem>>) src(%dma_wait3A_564 : memref<10000x128xf32, #tpu.memory_space<hbm>>) dst(%arg11 : memref<128x128xf32, #tpu.memory_space<vmem>>)
    %run_scoped3A_565 = arith.constant 7 : i32
    "tpu.region"() ({
      %run_scoped3A_617 = tpu.sem_alloc : memref<!tpu.dma_semaphore, #tpu.memory_space<semaphore_mem>>
      %dma_start3A_618 = arith.constant 0 : i32
      %dma_start3A_619 = tpu.memref_slice %arg7[%run_scoped3A_565, %dma_start3A_618] : memref<8x128xi32, #tpu.memory_space<vmem>> -> memref<1x128xi32, #tpu.memory_space<vmem>>
      %dma_start3A_620 = tpu.memref_squeeze %dma_start3A_619 : memref<1x128xi32, #tpu.memory_space<vmem>> -> memref<128xi32, #tpu.memory_space<vmem>>
      %dma_start3A_621 = arith.constant 0 : i32
      %dma_start3A_622 = arith.constant 0 : i32
      %dma_start3A_623 = tpu.memref_slice %arg12[%dma_start3A_621, %dma_start3A_622] : memref<10240x128xf32, #tpu.memory_space<vmem_shared>> -> memref<10240x128xf32, #tpu.memory_space<vmem_shared>>
      tpu.enqueue_indirect_dma source(%arg11 : memref<128x128xf32, #tpu.memory_space<vmem>>) target(%dma_start3A_623 : memref<10240x128xf32, #tpu.memory_space<vmem_shared>>) offsets(%dma_start3A_620 : memref<128xi32, #tpu.memory_space<vmem>>) semaphore(%run_scoped3A_617 : memref<!tpu.dma_semaphore, #tpu.memory_space<semaphore_mem>>) {add = true}
      %dma_wait3A_624 = arith.constant 0 : i32
      %dma_wait3A_625 = tpu.memref_slice %arg7[%run_scoped3A_565, %dma_wait3A_624] : memref<8x128xi32, #tpu.memory_space<vmem>> -> memref<1x128xi32, #tpu.memory_space<vmem>>
      %dma_wait3A_626 = tpu.memref_squeeze %dma_wait3A_625 : memref<1x128xi32, #tpu.memory_space<vmem>> -> memref<128xi32, #tpu.memory_space<vmem>>
      %dma_wait3A_627 = arith.constant 0 : i32
      %dma_wait3A_628 = arith.constant 0 : i32
      %dma_wait3A_629 = tpu.memref_slice %arg12[%dma_wait3A_627, %dma_wait3A_628] : memref<10240x128xf32, #tpu.memory_space<vmem_shared>> -> memref<10240x128xf32, #tpu.memory_space<vmem_shared>>
      tpu.wait_indirect_dma semaphore(%run_scoped3A_617 : memref<!tpu.dma_semaphore, #tpu.memory_space<semaphore_mem>>) src(%arg11 : memref<128x128xf32, #tpu.memory_space<vmem>>) dst(%dma_wait3A_629 : memref<10240x128xf32, #tpu.memory_space<vmem_shared>>)
      tpu.yield
    }) : () -> ()
    %scan3A_566 = arith.constant 0 : i32
    %scan3A_567 = arith.constant 0 : i32
    %scan3A_568 = arith.constant 3 : i32
    %scan3A_569 = arith.addi %scan3A_567, %scan3A_568 : i32
    %scan3A_570 = arith.constant 1 : i32
    %scan3A_571 = scf.for %scan3A_617 = %scan3A_567 to %scan3A_569 step %scan3A_570 iter_args(%scan3A_618 = %scan3A_566) -> (i32)  : i32 {
      %mul3A_619 = arith.constant 2 : i32
      %mul3A_620 = arith.muli %mul3A_619, %scan3A_617 : i32
      %add3A_621 = arith.constant 1 : i32
      %add3A_622 = arith.addi %mul3A_620, %add3A_621 : i32
      %dma_start3A_623 = arith.constant 0 : i32
      %dma_start3A_624 = tpu.memref_slice %arg8[%add3A_622, %dma_start3A_623] : memref<8x128xi32, #tpu.memory_space<vmem>> -> memref<1x128xi32, #tpu.memory_space<vmem>>
      %dma_start3A_625 = tpu.memref_squeeze %dma_start3A_624 : memref<1x128xi32, #tpu.memory_space<vmem>> -> memref<128xi32, #tpu.memory_space<vmem>>
      %dma_start3A_626 = arith.constant 0 : i32
      %dma_start3A_627 = arith.constant 0 : i32
      %dma_start3A_628 = tpu.memref_slice %arg2[%dma_start3A_626, %dma_start3A_627] : memref<10000x128xf32, #tpu.memory_space<hbm>> -> memref<10000x128xf32, #tpu.memory_space<hbm>>
      tpu.enqueue_indirect_dma source(%dma_start3A_628 : memref<10000x128xf32, #tpu.memory_space<hbm>>) target(%arg11 : memref<128x128xf32, #tpu.memory_space<vmem>>) offsets(%dma_start3A_625 : memref<128xi32, #tpu.memory_space<vmem>>) semaphore(%arg14 : memref<!tpu.dma_semaphore, #tpu.memory_space<semaphore_mem>>)
      %dma_wait3A_629 = arith.constant 0 : i32
      %dma_wait3A_630 = tpu.memref_slice %arg8[%mul3A_620, %dma_wait3A_629] : memref<8x128xi32, #tpu.memory_space<vmem>> -> memref<1x128xi32, #tpu.memory_space<vmem>>
      %dma_wait3A_631 = tpu.memref_squeeze %dma_wait3A_630 : memref<1x128xi32, #tpu.memory_space<vmem>> -> memref<128xi32, #tpu.memory_space<vmem>>
      %dma_wait3A_632 = arith.constant 0 : i32
      %dma_wait3A_633 = arith.constant 0 : i32
      %dma_wait3A_634 = tpu.memref_slice %arg2[%dma_wait3A_632, %dma_wait3A_633] : memref<10000x128xf32, #tpu.memory_space<hbm>> -> memref<10000x128xf32, #tpu.memory_space<hbm>>
      tpu.wait_indirect_dma semaphore(%arg13 : memref<!tpu.dma_semaphore, #tpu.memory_space<semaphore_mem>>) src(%dma_wait3A_634 : memref<10000x128xf32, #tpu.memory_space<hbm>>) dst(%arg10 : memref<128x128xf32, #tpu.memory_space<vmem>>)
      "tpu.region"() ({
        %run_scoped3A_654 = tpu.sem_alloc : memref<!tpu.dma_semaphore, #tpu.memory_space<semaphore_mem>>
        %dma_start3A_655 = arith.constant 0 : i32
        %dma_start3A_656 = tpu.memref_slice %arg9[%mul3A_620, %dma_start3A_655] : memref<8x128xi32, #tpu.memory_space<vmem>> -> memref<1x128xi32, #tpu.memory_space<vmem>>
        %dma_start3A_657 = tpu.memref_squeeze %dma_start3A_656 : memref<1x128xi32, #tpu.memory_space<vmem>> -> memref<128xi32, #tpu.memory_space<vmem>>
        %dma_start3A_658 = arith.constant 0 : i32
        %dma_start3A_659 = arith.constant 0 : i32
        %dma_start3A_660 = tpu.memref_slice %arg12[%dma_start3A_658, %dma_start3A_659] : memref<10240x128xf32, #tpu.memory_space<vmem_shared>> -> memref<10240x128xf32, #tpu.memory_space<vmem_shared>>
        tpu.enqueue_indirect_dma source(%arg10 : memref<128x128xf32, #tpu.memory_space<vmem>>) target(%dma_start3A_660 : memref<10240x128xf32, #tpu.memory_space<vmem_shared>>) offsets(%dma_start3A_657 : memref<128xi32, #tpu.memory_space<vmem>>) semaphore(%run_scoped3A_654 : memref<!tpu.dma_semaphore, #tpu.memory_space<semaphore_mem>>) {add = true}
        %dma_wait3A_661 = arith.constant 0 : i32
        %dma_wait3A_662 = tpu.memref_slice %arg9[%mul3A_620, %dma_wait3A_661] : memref<8x128xi32, #tpu.memory_space<vmem>> -> memref<1x128xi32, #tpu.memory_space<vmem>>
        %dma_wait3A_663 = tpu.memref_squeeze %dma_wait3A_662 : memref<1x128xi32, #tpu.memory_space<vmem>> -> memref<128xi32, #tpu.memory_space<vmem>>
        %dma_wait3A_664 = arith.constant 0 : i32
        %dma_wait3A_665 = arith.constant 0 : i32
        %dma_wait3A_666 = tpu.memref_slice %arg12[%dma_wait3A_664, %dma_wait3A_665] : memref<10240x128xf32, #tpu.memory_space<vmem_shared>> -> memref<10240x128xf32, #tpu.memory_space<vmem_shared>>
        tpu.wait_indirect_dma semaphore(%run_scoped3A_654 : memref<!tpu.dma_semaphore, #tpu.memory_space<semaphore_mem>>) src(%arg10 : memref<128x128xf32, #tpu.memory_space<vmem>>) dst(%dma_wait3A_666 : memref<10240x128xf32, #tpu.memory_space<vmem_shared>>)
        tpu.yield
      }) : () -> ()
      %add3A_635 = arith.constant 2 : i32
      %add3A_636 = arith.addi %mul3A_620, %add3A_635 : i32
      %dma_start3A_637 = arith.constant 0 : i32
      %dma_start3A_638 = tpu.memref_slice %arg8[%add3A_636, %dma_start3A_637] : memref<8x128xi32, #tpu.memory_space<vmem>> -> memref<1x128xi32, #tpu.memory_space<vmem>>
      %dma_start3A_639 = tpu.memref_squeeze %dma_start3A_638 : memref<1x128xi32, #tpu.memory_space<vmem>> -> memref<128xi32, #tpu.memory_space<vmem>>
      %dma_start3A_640 = arith.constant 0 : i32
      %dma_start3A_641 = arith.constant 0 : i32
      %dma_start3A_642 = tpu.memref_slice %arg2[%dma_start3A_640, %dma_start3A_641] : memref<10000x128xf32, #tpu.memory_space<hbm>> -> memref<10000x128xf32, #tpu.memory_space<hbm>>
      tpu.enqueue_indirect_dma source(%dma_start3A_642 : memref<10000x128xf32, #tpu.memory_space<hbm>>) target(%arg10 : memref<128x128xf32, #tpu.memory_space<vmem>>) offsets(%dma_start3A_639 : memref<128xi32, #tpu.memory_space<vmem>>) semaphore(%arg13 : memref<!tpu.dma_semaphore, #tpu.memory_space<semaphore_mem>>)
      %add3A_643 = arith.constant 1 : i32
      %add3A_644 = arith.addi %mul3A_620, %add3A_643 : i32
      %dma_wait3A_645 = arith.constant 0 : i32
      %dma_wait3A_646 = tpu.memref_slice %arg8[%add3A_644, %dma_wait3A_645] : memref<8x128xi32, #tpu.memory_space<vmem>> -> memref<1x128xi32, #tpu.memory_space<vmem>>
      %dma_wait3A_647 = tpu.memref_squeeze %dma_wait3A_646 : memref<1x128xi32, #tpu.memory_space<vmem>> -> memref<128xi32, #tpu.memory_space<vmem>>
      %dma_wait3A_648 = arith.constant 0 : i32
      %dma_wait3A_649 = arith.constant 0 : i32
      %dma_wait3A_650 = tpu.memref_slice %arg2[%dma_wait3A_648, %dma_wait3A_649] : memref<10000x128xf32, #tpu.memory_space<hbm>> -> memref<10000x128xf32, #tpu.memory_space<hbm>>
      tpu.wait_indirect_dma semaphore(%arg14 : memref<!tpu.dma_semaphore, #tpu.memory_space<semaphore_mem>>) src(%dma_wait3A_650 : memref<10000x128xf32, #tpu.memory_space<hbm>>) dst(%arg11 : memref<128x128xf32, #tpu.memory_space<vmem>>)
      %add3A_651 = arith.constant 1 : i32
      %add3A_652 = arith.addi %mul3A_620, %add3A_651 : i32
      "tpu.region"() ({
        %run_scoped3A_654 = tpu.sem_alloc : memref<!tpu.dma_semaphore, #tpu.memory_space<semaphore_mem>>
        %dma_start3A_655 = arith.constant 0 : i32
        %dma_start3A_656 = tpu.memref_slice %arg9[%add3A_652, %dma_start3A_655] : memref<8x128xi32, #tpu.memory_space<vmem>> -> memref<1x128xi32, #tpu.memory_space<vmem>>
        %dma_start3A_657 = tpu.memref_squeeze %dma_start3A_656 : memref<1x128xi32, #tpu.memory_space<vmem>> -> memref<128xi32, #tpu.memory_space<vmem>>
        %dma_start3A_658 = arith.constant 0 : i32
        %dma_start3A_659 = arith.constant 0 : i32
        %dma_start3A_660 = tpu.memref_slice %arg12[%dma_start3A_658, %dma_start3A_659] : memref<10240x128xf32, #tpu.memory_space<vmem_shared>> -> memref<10240x128xf32, #tpu.memory_space<vmem_shared>>
        tpu.enqueue_indirect_dma source(%arg11 : memref<128x128xf32, #tpu.memory_space<vmem>>) target(%dma_start3A_660 : memref<10240x128xf32, #tpu.memory_space<vmem_shared>>) offsets(%dma_start3A_657 : memref<128xi32, #tpu.memory_space<vmem>>) semaphore(%run_scoped3A_654 : memref<!tpu.dma_semaphore, #tpu.memory_space<semaphore_mem>>) {add = true}
        %dma_wait3A_661 = arith.constant 0 : i32
        %dma_wait3A_662 = tpu.memref_slice %arg9[%add3A_652, %dma_wait3A_661] : memref<8x128xi32, #tpu.memory_space<vmem>> -> memref<1x128xi32, #tpu.memory_space<vmem>>
        %dma_wait3A_663 = tpu.memref_squeeze %dma_wait3A_662 : memref<1x128xi32, #tpu.memory_space<vmem>> -> memref<128xi32, #tpu.memory_space<vmem>>
        %dma_wait3A_664 = arith.constant 0 : i32
        %dma_wait3A_665 = arith.constant 0 : i32
        %dma_wait3A_666 = tpu.memref_slice %arg12[%dma_wait3A_664, %dma_wait3A_665] : memref<10240x128xf32, #tpu.memory_space<vmem_shared>> -> memref<10240x128xf32, #tpu.memory_space<vmem_shared>>
        tpu.wait_indirect_dma semaphore(%run_scoped3A_654 : memref<!tpu.dma_semaphore, #tpu.memory_space<semaphore_mem>>) src(%arg11 : memref<128x128xf32, #tpu.memory_space<vmem>>) dst(%dma_wait3A_666 : memref<10240x128xf32, #tpu.memory_space<vmem_shared>>)
        tpu.yield
      }) : () -> ()
      %scan3A_653 = arith.constant 0 : i32
      scf.yield %scan3A_653 : i32
    }
    %scan3A_572 = arith.constant 3 : i32
    %dma_start3A_573 = arith.constant 7 : i32
    %dma_start3A_574 = arith.constant 0 : i32
    %dma_start3A_575 = tpu.memref_slice %arg8[%dma_start3A_573, %dma_start3A_574] : memref<8x128xi32, #tpu.memory_space<vmem>> -> memref<1x128xi32, #tpu.memory_space<vmem>>
    %dma_start3A_576 = tpu.memref_squeeze %dma_start3A_575 : memref<1x128xi32, #tpu.memory_space<vmem>> -> memref<128xi32, #tpu.memory_space<vmem>>
    %dma_start3A_577 = arith.constant 0 : i32
    %dma_start3A_578 = arith.constant 0 : i32
    %dma_start3A_579 = tpu.memref_slice %arg2[%dma_start3A_577, %dma_start3A_578] : memref<10000x128xf32, #tpu.memory_space<hbm>> -> memref<10000x128xf32, #tpu.memory_space<hbm>>
    tpu.enqueue_indirect_dma source(%dma_start3A_579 : memref<10000x128xf32, #tpu.memory_space<hbm>>) target(%arg11 : memref<128x128xf32, #tpu.memory_space<vmem>>) offsets(%dma_start3A_576 : memref<128xi32, #tpu.memory_space<vmem>>) semaphore(%arg14 : memref<!tpu.dma_semaphore, #tpu.memory_space<semaphore_mem>>)
    %dma_wait3A_580 = arith.constant 6 : i32
    %dma_wait3A_581 = arith.constant 0 : i32
    %dma_wait3A_582 = tpu.memref_slice %arg8[%dma_wait3A_580, %dma_wait3A_581] : memref<8x128xi32, #tpu.memory_space<vmem>> -> memref<1x128xi32, #tpu.memory_space<vmem>>
    %dma_wait3A_583 = tpu.memref_squeeze %dma_wait3A_582 : memref<1x128xi32, #tpu.memory_space<vmem>> -> memref<128xi32, #tpu.memory_space<vmem>>
    %dma_wait3A_584 = arith.constant 0 : i32
    %dma_wait3A_585 = arith.constant 0 : i32
    %dma_wait3A_586 = tpu.memref_slice %arg2[%dma_wait3A_584, %dma_wait3A_585] : memref<10000x128xf32, #tpu.memory_space<hbm>> -> memref<10000x128xf32, #tpu.memory_space<hbm>>
    tpu.wait_indirect_dma semaphore(%arg13 : memref<!tpu.dma_semaphore, #tpu.memory_space<semaphore_mem>>) src(%dma_wait3A_586 : memref<10000x128xf32, #tpu.memory_space<hbm>>) dst(%arg10 : memref<128x128xf32, #tpu.memory_space<vmem>>)
    %run_scoped3A_587 = arith.constant 6 : i32
    "tpu.region"() ({
      %run_scoped3A_617 = tpu.sem_alloc : memref<!tpu.dma_semaphore, #tpu.memory_space<semaphore_mem>>
      %dma_start3A_618 = arith.constant 0 : i32
      %dma_start3A_619 = tpu.memref_slice %arg9[%run_scoped3A_587, %dma_start3A_618] : memref<8x128xi32, #tpu.memory_space<vmem>> -> memref<1x128xi32, #tpu.memory_space<vmem>>
      %dma_start3A_620 = tpu.memref_squeeze %dma_start3A_619 : memref<1x128xi32, #tpu.memory_space<vmem>> -> memref<128xi32, #tpu.memory_space<vmem>>
      %dma_start3A_621 = arith.constant 0 : i32
      %dma_start3A_622 = arith.constant 0 : i32
      %dma_start3A_623 = tpu.memref_slice %arg12[%dma_start3A_621, %dma_start3A_622] : memref<10240x128xf32, #tpu.memory_space<vmem_shared>> -> memref<10240x128xf32, #tpu.memory_space<vmem_shared>>
      tpu.enqueue_indirect_dma source(%arg10 : memref<128x128xf32, #tpu.memory_space<vmem>>) target(%dma_start3A_623 : memref<10240x128xf32, #tpu.memory_space<vmem_shared>>) offsets(%dma_start3A_620 : memref<128xi32, #tpu.memory_space<vmem>>) semaphore(%run_scoped3A_617 : memref<!tpu.dma_semaphore, #tpu.memory_space<semaphore_mem>>) {add = true}
      %dma_wait3A_624 = arith.constant 0 : i32
      %dma_wait3A_625 = tpu.memref_slice %arg9[%run_scoped3A_587, %dma_wait3A_624] : memref<8x128xi32, #tpu.memory_space<vmem>> -> memref<1x128xi32, #tpu.memory_space<vmem>>
      %dma_wait3A_626 = tpu.memref_squeeze %dma_wait3A_625 : memref<1x128xi32, #tpu.memory_space<vmem>> -> memref<128xi32, #tpu.memory_space<vmem>>
      %dma_wait3A_627 = arith.constant 0 : i32
      %dma_wait3A_628 = arith.constant 0 : i32
      %dma_wait3A_629 = tpu.memref_slice %arg12[%dma_wait3A_627, %dma_wait3A_628] : memref<10240x128xf32, #tpu.memory_space<vmem_shared>> -> memref<10240x128xf32, #tpu.memory_space<vmem_shared>>
      tpu.wait_indirect_dma semaphore(%run_scoped3A_617 : memref<!tpu.dma_semaphore, #tpu.memory_space<semaphore_mem>>) src(%arg10 : memref<128x128xf32, #tpu.memory_space<vmem>>) dst(%dma_wait3A_629 : memref<10240x128xf32, #tpu.memory_space<vmem_shared>>)
      tpu.yield
    }) : () -> ()
    %dma_wait3A_588 = arith.constant 7 : i32
    %dma_wait3A_589 = arith.constant 0 : i32
    %dma_wait3A_590 = tpu.memref_slice %arg8[%dma_wait3A_588, %dma_wait3A_589] : memref<8x128xi32, #tpu.memory_space<vmem>> -> memref<1x128xi32, #tpu.memory_space<vmem>>
    %dma_wait3A_591 = tpu.memref_squeeze %dma_wait3A_590 : memref<1x128xi32, #tpu.memory_space<vmem>> -> memref<128xi32, #tpu.memory_space<vmem>>
    %dma_wait3A_592 = arith.constant 0 : i32
    %dma_wait3A_593 = arith.constant 0 : i32
    %dma_wait3A_594 = tpu.memref_slice %arg2[%dma_wait3A_592, %dma_wait3A_593] : memref<10000x128xf32, #tpu.memory_space<hbm>> -> memref<10000x128xf32, #tpu.memory_space<hbm>>
    tpu.wait_indirect_dma semaphore(%arg14 : memref<!tpu.dma_semaphore, #tpu.memory_space<semaphore_mem>>) src(%dma_wait3A_594 : memref<10000x128xf32, #tpu.memory_space<hbm>>) dst(%arg11 : memref<128x128xf32, #tpu.memory_space<vmem>>)
    %run_scoped3A_595 = arith.constant 7 : i32
    "tpu.region"() ({
      %run_scoped3A_617 = tpu.sem_alloc : memref<!tpu.dma_semaphore, #tpu.memory_space<semaphore_mem>>
      %dma_start3A_618 = arith.constant 0 : i32
      %dma_start3A_619 = tpu.memref_slice %arg9[%run_scoped3A_595, %dma_start3A_618] : memref<8x128xi32, #tpu.memory_space<vmem>> -> memref<1x128xi32, #tpu.memory_space<vmem>>
      %dma_start3A_620 = tpu.memref_squeeze %dma_start3A_619 : memref<1x128xi32, #tpu.memory_space<vmem>> -> memref<128xi32, #tpu.memory_space<vmem>>
      %dma_start3A_621 = arith.constant 0 : i32
      %dma_start3A_622 = arith.constant 0 : i32
      %dma_start3A_623 = tpu.memref_slice %arg12[%dma_start3A_621, %dma_start3A_622] : memref<10240x128xf32, #tpu.memory_space<vmem_shared>> -> memref<10240x128xf32, #tpu.memory_space<vmem_shared>>
      tpu.enqueue_indirect_dma source(%arg11 : memref<128x128xf32, #tpu.memory_space<vmem>>) target(%dma_start3A_623 : memref<10240x128xf32, #tpu.memory_space<vmem_shared>>) offsets(%dma_start3A_620 : memref<128xi32, #tpu.memory_space<vmem>>) semaphore(%run_scoped3A_617 : memref<!tpu.dma_semaphore, #tpu.memory_space<semaphore_mem>>) {add = true}
      %dma_wait3A_624 = arith.constant 0 : i32
      %dma_wait3A_625 = tpu.memref_slice %arg9[%run_scoped3A_595, %dma_wait3A_624] : memref<8x128xi32, #tpu.memory_space<vmem>> -> memref<1x128xi32, #tpu.memory_space<vmem>>
      %dma_wait3A_626 = tpu.memref_squeeze %dma_wait3A_625 : memref<1x128xi32, #tpu.memory_space<vmem>> -> memref<128xi32, #tpu.memory_space<vmem>>
      %dma_wait3A_627 = arith.constant 0 : i32
      %dma_wait3A_628 = arith.constant 0 : i32
      %dma_wait3A_629 = tpu.memref_slice %arg12[%dma_wait3A_627, %dma_wait3A_628] : memref<10240x128xf32, #tpu.memory_space<vmem_shared>> -> memref<10240x128xf32, #tpu.memory_space<vmem_shared>>
      tpu.wait_indirect_dma semaphore(%run_scoped3A_617 : memref<!tpu.dma_semaphore, #tpu.memory_space<semaphore_mem>>) src(%arg11 : memref<128x128xf32, #tpu.memory_space<vmem>>) dst(%dma_wait3A_629 : memref<10240x128xf32, #tpu.memory_space<vmem_shared>>)
      tpu.yield
    }) : () -> ()
    %barrier3A_596 = arith.constant 0 : index
    tpu.barrier barrier_id(%barrier3A_596)
    %mul3A_597 = arith.constant 640 : i32
    %mul3A_598 = arith.muli %arg1, %mul3A_597 : i32
    %add3A_599 = arith.constant 0 : i32
    %add3A_600 = arith.addi %mul3A_598, %add3A_599 : i32
    "tpu.region"() ({
      %run_scoped3A_617 = tpu.sem_alloc : memref<!tpu.dma_semaphore, #tpu.memory_space<semaphore_mem>>
      %dma_start3A_618 = arith.constant 0 : i32
      %dma_start3A_619 = tpu.memref_slice %arg5[%arg0, %add3A_600, %dma_start3A_618] : memref<2x10240x128xf32, #tpu.memory_space<hbm>> -> memref<1x128x128xf32, #tpu.memory_space<hbm>>
      %dma_start3A_620 = tpu.memref_squeeze %dma_start3A_619 : memref<1x128x128xf32, #tpu.memory_space<hbm>> -> memref<128x128xf32, #tpu.memory_space<hbm>>
      %dma_start3A_621 = arith.constant 0 : i32
      %dma_start3A_622 = tpu.memref_slice %arg12[%add3A_600, %dma_start3A_621] : memref<10240x128xf32, #tpu.memory_space<vmem_shared>> -> memref<128x128xf32, #tpu.memory_space<vmem_shared>>
      tpu.enqueue_dma source(%dma_start3A_622 : memref<128x128xf32, #tpu.memory_space<vmem_shared>>) target(%dma_start3A_620 : memref<128x128xf32, #tpu.memory_space<hbm>>) target_semaphore(%run_scoped3A_617 : memref<!tpu.dma_semaphore, #tpu.memory_space<semaphore_mem>>)
      %dma_wait3A_623 = arith.constant 0 : i32
      %dma_wait3A_624 = tpu.memref_slice %arg5[%arg0, %add3A_600, %dma_wait3A_623] : memref<2x10240x128xf32, #tpu.memory_space<hbm>> -> memref<1x128x128xf32, #tpu.memory_space<hbm>>
      %dma_wait3A_625 = tpu.memref_squeeze %dma_wait3A_624 : memref<1x128x128xf32, #tpu.memory_space<hbm>> -> memref<128x128xf32, #tpu.memory_space<hbm>>
      %dma_wait3A_626 = arith.constant 0 : i32
      %dma_wait3A_627 = tpu.memref_slice %arg12[%add3A_600, %dma_wait3A_626] : memref<10240x128xf32, #tpu.memory_space<vmem_shared>> -> memref<128x128xf32, #tpu.memory_space<vmem_shared>>
      tpu.wait_dma2 semaphore(%run_scoped3A_617 : memref<!tpu.dma_semaphore, #tpu.memory_space<semaphore_mem>>) src(%dma_wait3A_627 : memref<128x128xf32, #tpu.memory_space<vmem_shared>>) dst(%dma_wait3A_625 : memref<128x128xf32, #tpu.memory_space<hbm>>)
      tpu.yield
    }) : () -> ()
    %mul3A_601 = arith.constant 640 : i32
    %mul3A_602 = arith.muli %arg1, %mul3A_601 : i32
    %add3A_603 = arith.constant 128 : i32
    %add3A_604 = arith.addi %mul3A_602, %add3A_603 : i32
    "tpu.region"() ({
      %run_scoped3A_617 = tpu.sem_alloc : memref<!tpu.dma_semaphore, #tpu.memory_space<semaphore_mem>>
      %dma_start3A_618 = arith.constant 0 : i32
      %dma_start3A_619 = tpu.memref_slice %arg5[%arg0, %add3A_604, %dma_start3A_618] : memref<2x10240x128xf32, #tpu.memory_space<hbm>> -> memref<1x128x128xf32, #tpu.memory_space<hbm>>
      %dma_start3A_620 = tpu.memref_squeeze %dma_start3A_619 : memref<1x128x128xf32, #tpu.memory_space<hbm>> -> memref<128x128xf32, #tpu.memory_space<hbm>>
      %dma_start3A_621 = arith.constant 0 : i32
      %dma_start3A_622 = tpu.memref_slice %arg12[%add3A_604, %dma_start3A_621] : memref<10240x128xf32, #tpu.memory_space<vmem_shared>> -> memref<128x128xf32, #tpu.memory_space<vmem_shared>>
      tpu.enqueue_dma source(%dma_start3A_622 : memref<128x128xf32, #tpu.memory_space<vmem_shared>>) target(%dma_start3A_620 : memref<128x128xf32, #tpu.memory_space<hbm>>) target_semaphore(%run_scoped3A_617 : memref<!tpu.dma_semaphore, #tpu.memory_space<semaphore_mem>>)
      %dma_wait3A_623 = arith.constant 0 : i32
      %dma_wait3A_624 = tpu.memref_slice %arg5[%arg0, %add3A_604, %dma_wait3A_623] : memref<2x10240x128xf32, #tpu.memory_space<hbm>> -> memref<1x128x128xf32, #tpu.memory_space<hbm>>
      %dma_wait3A_625 = tpu.memref_squeeze %dma_wait3A_624 : memref<1x128x128xf32, #tpu.memory_space<hbm>> -> memref<128x128xf32, #tpu.memory_space<hbm>>
      %dma_wait3A_626 = arith.constant 0 : i32
      %dma_wait3A_627 = tpu.memref_slice %arg12[%add3A_604, %dma_wait3A_626] : memref<10240x128xf32, #tpu.memory_space<vmem_shared>> -> memref<128x128xf32, #tpu.memory_space<vmem_shared>>
      tpu.wait_dma2 semaphore(%run_scoped3A_617 : memref<!tpu.dma_semaphore, #tpu.memory_space<semaphore_mem>>) src(%dma_wait3A_627 : memref<128x128xf32, #tpu.memory_space<vmem_shared>>) dst(%dma_wait3A_625 : memref<128x128xf32, #tpu.memory_space<hbm>>)
      tpu.yield
    }) : () -> ()
    %mul3A_605 = arith.constant 640 : i32
    %mul3A_606 = arith.muli %arg1, %mul3A_605 : i32
    %add3A_607 = arith.constant 256 : i32
    %add3A_608 = arith.addi %mul3A_606, %add3A_607 : i32
    "tpu.region"() ({
      %run_scoped3A_617 = tpu.sem_alloc : memref<!tpu.dma_semaphore, #tpu.memory_space<semaphore_mem>>
      %dma_start3A_618 = arith.constant 0 : i32
      %dma_start3A_619 = tpu.memref_slice %arg5[%arg0, %add3A_608, %dma_start3A_618] : memref<2x10240x128xf32, #tpu.memory_space<hbm>> -> memref<1x128x128xf32, #tpu.memory_space<hbm>>
      %dma_start3A_620 = tpu.memref_squeeze %dma_start3A_619 : memref<1x128x128xf32, #tpu.memory_space<hbm>> -> memref<128x128xf32, #tpu.memory_space<hbm>>
      %dma_start3A_621 = arith.constant 0 : i32
      %dma_start3A_622 = tpu.memref_slice %arg12[%add3A_608, %dma_start3A_621] : memref<10240x128xf32, #tpu.memory_space<vmem_shared>> -> memref<128x128xf32, #tpu.memory_space<vmem_shared>>
      tpu.enqueue_dma source(%dma_start3A_622 : memref<128x128xf32, #tpu.memory_space<vmem_shared>>) target(%dma_start3A_620 : memref<128x128xf32, #tpu.memory_space<hbm>>) target_semaphore(%run_scoped3A_617 : memref<!tpu.dma_semaphore, #tpu.memory_space<semaphore_mem>>)
      %dma_wait3A_623 = arith.constant 0 : i32
      %dma_wait3A_624 = tpu.memref_slice %arg5[%arg0, %add3A_608, %dma_wait3A_623] : memref<2x10240x128xf32, #tpu.memory_space<hbm>> -> memref<1x128x128xf32, #tpu.memory_space<hbm>>
      %dma_wait3A_625 = tpu.memref_squeeze %dma_wait3A_624 : memref<1x128x128xf32, #tpu.memory_space<hbm>> -> memref<128x128xf32, #tpu.memory_space<hbm>>
      %dma_wait3A_626 = arith.constant 0 : i32
      %dma_wait3A_627 = tpu.memref_slice %arg12[%add3A_608, %dma_wait3A_626] : memref<10240x128xf32, #tpu.memory_space<vmem_shared>> -> memref<128x128xf32, #tpu.memory_space<vmem_shared>>
      tpu.wait_dma2 semaphore(%run_scoped3A_617 : memref<!tpu.dma_semaphore, #tpu.memory_space<semaphore_mem>>) src(%dma_wait3A_627 : memref<128x128xf32, #tpu.memory_space<vmem_shared>>) dst(%dma_wait3A_625 : memref<128x128xf32, #tpu.memory_space<hbm>>)
      tpu.yield
    }) : () -> ()
    %mul3A_609 = arith.constant 640 : i32
    %mul3A_610 = arith.muli %arg1, %mul3A_609 : i32
    %add3A_611 = arith.constant 384 : i32
    %add3A_612 = arith.addi %mul3A_610, %add3A_611 : i32
    "tpu.region"() ({
      %run_scoped3A_617 = tpu.sem_alloc : memref<!tpu.dma_semaphore, #tpu.memory_space<semaphore_mem>>
      %dma_start3A_618 = arith.constant 0 : i32
      %dma_start3A_619 = tpu.memref_slice %arg5[%arg0, %add3A_612, %dma_start3A_618] : memref<2x10240x128xf32, #tpu.memory_space<hbm>> -> memref<1x128x128xf32, #tpu.memory_space<hbm>>
      %dma_start3A_620 = tpu.memref_squeeze %dma_start3A_619 : memref<1x128x128xf32, #tpu.memory_space<hbm>> -> memref<128x128xf32, #tpu.memory_space<hbm>>
      %dma_start3A_621 = arith.constant 0 : i32
      %dma_start3A_622 = tpu.memref_slice %arg12[%add3A_612, %dma_start3A_621] : memref<10240x128xf32, #tpu.memory_space<vmem_shared>> -> memref<128x128xf32, #tpu.memory_space<vmem_shared>>
      tpu.enqueue_dma source(%dma_start3A_622 : memref<128x128xf32, #tpu.memory_space<vmem_shared>>) target(%dma_start3A_620 : memref<128x128xf32, #tpu.memory_space<hbm>>) target_semaphore(%run_scoped3A_617 : memref<!tpu.dma_semaphore, #tpu.memory_space<semaphore_mem>>)
      %dma_wait3A_623 = arith.constant 0 : i32
      %dma_wait3A_624 = tpu.memref_slice %arg5[%arg0, %add3A_612, %dma_wait3A_623] : memref<2x10240x128xf32, #tpu.memory_space<hbm>> -> memref<1x128x128xf32, #tpu.memory_space<hbm>>
      %dma_wait3A_625 = tpu.memref_squeeze %dma_wait3A_624 : memref<1x128x128xf32, #tpu.memory_space<hbm>> -> memref<128x128xf32, #tpu.memory_space<hbm>>
      %dma_wait3A_626 = arith.constant 0 : i32
      %dma_wait3A_627 = tpu.memref_slice %arg12[%add3A_612, %dma_wait3A_626] : memref<10240x128xf32, #tpu.memory_space<vmem_shared>> -> memref<128x128xf32, #tpu.memory_space<vmem_shared>>
      tpu.wait_dma2 semaphore(%run_scoped3A_617 : memref<!tpu.dma_semaphore, #tpu.memory_space<semaphore_mem>>) src(%dma_wait3A_627 : memref<128x128xf32, #tpu.memory_space<vmem_shared>>) dst(%dma_wait3A_625 : memref<128x128xf32, #tpu.memory_space<hbm>>)
      tpu.yield
    }) : () -> ()
    %mul3A_613 = arith.constant 640 : i32
    %mul3A_614 = arith.muli %arg1, %mul3A_613 : i32
    %add3A_615 = arith.constant 512 : i32
    %add3A_616 = arith.addi %mul3A_614, %add3A_615 : i32
    "tpu.region"() ({
      %run_scoped3A_617 = tpu.sem_alloc : memref<!tpu.dma_semaphore, #tpu.memory_space<semaphore_mem>>
      %dma_start3A_618 = arith.constant 0 : i32
      %dma_start3A_619 = tpu.memref_slice %arg5[%arg0, %add3A_616, %dma_start3A_618] : memref<2x10240x128xf32, #tpu.memory_space<hbm>> -> memref<1x128x128xf32, #tpu.memory_space<hbm>>
      %dma_start3A_620 = tpu.memref_squeeze %dma_start3A_619 : memref<1x128x128xf32, #tpu.memory_space<hbm>> -> memref<128x128xf32, #tpu.memory_space<hbm>>
      %dma_start3A_621 = arith.constant 0 : i32
      %dma_start3A_622 = tpu.memref_slice %arg12[%add3A_616, %dma_start3A_621] : memref<10240x128xf32, #tpu.memory_space<vmem_shared>> -> memref<128x128xf32, #tpu.memory_space<vmem_shared>>
      tpu.enqueue_dma source(%dma_start3A_622 : memref<128x128xf32, #tpu.memory_space<vmem_shared>>) target(%dma_start3A_620 : memref<128x128xf32, #tpu.memory_space<hbm>>) target_semaphore(%run_scoped3A_617 : memref<!tpu.dma_semaphore, #tpu.memory_space<semaphore_mem>>)
      %dma_wait3A_623 = arith.constant 0 : i32
      %dma_wait3A_624 = tpu.memref_slice %arg5[%arg0, %add3A_616, %dma_wait3A_623] : memref<2x10240x128xf32, #tpu.memory_space<hbm>> -> memref<1x128x128xf32, #tpu.memory_space<hbm>>
      %dma_wait3A_625 = tpu.memref_squeeze %dma_wait3A_624 : memref<1x128x128xf32, #tpu.memory_space<hbm>> -> memref<128x128xf32, #tpu.memory_space<hbm>>
      %dma_wait3A_626 = arith.constant 0 : i32
      %dma_wait3A_627 = tpu.memref_slice %arg12[%add3A_616, %dma_wait3A_626] : memref<10240x128xf32, #tpu.memory_space<vmem_shared>> -> memref<128x128xf32, #tpu.memory_space<vmem_shared>>
      tpu.wait_dma2 semaphore(%run_scoped3A_617 : memref<!tpu.dma_semaphore, #tpu.memory_space<semaphore_mem>>) src(%dma_wait3A_627 : memref<128x128xf32, #tpu.memory_space<vmem_shared>>) dst(%dma_wait3A_625 : memref<128x128xf32, #tpu.memory_space<hbm>>)
      tpu.yield
    }) : () -> ()
    return
  }
}

module attributes {stable_mosaic.version = 14 : i64} {
  func.func @gcn_matmul_tc(%arg0: i32, %arg1: memref<2000x128xf32, #tpu.memory_space<vmem>>, %arg2: memref<128x128xf32, #tpu.memory_space<vmem>>, %arg3: memref<1x128xf32, #tpu.memory_space<vmem>>, %arg4: memref<2000x128xf32, #tpu.memory_space<vmem>>) attributes {dimension_semantics = [#tpu.dimension_semantics<arbitrary>], iteration_bounds = array<i64: 5>, scalar_prefetch = 0 : i64, scratch_operands = 0 : i64, tpu.core_type = #tpu.core_type<tc>, window_params = [{transform_indices = @transform_0, window_bounds = array<i64: 2000, 128>}, {pipeline_mode = #tpu.pipeline_mode<synchronous>, transform_indices = @transform_1, window_bounds = array<i64: 128, 128>}, {pipeline_mode = #tpu.pipeline_mode<synchronous>, transform_indices = @transform_2, window_bounds = array<i64: 1, 128>}, {transform_indices = @transform_3, window_bounds = array<i64: 2000, 128>}]} {
    %get3A = arith.constant 0 : index
    %get3A_0 = arith.constant 0 : index
    %get3A_1 = vector.load %arg1[%get3A, %get3A_0] : memref<2000x128xf32, #tpu.memory_space<vmem>>, vector<2000x128xf32>
    %get3A_2 = arith.constant 0 : index
    %get3A_3 = arith.constant 0 : index
    %get3A_4 = vector.load %arg2[%get3A_2, %get3A_3] : memref<128x128xf32, #tpu.memory_space<vmem>>, vector<128x128xf32>
    %dot_general3A = arith.constant dense<0.000000e+00> : vector<2000x128xf32>
    %dot_general3A_5 = tpu.matmul %get3A_1, %get3A_4, %dot_general3A {dimension_numbers = #tpu.dot_dimension_numbers<[1], [1], [0], [0], [0, 0, 1, 0], [], []>, transpose_lhs_hint = false} : vector<2000x128xf32>, vector<128x128xf32>, vector<2000x128xf32> -> vector<2000x128xf32>
    %get3A_6 = arith.constant 0 : index
    %get3A_7 = arith.constant 0 : index
    %get3A_8 = vector.load %arg3[%get3A_6, %get3A_7] : memref<1x128xf32, #tpu.memory_space<vmem>>, vector<1x128xf32>
    %add3A = vector.broadcast %get3A_8 : vector<1x128xf32> to vector<2000x128xf32>
    %add3A_9 = arith.addf %dot_general3A_5, %add3A : vector<2000x128xf32>
    %swap3A = arith.constant 0 : index
    %swap3A_10 = arith.constant 0 : index
    %swap3A_11 = vector.load %arg4[%swap3A, %swap3A_10] : memref<2000x128xf32, #tpu.memory_space<vmem>>, vector<2000x128xf32>
    tpu.vector_store %arg4[%swap3A, %swap3A_10], %add3A_9 {strides = array<i32>} : memref<2000x128xf32, #tpu.memory_space<vmem>>, vector<2000x128xf32>,
    return
  }
  func.func @transform_0(%arg0: i32) -> (i32, i32) {
    %c0_i32 = arith.constant 0 : i32
    %c0_i32_0 = arith.constant 0 : i32
    return %arg0, %c0_i32 : i32, i32
  }
  func.func @transform_1(%arg0: i32) -> (i32, i32) {
    %c0_i32 = arith.constant 0 : i32
    %c0_i32_0 = arith.constant 0 : i32
    %c0_i32_1 = arith.constant 0 : i32
    return %c0_i32, %c0_i32_0 : i32, i32
  }
  func.func @transform_2(%arg0: i32) -> (i32, i32) {
    %c0_i32 = arith.constant 0 : i32
    %c0_i32_0 = arith.constant 0 : i32
    %c0_i32_1 = arith.constant 0 : i32
    return %c0_i32, %c0_i32_0 : i32, i32
  }
  func.func @transform_3(%arg0: i32) -> (i32, i32) {
    %c0_i32 = arith.constant 0 : i32
    %c0_i32_0 = arith.constant 0 : i32
    return %arg0, %c0_i32 : i32, i32
  }
}

module attributes {stable_mosaic.version = 14 : i64} {
  func.func @gcn_scale_tc(%arg0: i32, %arg1: memref<2000x128xf32, #tpu.memory_space<vmem>>, %arg2: memref<2000x2xf32, #tpu.memory_space<vmem>>, %arg3: memref<2000x128xf32, #tpu.memory_space<vmem>>, %arg4: memref<2000x1xf32, #tpu.memory_space<vmem>>) attributes {dimension_semantics = [#tpu.dimension_semantics<arbitrary>], iteration_bounds = array<i64: 5>, scalar_prefetch = 0 : i64, scratch_operands = 0 : i64, tpu.core_type = #tpu.core_type<tc>, window_params = [{transform_indices = @transform_0, window_bounds = array<i64: 2000, 128>}, {transform_indices = @transform_1, window_bounds = array<i64: 2000, 2>}, {transform_indices = @transform_2, window_bounds = array<i64: 2000, 128>}, {transform_indices = @transform_3, window_bounds = array<i64: 2000, 1>}]} {
    %get3A = arith.constant 0 : index
    %get3A_0 = arith.constant 0 : index
    %get3A_1 = vector.load %arg2[%get3A, %get3A_0] : memref<2000x2xf32, #tpu.memory_space<vmem>>, vector<2000x2xf32>
    %reduce_sum3A = arith.constant dense<0.000000e+00> : vector<2000xf32>
    %reduce_sum3A_2 = vector.multi_reduction <add>, %get3A_1, %reduce_sum3A [1] : vector<2000x2xf32> to vector<2000xf32>
    %broadcast_in_dim3A = vector.shape_cast %reduce_sum3A_2 : vector<2000xf32> to vector<2000x1xf32>
    %gt3A = arith.constant 0.000000e+00 : f32
    %gt3A_3 = vector.broadcast %gt3A : f32 to vector<2000x1xf32>
    %gt3A_4 = arith.cmpf ogt, %broadcast_in_dim3A, %gt3A_3 : vector<2000x1xf32>
    %rsqrt3A = math.rsqrt %broadcast_in_dim3A : vector<2000x1xf32>
    %jit3A = arith.constant 0.000000e+00 : f32
    %broadcast_in_dim3A_5 = vector.broadcast %jit3A : f32 to vector<2000x1xf32>
    %select_n3A = arith.select %gt3A_4, %rsqrt3A, %broadcast_in_dim3A_5 : vector<2000x1xi1>, vector<2000x1xf32>
    %swap3A = arith.constant 0 : index
    %swap3A_6 = arith.constant 0 : index
    %swap3A_7 = vector.load %arg4[%swap3A, %swap3A_6] : memref<2000x1xf32, #tpu.memory_space<vmem>>, vector<2000x1xf32>
    tpu.vector_store %arg4[%swap3A, %swap3A_6], %select_n3A {strides = array<i32>} : memref<2000x1xf32, #tpu.memory_space<vmem>>, vector<2000x1xf32>,
    %get3A_8 = arith.constant 0 : index
    %get3A_9 = arith.constant 0 : index
    %get3A_10 = vector.load %arg1[%get3A_8, %get3A_9] : memref<2000x128xf32, #tpu.memory_space<vmem>>, vector<2000x128xf32>
    %mul3A = vector.broadcast %select_n3A : vector<2000x1xf32> to vector<2000x128xf32>
    %mul3A_11 = arith.mulf %mul3A, %get3A_10 : vector<2000x128xf32>
    %swap3A_12 = arith.constant 0 : index
    %swap3A_13 = arith.constant 0 : index
    %swap3A_14 = vector.load %arg3[%swap3A_12, %swap3A_13] : memref<2000x128xf32, #tpu.memory_space<vmem>>, vector<2000x128xf32>
    tpu.vector_store %arg3[%swap3A_12, %swap3A_13], %mul3A_11 {strides = array<i32>} : memref<2000x128xf32, #tpu.memory_space<vmem>>, vector<2000x128xf32>,
    return
  }
  func.func @transform_0(%arg0: i32) -> (i32, i32) {
    %c0_i32 = arith.constant 0 : i32
    %c0_i32_0 = arith.constant 0 : i32
    return %arg0, %c0_i32 : i32, i32
  }
  func.func @transform_1(%arg0: i32) -> (i32, i32) {
    %c0_i32 = arith.constant 0 : i32
    %c0_i32_0 = arith.constant 0 : i32
    return %arg0, %c0_i32 : i32, i32
  }
  func.func @transform_2(%arg0: i32) -> (i32, i32) {
    %c0_i32 = arith.constant 0 : i32
    %c0_i32_0 = arith.constant 0 : i32
    return %arg0, %c0_i32 : i32, i32
  }
  func.func @transform_3(%arg0: i32) -> (i32, i32) {
    %c0_i32 = arith.constant 0 : i32
    %c0_i32_0 = arith.constant 0 : i32
    return %arg0, %c0_i32 : i32, i32
  }
}

module attributes {stable_mosaic.version = 14 : i64} {
  func.func @gcn_finish_tc(%arg0: i32, %arg1: memref<2x2000x128xf32, #tpu.memory_space<vmem>>, %arg2: memref<2000x1xf32, #tpu.memory_space<vmem>>, %arg3: memref<2000x128xf32, #tpu.memory_space<vmem>>) attributes {dimension_semantics = [#tpu.dimension_semantics<arbitrary>], iteration_bounds = array<i64: 5>, scalar_prefetch = 0 : i64, scratch_operands = 0 : i64, tpu.core_type = #tpu.core_type<tc>, window_params = [{transform_indices = @transform_0, window_bounds = array<i64: 2, 2000, 128>}, {transform_indices = @transform_1, window_bounds = array<i64: 2000, 1>}, {transform_indices = @transform_2, window_bounds = array<i64: 2000, 128>}]} {
    %get3A = arith.constant 0 : index
    %get3A_0 = arith.constant 0 : index
    %get3A_1 = arith.constant 0 : index
    %get3A_2 = vector.load %arg1[%get3A, %get3A_0, %get3A_1] : memref<2x2000x128xf32, #tpu.memory_space<vmem>>, vector<1x2000x128xf32>
    %get3A_3 = vector.shape_cast %get3A_2 : vector<1x2000x128xf32> to vector<2000x128xf32>
    %get3A_4 = arith.constant 1 : index
    %get3A_5 = arith.constant 0 : index
    %get3A_6 = arith.constant 0 : index
    %get3A_7 = vector.load %arg1[%get3A_4, %get3A_5, %get3A_6] : memref<2x2000x128xf32, #tpu.memory_space<vmem>>, vector<1x2000x128xf32>
    %get3A_8 = vector.shape_cast %get3A_7 : vector<1x2000x128xf32> to vector<2000x128xf32>
    %add3A = arith.addf %get3A_3, %get3A_8 : vector<2000x128xf32>
    %get3A_9 = arith.constant 0 : index
    %get3A_10 = arith.constant 0 : index
    %get3A_11 = vector.load %arg2[%get3A_9, %get3A_10] : memref<2000x1xf32, #tpu.memory_space<vmem>>, vector<2000x1xf32>
    %mul3A = vector.broadcast %get3A_11 : vector<2000x1xf32> to vector<2000x128xf32>
    %mul3A_12 = arith.mulf %add3A, %mul3A : vector<2000x128xf32>
    %swap3A = arith.constant 0 : index
    %swap3A_13 = arith.constant 0 : index
    %swap3A_14 = vector.load %arg3[%swap3A, %swap3A_13] : memref<2000x128xf32, #tpu.memory_space<vmem>>, vector<2000x128xf32>
    tpu.vector_store %arg3[%swap3A, %swap3A_13], %mul3A_12 {strides = array<i32>} : memref<2000x128xf32, #tpu.memory_space<vmem>>, vector<2000x128xf32>,
    return
  }
  func.func @transform_0(%arg0: i32) -> (i32, i32, i32) {
    %c0_i32 = arith.constant 0 : i32
    %c0_i32_0 = arith.constant 0 : i32
    %c0_i32_1 = arith.constant 0 : i32
    return %c0_i32, %arg0, %c0_i32_0 : i32, i32, i32
  }
  func.func @transform_1(%arg0: i32) -> (i32, i32) {
    %c0_i32 = arith.constant 0 : i32
    %c0_i32_0 = arith.constant 0 : i32
    return %arg0, %c0_i32 : i32, i32
  }
  func.func @transform_2(%arg0: i32) -> (i32, i32) {
    %c0_i32 = arith.constant 0 : i32
    %c0_i32_0 = arith.constant 0 : i32
    return %arg0, %c0_i32 : i32, i32
  }
}

</mosaic_0001>

<sc_bundles>
// kernel: gcn_bincount_sc.3.cloned.1.call-start
scs
__scs_entry_jumppad:
0x0: {  	(pc) =	sbr.rel $0x88, $3  }
0x1: {  	(tag) =	ssettag $0x0;
	lr =	simm.s32 $0x1  }
0x2: {  	[smem:$0x3F9D] =	sst lr;
	_ =	strace $0xD0000000  }
0x3: {  	_ = 	snop  }
0x4: {  	_ = 	snop  }
0x5: {  	_ = 	snop  }
0x6: {  	_ = 	snop  }
0x7: {  	_ = 	snop  }
__scs_overlays_trampoline_lowered:
0x8: {  	[smem:$0x3FAC] =	sst s0  }
0x9: {  	[smem:$0x3FAD] =	sst s1  }
0xa: {  	[smem:$0x3FAE] =	sst s2  }
0xb: {  	[smem:$0x3FAF] =	sst s3  }
0xc: {  	[smem:$0x3FB0] =	sst s4  }
0xd: {  	[smem:$0x3FB1] =	sst s5  }
0xe: {  	[smem:$0x3FB2] =	sst s6  }
0xf: {  	[smem:$0x3FB3] =	sst s7  }
0x10: {  	[smem:$0x3FB4] =	sst s8  }
0x11: {  	[smem:$0x3FB5] =	sst s9;
	s0 =	simm.s32 @!p0 $0x0  }
0x12: {  	s1 =	sld [smem:$0x3F9B];
	s0 =	simm.s32 @p0 $0x1  }
0x13: {  	[smem:$0x3FB6] =	sst s0;
	s0 =	simm.s32 @!p1 $0x0  }
0x14: {  	s2 =	sld [smem:$0x3F9A];
	s0 =	simm.s32 @p1 $0x1  }
0x15: {  	[smem:$0x3FB7] =	sst s0;
	s0 =	simm.s32 @!p2 $0x0  }
0x16: {  	s3 =	sld [smem:$0x3FDB];
	s0 =	simm.s32 @p2 $0x1  }
0x17: {  	s4 =	simm.s32 $0x1BF5;
	[smem:$0x3FB9] =	sst s0  }
0x18: {  	s0 =	sld [smem:$0x3F9C];
	_ =	swait.ge [sflag:s4], $0x0  }
0x19: {  	s7 =	sld [smem:$0x3F9D]  }
0x1a: {  	s8 =	sadd.s32 $0xFFFFE003, lr  }
0x1b: {  	s9 =	sadd.s32 $0xFFFFFEF7, lr;
	s5 =	simm.s32 $0xFFFFFFFF;
	p2 =	slt.u32 s8, $0xFFFFF086  }
0x1c: {  	p1 =	slt.u32 s9, $0xF7A;
	s5 =	simm.s32 @!p2 $0x0  }
0x1d: {  	s5 =	simm.s32 @p1 $0x1;
	p0 =	seq.s32 s7, s2  }
0x1e: {  	s7 =	smul.u32 @!p0 $0xF7A, s2;
	p2 =	seq.s32 @!p0 s5, $0x0  }
0x1f: {  	s9 =	smul.u32 $0xF7A, s1;
	s8 =	simm.s32 @!p0 $0x1BF5;
	p2 =	por !p2, p0  }
0x20: {  	[sflag:s8] =	ssyncset.s32 @!p0 $0xFFFFF086;
	s6 =	sadd.s32 @!p0 s3, s7;
	s7 =	simm.s32 @!p0 $0x108  }
0x21: {  	s3 =	sadd.s32 s3, s9;
	s6 =	sadd.s32 @!p0 $0x88, s6;
	s7 =	simm.s32 @p2 $0x1082  }
0x22: {  	[simem:s7], [sflag:s8] =	dma.local @!p0 [hbm:s6], $0xF7A  }
0x23: {  	s9 =	sor.u32 $0xD0000000, s2;
	s6 =	simm.s32 $0x108;
	_ =	swait.ge @!p0 [sflag:s8], $0x0  }
0x24: {  	s3 =	sadd.s32 $0x88, s3;
	s6 =	simm.s32 @!p1 $0x1082;
	[sflag:s4] =	ssyncset.s32 $0xFFFFF086  }
0x25: {  	[simem:s6], [sflag:s4] =	dma.local [hbm:s3], $0xF7A  }
0x26: {  	[smem:$0x3F9D] =	sst s1;
	(tag) =	ssettag s2;
	_ =	strace s9  }
0x27: {  	s1 =	sld [smem:$0x3FAD]  }
0x28: {  	s2 =	sld [smem:$0x3FAE]  }
0x29: {  	s4 =	sld [smem:$0x3FB0]  }
0x2a: {  	p0 =	seq.s32 s5, $0x0;
	s5 =	sld [smem:$0x3FB1]  }
0x2b: {  	s6 =	sld [smem:$0x3FB2]  }
0x2c: {  	s7 =	sld [smem:$0x3FB3]  }
0x2d: {  	s3 =	simm.s32 $0x108;
	s8 =	sld [smem:$0x3FB4]  }
0x2e: {  	s3 =	simm.s32 @!p0 $0x1082;
	s9 =	sld [smem:$0x3FB5]  }
0x2f: {  	lr =	sadd.s32 s0, s3;
	s0 =	sld [smem:$0x3FAC]  }
0x30: {  	s3 =	sld [smem:$0x3FAF]  }
0x31: {  	[smem:$0x3FB8] =	sst s10  }
0x32: {  	s10 =	sld [smem:$0x3FB6];
	_ =	sdelay $0x3  }
0x33: {  	p0 =	seq.s32 s10, $0x1;
	s10 =	sld [smem:$0x3FB8];
	_ =	sdelay $0x3  }
0x34: {  	[smem:$0x3FB8] =	sst s10  }
0x35: {  	s10 =	sld [smem:$0x3FB7];
	_ =	sdelay $0x3  }
0x36: {  	p1 =	seq.s32 s10, $0x1;
	s10 =	sld [smem:$0x3FB8];
	_ =	sdelay $0x3  }
0x37: {  	[smem:$0x3FB8] =	sst s10  }
0x38: {  	s10 =	sld [smem:$0x3FB9]  }
0x39: {  	_ = 	snop;
	(pc) =	sbr.ind lr, $3  }
0x3a: {  	_ = 	snop  }
0x3b: {  	_ = 	snop  }
0x3c: {  	p2 =	seq.s32 s10, $0x1;
	s10 =	sld [smem:$0x3FB8]  }
0x3d: {  	_ =	shalt  }
0x3e: {  	_ =	shalt  }
0x3f: {  	_ =	shalt  }
0x40: {  	_ =	shalt  }
0x41: {  	_ =	shalt  }
0x42: {  	_ =	shalt  }
0x43: {  	_ =	shalt  }
0x44: {  	_ =	shalt  }
0x45: {  	_ =	shalt  }
0x46: {  	_ =	shalt  }
0x47: {  	_ =	shalt  }
0x48: {  	_ =	shalt  }
0x49: {  	_ =	shalt  }
0x4a: {  	_ =	shalt  }
0x4b: {  	_ =	shalt  }
0x4c: {  	_ =	shalt  }
0x4d: {  	_ =	shalt  }
0x4e: {  	_ =	shalt  }
0x4f: {  	_ =	shalt  }
0x50: {  	_ =	shalt  }
0x51: {  	_ =	shalt  }
0x52: {  	_ =	shalt  }
0x53: {  	_ =	shalt  }
0x54: {  	_ =	shalt  }
0x55: {  	_ =	shalt  }
0x56: {  	_ =	shalt  }
0x57: {  	_ =	shalt  }
0x58: {  	_ =	shalt  }
0x59: {  	_ =	shalt  }
0x5a: {  	_ =	shalt  }
0x5b: {  	_ =	shalt  }
0x5c: {  	_ =	shalt  }
0x5d: {  	_ =	shalt  }
0x5e: {  	_ =	shalt  }
0x5f: {  	_ =	shalt  }
0x60: {  	_ =	shalt  }
0x61: {  	_ =	shalt  }
0x62: {  	_ =	shalt  }
0x63: {  	_ =	shalt  }
0x64: {  	_ =	shalt  }
0x65: {  	_ =	shalt  }
0x66: {  	_ =	shalt  }
0x67: {  	_ =	shalt  }
0x68: {  	_ =	shalt  }
0x69: {  	_ =	shalt  }
0x6a: {  	_ =	shalt  }
0x6b: {  	_ =	shalt  }
0x6c: {  	_ =	shalt  }
0x6d: {  	_ =	shalt  }
0x6e: {  	_ =	shalt  }
0x6f: {  	_ =	shalt  }
0x70: {  	_ =	shalt  }
0x71: {  	_ =	shalt  }
0x72: {  	_ =	shalt  }
0x73: {  	_ =	shalt  }
0x74: {  	_ =	shalt  }
0x75: {  	_ =	shalt  }
0x76: {  	_ =	shalt  }
0x77: {  	_ =	shalt  }
0x78: {  	_ =	shalt  }
0x79: {  	_ =	shalt  }
0x7a: {  	_ =	shalt  }
0x7b: {  	_ =	shalt  }
0x7c: {  	_ =	shalt  }
0x7d: {  	_ =	shalt  }
0x7e: {  	_ =	shalt  }
0x7f: {  	_ =	shalt  }
0x80: {  	_ =	shalt  }
0x81: {  	_ =	shalt  }
0x82: {  	_ =	shalt  }
0x83: {  	_ =	shalt  }
0x84: {  	_ =	shalt  }
0x85: {  	_ =	shalt  }
0x86: {  	_ =	shalt  }
0x87: {  	_ =	shalt  }
.Lfunc_end0:
.L_simem_size_0:
called_computation_lowered:
.L_overlay_start_0:
0x88: {  	s2 =	sld [smem:$0x3FD9]  }
0x89: {  	s3 =	sld [smem:$0x3FFE];
	_ =	sdelay $0x1  }
0x8a: {  	s1 =	srdreg.scid  }
0x8b: {  	s0 =	sand.u32 $0x1, s1  }
0x8c: {  	s17 =	sshll.u32 s0, $0xA;
	s2 =	sadd.s32 s3, s2  }
0x8d: {  	s2 =	sadd.s32 s2, s17  }
0x8e: {  	[smem:$0x3FC4] =	sst s2  }
0x8f: {  	_ = 	snop  }
0x90: {  	s2 =	sld [smem:$0x3FD0];
	(tm) =	ssettm $0x1  }
0x91: {  	s18 =	sld [smem:$0x3FFB];
	_ =	sdelay $0x3  }
0x92: {  	_ =	strace s18  }
0x93: {  	s3 =	sld [smem:$0x3FFC];
	_ =	sdelay $0x3  }
0x94: {  	_ =	strace s3  }
0x95: {  	s3 =	sld [smem:$0x3FFD];
	_ =	sdelay $0x3  }
0x96: {  	_ =	strace s3  }
0x97: {  	_ =	strace $0x8FFFFFFF  }
0x98: {  	s19 =	sld [smem:$0x3FDB];
	_ =	sdelay $0x1  }
0x99: {  	s4 =	simm.s32 $_scs_section_size  }
0x9a: {  	s5 =	simm.s32 $_size__tile_overlayer_lowered;
	s6 =	simm.s32 $_tile_overlayer_lowered  }
0x9b: {  	s22 =	simm.s32 $0x1BFF;
	s21 =	sshll.u32 s6, $0x1;
	s3 =	sadd.s32 s4, s19  }
0x9c: {  	s7 =	simm.s32 $0x0;
	s20 =	sshll.u32 s5, $0x1;
	s5 =	sadd.s32 s21, s3  }
0x9d: {  	[timem:s7], [sflag:s22] =	dma.local [hbm:s5], s20  }
0x9e: {  	_ =	swait.ge [sflag:s22], s20  }
0x9f: {  	s4 =	ssub.s32 $0x0, s20;
	[sflag:s22] =	ssyncset.done $0x0  }
0xa0: {  	[sflag:s22] =	ssyncadd.s32 s4;
	_ =	sdelay $0x1  }
0xa1: {  	s23 =	simm.s32 $0x1B8B  }
0xa2: {  	_ =	swait.ge [sflag:s23], $0x1  }
0xa3: {  	[sflag:s23] =	ssyncset.done $0x0  }
0xa4: {  	s25 =	simm.s32 $0x1B8E;
	s24 =	sld [smem:$0x3FFE];
	[sflag:s23] =	ssyncadd.s32 $0xFFFFFFFF  }
0xa5: {  	s26 =	simm.s32 $execute0_lowered;
	[smem:$0x3FD2] =	sst s25  }
0xa6: {  	s5 =	sshll.u32 s26, $0x1;
	_ =	strace $0x80000046;
	[dreg:$0x1] =	wrdreg $0xFFFFFFFF  }
0xa7: {  	s28 =	simm.s32 $_size_execute0_lowered;
	s3 =	sadd.s32 s3, s5;
	[dreg:$0x0] =	wrdreg $0x0  }
0xa8: {  	s5 =	sshll.u32 s28, $0x1;
	[dreg:$0x2] =	wrdreg s3  }
0xa9: {  	[dreg:$0x3] =	wrdreg s5  }
0xaa: {  	[dreg:$0x4] =	wrdreg $0xC0  }
0xab: {  	_ =	task [dreg:s7], $0x5FFFF  }
0xac: {  	[dreg:$0x1] =	wrdreg $0xFFFFFFFF  }
0xad: {  	[dreg:$0x0] =	wrdreg $0x60  }
0xae: {  	[dreg:$0x2] =	wrdreg s2  }
0xaf: {  	[dreg:$0x3] =	wrdreg s24  }
0xb0: {  	[dreg:$0x4] =	wrdreg $0x77800  }
0xb1: {  	[dreg:$0x5] =	wrdreg $0x9  }
0xb2: {  	_ =	task.clear_ibuf [dreg:s7], $0x6FFFF;
	_ =	strace $0x90000046  }
0xb3: {  	s29 =	simm.s32 $0x9;
	_ =	strace $0x80000048  }
0xb4: {  	_ =	swait.ge [sflag:s29], $0x1  }
0xb5: {  	[sflag:s29] =	ssyncadd.s32 $0xFFFFFFFF  }
0xb6: {  	_ =	strace $0x90000048  }
0xb7: {  	_ =	sfence  }
0xb8: {  	s30 =	sld [smem:$0x0];
	_ =	sdelay $0x2  }
0xb9: {  	s31 =	sshll.u32 s1, $0xD;
	s1 =	sshrl.u32 s1, $0x2  }
0xba: {  	s3 =	sand.u32 $0x4000, s31;
	s1 =	sadd.s32 s1, s30  }
0xbb: {  	s0 =	sor.u32 s3, s0;
	s1 =	sshll.u32 s1, $0x11  }
0xbc: {  	s0 =	sor.u32 s1, s0  }
0xbd: {  	s0 =	sadd.s32 $0x8F2B, s0  }
0xbe: {  	[sflag:s0] =	ssyncadd.remote.s32 $0x1  }
0xbf: {  	_ =	sfence.sel $0xFFFF  }
0xc0: {  	[dreg:$0x0] =	wrdreg $0xFFFFFFFF;
	(pc) =	sbr.abs _section_cstart, $3  }
0xc1: {  	[dreg:$0x1] =	wrdreg $0xFFFFFFFF  }
0xc2: {  	_ =	task.clear_ibuf [dreg:s7], $0x2FFFF;
	_ =	strace $0x9FFFFFFF  }
0xc3: {  	(tm) =	ssettm $0x7FFFFFFF  }
tec
execute0_lowered:
.L_overlay_start_1:
0x0: {  	(tag) =	ssettag $0x1  }
0x1: {  	s4 =	rddreg [dreg:$0x0]  }
0x2: {  	s5 =	rddreg [dreg:$0x1]  }
0x3: {  	s1 =	srdreg.scid;
	s0 =	stileid.u32  }
0x4: {  	s6 =	rddreg [dreg:$0x2];
	s3 =	simm.s32 $0x0;
	s14 =	simm.s32 $0x1400  }
0x5: {  	s15 =	simm.s32 $0x14000;
	s16 =	simm.s32 $0x4F80;
	s17 =	simm.s32 $0x0  }
0x6: {  	s7 =	sand.u32 $0x1, s1;
	s2 =	smul.u32 $0x280, s0;
	s1 =	rddreg [dreg:$0x3]  }
0x7: {  	[smem:$0x7FF] =	sst s3;
	s10 =	sshrl.u32 s0, $0x3;
	s12 =	smul.u32 $0x5000, s0  }
0x8: {  	s11 =	sshll.u32 s0, $0x7;
	s8 =	smul.u32 $0x2800, s7;
	_ =	strace $0x80000047  }
0x9: {  	s9 =	sshll.u32 s7, $0x4;
	s7 =	ssub.s32 $0x2, s7;
	s10 =	smul.u32 $0x50000, s10  }
0xa: {  	s29 =	sand.u32 $0x380, s11;
	s11 =	simm.s32 $0x80;
	s9 =	sor.u32 s0, s9  }
0xb: {  	s28 =	sshrl.u32 s7, $0x1;
	s31 =	sshrl.u32 s12, $0x2;
	s12 =	simm.s32 $0x400  }
0xc: {  	s8 =	sadd.s32 s2, s8;
	s9 =	smul.u32 $0x4E2, s9;
	s10 =	sshrl.u32 s10, $0x2  }
0xd: {  	s13 =	ssub.s32 s7, s28;
	s8 =	sshrl.u32 s8, $0x3;
	s30 =	sadd.s32 s10, s6  }
0xe: {  	s6 =	sadd.s32 s31, s6;
	s10 =	simm.s32 $0x1;
	s8 =	sadd.s32 s8, s5  }
0xf: {  	s4 =	sadd.s32 s4, s9;
	s5 =	sadd.s32 s29, s30;
	s9 =	simm.s32 $0x2800  }
0x10: {  	v0 =	vimm.f32 $0.0e+00;
	v1 =	vimm.f32 $1.000000000e+00;
	s7 =	sadd.s32 $0x1200, s8;
	s8 =	smax.u32 s13, $0x1;
	s13 =	simm.s32 $0x2  }
.LBB2_1:
0x11: {  	s18 =	simm.s32 $0x0;
	s19 =	simm.s32 $0x200  }
.LBB2_2:
0x12: {  	p0 =	sne.s32 s19, $0x9E00;
	[tilespmem:s18+$0x70] =	vst v0  }
0x13: {  	[tilespmem:s18+$0x0] =	vst v0  }
0x14: {  	[tilespmem:s18+$0x10] =	vst v0  }
.Ltmp0:
0x15: {  	[tilespmem:s18+$0x20] =	vst v0;
	(pc) =	sbr.rel @p0 .LBB2_2-.Ltmp0, $4  }
0x16: {  	[tilespmem:s18+$0x30] =	vst v0  }
0x17: {  	[tilespmem:s18+$0x40] =	vst v0  }
0x18: {  	[tilespmem:s18+$0x50] =	vst v0  }
0x19: {  	[tilespmem:s18+$0x60] =	vst v0;
	s18 =	sshra.s32 s19, $0x2;
	s19 =	sadd.s32 $0x200, s19  }
0x1a: {  	[tilespmem:s18+$0x70] =	vst v0  }
0x1b: {  	[tilespmem:s18+$0x0] =	vst v0  }
0x1c: {  	[tilespmem:s18+$0x10] =	vst v0  }
0x1d: {  	[tilespmem:s18+$0x20] =	vst v0  }
0x1e: {  	[tilespmem:s18+$0x30] =	vst v0  }
0x1f: {  	[tilespmem:s18+$0x40] =	vst v0  }
0x20: {  	[tilespmem:s18+$0x50] =	vst v0  }
0x21: {  	[tilespmem:s18+$0x60] =	vst v0;
	s18 =	simm.s32 $0x0  }
0x22: {  	[tilespmem:s9], [sflag:$0x1] =	stream.linear.gather [hbm4b:s4+s18], $0x2710, $0x38;
	[tilespmem:$0x9F80] =	vst v63  }
0x23: {  	_ =	swait.ge [sflag:s10], $0x2710  }
0x24: {  	[sflag:s10] =	ssyncset.done $0x0  }
0x25: {  	[sflag:s10] =	ssyncadd.s32 $0xFFFFD8F0  }
.LBB2_4:
0x26: {  	s19 =	sshra.s32 s18, $0x2  }
0x27: {  	v2 =	vld [tilespmem:s19+$0x2800];
	_ =	sdelay $0x7  }
0x28: {  	[tilespmem:v2+s3+$0x0] =	vst.idx.add.f32.msk $0xffff, v1  }
0x29: {  	v2 =	vld [tilespmem:s19+$0x2810];
	_ =	sdelay $0x7  }
0x2a: {  	[tilespmem:v2+s3+$0x0] =	vst.idx.add.f32.msk $0xffff, v1  }
0x2b: {  	v2 =	vld [tilespmem:s19+$0x2820];
	_ =	sdelay $0x7  }
0x2c: {  	[tilespmem:v2+s3+$0x0] =	vst.idx.add.f32.msk $0xffff, v1  }
0x2d: {  	v2 =	vld [tilespmem:s19+$0x2830];
	_ =	sdelay $0x7  }
0x2e: {  	[tilespmem:v2+s3+$0x0] =	vst.idx.add.f32.msk $0xffff, v1  }
0x2f: {  	v2 =	vld [tilespmem:s19+$0x2840];
	_ =	sdelay $0x7  }
0x30: {  	[tilespmem:v2+s3+$0x0] =	vst.idx.add.f32.msk $0xffff, v1  }
0x31: {  	v2 =	vld [tilespmem:s19+$0x2850];
	_ =	sdelay $0x7  }
0x32: {  	[tilespmem:v2+s3+$0x0] =	vst.idx.add.f32.msk $0xffff, v1  }
0x33: {  	v2 =	vld [tilespmem:s19+$0x2860];
	_ =	sdelay $0x7  }
0x34: {  	[tilespmem:v2+s3+$0x0] =	vst.idx.add.f32.msk $0xffff, v1  }
0x35: {  	v2 =	vld [tilespmem:s19+$0x2870];
	_ =	sdelay $0x2  }
0x36: {  	p0 =	sne.s32 s18, $0x9A00  }
.Ltmp1:
0x37: {  	_ = 	snop;
	(pc) =	sbr.rel @p0 .LBB2_4-.Ltmp1, $2  }
0x38: {  	_ =	sdelay $0x2  }
0x39: {  	s18 =	sadd.s32 $0x200, s18;
	[tilespmem:v2+s3+$0x0] =	vst.idx.add.f32.msk $0xffff, v1  }
0x3a: {  	v2 =	vld [tilespmem:$0x4F00];
	_ =	sdelay $0x6  }
0x3b: {  	s18 =	simm.s32 $0x0  }
0x3c: {  	[tilespmem:v2+s18+$0x0] =	vst.idx.add.f32.msk $0xffff, v1  }
0x3d: {  	[spmem:s5] =	stream.strided.scatter [tilespmem:s18], [sflag:$0x2], $0x2800, s12, s11, $0x38;
	[tilespmem:$0x9F80] =	vst v63  }
0x3e: {  	_ =	swait.ge [sflag:s13], $0x2800  }
0x3f: {  	[sflag:s13] =	ssyncset.done $0x0  }
0x40: {  	[sflag:s13] =	ssyncadd.s32 $0xFFFFD800  }
0x41: {  	[bflag:$0x0] =	sbarrier.arrive $0xFFFF  }
0x42: {  	[tilespmem:s16], [sflag:$0x2] =	stream.strided.gather [spmem:s6], $0x2800, s15, s14, $0x38;
	[tilespmem:$0x9F80] =	vst v63  }
0x43: {  	s22 =	simm.s32 $0x10;
	_ =	swait.ge [sflag:s13], $0x2800  }
0x44: {  	s19 =	sand.u32 $0x70, s18;
	s20 =	sand.u32 $0x1C00, s18;
	[sflag:s13] =	ssyncset.done $0x0  }
0x45: {  	s21 =	simm.s32 $0x0;
	s20 =	sor.u32 s19, s20;
	[sflag:s13] =	ssyncadd.s32 $0xFFFFD800  }
.LBB2_6:
0x46: {  	p0 =	sne.s32 s22, $0x270;
	v2 =	vld [tilespmem:s20+$0x5000]  }
0x47: {  	v3 =	vld [tilespmem:s20+$0x4F80];
	_ =	sdelay $0x1  }
0x48: {  	v4 =	vld [tilespmem:s20+$0x5080];
	_ =	sdelay $0x1  }
0x49: {  	v5 =	vld [tilespmem:s20+$0x5100]  }
0x4a: {  	v2 =	vadd.f32 v2, v3  }
0x4b: {  	v3 =	vld [tilespmem:s20+$0x5180]  }
0x4c: {  	v2 =	vadd.f32 v4, v2  }
0x4d: {  	v4 =	vld [tilespmem:s20+$0x5200]  }
0x4e: {  	v2 =	vadd.f32 v5, v2  }
0x4f: {  	s23 =	sor.u32 s21, s18;
	v5 =	vld [tilespmem:s20+$0x5280]  }
0x50: {  	s23 =	sor.u32 $0x380, s23;
	v2 =	vadd.f32 v3, v2  }
0x51: {  	v3 =	vld [tilespmem:s23+$0x4F80]  }
0x52: {  	v2 =	vadd.f32 v4, v2  }
0x53: {  	v4 =	vld [tilespmem:s20+$0x6380]  }
0x54: {  	v2 =	vadd.f32 v5, v2  }
0x55: {  	v5 =	vld [tilespmem:s20+$0x6400]  }
0x56: {  	v2 =	vadd.f32 v3, v2  }
0x57: {  	v3 =	vld [tilespmem:s20+$0x6480]  }
0x58: {  	v2 =	vadd.f32 v4, v2  }
0x59: {  	v4 =	vld [tilespmem:s20+$0x6500]  }
0x5a: {  	v2 =	vadd.f32 v5, v2  }
0x5b: {  	v5 =	vld [tilespmem:s20+$0x6580]  }
0x5c: {  	v2 =	vadd.f32 v3, v2  }
0x5d: {  	v3 =	vld [tilespmem:s20+$0x6600]  }
0x5e: {  	v2 =	vadd.f32 v4, v2  }
0x5f: {  	v4 =	vld [tilespmem:s20+$0x6680]  }
0x60: {  	v2 =	vadd.f32 v5, v2  }
0x61: {  	v5 =	vld [tilespmem:s20+$0x6700]  }
0x62: {  	v2 =	vadd.f32 v3, v2;
	_ =	sdelay $0x1  }
.Ltmp2:
0x63: {  	v2 =	vadd.f32 v4, v2;
	(pc) =	sbr.rel @p0 .LBB2_6-.Ltmp2, $4  }
0x64: {  	s20 =	sadd.s32 s18, s2;
	s18 =	smov.u32 s22  }
0x65: {  	s21 =	sadd.s32 $0x80, s21;
	s20 =	sand.u32 $0x7F80, s20;
	v2 =	vadd.f32 v5, v2  }
0x66: {  	s23 =	sand.u32 $0x1C00, s21;
	s24 =	sor.u32 s19, s20;
	s19 =	sand.u32 $0x70, s22  }
0x67: {  	s22 =	sadd.s32 $0x10, s22;
	s20 =	sor.u32 s19, s23;
	[tilespmem:s24+$0x0] =	vst v2  }
0x68: {  	v2 =	vld [tilespmem:s20+$0x5000]  }
0x69: {  	v3 =	vld [tilespmem:s20+$0x4F80];
	_ =	sdelay $0x1  }
0x6a: {  	v4 =	vld [tilespmem:s20+$0x5080];
	_ =	sdelay $0x1  }
0x6b: {  	v5 =	vld [tilespmem:s20+$0x5100]  }
0x6c: {  	v2 =	vadd.f32 v2, v3  }
0x6d: {  	v3 =	vld [tilespmem:s20+$0x5180]  }
0x6e: {  	v2 =	vadd.f32 v4, v2  }
0x6f: {  	v56 =	vld [tilespmem:s20+$0x5200]  }
0x70: {  	v2 =	vadd.f32 v5, v2  }
0x71: {  	v57 =	vld [tilespmem:s20+$0x5280];
	s21 =	sor.u32 s21, s18  }
0x72: {  	s21 =	sor.u32 $0x380, s21;
	v2 =	vadd.f32 v3, v2  }
0x73: {  	v3 =	vld [tilespmem:s21+$0x4F80]  }
0x74: {  	v2 =	vadd.f32 v56, v2  }
0x75: {  	v58 =	vld [tilespmem:s20+$0x6380]  }
0x76: {  	v2 =	vadd.f32 v57, v2  }
0x77: {  	v59 =	vld [tilespmem:s20+$0x6400]  }
0x78: {  	v2 =	vadd.f32 v3, v2  }
0x79: {  	v3 =	vld [tilespmem:s20+$0x6480]  }
0x7a: {  	v2 =	vadd.f32 v58, v2  }
0x7b: {  	v60 =	vld [tilespmem:s20+$0x6500]  }
0x7c: {  	v2 =	vadd.f32 v59, v2  }
0x7d: {  	v61 =	vld [tilespmem:s20+$0x6580]  }
0x7e: {  	v2 =	vadd.f32 v3, v2  }
0x7f: {  	v3 =	vld [tilespmem:s20+$0x6600]  }
0x80: {  	v2 =	vadd.f32 v60, v2  }
0x81: {  	v62 =	vld [tilespmem:s20+$0x6680]  }
0x82: {  	v2 =	vadd.f32 v61, v2  }
0x83: {  	v63 =	vld [tilespmem:s20+$0x6700]  }
0x84: {  	v2 =	vadd.f32 v3, v2;
	_ =	sdelay $0x1  }
0x85: {  	v2 =	vadd.f32 v62, v2  }
0x86: {  	s31 =	sadd.s32 s18, s2  }
0x87: {  	s17 =	sadd.s32 $0x1, s17;
	s18 =	sand.u32 $0x7F80, s31;
	v2 =	vadd.f32 v63, v2  }
0x88: {  	p0 =	sne.s32 s17, s8;
	s18 =	sor.u32 s19, s18  }
.Ltmp3:
0x89: {  	[tilespmem:s18+$0x0] =	vst v2;
	(pc) =	sbr.rel @p0 .LBB2_1-.Ltmp3, $4  }
0x8a: {  	[hbm4b:s7+s3] =	stream.linear.scatter [tilespmem:s2], [sflag:$0x2], $0x280, $0x38;
	[tilespmem:$0x9F80] =	vst v63  }
0x8b: {  	_ =	swait.ge [sflag:s13], $0x280  }
0x8c: {  	[sflag:s13] =	ssyncset.done $0x0  }
0x8d: {  	[sflag:s13] =	ssyncadd.s32 $0xFFFFFD80  }
0x8e: {  	_ =	sfence.sel $0x180000  }
0x8f: {  	[bflag:$0x0] =	sbarrier.arrive $0xFFFF  }
0x90: {  	p0 =	sne.s32 s0, $0x0;
	_ =	strace $0x90000047  }
0x91: {  	s0 =	sadd.s32 @!p0 $0x100000, s1;
	[bflag:$0x2] =	sbarrier.arrive $0xFFFF  }
0x92: {  	[sflag:s0] =	ssyncadd.tile.s32 @!p0 $0x1;
	_ =	shalt  }
.Lfunc_end2:
_tile_overlayer_lowered:
.L_overlay_start_2:
0x93: {  	(tag) =	ssettag $0x2  }
0x94: {  	s0 =	rddreg [dreg:$0x0];
	s2 =	stileid.u32  }
0x95: {  	s1 =	rddreg [dreg:$0x1];
	p0 =	sne.s32 s2, $0x0  }
0x96: {  	s3 =	rddreg [dreg:$0x2];
	[bflag:$0x3] =	sbarrier.arrive $0xFFFF;
	s2 =	simm.s32 @!p0 $0x1C02  }
0x97: {  	[timem:s3], [sflag:s2] =	dma.local @!p0 [hbm:s0], s1  }
0x98: {  	s0 =	simm.s32 @!p0 $0x2  }
0x99: {  	_ =	swait.ge @!p0 [sflag:s0], s1  }
0x9a: {  	s1 =	ssub.s32 @!p0 $0x0, s1;
	[sflag:s0] =	ssyncset.done @!p0 $0x0  }
0x9b: {  	[sflag:s0] =	ssyncadd.s32 @!p0 s1  }
0x9c: {  	[bflag:$0x3] =	sbarrier.arrive $0xFFFF  }
0x9d: {  	_ =	shalt  }

// kernel: gcn_edges_sc.3.cloned.1.call-start
scs
__scs_entry_jumppad:
0x0: {  	(pc) =	sbr.rel $0x88, $3  }
0x1: {  	(tag) =	ssettag $0x0;
	lr =	simm.s32 $0x1  }
0x2: {  	[smem:$0x3F9D] =	sst lr;
	_ =	strace $0xD0000000  }
0x3: {  	_ = 	snop  }
0x4: {  	_ = 	snop  }
0x5: {  	_ = 	snop  }
0x6: {  	_ = 	snop  }
0x7: {  	_ = 	snop  }
__scs_overlays_trampoline_lowered:
0x8: {  	[smem:$0x3FAC] =	sst s0  }
0x9: {  	[smem:$0x3FAD] =	sst s1  }
0xa: {  	[smem:$0x3FAE] =	sst s2  }
0xb: {  	[smem:$0x3FAF] =	sst s3  }
0xc: {  	[smem:$0x3FB0] =	sst s4  }
0xd: {  	[smem:$0x3FB1] =	sst s5  }
0xe: {  	[smem:$0x3FB2] =	sst s6  }
0xf: {  	[smem:$0x3FB3] =	sst s7  }
0x10: {  	[smem:$0x3FB4] =	sst s8  }
0x11: {  	[smem:$0x3FB5] =	sst s9;
	s0 =	simm.s32 @!p0 $0x0  }
0x12: {  	s1 =	sld [smem:$0x3F9B];
	s0 =	simm.s32 @p0 $0x1  }
0x13: {  	[smem:$0x3FB6] =	sst s0;
	s0 =	simm.s32 @!p1 $0x0  }
0x14: {  	s2 =	sld [smem:$0x3F9A];
	s0 =	simm.s32 @p1 $0x1  }
0x15: {  	[smem:$0x3FB7] =	sst s0;
	s0 =	simm.s32 @!p2 $0x0  }
0x16: {  	s3 =	sld [smem:$0x3FDB];
	s0 =	simm.s32 @p2 $0x1  }
0x17: {  	s4 =	simm.s32 $0x1BF5;
	[smem:$0x3FB9] =	sst s0  }
0x18: {  	s0 =	sld [smem:$0x3F9C];
	_ =	swait.ge [sflag:s4], $0x0  }
0x19: {  	s7 =	sld [smem:$0x3F9D]  }
0x1a: {  	s8 =	sadd.s32 $0xFFFFE003, lr  }
0x1b: {  	s9 =	sadd.s32 $0xFFFFFEF7, lr;
	s5 =	simm.s32 $0xFFFFFFFF;
	p2 =	slt.u32 s8, $0xFFFFF086  }
0x1c: {  	p1 =	slt.u32 s9, $0xF7A;
	s5 =	simm.s32 @!p2 $0x0  }
0x1d: {  	s5 =	simm.s32 @p1 $0x1;
	p0 =	seq.s32 s7, s2  }
0x1e: {  	s7 =	smul.u32 @!p0 $0xF7A, s2;
	p2 =	seq.s32 @!p0 s5, $0x0  }
0x1f: {  	s9 =	smul.u32 $0xF7A, s1;
	s8 =	simm.s32 @!p0 $0x1BF5;
	p2 =	por !p2, p0  }
0x20: {  	[sflag:s8] =	ssyncset.s32 @!p0 $0xFFFFF086;
	s6 =	sadd.s32 @!p0 s3, s7;
	s7 =	simm.s32 @!p0 $0x108  }
0x21: {  	s3 =	sadd.s32 s3, s9;
	s6 =	sadd.s32 @!p0 $0x88, s6;
	s7 =	simm.s32 @p2 $0x1082  }
0x22: {  	[simem:s7], [sflag:s8] =	dma.local @!p0 [hbm:s6], $0xF7A  }
0x23: {  	s9 =	sor.u32 $0xD0000000, s2;
	s6 =	simm.s32 $0x108;
	_ =	swait.ge @!p0 [sflag:s8], $0x0  }
0x24: {  	s3 =	sadd.s32 $0x88, s3;
	s6 =	simm.s32 @!p1 $0x1082;
	[sflag:s4] =	ssyncset.s32 $0xFFFFF086  }
0x25: {  	[simem:s6], [sflag:s4] =	dma.local [hbm:s3], $0xF7A  }
0x26: {  	[smem:$0x3F9D] =	sst s1;
	(tag) =	ssettag s2;
	_ =	strace s9  }
0x27: {  	s1 =	sld [smem:$0x3FAD]  }
0x28: {  	s2 =	sld [smem:$0x3FAE]  }
0x29: {  	s4 =	sld [smem:$0x3FB0]  }
0x2a: {  	p0 =	seq.s32 s5, $0x0;
	s5 =	sld [smem:$0x3FB1]  }
0x2b: {  	s6 =	sld [smem:$0x3FB2]  }
0x2c: {  	s7 =	sld [smem:$0x3FB3]  }
0x2d: {  	s3 =	simm.s32 $0x108;
	s8 =	sld [smem:$0x3FB4]  }
0x2e: {  	s3 =	simm.s32 @!p0 $0x1082;
	s9 =	sld [smem:$0x3FB5]  }
0x2f: {  	lr =	sadd.s32 s0, s3;
	s0 =	sld [smem:$0x3FAC]  }
0x30: {  	s3 =	sld [smem:$0x3FAF]  }
0x31: {  	[smem:$0x3FB8] =	sst s10  }
0x32: {  	s10 =	sld [smem:$0x3FB6];
	_ =	sdelay $0x3  }
0x33: {  	p0 =	seq.s32 s10, $0x1;
	s10 =	sld [smem:$0x3FB8];
	_ =	sdelay $0x3  }
0x34: {  	[smem:$0x3FB8] =	sst s10  }
0x35: {  	s10 =	sld [smem:$0x3FB7];
	_ =	sdelay $0x3  }
0x36: {  	p1 =	seq.s32 s10, $0x1;
	s10 =	sld [smem:$0x3FB8];
	_ =	sdelay $0x3  }
0x37: {  	[smem:$0x3FB8] =	sst s10  }
0x38: {  	s10 =	sld [smem:$0x3FB9]  }
0x39: {  	_ = 	snop;
	(pc) =	sbr.ind lr, $3  }
0x3a: {  	_ = 	snop  }
0x3b: {  	_ = 	snop  }
0x3c: {  	p2 =	seq.s32 s10, $0x1;
	s10 =	sld [smem:$0x3FB8]  }
0x3d: {  	_ =	shalt  }
0x3e: {  	_ =	shalt  }
0x3f: {  	_ =	shalt  }
0x40: {  	_ =	shalt  }
0x41: {  	_ =	shalt  }
0x42: {  	_ =	shalt  }
0x43: {  	_ =	shalt  }
0x44: {  	_ =	shalt  }
0x45: {  	_ =	shalt  }
0x46: {  	_ =	shalt  }
0x47: {  	_ =	shalt  }
0x48: {  	_ =	shalt  }
0x49: {  	_ =	shalt  }
0x4a: {  	_ =	shalt  }
0x4b: {  	_ =	shalt  }
0x4c: {  	_ =	shalt  }
0x4d: {  	_ =	shalt  }
0x4e: {  	_ =	shalt  }
0x4f: {  	_ =	shalt  }
0x50: {  	_ =	shalt  }
0x51: {  	_ =	shalt  }
0x52: {  	_ =	shalt  }
0x53: {  	_ =	shalt  }
0x54: {  	_ =	shalt  }
0x55: {  	_ =	shalt  }
0x56: {  	_ =	shalt  }
0x57: {  	_ =	shalt  }
0x58: {  	_ =	shalt  }
0x59: {  	_ =	shalt  }
0x5a: {  	_ =	shalt  }
0x5b: {  	_ =	shalt  }
0x5c: {  	_ =	shalt  }
0x5d: {  	_ =	shalt  }
0x5e: {  	_ =	shalt  }
0x5f: {  	_ =	shalt  }
0x60: {  	_ =	shalt  }
0x61: {  	_ =	shalt  }
0x62: {  	_ =	shalt  }
0x63: {  	_ =	shalt  }
0x64: {  	_ =	shalt  }
0x65: {  	_ =	shalt  }
0x66: {  	_ =	shalt  }
0x67: {  	_ =	shalt  }
0x68: {  	_ =	shalt  }
0x69: {  	_ =	shalt  }
0x6a: {  	_ =	shalt  }
0x6b: {  	_ =	shalt  }
0x6c: {  	_ =	shalt  }
0x6d: {  	_ =	shalt  }
0x6e: {  	_ =	shalt  }
0x6f: {  	_ =	shalt  }
0x70: {  	_ =	shalt  }
0x71: {  	_ =	shalt  }
0x72: {  	_ =	shalt  }
0x73: {  	_ =	shalt  }
0x74: {  	_ =	shalt  }
0x75: {  	_ =	shalt  }
0x76: {  	_ =	shalt  }
0x77: {  	_ =	shalt  }
0x78: {  	_ =	shalt  }
0x79: {  	_ =	shalt  }
0x7a: {  	_ =	shalt  }
0x7b: {  	_ =	shalt  }
0x7c: {  	_ =	shalt  }
0x7d: {  	_ =	shalt  }
0x7e: {  	_ =	shalt  }
0x7f: {  	_ =	shalt  }
0x80: {  	_ =	shalt  }
0x81: {  	_ =	shalt  }
0x82: {  	_ =	shalt  }
0x83: {  	_ =	shalt  }
0x84: {  	_ =	shalt  }
0x85: {  	_ =	shalt  }
0x86: {  	_ =	shalt  }
0x87: {  	_ =	shalt  }
.Lfunc_end0:
.L_simem_size_0:
called_computation.1_lowered:
.L_overlay_start_0:
0x88: {  	s2 =	sld [smem:$0x3FD9]  }
0x89: {  	s3 =	sld [smem:$0x3FFE];
	_ =	sdelay $0x1  }
0x8a: {  	s1 =	srdreg.scid  }
0x8b: {  	s0 =	sand.u32 $0x1, s1  }
0x8c: {  	s17 =	sshll.u32 s0, $0xA;
	s2 =	sadd.s32 s3, s2  }
0x8d: {  	s2 =	sadd.s32 s2, s17  }
0x8e: {  	[smem:$0x3FC4] =	sst s2  }
0x8f: {  	_ = 	snop  }
0x90: {  	s2 =	sld [smem:$0x3FD0];
	(tm) =	ssettm $0x1  }
0x91: {  	s18 =	sld [smem:$0x3FFB];
	_ =	sdelay $0x3  }
0x92: {  	_ =	strace s18  }
0x93: {  	s3 =	sld [smem:$0x3FFC];
	_ =	sdelay $0x3  }
0x94: {  	_ =	strace s3  }
0x95: {  	s3 =	sld [smem:$0x3FFD];
	_ =	sdelay $0x3  }
0x96: {  	_ =	strace s3  }
0x97: {  	_ =	strace $0x8FFFFFFF  }
0x98: {  	s19 =	sld [smem:$0x3FDB];
	_ =	sdelay $0x1  }
0x99: {  	s4 =	simm.s32 $_scs_section_size  }
0x9a: {  	s5 =	simm.s32 $_size__tile_overlayer_lowered;
	s6 =	simm.s32 $_tile_overlayer_lowered  }
0x9b: {  	s22 =	simm.s32 $0x1BFF;
	s21 =	sshll.u32 s6, $0x1;
	s3 =	sadd.s32 s4, s19  }
0x9c: {  	s7 =	simm.s32 $0x0;
	s20 =	sshll.u32 s5, $0x1;
	s5 =	sadd.s32 s21, s3  }
0x9d: {  	[timem:s7], [sflag:s22] =	dma.local [hbm:s5], s20  }
0x9e: {  	_ =	swait.ge [sflag:s22], s20  }
0x9f: {  	s4 =	ssub.s32 $0x0, s20;
	[sflag:s22] =	ssyncset.done $0x0  }
0xa0: {  	[sflag:s22] =	ssyncadd.s32 s4;
	_ =	sdelay $0x1  }
0xa1: {  	s23 =	simm.s32 $0x1B8B  }
0xa2: {  	_ =	swait.ge [sflag:s23], $0x1  }
0xa3: {  	[sflag:s23] =	ssyncset.done $0x0  }
0xa4: {  	s25 =	simm.s32 $0x1B8E;
	s24 =	sld [smem:$0x3FFE];
	[sflag:s23] =	ssyncadd.s32 $0xFFFFFFFF  }
0xa5: {  	s26 =	simm.s32 $execute0_lowered;
	[smem:$0x3FD2] =	sst s25  }
0xa6: {  	s5 =	sshll.u32 s26, $0x1;
	_ =	strace $0x80000049;
	[dreg:$0x1] =	wrdreg $0xFFFFFFFF  }
0xa7: {  	s28 =	simm.s32 $_size_execute0_lowered;
	s3 =	sadd.s32 s3, s5;
	[dreg:$0x0] =	wrdreg $0x0  }
0xa8: {  	s5 =	sshll.u32 s28, $0x1;
	[dreg:$0x2] =	wrdreg s3  }
0xa9: {  	[dreg:$0x3] =	wrdreg s5  }
0xaa: {  	[dreg:$0x4] =	wrdreg $0xC0  }
0xab: {  	_ =	task [dreg:s7], $0x5FFFF  }
0xac: {  	[dreg:$0x1] =	wrdreg $0xFFFFFFFF  }
0xad: {  	[dreg:$0x0] =	wrdreg $0x60  }
0xae: {  	[dreg:$0x2] =	wrdreg s2  }
0xaf: {  	[dreg:$0x3] =	wrdreg s24  }
0xb0: {  	[dreg:$0x4] =	wrdreg $0x90000  }
0xb1: {  	[dreg:$0x5] =	wrdreg $0x9  }
0xb2: {  	_ =	task.clear_ibuf [dreg:s7], $0x6FFFF;
	_ =	strace $0x90000049  }
0xb3: {  	s29 =	simm.s32 $0x9;
	_ =	strace $0x8000004B  }
0xb4: {  	_ =	swait.ge [sflag:s29], $0x1  }
0xb5: {  	[sflag:s29] =	ssyncadd.s32 $0xFFFFFFFF  }
0xb6: {  	_ =	strace $0x9000004B  }
0xb7: {  	_ =	sfence  }
0xb8: {  	s30 =	sld [smem:$0x0];
	_ =	sdelay $0x2  }
0xb9: {  	s31 =	sshll.u32 s1, $0xD;
	s1 =	sshrl.u32 s1, $0x2  }
0xba: {  	s3 =	sand.u32 $0x4000, s31;
	s1 =	sadd.s32 s1, s30  }
0xbb: {  	s0 =	sor.u32 s3, s0;
	s1 =	sshll.u32 s1, $0x11  }
0xbc: {  	s0 =	sor.u32 s1, s0  }
0xbd: {  	s0 =	sadd.s32 $0x8F2B, s0  }
0xbe: {  	[sflag:s0] =	ssyncadd.remote.s32 $0x1  }
0xbf: {  	_ =	sfence.sel $0xFFFF  }
0xc0: {  	[dreg:$0x0] =	wrdreg $0xFFFFFFFF;
	(pc) =	sbr.abs _section_cstart, $3  }
0xc1: {  	[dreg:$0x1] =	wrdreg $0xFFFFFFFF  }
0xc2: {  	_ =	task.clear_ibuf [dreg:s7], $0x2FFFF;
	_ =	strace $0x9FFFFFFF  }
0xc3: {  	(tm) =	ssettm $0x7FFFFFFF  }
tec
execute0_lowered:
.L_overlay_start_1:
0x0: {  	(tag) =	ssettag $0x1  }
0x1: {  	s0 =	srdreg.scid  }
0x2: {  	s11 =	stileid.u32;
	s3 =	rddreg [dreg:$0x1];
	s2 =	sand.u32 $0x1, s0  }
0x3: {  	s13 =	simm.s32 $0x0;
	s29 =	rddreg [dreg:$0x2];
	s0 =	sshll.u32 s2, $0x4  }
0x4: {  	s30 =	simm.s32 $0x3;
	s6 =	sadd.s32 $0x1C00, s3;
	s0 =	sor.u32 s11, s0  }
0x5: {  	s9 =	sadd.s32 $0xBC00, s3;
	s4 =	ssub.s32 $0x2, s2;
	s5 =	smul.u32 $0x500, s0  }
0x6: {  	[smem:$0x7FF] =	sst s13;
	s3 =	sadd.s32 $0x15C00, s3;
	s7 =	sshrl.u32 s4, $0x1  }
0x7: {  	s8 =	smul.u32 $0x2800, s0;
	s0 =	ssub.s32 s4, s7;
	s10 =	sadd.s32 s6, s5  }
0x8: {  	s12 =	sadd.s32 s9, s5;
	s14 =	sor.u32 $0x80, s5;
	[dreg:$0x4] =	wrdreg s10  }
0x9: {  	s15 =	sshrl.u32 s8, $0x3;
	[dreg:$0x5] =	wrdreg s12;
	s16 =	sadd.s32 s6, s14  }
0xa: {  	s4 =	sadd.s32 s9, s14;
	s17 =	sadd.s32 $0x100, s15;
	[dreg:$0x6] =	wrdreg s16  }
0xb: {  	s2 =	smul.u32 $0x140000, s2;
	[dreg:$0x7] =	wrdreg s4;
	s18 =	sadd.s32 s6, s17  }
0xc: {  	s19 =	sadd.s32 $0x180, s15;
	s4 =	sadd.s32 s9, s17;
	[dreg:$0x8] =	wrdreg s18  }
0xd: {  	s21 =	sadd.s32 $0x200, s15;
	s20 =	sadd.s32 s6, s19;
	[dreg:$0x9] =	wrdreg s4  }
0xe: {  	s23 =	sadd.s32 $0x280, s15;
	s22 =	sadd.s32 s6, s21;
	[dreg:$0xa] =	wrdreg s20  }
0xf: {  	s25 =	sadd.s32 $0x300, s15;
	s24 =	sadd.s32 s6, s23;
	[dreg:$0xc] =	wrdreg s22  }
0x10: {  	s28 =	sadd.s32 $0x380, s15;
	s26 =	sadd.s32 s6, s25;
	[dreg:$0xe] =	wrdreg s24  }
0x11: {  	s1 =	sadd.s32 $0x400, s15;
	s31 =	sadd.s32 s6, s28;
	[dreg:$0x10] =	wrdreg s26  }
0x12: {  	s5 =	sadd.s32 $0x480, s15;
	s8 =	sadd.s32 s6, s1;
	[dreg:$0x12] =	wrdreg s31  }
0x13: {  	s12 =	smul.u32 $0x14000, s11;
	s10 =	sadd.s32 s6, s5;
	[dreg:$0x14] =	wrdreg s8  }
0x14: {  	s0 =	smax.u32 s0, $0x1;
	s5 =	sadd.s32 s9, s5;
	[dreg:$0x16] =	wrdreg s10  }
0x15: {  	s4 =	sadd.s32 s9, s19;
	[dreg:$0x17] =	wrdreg s5;
	s14 =	sadd.s32 $0x4000, s12  }
0x16: {  	s15 =	sadd.s32 $0x8000, s12;
	s16 =	sadd.s32 s12, s2;
	s17 =	sadd.s32 $0xC000, s12  }
0x17: {  	s22 =	smul.u32 $0x50000, s11;
	[dreg:$0xb] =	wrdreg s4;
	s4 =	sadd.s32 s9, s21  }
0x18: {  	s7 =	sshrl.u32 s16, $0x3;
	[dreg:$0xd] =	wrdreg s4;
	s4 =	sadd.s32 s9, s23  }
0x19: {  	s18 =	sadd.s32 s2, s14;
	s7 =	sadd.s32 s3, s7;
	[dreg:$0xf] =	wrdreg s4  }
0x1a: {  	s19 =	sadd.s32 s2, s15;
	s10 =	sadd.s32 s2, s17;
	[dreg:$0x18] =	wrdreg s7  }
0x1b: {  	s21 =	sshrl.u32 s10, $0x3;
	s4 =	sadd.s32 s9, s25;
	s25 =	rddreg [dreg:$0x0]  }
0x1c: {  	s7 =	sshrl.u32 s18, $0x3;
	[dreg:$0x11] =	wrdreg s4;
	s4 =	sadd.s32 s9, s28  }
0x1d: {  	s7 =	sadd.s32 s3, s7;
	[dreg:$0x13] =	wrdreg s4;
	s4 =	sadd.s32 s9, s1  }
0x1e: {  	s9 =	sshrl.u32 s19, $0x3;
	[dreg:$0x15] =	wrdreg s4;
	s4 =	sadd.s32 $0x10000, s12  }
0x1f: {  	[dreg:$0x19] =	wrdreg s7;
	s7 =	sadd.s32 s3, s21;
	s2 =	sadd.s32 s2, s4  }
0x20: {  	s20 =	sadd.s32 s3, s9;
	[dreg:$0x1b] =	wrdreg s7;
	s2 =	sshrl.u32 s2, $0x3  }
0x21: {  	s23 =	sshrl.u32 s22, $0x2;
	[dreg:$0x1a] =	wrdreg s20;
	s2 =	sadd.s32 s3, s2  }
0x22: {  	s6 =	simm.s32 $0x4;
	[dreg:$0x1c] =	wrdreg s2;
	s2 =	sadd.s32 s23, s29  }
0x23: {  	s24 =	sadd.s32 s14, s29;
	_ =	strace $0x8000004A;
	[dreg:$0x1d] =	wrdreg s2  }
0x24: {  	s5 =	simm.s32 $0x1000;
	s26 =	sadd.s32 s15, s29;
	[dreg:$0x1e] =	wrdreg s24  }
0x25: {  	s8 =	simm.s32 $0x80;
	s28 =	sadd.s32 s17, s29;
	[dreg:$0x1f] =	wrdreg s26  }
0x26: {  	s11 =	simm.s32 $0x5000;
	s31 =	sadd.s32 s4, s29;
	[smem:$0x7FB] =	sst s28  }
0x27: {  	s14 =	simm.s32 $0x2;
	s12 =	simm.s32 $0x1;
	[smem:$0x7FC] =	sst s31  }
0x28: {  	v0 =	vimm.f32 $0.0e+00;
	s9 =	simm.s32 $0x400;
	[smem:$0x7FD] =	sst s0;
	s2 =	simm.s32 $0x0  }
.LBB2_1:
0x29: {  	[smem:$0x7FA] =	sst s2;
	s24 =	simm.s32 $0x0;
	s28 =	simm.s32 $0x200  }
.LBB2_2:
0x2a: {  	p0 =	sne.s32 s28, $0xFE00;
	[tilespmem:s24+$0x1070] =	vst v0  }
0x2b: {  	[tilespmem:s24+$0x1000] =	vst v0  }
0x2c: {  	[tilespmem:s24+$0x1010] =	vst v0  }
.Ltmp0:
0x2d: {  	[tilespmem:s24+$0x1020] =	vst v0;
	(pc) =	sbr.rel @p0 .LBB2_2-.Ltmp0, $4  }
0x2e: {  	[tilespmem:s24+$0x1030] =	vst v0  }
0x2f: {  	[tilespmem:s24+$0x1040] =	vst v0  }
0x30: {  	[tilespmem:s24+$0x1050] =	vst v0  }
0x31: {  	[tilespmem:s24+$0x1060] =	vst v0;
	s24 =	sshra.s32 s28, $0x2;
	s28 =	sadd.s32 $0x200, s28  }
0x32: {  	[tilespmem:s24+$0x1070] =	vst v0  }
0x33: {  	[tilespmem:s24+$0x1000] =	vst v0  }
0x34: {  	[tilespmem:s24+$0x1010] =	vst v0  }
0x35: {  	[tilespmem:s24+$0x1020] =	vst v0  }
0x36: {  	[tilespmem:s24+$0x1030] =	vst v0  }
0x37: {  	[tilespmem:s24+$0x1040] =	vst v0  }
0x38: {  	[tilespmem:s24+$0x1050] =	vst v0  }
0x39: {  	[tilespmem:s24+$0x1060] =	vst v0;
	s0 =	rddreg [dreg:$0x1d]  }
0x3a: {  	[spmem:s0] =	stream.linear.scatter [tilespmem:s5], [sflag:$0x4], $0x4000, $0x38;
	[tilespmem:$0x1D000] =	vst v63  }
0x3b: {  	_ =	swait.ge [sflag:s6], $0x4000  }
0x3c: {  	[sflag:s6] =	ssyncset.done $0x0  }
0x3d: {  	s10 =	rddreg [dreg:$0x1e];
	[sflag:s6] =	ssyncadd.s32 $0xFFFFC000  }
0x3e: {  	[spmem:s10] =	stream.linear.scatter [tilespmem:s5], [sflag:$0x4], $0x4000, $0x38;
	[tilespmem:$0x1D000] =	vst v63  }
0x3f: {  	_ =	swait.ge [sflag:s6], $0x4000  }
0x40: {  	[sflag:s6] =	ssyncset.done $0x0  }
0x41: {  	s15 =	rddreg [dreg:$0x1f];
	[sflag:s6] =	ssyncadd.s32 $0xFFFFC000  }
0x42: {  	[spmem:s15] =	stream.linear.scatter [tilespmem:s5], [sflag:$0x4], $0x4000, $0x38;
	[tilespmem:$0x1D000] =	vst v63  }
0x43: {  	_ =	swait.ge [sflag:s6], $0x4000  }
0x44: {  	s16 =	sld [smem:$0x7FB]  }
0x45: {  	[sflag:s6] =	ssyncset.done $0x0  }
0x46: {  	[sflag:s6] =	ssyncadd.s32 $0xFFFFC000  }
0x47: {  	[spmem:s16] =	stream.linear.scatter [tilespmem:s5], [sflag:$0x4], $0x4000, $0x38;
	[tilespmem:$0x1D000] =	vst v63  }
0x48: {  	_ =	swait.ge [sflag:s6], $0x4000  }
0x49: {  	s17 =	sld [smem:$0x7FC]  }
0x4a: {  	[sflag:s6] =	ssyncset.done $0x0  }
0x4b: {  	[sflag:s6] =	ssyncadd.s32 $0xFFFFC000  }
0x4c: {  	[spmem:s17] =	stream.linear.scatter [tilespmem:s5], [sflag:$0x4], $0x4000, $0x38;
	[tilespmem:$0x1D000] =	vst v63  }
0x4d: {  	_ =	swait.ge [sflag:s6], $0x4000  }
0x4e: {  	[sflag:s6] =	ssyncset.done $0x0  }
0x4f: {  	[sflag:s6] =	ssyncadd.s32 $0xFFFFC000  }
0x50: {  	[bflag:$0x0] =	sbarrier.arrive $0xFFFF  }
0x51: {  	s18 =	rddreg [dreg:$0x4]  }
0x52: {  	[tilespmem:s13], [sflag:$0x4] =	stream.linear.gather [hbm4b:s18+s13], $0x400, $0x38;
	[tilespmem:$0x1D000] =	vst v63  }
0x53: {  	_ =	swait.ge [sflag:s6], $0x400  }
0x54: {  	[sflag:s6] =	ssyncset.done $0x0  }
0x55: {  	s19 =	rddreg [dreg:$0x5];
	[sflag:s6] =	ssyncadd.s32 $0xFFFFFC00  }
0x56: {  	[tilespmem:s9], [sflag:$0x4] =	stream.linear.gather [hbm4b:s19+s13], $0x400, $0x38;
	[tilespmem:$0x1D000] =	vst v63  }
0x57: {  	_ =	swait.ge [sflag:s6], $0x400  }
0x58: {  	[sflag:s6] =	ssyncset.done $0x0  }
0x59: {  	[sflag:s6] =	ssyncadd.s32 $0xFFFFFC00  }
0x5a: {  	[tilespmem:s5], [sflag:$0x1] =	stream.indirect.gather [hbm4b:s25+s8], $0x80, s13, s8, $0xb8;
	[tilespmem:$0x1D000] =	vst v63  }
0x5b: {  	s21 =	simm.s32 $0x800;
	s20 =	rddreg [dreg:$0x6]  }
0x5c: {  	[tilespmem:s21], [sflag:$0x3] =	stream.linear.gather [hbm4b:s20+s13], $0x400, $0x38;
	[tilespmem:$0x1D000] =	vst v63  }
0x5d: {  	s23 =	simm.s32 $0xC00;
	s22 =	rddreg [dreg:$0x7]  }
0x5e: {  	[tilespmem:s23], [sflag:$0x3] =	stream.linear.gather [hbm4b:s22+s13], $0x400, $0x38;
	[tilespmem:$0x1D000] =	vst v63  }
0x5f: {  	_ = 	snop  }
0x60: {  	[tilespmem:s11], [sflag:$0x2] =	stream.indirect.gather [hbm4b:s25+s8], $0x80, s8, s8, $0xb8;
	[tilespmem:$0x1D000] =	vst v63  }
0x61: {  	_ =	swait.ge [sflag:s12], $0x4000  }
0x62: {  	[sflag:s12] =	ssyncset.done $0x0  }
0x63: {  	[sflag:s12] =	ssyncadd.s32 $0xFFFFC000  }
0x64: {  	[spmem:s29] =	stream.indirect.scatter.add.f32 [tilespmem:s5], [sflag:$0x4], $0x80, s9, s8, $0xb8;
	[tilespmem:$0x1D000] =	vst v63  }
0x65: {  	_ =	swait.ge [sflag:s6], $0x4000  }
0x66: {  	[sflag:s6] =	ssyncset.done $0x0  }
0x67: {  	s26 =	simm.s32 $0x100;
	[sflag:s6] =	ssyncadd.s32 $0xFFFFC000  }
0x68: {  	[tilespmem:s5], [sflag:$0x1] =	stream.indirect.gather [hbm4b:s25+s8], $0x80, s26, s8, $0xb8;
	[tilespmem:$0x1D000] =	vst v63  }
0x69: {  	_ =	swait.ge [sflag:s14], $0x4000  }
0x6a: {  	[sflag:s14] =	ssyncset.done $0x0  }
0x6b: {  	s28 =	simm.s32 $0x480;
	[sflag:s14] =	ssyncadd.s32 $0xFFFFC000  }
0x6c: {  	[spmem:s29] =	stream.indirect.scatter.add.f32 [tilespmem:s11], [sflag:$0x4], $0x80, s28, s8, $0xb8;
	[tilespmem:$0x1D000] =	vst v63  }
0x6d: {  	_ =	swait.ge [sflag:s6], $0x4000  }
0x6e: {  	[sflag:s6] =	ssyncset.done $0x0  }
0x6f: {  	s31 =	simm.s32 $0x180;
	[sflag:s6] =	ssyncadd.s32 $0xFFFFC000  }
0x70: {  	[tilespmem:s11], [sflag:$0x2] =	stream.indirect.gather [hbm4b:s25+s8], $0x80, s31, s8, $0xb8;
	[tilespmem:$0x1D000] =	vst v63  }
0x71: {  	_ =	swait.ge [sflag:s12], $0x4000  }
0x72: {  	[sflag:s12] =	ssyncset.done $0x0  }
0x73: {  	s1 =	simm.s32 $0x500;
	[sflag:s12] =	ssyncadd.s32 $0xFFFFC000  }
0x74: {  	[spmem:s29] =	stream.indirect.scatter.add.f32 [tilespmem:s5], [sflag:$0x4], $0x80, s1, s8, $0xb8;
	[tilespmem:$0x1D000] =	vst v63  }
0x75: {  	_ =	swait.ge [sflag:s6], $0x4000  }
0x76: {  	[sflag:s6] =	ssyncset.done $0x0  }
0x77: {  	s10 =	simm.s32 $0x200;
	[sflag:s6] =	ssyncadd.s32 $0xFFFFC000  }
0x78: {  	[tilespmem:s5], [sflag:$0x1] =	stream.indirect.gather [hbm4b:s25+s8], $0x80, s10, s8, $0xb8;
	[tilespmem:$0x1D000] =	vst v63  }
0x79: {  	_ =	swait.ge [sflag:s14], $0x4000  }
0x7a: {  	[sflag:s14] =	ssyncset.done $0x0  }
0x7b: {  	s15 =	simm.s32 $0x580;
	[sflag:s14] =	ssyncadd.s32 $0xFFFFC000  }
0x7c: {  	[spmem:s29] =	stream.indirect.scatter.add.f32 [tilespmem:s11], [sflag:$0x4], $0x80, s15, s8, $0xb8;
	[tilespmem:$0x1D000] =	vst v63  }
0x7d: {  	_ =	swait.ge [sflag:s6], $0x4000  }
0x7e: {  	[sflag:s6] =	ssyncset.done $0x0  }
0x7f: {  	s16 =	simm.s32 $0x280;
	[sflag:s6] =	ssyncadd.s32 $0xFFFFC000  }
0x80: {  	[tilespmem:s11], [sflag:$0x2] =	stream.indirect.gather [hbm4b:s25+s8], $0x80, s16, s8, $0xb8;
	[tilespmem:$0x1D000] =	vst v63  }
0x81: {  	_ =	swait.ge [sflag:s12], $0x4000  }
0x82: {  	[sflag:s12] =	ssyncset.done $0x0  }
0x83: {  	s17 =	simm.s32 $0x600;
	[sflag:s12] =	ssyncadd.s32 $0xFFFFC000  }
0x84: {  	[spmem:s29] =	stream.indirect.scatter.add.f32 [tilespmem:s5], [sflag:$0x4], $0x80, s17, s8, $0xb8;
	[tilespmem:$0x1D000] =	vst v63  }
0x85: {  	_ =	swait.ge [sflag:s6], $0x4000  }
0x86: {  	[sflag:s6] =	ssyncset.done $0x0  }
0x87: {  	s18 =	simm.s32 $0x300;
	[sflag:s6] =	ssyncadd.s32 $0xFFFFC000  }
0x88: {  	[tilespmem:s5], [sflag:$0x1] =	stream.indirect.gather [hbm4b:s25+s8], $0x80, s18, s8, $0xb8;
	[tilespmem:$0x1D000] =	vst v63  }
0x89: {  	_ =	swait.ge [sflag:s14], $0x4000  }
0x8a: {  	[sflag:s14] =	ssyncset.done $0x0  }
0x8b: {  	s19 =	simm.s32 $0x680;
	[sflag:s14] =	ssyncadd.s32 $0xFFFFC000  }
0x8c: {  	[spmem:s29] =	stream.indirect.scatter.add.f32 [tilespmem:s11], [sflag:$0x4], $0x80, s19, s8, $0xb8;
	[tilespmem:$0x1D000] =	vst v63  }
0x8d: {  	_ =	swait.ge [sflag:s6], $0x4000  }
0x8e: {  	[sflag:s6] =	ssyncset.done $0x0  }
0x8f: {  	s20 =	simm.s32 $0x380;
	[sflag:s6] =	ssyncadd.s32 $0xFFFFC000  }
0x90: {  	[tilespmem:s11], [sflag:$0x2] =	stream.indirect.gather [hbm4b:s25+s8], $0x80, s20, s8, $0xb8;
	[tilespmem:$0x1D000] =	vst v63  }
0x91: {  	_ =	swait.ge [sflag:s12], $0x4000  }
0x92: {  	[sflag:s12] =	ssyncset.done $0x0  }
0x93: {  	s21 =	simm.s32 $0x700;
	[sflag:s12] =	ssyncadd.s32 $0xFFFFC000  }
0x94: {  	[spmem:s29] =	stream.indirect.scatter.add.f32 [tilespmem:s5], [sflag:$0x4], $0x80, s21, s8, $0xb8;
	[tilespmem:$0x1D000] =	vst v63  }
0x95: {  	_ =	swait.ge [sflag:s6], $0x4000  }
0x96: {  	[sflag:s6] =	ssyncset.done $0x0  }
0x97: {  	[sflag:s6] =	ssyncadd.s32 $0xFFFFC000  }
0x98: {  	_ =	swait.ge [sflag:s30], $0x400  }
0x99: {  	[sflag:s30] =	ssyncset.done $0x0  }
0x9a: {  	[sflag:s30] =	ssyncadd.s32 $0xFFFFFC00  }
0x9b: {  	_ =	swait.ge [sflag:s30], $0x400  }
0x9c: {  	[sflag:s30] =	ssyncset.done $0x0  }
0x9d: {  	s7 =	simm.s32 $0x800;
	[sflag:s30] =	ssyncadd.s32 $0xFFFFFC00  }
0x9e: {  	[tilespmem:s5], [sflag:$0x1] =	stream.indirect.gather [hbm4b:s25+s8], $0x80, s7, s8, $0xb8;
	[tilespmem:$0x1D000] =	vst v63  }
0x9f: {  	_ =	swait.ge [sflag:s14], $0x4000  }
0xa0: {  	[sflag:s14] =	ssyncset.done $0x0  }
0xa1: {  	s22 =	simm.s32 $0x780;
	[sflag:s14] =	ssyncadd.s32 $0xFFFFC000  }
0xa2: {  	[spmem:s29] =	stream.indirect.scatter.add.f32 [tilespmem:s11], [sflag:$0x4], $0x80, s22, s8, $0xb8;
	[tilespmem:$0x1D000] =	vst v63  }
0xa3: {  	_ =	swait.ge [sflag:s6], $0x4000  }
0xa4: {  	[sflag:s6] =	ssyncset.done $0x0  }
0xa5: {  	s23 =	rddreg [dreg:$0x8];
	[sflag:s6] =	ssyncadd.s32 $0xFFFFC000  }
0xa6: {  	[tilespmem:s13], [sflag:$0x3] =	stream.linear.gather [hbm4b:s23+s13], $0x400, $0x38;
	[tilespmem:$0x1D000] =	vst v63  }
0xa7: {  	s26 =	rddreg [dreg:$0x9]  }
0xa8: {  	[tilespmem:s9], [sflag:$0x3] =	stream.linear.gather [hbm4b:s26+s13], $0x400, $0x38;
	[tilespmem:$0x1D000] =	vst v63  }
0xa9: {  	s28 =	simm.s32 $0x880  }
0xaa: {  	[tilespmem:s11], [sflag:$0x2] =	stream.indirect.gather [hbm4b:s25+s8], $0x80, s28, s8, $0xb8;
	[tilespmem:$0x1D000] =	vst v63  }
0xab: {  	_ =	swait.ge [sflag:s12], $0x4000  }
0xac: {  	[sflag:s12] =	ssyncset.done $0x0  }
0xad: {  	s4 =	simm.s32 $0xC00;
	[sflag:s12] =	ssyncadd.s32 $0xFFFFC000  }
0xae: {  	[spmem:s29] =	stream.indirect.scatter.add.f32 [tilespmem:s5], [sflag:$0x4], $0x80, s4, s8, $0xb8;
	[tilespmem:$0x1D000] =	vst v63  }
0xaf: {  	_ =	swait.ge [sflag:s6], $0x4000  }
0xb0: {  	[sflag:s6] =	ssyncset.done $0x0  }
0xb1: {  	s31 =	simm.s32 $0x900;
	[sflag:s6] =	ssyncadd.s32 $0xFFFFC000  }
0xb2: {  	[tilespmem:s5], [sflag:$0x1] =	stream.indirect.gather [hbm4b:s25+s8], $0x80, s31, s8, $0xb8;
	[tilespmem:$0x1D000] =	vst v63  }
0xb3: {  	_ =	swait.ge [sflag:s14], $0x4000  }
0xb4: {  	[sflag:s14] =	ssyncset.done $0x0  }
0xb5: {  	s1 =	simm.s32 $0xC80;
	[sflag:s14] =	ssyncadd.s32 $0xFFFFC000  }
0xb6: {  	[spmem:s29] =	stream.indirect.scatter.add.f32 [tilespmem:s11], [sflag:$0x4], $0x80, s1, s8, $0xb8;
	[tilespmem:$0x1D000] =	vst v63  }
0xb7: {  	_ =	swait.ge [sflag:s6], $0x4000  }
0xb8: {  	[sflag:s6] =	ssyncset.done $0x0  }
0xb9: {  	s7 =	simm.s32 $0x980;
	[sflag:s6] =	ssyncadd.s32 $0xFFFFC000  }
0xba: {  	[tilespmem:s11], [sflag:$0x2] =	stream.indirect.gather [hbm4b:s25+s8], $0x80, s7, s8, $0xb8;
	[tilespmem:$0x1D000] =	vst v63  }
0xbb: {  	_ =	swait.ge [sflag:s12], $0x4000  }
0xbc: {  	[sflag:s12] =	ssyncset.done $0x0  }
0xbd: {  	s10 =	simm.s32 $0xD00;
	[sflag:s12] =	ssyncadd.s32 $0xFFFFC000  }
0xbe: {  	[spmem:s29] =	stream.indirect.scatter.add.f32 [tilespmem:s5], [sflag:$0x4], $0x80, s10, s8, $0xb8;
	[tilespmem:$0x1D000] =	vst v63  }
0xbf: {  	_ =	swait.ge [sflag:s6], $0x4000  }
0xc0: {  	[sflag:s6] =	ssyncset.done $0x0  }
0xc1: {  	s15 =	simm.s32 $0xA00;
	[sflag:s6] =	ssyncadd.s32 $0xFFFFC000  }
0xc2: {  	[tilespmem:s5], [sflag:$0x1] =	stream.indirect.gather [hbm4b:s25+s8], $0x80, s15, s8, $0xb8;
	[tilespmem:$0x1D000] =	vst v63  }
0xc3: {  	_ =	swait.ge [sflag:s14], $0x4000  }
0xc4: {  	[sflag:s14] =	ssyncset.done $0x0  }
0xc5: {  	s16 =	simm.s32 $0xD80;
	[sflag:s14] =	ssyncadd.s32 $0xFFFFC000  }
0xc6: {  	[spmem:s29] =	stream.indirect.scatter.add.f32 [tilespmem:s11], [sflag:$0x4], $0x80, s16, s8, $0xb8;
	[tilespmem:$0x1D000] =	vst v63  }
0xc7: {  	_ =	swait.ge [sflag:s6], $0x4000  }
0xc8: {  	[sflag:s6] =	ssyncset.done $0x0  }
0xc9: {  	s17 =	simm.s32 $0xA80;
	[sflag:s6] =	ssyncadd.s32 $0xFFFFC000  }
0xca: {  	[tilespmem:s11], [sflag:$0x2] =	stream.indirect.gather [hbm4b:s25+s8], $0x80, s17, s8, $0xb8;
	[tilespmem:$0x1D000] =	vst v63  }
0xcb: {  	_ =	swait.ge [sflag:s12], $0x4000  }
0xcc: {  	[sflag:s12] =	ssyncset.done $0x0  }
0xcd: {  	s18 =	simm.s32 $0xE00;
	[sflag:s12] =	ssyncadd.s32 $0xFFFFC000  }
0xce: {  	[spmem:s29] =	stream.indirect.scatter.add.f32 [tilespmem:s5], [sflag:$0x4], $0x80, s18, s8, $0xb8;
	[tilespmem:$0x1D000] =	vst v63  }
0xcf: {  	_ =	swait.ge [sflag:s6], $0x4000  }
0xd0: {  	[sflag:s6] =	ssyncset.done $0x0  }
0xd1: {  	s19 =	simm.s32 $0xB00;
	[sflag:s6] =	ssyncadd.s32 $0xFFFFC000  }
0xd2: {  	[tilespmem:s5], [sflag:$0x1] =	stream.indirect.gather [hbm4b:s25+s8], $0x80, s19, s8, $0xb8;
	[tilespmem:$0x1D000] =	vst v63  }
0xd3: {  	_ =	swait.ge [sflag:s14], $0x4000  }
0xd4: {  	[sflag:s14] =	ssyncset.done $0x0  }
0xd5: {  	s23 =	simm.s32 $0xE80;
	[sflag:s14] =	ssyncadd.s32 $0xFFFFC000  }
0xd6: {  	[spmem:s29] =	stream.indirect.scatter.add.f32 [tilespmem:s11], [sflag:$0x4], $0x80, s23, s8, $0xb8;
	[tilespmem:$0x1D000] =	vst v63  }
0xd7: {  	_ =	swait.ge [sflag:s6], $0x4000  }
0xd8: {  	[sflag:s6] =	ssyncset.done $0x0  }
0xd9: {  	s24 =	simm.s32 $0xB80;
	[sflag:s6] =	ssyncadd.s32 $0xFFFFC000  }
0xda: {  	[tilespmem:s11], [sflag:$0x2] =	stream.indirect.gather [hbm4b:s25+s8], $0x80, s24, s8, $0xb8;
	[tilespmem:$0x1D000] =	vst v63  }
0xdb: {  	_ =	swait.ge [sflag:s12], $0x4000  }
0xdc: {  	[sflag:s12] =	ssyncset.done $0x0  }
0xdd: {  	s28 =	simm.s32 $0xF00;
	[sflag:s12] =	ssyncadd.s32 $0xFFFFC000  }
0xde: {  	[spmem:s29] =	stream.indirect.scatter.add.f32 [tilespmem:s5], [sflag:$0x4], $0x80, s28, s8, $0xb8;
	[tilespmem:$0x1D000] =	vst v63  }
0xdf: {  	_ =	swait.ge [sflag:s6], $0x4000  }
0xe0: {  	[sflag:s6] =	ssyncset.done $0x0  }
0xe1: {  	[sflag:s6] =	ssyncadd.s32 $0xFFFFC000  }
0xe2: {  	_ =	swait.ge [sflag:s30], $0x400  }
0xe3: {  	[sflag:s30] =	ssyncset.done $0x0  }
0xe4: {  	[sflag:s30] =	ssyncadd.s32 $0xFFFFFC00  }
0xe5: {  	_ =	swait.ge [sflag:s30], $0x400  }
0xe6: {  	[sflag:s30] =	ssyncset.done $0x0  }
0xe7: {  	[sflag:s30] =	ssyncadd.s32 $0xFFFFFC00  }
0xe8: {  	[tilespmem:s5], [sflag:$0x1] =	stream.indirect.gather [hbm4b:s25+s8], $0x80, s13, s8, $0xb8;
	[tilespmem:$0x1D000] =	vst v63  }
0xe9: {  	_ =	swait.ge [sflag:s14], $0x4000  }
0xea: {  	[sflag:s14] =	ssyncset.done $0x0  }
0xeb: {  	s31 =	simm.s32 $0xF80;
	[sflag:s14] =	ssyncadd.s32 $0xFFFFC000  }
0xec: {  	[spmem:s29] =	stream.indirect.scatter.add.f32 [tilespmem:s11], [sflag:$0x4], $0x80, s31, s8, $0xb8;
	[tilespmem:$0x1D000] =	vst v63  }
0xed: {  	_ =	swait.ge [sflag:s6], $0x4000  }
0xee: {  	[sflag:s6] =	ssyncset.done $0x0  }
0xef: {  	s10 =	simm.s32 $0x800;
	s0 =	rddreg [dreg:$0xa];
	[sflag:s6] =	ssyncadd.s32 $0xFFFFC000  }
0xf0: {  	[tilespmem:s10], [sflag:$0x3] =	stream.linear.gather [hbm4b:s0+s13], $0x400, $0x38;
	[tilespmem:$0x1D000] =	vst v63  }
0xf1: {  	s4 =	simm.s32 $0xC00;
	s1 =	rddreg [dreg:$0xb]  }
0xf2: {  	[tilespmem:s4], [sflag:$0x3] =	stream.linear.gather [hbm4b:s1+s13], $0x400, $0x38;
	[tilespmem:$0x1D000] =	vst v63  }
0xf3: {  	_ = 	snop  }
0xf4: {  	[tilespmem:s11], [sflag:$0x2] =	stream.indirect.gather [hbm4b:s25+s8], $0x80, s8, s8, $0xb8;
	[tilespmem:$0x1D000] =	vst v63  }
0xf5: {  	_ =	swait.ge [sflag:s12], $0x4000  }
0xf6: {  	[sflag:s12] =	ssyncset.done $0x0  }
0xf7: {  	[sflag:s12] =	ssyncadd.s32 $0xFFFFC000  }
0xf8: {  	[spmem:s29] =	stream.indirect.scatter.add.f32 [tilespmem:s5], [sflag:$0x4], $0x80, s9, s8, $0xb8;
	[tilespmem:$0x1D000] =	vst v63  }
0xf9: {  	_ =	swait.ge [sflag:s6], $0x4000  }
0xfa: {  	[sflag:s6] =	ssyncset.done $0x0  }
0xfb: {  	s2 =	simm.s32 $0x100;
	[sflag:s6] =	ssyncadd.s32 $0xFFFFC000  }
0xfc: {  	[tilespmem:s5], [sflag:$0x1] =	stream.indirect.gather [hbm4b:s25+s8], $0x80, s2, s8, $0xb8;
	[tilespmem:$0x1D000] =	vst v63  }
0xfd: {  	_ =	swait.ge [sflag:s14], $0x4000  }
0xfe: {  	[sflag:s14] =	ssyncset.done $0x0  }
0xff: {  	s3 =	simm.s32 $0x480;
	[sflag:s14] =	ssyncadd.s32 $0xFFFFC000  }
0x100: {  	[spmem:s29] =	stream.indirect.scatter.add.f32 [tilespmem:s11], [sflag:$0x4], $0x80, s3, s8, $0xb8;
	[tilespmem:$0x1D000] =	vst v63  }
0x101: {  	_ =	swait.ge [sflag:s6], $0x4000  }
0x102: {  	[sflag:s6] =	ssyncset.done $0x0  }
0x103: {  	s7 =	simm.s32 $0x180;
	[sflag:s6] =	ssyncadd.s32 $0xFFFFC000  }
0x104: {  	[tilespmem:s11], [sflag:$0x2] =	stream.indirect.gather [hbm4b:s25+s8], $0x80, s7, s8, $0xb8;
	[tilespmem:$0x1D000] =	vst v63  }
0x105: {  	_ =	swait.ge [sflag:s12], $0x4000  }
0x106: {  	[sflag:s12] =	ssyncset.done $0x0  }
0x107: {  	s2 =	simm.s32 $0x500;
	[sflag:s12] =	ssyncadd.s32 $0xFFFFC000  }
0x108: {  	[spmem:s29] =	stream.indirect.scatter.add.f32 [tilespmem:s5], [sflag:$0x4], $0x80, s2, s8, $0xb8;
	[tilespmem:$0x1D000] =	vst v63  }
0x109: {  	_ =	swait.ge [sflag:s6], $0x4000  }
0x10a: {  	[sflag:s6] =	ssyncset.done $0x0  }
0x10b: {  	s3 =	simm.s32 $0x200;
	[sflag:s6] =	ssyncadd.s32 $0xFFFFC000  }
0x10c: {  	[tilespmem:s5], [sflag:$0x1] =	stream.indirect.gather [hbm4b:s25+s8], $0x80, s3, s8, $0xb8;
	[tilespmem:$0x1D000] =	vst v63  }
0x10d: {  	_ =	swait.ge [sflag:s14], $0x4000  }
0x10e: {  	[sflag:s14] =	ssyncset.done $0x0  }
0x10f: {  	s4 =	simm.s32 $0x580;
	[sflag:s14] =	ssyncadd.s32 $0xFFFFC000  }
0x110: {  	[spmem:s29] =	stream.indirect.scatter.add.f32 [tilespmem:s11], [sflag:$0x4], $0x80, s4, s8, $0xb8;
	[tilespmem:$0x1D000] =	vst v63  }
0x111: {  	_ =	swait.ge [sflag:s6], $0x4000  }
0x112: {  	[sflag:s6] =	ssyncset.done $0x0  }
0x113: {  	s7 =	simm.s32 $0x280;
	[sflag:s6] =	ssyncadd.s32 $0xFFFFC000  }
0x114: {  	[tilespmem:s11], [sflag:$0x2] =	stream.indirect.gather [hbm4b:s25+s8], $0x80, s7, s8, $0xb8;
	[tilespmem:$0x1D000] =	vst v63  }
0x115: {  	_ =	swait.ge [sflag:s12], $0x4000  }
0x116: {  	[sflag:s12] =	ssyncset.done $0x0  }
0x117: {  	s15 =	simm.s32 $0x600;
	[sflag:s12] =	ssyncadd.s32 $0xFFFFC000  }
0x118: {  	[spmem:s29] =	stream.indirect.scatter.add.f32 [tilespmem:s5], [sflag:$0x4], $0x80, s15, s8, $0xb8;
	[tilespmem:$0x1D000] =	vst v63  }
0x119: {  	_ =	swait.ge [sflag:s6], $0x4000  }
0x11a: {  	[sflag:s6] =	ssyncset.done $0x0  }
0x11b: {  	s16 =	simm.s32 $0x300;
	[sflag:s6] =	ssyncadd.s32 $0xFFFFC000  }
0x11c: {  	[tilespmem:s5], [sflag:$0x1] =	stream.indirect.gather [hbm4b:s25+s8], $0x80, s16, s8, $0xb8;
	[tilespmem:$0x1D000] =	vst v63  }
0x11d: {  	_ =	swait.ge [sflag:s14], $0x4000  }
0x11e: {  	[sflag:s14] =	ssyncset.done $0x0  }
0x11f: {  	s17 =	simm.s32 $0x680;
	[sflag:s14] =	ssyncadd.s32 $0xFFFFC000  }
0x120: {  	[spmem:s29] =	stream.indirect.scatter.add.f32 [tilespmem:s11], [sflag:$0x4], $0x80, s17, s8, $0xb8;
	[tilespmem:$0x1D000] =	vst v63  }
0x121: {  	_ =	swait.ge [sflag:s6], $0x4000  }
0x122: {  	[sflag:s6] =	ssyncset.done $0x0  }
0x123: {  	s18 =	simm.s32 $0x380;
	[sflag:s6] =	ssyncadd.s32 $0xFFFFC000  }
0x124: {  	[tilespmem:s11], [sflag:$0x2] =	stream.indirect.gather [hbm4b:s25+s8], $0x80, s18, s8, $0xb8;
	[tilespmem:$0x1D000] =	vst v63  }
0x125: {  	_ =	swait.ge [sflag:s12], $0x4000  }
0x126: {  	[sflag:s12] =	ssyncset.done $0x0  }
0x127: {  	s19 =	simm.s32 $0x700;
	[sflag:s12] =	ssyncadd.s32 $0xFFFFC000  }
0x128: {  	[spmem:s29] =	stream.indirect.scatter.add.f32 [tilespmem:s5], [sflag:$0x4], $0x80, s19, s8, $0xb8;
	[tilespmem:$0x1D000] =	vst v63  }
0x129: {  	_ =	swait.ge [sflag:s6], $0x4000  }
0x12a: {  	[sflag:s6] =	ssyncset.done $0x0  }
0x12b: {  	[sflag:s6] =	ssyncadd.s32 $0xFFFFC000  }
0x12c: {  	_ =	swait.ge [sflag:s30], $0x400  }
0x12d: {  	[sflag:s30] =	ssyncset.done $0x0  }
0x12e: {  	[sflag:s30] =	ssyncadd.s32 $0xFFFFFC00  }
0x12f: {  	_ =	swait.ge [sflag:s30], $0x400  }
0x130: {  	[sflag:s30] =	ssyncset.done $0x0  }
0x131: {  	[sflag:s30] =	ssyncadd.s32 $0xFFFFFC00  }
0x132: {  	[tilespmem:s5], [sflag:$0x1] =	stream.indirect.gather [hbm4b:s25+s8], $0x80, s10, s8, $0xb8;
	[tilespmem:$0x1D000] =	vst v63  }
0x133: {  	_ =	swait.ge [sflag:s14], $0x4000  }
0x134: {  	[sflag:s14] =	ssyncset.done $0x0  }
0x135: {  	s20 =	simm.s32 $0x780;
	[sflag:s14] =	ssyncadd.s32 $0xFFFFC000  }
0x136: {  	[spmem:s29] =	stream.indirect.scatter.add.f32 [tilespmem:s11], [sflag:$0x4], $0x80, s20, s8, $0xb8;
	[tilespmem:$0x1D000] =	vst v63  }
0x137: {  	_ =	swait.ge [sflag:s6], $0x4000  }
0x138: {  	[sflag:s6] =	ssyncset.done $0x0  }
0x139: {  	s10 =	rddreg [dreg:$0xc];
	[sflag:s6] =	ssyncadd.s32 $0xFFFFC000  }
0x13a: {  	[tilespmem:s13], [sflag:$0x3] =	stream.linear.gather [hbm4b:s10+s13], $0x400, $0x38;
	[tilespmem:$0x1D000] =	vst v63  }
0x13b: {  	s20 =	rddreg [dreg:$0xd]  }
0x13c: {  	[tilespmem:s9], [sflag:$0x3] =	stream.linear.gather [hbm4b:s20+s13], $0x400, $0x38;
	[tilespmem:$0x1D000] =	vst v63  }
0x13d: {  	s26 =	simm.s32 $0x880  }
0x13e: {  	[tilespmem:s11], [sflag:$0x2] =	stream.indirect.gather [hbm4b:s25+s8], $0x80, s26, s8, $0xb8;
	[tilespmem:$0x1D000] =	vst v63  }
0x13f: {  	_ =	swait.ge [sflag:s12], $0x4000  }
0x140: {  	[sflag:s12] =	ssyncset.done $0x0  }
0x141: {  	s23 =	simm.s32 $0xC00;
	[sflag:s12] =	ssyncadd.s32 $0xFFFFC000  }
0x142: {  	[spmem:s29] =	stream.indirect.scatter.add.f32 [tilespmem:s5], [sflag:$0x4], $0x80, s23, s8, $0xb8;
	[tilespmem:$0x1D000] =	vst v63  }
0x143: {  	_ =	swait.ge [sflag:s6], $0x4000  }
0x144: {  	[sflag:s6] =	ssyncset.done $0x0  }
0x145: {  	s22 =	simm.s32 $0x900;
	[sflag:s6] =	ssyncadd.s32 $0xFFFFC000  }
0x146: {  	[tilespmem:s5], [sflag:$0x1] =	stream.indirect.gather [hbm4b:s25+s8], $0x80, s22, s8, $0xb8;
	[tilespmem:$0x1D000] =	vst v63  }
0x147: {  	_ =	swait.ge [sflag:s14], $0x4000  }
0x148: {  	[sflag:s14] =	ssyncset.done $0x0  }
0x149: {  	s21 =	simm.s32 $0xC80;
	[sflag:s14] =	ssyncadd.s32 $0xFFFFC000  }
0x14a: {  	[spmem:s29] =	stream.indirect.scatter.add.f32 [tilespmem:s11], [sflag:$0x4], $0x80, s21, s8, $0xb8;
	[tilespmem:$0x1D000] =	vst v63  }
0x14b: {  	_ =	swait.ge [sflag:s6], $0x4000  }
0x14c: {  	[sflag:s6] =	ssyncset.done $0x0  }
0x14d: {  	s20 =	simm.s32 $0x980;
	[sflag:s6] =	ssyncadd.s32 $0xFFFFC000  }
0x14e: {  	[tilespmem:s11], [sflag:$0x2] =	stream.indirect.gather [hbm4b:s25+s8], $0x80, s20, s8, $0xb8;
	[tilespmem:$0x1D000] =	vst v63  }
0x14f: {  	_ =	swait.ge [sflag:s12], $0x4000  }
0x150: {  	[sflag:s12] =	ssyncset.done $0x0  }
0x151: {  	s21 =	simm.s32 $0xD00;
	[sflag:s12] =	ssyncadd.s32 $0xFFFFC000  }
0x152: {  	[spmem:s29] =	stream.indirect.scatter.add.f32 [tilespmem:s5], [sflag:$0x4], $0x80, s21, s8, $0xb8;
	[tilespmem:$0x1D000] =	vst v63  }
0x153: {  	_ =	swait.ge [sflag:s6], $0x4000  }
0x154: {  	[sflag:s6] =	ssyncset.done $0x0  }
0x155: {  	s22 =	simm.s32 $0xA00;
	[sflag:s6] =	ssyncadd.s32 $0xFFFFC000  }
0x156: {  	[tilespmem:s5], [sflag:$0x1] =	stream.indirect.gather [hbm4b:s25+s8], $0x80, s22, s8, $0xb8;
	[tilespmem:$0x1D000] =	vst v63  }
0x157: {  	_ =	swait.ge [sflag:s14], $0x4000  }
0x158: {  	[sflag:s14] =	ssyncset.done $0x0  }
0x159: {  	s26 =	simm.s32 $0xD80;
	[sflag:s14] =	ssyncadd.s32 $0xFFFFC000  }
0x15a: {  	[spmem:s29] =	stream.indirect.scatter.add.f32 [tilespmem:s11], [sflag:$0x4], $0x80, s26, s8, $0xb8;
	[tilespmem:$0x1D000] =	vst v63  }
0x15b: {  	_ =	swait.ge [sflag:s6], $0x4000  }
0x15c: {  	[sflag:s6] =	ssyncset.done $0x0  }
0x15d: {  	s31 =	simm.s32 $0xA80;
	[sflag:s6] =	ssyncadd.s32 $0xFFFFC000  }
0x15e: {  	[tilespmem:s11], [sflag:$0x2] =	stream.indirect.gather [hbm4b:s25+s8], $0x80, s31, s8, $0xb8;
	[tilespmem:$0x1D000] =	vst v63  }
0x15f: {  	_ =	swait.ge [sflag:s12], $0x4000  }
0x160: {  	[sflag:s12] =	ssyncset.done $0x0  }
0x161: {  	s28 =	simm.s32 $0xE00;
	[sflag:s12] =	ssyncadd.s32 $0xFFFFC000  }
0x162: {  	[spmem:s29] =	stream.indirect.scatter.add.f32 [tilespmem:s5], [sflag:$0x4], $0x80, s28, s8, $0xb8;
	[tilespmem:$0x1D000] =	vst v63  }
0x163: {  	_ =	swait.ge [sflag:s6], $0x4000  }
0x164: {  	[sflag:s6] =	ssyncset.done $0x0  }
0x165: {  	s10 =	simm.s32 $0xB00;
	[sflag:s6] =	ssyncadd.s32 $0xFFFFC000  }
0x166: {  	[tilespmem:s5], [sflag:$0x1] =	stream.indirect.gather [hbm4b:s25+s8], $0x80, s10, s8, $0xb8;
	[tilespmem:$0x1D000] =	vst v63  }
0x167: {  	_ =	swait.ge [sflag:s14], $0x4000  }
0x168: {  	[sflag:s14] =	ssyncset.done $0x0  }
0x169: {  	s23 =	simm.s32 $0xE80;
	[sflag:s14] =	ssyncadd.s32 $0xFFFFC000  }
0x16a: {  	[spmem:s29] =	stream.indirect.scatter.add.f32 [tilespmem:s11], [sflag:$0x4], $0x80, s23, s8, $0xb8;
	[tilespmem:$0x1D000] =	vst v63  }
0x16b: {  	_ =	swait.ge [sflag:s6], $0x4000  }
0x16c: {  	[sflag:s6] =	ssyncset.done $0x0  }
0x16d: {  	s28 =	simm.s32 $0xB80;
	[sflag:s6] =	ssyncadd.s32 $0xFFFFC000  }
0x16e: {  	[tilespmem:s11], [sflag:$0x2] =	stream.indirect.gather [hbm4b:s25+s8], $0x80, s28, s8, $0xb8;
	[tilespmem:$0x1D000] =	vst v63  }
0x16f: {  	_ =	swait.ge [sflag:s12], $0x4000  }
0x170: {  	[sflag:s12] =	ssyncset.done $0x0  }
0x171: {  	s24 =	simm.s32 $0xF00;
	[sflag:s12] =	ssyncadd.s32 $0xFFFFC000  }
0x172: {  	[spmem:s29] =	stream.indirect.scatter.add.f32 [tilespmem:s5], [sflag:$0x4], $0x80, s24, s8, $0xb8;
	[tilespmem:$0x1D000] =	vst v63  }
0x173: {  	_ =	swait.ge [sflag:s6], $0x4000  }
0x174: {  	[sflag:s6] =	ssyncset.done $0x0  }
0x175: {  	[sflag:s6] =	ssyncadd.s32 $0xFFFFC000  }
0x176: {  	_ =	swait.ge [sflag:s30], $0x400  }
0x177: {  	[sflag:s30] =	ssyncset.done $0x0  }
0x178: {  	[sflag:s30] =	ssyncadd.s32 $0xFFFFFC00  }
0x179: {  	_ =	swait.ge [sflag:s30], $0x400  }
0x17a: {  	[sflag:s30] =	ssyncset.done $0x0  }
0x17b: {  	[sflag:s30] =	ssyncadd.s32 $0xFFFFFC00  }
0x17c: {  	[tilespmem:s5], [sflag:$0x1] =	stream.indirect.gather [hbm4b:s25+s8], $0x80, s13, s8, $0xb8;
	[tilespmem:$0x1D000] =	vst v63  }
0x17d: {  	_ =	swait.ge [sflag:s14], $0x4000  }
0x17e: {  	[sflag:s14] =	ssyncset.done $0x0  }
0x17f: {  	s24 =	simm.s32 $0xF80;
	[sflag:s14] =	ssyncadd.s32 $0xFFFFC000  }
0x180: {  	[spmem:s29] =	stream.indirect.scatter.add.f32 [tilespmem:s11], [sflag:$0x4], $0x80, s24, s8, $0xb8;
	[tilespmem:$0x1D000] =	vst v63  }
0x181: {  	_ =	swait.ge [sflag:s6], $0x4000  }
0x182: {  	[sflag:s6] =	ssyncset.done $0x0  }
0x183: {  	s1 =	simm.s32 $0x800;
	s24 =	rddreg [dreg:$0xe];
	[sflag:s6] =	ssyncadd.s32 $0xFFFFC000  }
0x184: {  	[tilespmem:s1], [sflag:$0x3] =	stream.linear.gather [hbm4b:s24+s13], $0x400, $0x38;
	[tilespmem:$0x1D000] =	vst v63  }
0x185: {  	s0 =	simm.s32 $0xC00;
	s24 =	rddreg [dreg:$0xf]  }
0x186: {  	[tilespmem:s0], [sflag:$0x3] =	stream.linear.gather [hbm4b:s24+s13], $0x400, $0x38;
	[tilespmem:$0x1D000] =	vst v63  }
0x187: {  	_ = 	snop  }
0x188: {  	[tilespmem:s11], [sflag:$0x2] =	stream.indirect.gather [hbm4b:s25+s8], $0x80, s8, s8, $0xb8;
	[tilespmem:$0x1D000] =	vst v63  }
0x189: {  	_ =	swait.ge [sflag:s12], $0x4000  }
0x18a: {  	[sflag:s12] =	ssyncset.done $0x0  }
0x18b: {  	[sflag:s12] =	ssyncadd.s32 $0xFFFFC000  }
0x18c: {  	[spmem:s29] =	stream.indirect.scatter.add.f32 [tilespmem:s5], [sflag:$0x4], $0x80, s9, s8, $0xb8;
	[tilespmem:$0x1D000] =	vst v63  }
0x18d: {  	_ =	swait.ge [sflag:s6], $0x4000  }
0x18e: {  	[sflag:s6] =	ssyncset.done $0x0  }
0x18f: {  	s24 =	simm.s32 $0x100;
	[sflag:s6] =	ssyncadd.s32 $0xFFFFC000  }
0x190: {  	[tilespmem:s5], [sflag:$0x1] =	stream.indirect.gather [hbm4b:s25+s8], $0x80, s24, s8, $0xb8;
	[tilespmem:$0x1D000] =	vst v63  }
0x191: {  	_ =	swait.ge [sflag:s14], $0x4000  }
0x192: {  	[sflag:s14] =	ssyncset.done $0x0  }
0x193: {  	s24 =	simm.s32 $0x480;
	[sflag:s14] =	ssyncadd.s32 $0xFFFFC000  }
0x194: {  	[spmem:s29] =	stream.indirect.scatter.add.f32 [tilespmem:s11], [sflag:$0x4], $0x80, s24, s8, $0xb8;
	[tilespmem:$0x1D000] =	vst v63  }
0x195: {  	_ =	swait.ge [sflag:s6], $0x4000  }
0x196: {  	[sflag:s6] =	ssyncset.done $0x0  }
0x197: {  	s24 =	simm.s32 $0x180;
	[sflag:s6] =	ssyncadd.s32 $0xFFFFC000  }
0x198: {  	[tilespmem:s11], [sflag:$0x2] =	stream.indirect.gather [hbm4b:s25+s8], $0x80, s24, s8, $0xb8;
	[tilespmem:$0x1D000] =	vst v63  }
0x199: {  	_ =	swait.ge [sflag:s12], $0x4000  }
0x19a: {  	[sflag:s12] =	ssyncset.done $0x0  }
0x19b: {  	[sflag:s12] =	ssyncadd.s32 $0xFFFFC000  }
0x19c: {  	[spmem:s29] =	stream.indirect.scatter.add.f32 [tilespmem:s5], [sflag:$0x4], $0x80, s2, s8, $0xb8;
	[tilespmem:$0x1D000] =	vst v63  }
0x19d: {  	_ =	swait.ge [sflag:s6], $0x4000  }
0x19e: {  	[sflag:s6] =	ssyncset.done $0x0  }
0x19f: {  	[sflag:s6] =	ssyncadd.s32 $0xFFFFC000  }
0x1a0: {  	[tilespmem:s5], [sflag:$0x1] =	stream.indirect.gather [hbm4b:s25+s8], $0x80, s3, s8, $0xb8;
	[tilespmem:$0x1D000] =	vst v63  }
0x1a1: {  	_ =	swait.ge [sflag:s14], $0x4000  }
0x1a2: {  	[sflag:s14] =	ssyncset.done $0x0  }
0x1a3: {  	[sflag:s14] =	ssyncadd.s32 $0xFFFFC000  }
0x1a4: {  	[spmem:s29] =	stream.indirect.scatter.add.f32 [tilespmem:s11], [sflag:$0x4], $0x80, s4, s8, $0xb8;
	[tilespmem:$0x1D000] =	vst v63  }
0x1a5: {  	_ =	swait.ge [sflag:s6], $0x4000  }
0x1a6: {  	[sflag:s6] =	ssyncset.done $0x0  }
0x1a7: {  	[sflag:s6] =	ssyncadd.s32 $0xFFFFC000  }
0x1a8: {  	[tilespmem:s11], [sflag:$0x2] =	stream.indirect.gather [hbm4b:s25+s8], $0x80, s7, s8, $0xb8;
	[tilespmem:$0x1D000] =	vst v63  }
0x1a9: {  	_ =	swait.ge [sflag:s12], $0x4000  }
0x1aa: {  	[sflag:s12] =	ssyncset.done $0x0  }
0x1ab: {  	[sflag:s12] =	ssyncadd.s32 $0xFFFFC000  }
0x1ac: {  	[spmem:s29] =	stream.indirect.scatter.add.f32 [tilespmem:s5], [sflag:$0x4], $0x80, s15, s8, $0xb8;
	[tilespmem:$0x1D000] =	vst v63  }
0x1ad: {  	_ =	swait.ge [sflag:s6], $0x4000  }
0x1ae: {  	[sflag:s6] =	ssyncset.done $0x0  }
0x1af: {  	[sflag:s6] =	ssyncadd.s32 $0xFFFFC000  }
0x1b0: {  	[tilespmem:s5], [sflag:$0x1] =	stream.indirect.gather [hbm4b:s25+s8], $0x80, s16, s8, $0xb8;
	[tilespmem:$0x1D000] =	vst v63  }
0x1b1: {  	_ =	swait.ge [sflag:s14], $0x4000  }
0x1b2: {  	[sflag:s14] =	ssyncset.done $0x0  }
0x1b3: {  	[sflag:s14] =	ssyncadd.s32 $0xFFFFC000  }
0x1b4: {  	[spmem:s29] =	stream.indirect.scatter.add.f32 [tilespmem:s11], [sflag:$0x4], $0x80, s17, s8, $0xb8;
	[tilespmem:$0x1D000] =	vst v63  }
0x1b5: {  	_ =	swait.ge [sflag:s6], $0x4000  }
0x1b6: {  	[sflag:s6] =	ssyncset.done $0x0  }
0x1b7: {  	[sflag:s6] =	ssyncadd.s32 $0xFFFFC000  }
0x1b8: {  	[tilespmem:s11], [sflag:$0x2] =	stream.indirect.gather [hbm4b:s25+s8], $0x80, s18, s8, $0xb8;
	[tilespmem:$0x1D000] =	vst v63  }
0x1b9: {  	_ =	swait.ge [sflag:s12], $0x4000  }
0x1ba: {  	[sflag:s12] =	ssyncset.done $0x0  }
0x1bb: {  	[sflag:s12] =	ssyncadd.s32 $0xFFFFC000  }
0x1bc: {  	[spmem:s29] =	stream.indirect.scatter.add.f32 [tilespmem:s5], [sflag:$0x4], $0x80, s19, s8, $0xb8;
	[tilespmem:$0x1D000] =	vst v63  }
0x1bd: {  	_ =	swait.ge [sflag:s6], $0x4000  }
0x1be: {  	[sflag:s6] =	ssyncset.done $0x0  }
0x1bf: {  	[sflag:s6] =	ssyncadd.s32 $0xFFFFC000  }
0x1c0: {  	_ =	swait.ge [sflag:s30], $0x400  }
0x1c1: {  	[sflag:s30] =	ssyncset.done $0x0  }
0x1c2: {  	[sflag:s30] =	ssyncadd.s32 $0xFFFFFC00  }
0x1c3: {  	_ =	swait.ge [sflag:s30], $0x400  }
0x1c4: {  	[sflag:s30] =	ssyncset.done $0x0  }
0x1c5: {  	s1 =	simm.s32 $0x800;
	[sflag:s30] =	ssyncadd.s32 $0xFFFFFC00  }
0x1c6: {  	[tilespmem:s5], [sflag:$0x1] =	stream.indirect.gather [hbm4b:s25+s8], $0x80, s1, s8, $0xb8;
	[tilespmem:$0x1D000] =	vst v63  }
0x1c7: {  	_ =	swait.ge [sflag:s14], $0x4000  }
0x1c8: {  	[sflag:s14] =	ssyncset.done $0x0  }
0x1c9: {  	s4 =	simm.s32 $0x780;
	[sflag:s14] =	ssyncadd.s32 $0xFFFFC000  }
0x1ca: {  	[spmem:s29] =	stream.indirect.scatter.add.f32 [tilespmem:s11], [sflag:$0x4], $0x80, s4, s8, $0xb8;
	[tilespmem:$0x1D000] =	vst v63  }
0x1cb: {  	_ =	swait.ge [sflag:s6], $0x4000  }
0x1cc: {  	[sflag:s6] =	ssyncset.done $0x0  }
0x1cd: {  	s18 =	rddreg [dreg:$0x10];
	[sflag:s6] =	ssyncadd.s32 $0xFFFFC000  }
0x1ce: {  	[tilespmem:s13], [sflag:$0x3] =	stream.linear.gather [hbm4b:s18+s13], $0x400, $0x38;
	[tilespmem:$0x1D000] =	vst v63  }
0x1cf: {  	s19 =	rddreg [dreg:$0x11]  }
0x1d0: {  	[tilespmem:s9], [sflag:$0x3] =	stream.linear.gather [hbm4b:s19+s13], $0x400, $0x38;
	[tilespmem:$0x1D000] =	vst v63  }
0x1d1: {  	s24 =	simm.s32 $0x880  }
0x1d2: {  	[tilespmem:s11], [sflag:$0x2] =	stream.indirect.gather [hbm4b:s25+s8], $0x80, s24, s8, $0xb8;
	[tilespmem:$0x1D000] =	vst v63  }
0x1d3: {  	_ =	swait.ge [sflag:s12], $0x4000  }
0x1d4: {  	[sflag:s12] =	ssyncset.done $0x0  }
0x1d5: {  	s0 =	simm.s32 $0xC00;
	[sflag:s12] =	ssyncadd.s32 $0xFFFFC000  }
0x1d6: {  	[spmem:s29] =	stream.indirect.scatter.add.f32 [tilespmem:s5], [sflag:$0x4], $0x80, s0, s8, $0xb8;
	[tilespmem:$0x1D000] =	vst v63  }
0x1d7: {  	_ =	swait.ge [sflag:s6], $0x4000  }
0x1d8: {  	[sflag:s6] =	ssyncset.done $0x0  }
0x1d9: {  	s15 =	simm.s32 $0x900;
	[sflag:s6] =	ssyncadd.s32 $0xFFFFC000  }
0x1da: {  	[tilespmem:s5], [sflag:$0x1] =	stream.indirect.gather [hbm4b:s25+s8], $0x80, s15, s8, $0xb8;
	[tilespmem:$0x1D000] =	vst v63  }
0x1db: {  	_ =	swait.ge [sflag:s14], $0x4000  }
0x1dc: {  	[sflag:s14] =	ssyncset.done $0x0  }
0x1dd: {  	s3 =	simm.s32 $0xC80;
	[sflag:s14] =	ssyncadd.s32 $0xFFFFC000  }
0x1de: {  	[spmem:s29] =	stream.indirect.scatter.add.f32 [tilespmem:s11], [sflag:$0x4], $0x80, s3, s8, $0xb8;
	[tilespmem:$0x1D000] =	vst v63  }
0x1df: {  	_ =	swait.ge [sflag:s6], $0x4000  }
0x1e0: {  	[sflag:s6] =	ssyncset.done $0x0  }
0x1e1: {  	[sflag:s6] =	ssyncadd.s32 $0xFFFFC000  }
0x1e2: {  	[tilespmem:s11], [sflag:$0x2] =	stream.indirect.gather [hbm4b:s25+s8], $0x80, s20, s8, $0xb8;
	[tilespmem:$0x1D000] =	vst v63  }
0x1e3: {  	_ =	swait.ge [sflag:s12], $0x4000  }
0x1e4: {  	[sflag:s12] =	ssyncset.done $0x0  }
0x1e5: {  	[sflag:s12] =	ssyncadd.s32 $0xFFFFC000  }
0x1e6: {  	[spmem:s29] =	stream.indirect.scatter.add.f32 [tilespmem:s5], [sflag:$0x4], $0x80, s21, s8, $0xb8;
	[tilespmem:$0x1D000] =	vst v63  }
0x1e7: {  	_ =	swait.ge [sflag:s6], $0x4000  }
0x1e8: {  	[sflag:s6] =	ssyncset.done $0x0  }
0x1e9: {  	[sflag:s6] =	ssyncadd.s32 $0xFFFFC000  }
0x1ea: {  	[tilespmem:s5], [sflag:$0x1] =	stream.indirect.gather [hbm4b:s25+s8], $0x80, s22, s8, $0xb8;
	[tilespmem:$0x1D000] =	vst v63  }
0x1eb: {  	_ =	swait.ge [sflag:s14], $0x4000  }
0x1ec: {  	[sflag:s14] =	ssyncset.done $0x0  }
0x1ed: {  	[sflag:s14] =	ssyncadd.s32 $0xFFFFC000  }
0x1ee: {  	[spmem:s29] =	stream.indirect.scatter.add.f32 [tilespmem:s11], [sflag:$0x4], $0x80, s26, s8, $0xb8;
	[tilespmem:$0x1D000] =	vst v63  }
0x1ef: {  	_ =	swait.ge [sflag:s6], $0x4000  }
0x1f0: {  	[sflag:s6] =	ssyncset.done $0x0  }
0x1f1: {  	[sflag:s6] =	ssyncadd.s32 $0xFFFFC000  }
0x1f2: {  	[tilespmem:s11], [sflag:$0x2] =	stream.indirect.gather [hbm4b:s25+s8], $0x80, s31, s8, $0xb8;
	[tilespmem:$0x1D000] =	vst v63  }
0x1f3: {  	_ =	swait.ge [sflag:s12], $0x4000  }
0x1f4: {  	[sflag:s12] =	ssyncset.done $0x0  }
0x1f5: {  	s7 =	simm.s32 $0xE00;
	[sflag:s12] =	ssyncadd.s32 $0xFFFFC000  }
0x1f6: {  	[spmem:s29] =	stream.indirect.scatter.add.f32 [tilespmem:s5], [sflag:$0x4], $0x80, s7, s8, $0xb8;
	[tilespmem:$0x1D000] =	vst v63  }
0x1f7: {  	_ =	swait.ge [sflag:s6], $0x4000  }
0x1f8: {  	[sflag:s6] =	ssyncset.done $0x0  }
0x1f9: {  	[sflag:s6] =	ssyncadd.s32 $0xFFFFC000  }
0x1fa: {  	[tilespmem:s5], [sflag:$0x1] =	stream.indirect.gather [hbm4b:s25+s8], $0x80, s10, s8, $0xb8;
	[tilespmem:$0x1D000] =	vst v63  }
0x1fb: {  	_ =	swait.ge [sflag:s14], $0x4000  }
0x1fc: {  	[sflag:s14] =	ssyncset.done $0x0  }
0x1fd: {  	[sflag:s14] =	ssyncadd.s32 $0xFFFFC000  }
0x1fe: {  	[spmem:s29] =	stream.indirect.scatter.add.f32 [tilespmem:s11], [sflag:$0x4], $0x80, s23, s8, $0xb8;
	[tilespmem:$0x1D000] =	vst v63  }
0x1ff: {  	_ =	swait.ge [sflag:s6], $0x4000  }
0x200: {  	[sflag:s6] =	ssyncset.done $0x0  }
0x201: {  	[sflag:s6] =	ssyncadd.s32 $0xFFFFC000  }
0x202: {  	[tilespmem:s11], [sflag:$0x2] =	stream.indirect.gather [hbm4b:s25+s8], $0x80, s28, s8, $0xb8;
	[tilespmem:$0x1D000] =	vst v63  }
0x203: {  	_ =	swait.ge [sflag:s12], $0x4000  }
0x204: {  	[sflag:s12] =	ssyncset.done $0x0  }
0x205: {  	s10 =	simm.s32 $0xF00;
	[sflag:s12] =	ssyncadd.s32 $0xFFFFC000  }
0x206: {  	[spmem:s29] =	stream.indirect.scatter.add.f32 [tilespmem:s5], [sflag:$0x4], $0x80, s10, s8, $0xb8;
	[tilespmem:$0x1D000] =	vst v63  }
0x207: {  	_ =	swait.ge [sflag:s6], $0x4000  }
0x208: {  	[sflag:s6] =	ssyncset.done $0x0  }
0x209: {  	[sflag:s6] =	ssyncadd.s32 $0xFFFFC000  }
0x20a: {  	_ =	swait.ge [sflag:s30], $0x400  }
0x20b: {  	[sflag:s30] =	ssyncset.done $0x0  }
0x20c: {  	[sflag:s30] =	ssyncadd.s32 $0xFFFFFC00  }
0x20d: {  	_ =	swait.ge [sflag:s30], $0x400  }
0x20e: {  	[sflag:s30] =	ssyncset.done $0x0  }
0x20f: {  	[sflag:s30] =	ssyncadd.s32 $0xFFFFFC00  }
0x210: {  	[tilespmem:s5], [sflag:$0x1] =	stream.indirect.gather [hbm4b:s25+s8], $0x80, s13, s8, $0xb8;
	[tilespmem:$0x1D000] =	vst v63  }
0x211: {  	_ =	swait.ge [sflag:s14], $0x4000  }
0x212: {  	[sflag:s14] =	ssyncset.done $0x0  }
0x213: {  	s16 =	simm.s32 $0xF80;
	[sflag:s14] =	ssyncadd.s32 $0xFFFFC000  }
0x214: {  	[spmem:s29] =	stream.indirect.scatter.add.f32 [tilespmem:s11], [sflag:$0x4], $0x80, s16, s8, $0xb8;
	[tilespmem:$0x1D000] =	vst v63  }
0x215: {  	_ =	swait.ge [sflag:s6], $0x4000  }
0x216: {  	[sflag:s6] =	ssyncset.done $0x0  }
0x217: {  	s17 =	rddreg [dreg:$0x12];
	[sflag:s6] =	ssyncadd.s32 $0xFFFFC000  }
0x218: {  	[tilespmem:s1], [sflag:$0x3] =	stream.linear.gather [hbm4b:s17+s13], $0x400, $0x38;
	[tilespmem:$0x1D000] =	vst v63  }
0x219: {  	s18 =	rddreg [dreg:$0x13]  }
0x21a: {  	[tilespmem:s0], [sflag:$0x3] =	stream.linear.gather [hbm4b:s18+s13], $0x400, $0x38;
	[tilespmem:$0x1D000] =	vst v63  }
0x21b: {  	_ = 	snop  }
0x21c: {  	[tilespmem:s11], [sflag:$0x2] =	stream.indirect.gather [hbm4b:s25+s8], $0x80, s8, s8, $0xb8;
	[tilespmem:$0x1D000] =	vst v63  }
0x21d: {  	_ =	swait.ge [sflag:s12], $0x4000  }
0x21e: {  	[sflag:s12] =	ssyncset.done $0x0  }
0x21f: {  	[sflag:s12] =	ssyncadd.s32 $0xFFFFC000  }
0x220: {  	[spmem:s29] =	stream.indirect.scatter.add.f32 [tilespmem:s5], [sflag:$0x4], $0x80, s9, s8, $0xb8;
	[tilespmem:$0x1D000] =	vst v63  }
0x221: {  	_ =	swait.ge [sflag:s6], $0x4000  }
0x222: {  	[sflag:s6] =	ssyncset.done $0x0  }
0x223: {  	s19 =	simm.s32 $0x100;
	[sflag:s6] =	ssyncadd.s32 $0xFFFFC000  }
0x224: {  	[tilespmem:s5], [sflag:$0x1] =	stream.indirect.gather [hbm4b:s25+s8], $0x80, s19, s8, $0xb8;
	[tilespmem:$0x1D000] =	vst v63  }
0x225: {  	_ =	swait.ge [sflag:s14], $0x4000  }
0x226: {  	[sflag:s14] =	ssyncset.done $0x0  }
0x227: {  	s20 =	simm.s32 $0x480;
	[sflag:s14] =	ssyncadd.s32 $0xFFFFC000  }
0x228: {  	[spmem:s29] =	stream.indirect.scatter.add.f32 [tilespmem:s11], [sflag:$0x4], $0x80, s20, s8, $0xb8;
	[tilespmem:$0x1D000] =	vst v63  }
0x229: {  	_ =	swait.ge [sflag:s6], $0x4000  }
0x22a: {  	[sflag:s6] =	ssyncset.done $0x0  }
0x22b: {  	s21 =	simm.s32 $0x180;
	[sflag:s6] =	ssyncadd.s32 $0xFFFFC000  }
0x22c: {  	[tilespmem:s11], [sflag:$0x2] =	stream.indirect.gather [hbm4b:s25+s8], $0x80, s21, s8, $0xb8;
	[tilespmem:$0x1D000] =	vst v63  }
0x22d: {  	_ =	swait.ge [sflag:s12], $0x4000  }
0x22e: {  	[sflag:s12] =	ssyncset.done $0x0  }
0x22f: {  	s22 =	simm.s32 $0x500;
	[sflag:s12] =	ssyncadd.s32 $0xFFFFC000  }
0x230: {  	[spmem:s29] =	stream.indirect.scatter.add.f32 [tilespmem:s5], [sflag:$0x4], $0x80, s22, s8, $0xb8;
	[tilespmem:$0x1D000] =	vst v63  }
0x231: {  	_ =	swait.ge [sflag:s6], $0x4000  }
0x232: {  	[sflag:s6] =	ssyncset.done $0x0  }
0x233: {  	s23 =	simm.s32 $0x200;
	[sflag:s6] =	ssyncadd.s32 $0xFFFFC000  }
0x234: {  	[tilespmem:s5], [sflag:$0x1] =	stream.indirect.gather [hbm4b:s25+s8], $0x80, s23, s8, $0xb8;
	[tilespmem:$0x1D000] =	vst v63  }
0x235: {  	_ =	swait.ge [sflag:s14], $0x4000  }
0x236: {  	[sflag:s14] =	ssyncset.done $0x0  }
0x237: {  	s24 =	simm.s32 $0x580;
	[sflag:s14] =	ssyncadd.s32 $0xFFFFC000  }
0x238: {  	[spmem:s29] =	stream.indirect.scatter.add.f32 [tilespmem:s11], [sflag:$0x4], $0x80, s24, s8, $0xb8;
	[tilespmem:$0x1D000] =	vst v63  }
0x239: {  	_ =	swait.ge [sflag:s6], $0x4000  }
0x23a: {  	[sflag:s6] =	ssyncset.done $0x0  }
0x23b: {  	s26 =	simm.s32 $0x280;
	[sflag:s6] =	ssyncadd.s32 $0xFFFFC000  }
0x23c: {  	[tilespmem:s11], [sflag:$0x2] =	stream.indirect.gather [hbm4b:s25+s8], $0x80, s26, s8, $0xb8;
	[tilespmem:$0x1D000] =	vst v63  }
0x23d: {  	_ =	swait.ge [sflag:s12], $0x4000  }
0x23e: {  	[sflag:s12] =	ssyncset.done $0x0  }
0x23f: {  	s28 =	simm.s32 $0x600;
	[sflag:s12] =	ssyncadd.s32 $0xFFFFC000  }
0x240: {  	[spmem:s29] =	stream.indirect.scatter.add.f32 [tilespmem:s5], [sflag:$0x4], $0x80, s28, s8, $0xb8;
	[tilespmem:$0x1D000] =	vst v63  }
0x241: {  	_ =	swait.ge [sflag:s6], $0x4000  }
0x242: {  	[sflag:s6] =	ssyncset.done $0x0  }
0x243: {  	s31 =	simm.s32 $0x300;
	[sflag:s6] =	ssyncadd.s32 $0xFFFFC000  }
0x244: {  	[tilespmem:s5], [sflag:$0x1] =	stream.indirect.gather [hbm4b:s25+s8], $0x80, s31, s8, $0xb8;
	[tilespmem:$0x1D000] =	vst v63  }
0x245: {  	_ =	swait.ge [sflag:s14], $0x4000  }
0x246: {  	[sflag:s14] =	ssyncset.done $0x0  }
0x247: {  	s1 =	simm.s32 $0x680;
	[sflag:s14] =	ssyncadd.s32 $0xFFFFC000  }
0x248: {  	[spmem:s29] =	stream.indirect.scatter.add.f32 [tilespmem:s11], [sflag:$0x4], $0x80, s1, s8, $0xb8;
	[tilespmem:$0x1D000] =	vst v63  }
0x249: {  	_ =	swait.ge [sflag:s6], $0x4000  }
0x24a: {  	[sflag:s6] =	ssyncset.done $0x0  }
0x24b: {  	s2 =	simm.s32 $0x380;
	[sflag:s6] =	ssyncadd.s32 $0xFFFFC000  }
0x24c: {  	[tilespmem:s11], [sflag:$0x2] =	stream.indirect.gather [hbm4b:s25+s8], $0x80, s2, s8, $0xb8;
	[tilespmem:$0x1D000] =	vst v63  }
0x24d: {  	_ =	swait.ge [sflag:s12], $0x4000  }
0x24e: {  	[sflag:s12] =	ssyncset.done $0x0  }
0x24f: {  	s3 =	simm.s32 $0x700;
	[sflag:s12] =	ssyncadd.s32 $0xFFFFC000  }
0x250: {  	[spmem:s29] =	stream.indirect.scatter.add.f32 [tilespmem:s5], [sflag:$0x4], $0x80, s3, s8, $0xb8;
	[tilespmem:$0x1D000] =	vst v63  }
0x251: {  	_ =	swait.ge [sflag:s6], $0x4000  }
0x252: {  	[sflag:s6] =	ssyncset.done $0x0  }
0x253: {  	[sflag:s6] =	ssyncadd.s32 $0xFFFFC000  }
0x254: {  	_ =	swait.ge [sflag:s30], $0x400  }
0x255: {  	[sflag:s30] =	ssyncset.done $0x0  }
0x256: {  	[sflag:s30] =	ssyncadd.s32 $0xFFFFFC00  }
0x257: {  	_ =	swait.ge [sflag:s30], $0x400  }
0x258: {  	[sflag:s30] =	ssyncset.done $0x0  }
0x259: {  	s0 =	simm.s32 $0x800;
	[sflag:s30] =	ssyncadd.s32 $0xFFFFFC00  }
0x25a: {  	[tilespmem:s5], [sflag:$0x1] =	stream.indirect.gather [hbm4b:s25+s8], $0x80, s0, s8, $0xb8;
	[tilespmem:$0x1D000] =	vst v63  }
0x25b: {  	_ =	swait.ge [sflag:s14], $0x4000  }
0x25c: {  	[sflag:s14] =	ssyncset.done $0x0  }
0x25d: {  	[sflag:s14] =	ssyncadd.s32 $0xFFFFC000  }
0x25e: {  	[spmem:s29] =	stream.indirect.scatter.add.f32 [tilespmem:s11], [sflag:$0x4], $0x80, s4, s8, $0xb8;
	[tilespmem:$0x1D000] =	vst v63  }
0x25f: {  	_ =	swait.ge [sflag:s6], $0x4000  }
0x260: {  	[sflag:s6] =	ssyncset.done $0x0  }
0x261: {  	s4 =	rddreg [dreg:$0x14];
	[sflag:s6] =	ssyncadd.s32 $0xFFFFC000  }
0x262: {  	[tilespmem:s13], [sflag:$0x3] =	stream.linear.gather [hbm4b:s4+s13], $0x400, $0x38;
	[tilespmem:$0x1D000] =	vst v63  }
0x263: {  	s7 =	rddreg [dreg:$0x15]  }
0x264: {  	[tilespmem:s9], [sflag:$0x3] =	stream.linear.gather [hbm4b:s7+s13], $0x400, $0x38;
	[tilespmem:$0x1D000] =	vst v63  }
0x265: {  	s7 =	simm.s32 $0x880  }
0x266: {  	[tilespmem:s11], [sflag:$0x2] =	stream.indirect.gather [hbm4b:s25+s8], $0x80, s7, s8, $0xb8;
	[tilespmem:$0x1D000] =	vst v63  }
0x267: {  	_ =	swait.ge [sflag:s12], $0x4000  }
0x268: {  	[sflag:s12] =	ssyncset.done $0x0  }
0x269: {  	s1 =	simm.s32 $0xC00;
	[sflag:s12] =	ssyncadd.s32 $0xFFFFC000  }
0x26a: {  	[spmem:s29] =	stream.indirect.scatter.add.f32 [tilespmem:s5], [sflag:$0x4], $0x80, s1, s8, $0xb8;
	[tilespmem:$0x1D000] =	vst v63  }
0x26b: {  	_ =	swait.ge [sflag:s6], $0x4000  }
0x26c: {  	[sflag:s6] =	ssyncset.done $0x0  }
0x26d: {  	[sflag:s6] =	ssyncadd.s32 $0xFFFFC000  }
0x26e: {  	[tilespmem:s5], [sflag:$0x1] =	stream.indirect.gather [hbm4b:s25+s8], $0x80, s15, s8, $0xb8;
	[tilespmem:$0x1D000] =	vst v63  }
0x26f: {  	_ =	swait.ge [sflag:s14], $0x4000  }
0x270: {  	[sflag:s14] =	ssyncset.done $0x0  }
0x271: {  	s3 =	simm.s32 $0xC80;
	[sflag:s14] =	ssyncadd.s32 $0xFFFFC000  }
0x272: {  	[spmem:s29] =	stream.indirect.scatter.add.f32 [tilespmem:s11], [sflag:$0x4], $0x80, s3, s8, $0xb8;
	[tilespmem:$0x1D000] =	vst v63  }
0x273: {  	_ =	swait.ge [sflag:s6], $0x4000  }
0x274: {  	[sflag:s6] =	ssyncset.done $0x0  }
0x275: {  	s10 =	simm.s32 $0x980;
	[sflag:s6] =	ssyncadd.s32 $0xFFFFC000  }
0x276: {  	[tilespmem:s11], [sflag:$0x2] =	stream.indirect.gather [hbm4b:s25+s8], $0x80, s10, s8, $0xb8;
	[tilespmem:$0x1D000] =	vst v63  }
0x277: {  	_ =	swait.ge [sflag:s12], $0x4000  }
0x278: {  	[sflag:s12] =	ssyncset.done $0x0  }
0x279: {  	s15 =	simm.s32 $0xD00;
	[sflag:s12] =	ssyncadd.s32 $0xFFFFC000  }
0x27a: {  	[spmem:s29] =	stream.indirect.scatter.add.f32 [tilespmem:s5], [sflag:$0x4], $0x80, s15, s8, $0xb8;
	[tilespmem:$0x1D000] =	vst v63  }
0x27b: {  	_ =	swait.ge [sflag:s6], $0x4000  }
0x27c: {  	[sflag:s6] =	ssyncset.done $0x0  }
0x27d: {  	s16 =	simm.s32 $0xA00;
	[sflag:s6] =	ssyncadd.s32 $0xFFFFC000  }
0x27e: {  	[tilespmem:s5], [sflag:$0x1] =	stream.indirect.gather [hbm4b:s25+s8], $0x80, s16, s8, $0xb8;
	[tilespmem:$0x1D000] =	vst v63  }
0x27f: {  	_ =	swait.ge [sflag:s14], $0x4000  }
0x280: {  	[sflag:s14] =	ssyncset.done $0x0  }
0x281: {  	s17 =	simm.s32 $0xD80;
	[sflag:s14] =	ssyncadd.s32 $0xFFFFC000  }
0x282: {  	[spmem:s29] =	stream.indirect.scatter.add.f32 [tilespmem:s11], [sflag:$0x4], $0x80, s17, s8, $0xb8;
	[tilespmem:$0x1D000] =	vst v63  }
0x283: {  	_ =	swait.ge [sflag:s6], $0x4000  }
0x284: {  	[sflag:s6] =	ssyncset.done $0x0  }
0x285: {  	s18 =	simm.s32 $0xA80;
	[sflag:s6] =	ssyncadd.s32 $0xFFFFC000  }
0x286: {  	[tilespmem:s11], [sflag:$0x2] =	stream.indirect.gather [hbm4b:s25+s8], $0x80, s18, s8, $0xb8;
	[tilespmem:$0x1D000] =	vst v63  }
0x287: {  	_ =	swait.ge [sflag:s12], $0x4000  }
0x288: {  	[sflag:s12] =	ssyncset.done $0x0  }
0x289: {  	s19 =	simm.s32 $0xE00;
	[sflag:s12] =	ssyncadd.s32 $0xFFFFC000  }
0x28a: {  	[spmem:s29] =	stream.indirect.scatter.add.f32 [tilespmem:s5], [sflag:$0x4], $0x80, s19, s8, $0xb8;
	[tilespmem:$0x1D000] =	vst v63  }
0x28b: {  	_ =	swait.ge [sflag:s6], $0x4000  }
0x28c: {  	[sflag:s6] =	ssyncset.done $0x0  }
0x28d: {  	s20 =	simm.s32 $0xB00;
	[sflag:s6] =	ssyncadd.s32 $0xFFFFC000  }
0x28e: {  	[tilespmem:s5], [sflag:$0x1] =	stream.indirect.gather [hbm4b:s25+s8], $0x80, s20, s8, $0xb8;
	[tilespmem:$0x1D000] =	vst v63  }
0x28f: {  	_ =	swait.ge [sflag:s14], $0x4000  }
0x290: {  	[sflag:s14] =	ssyncset.done $0x0  }
0x291: {  	s21 =	simm.s32 $0xE80;
	[sflag:s14] =	ssyncadd.s32 $0xFFFFC000  }
0x292: {  	[spmem:s29] =	stream.indirect.scatter.add.f32 [tilespmem:s11], [sflag:$0x4], $0x80, s21, s8, $0xb8;
	[tilespmem:$0x1D000] =	vst v63  }
0x293: {  	_ =	swait.ge [sflag:s6], $0x4000  }
0x294: {  	[sflag:s6] =	ssyncset.done $0x0  }
0x295: {  	s22 =	simm.s32 $0xB80;
	[sflag:s6] =	ssyncadd.s32 $0xFFFFC000  }
0x296: {  	[tilespmem:s11], [sflag:$0x2] =	stream.indirect.gather [hbm4b:s25+s8], $0x80, s22, s8, $0xb8;
	[tilespmem:$0x1D000] =	vst v63  }
0x297: {  	_ =	swait.ge [sflag:s12], $0x4000  }
0x298: {  	[sflag:s12] =	ssyncset.done $0x0  }
0x299: {  	s24 =	simm.s32 $0xF00;
	[sflag:s12] =	ssyncadd.s32 $0xFFFFC000  }
0x29a: {  	[spmem:s29] =	stream.indirect.scatter.add.f32 [tilespmem:s5], [sflag:$0x4], $0x80, s24, s8, $0xb8;
	[tilespmem:$0x1D000] =	vst v63  }
0x29b: {  	_ =	swait.ge [sflag:s6], $0x4000  }
0x29c: {  	[sflag:s6] =	ssyncset.done $0x0  }
0x29d: {  	[sflag:s6] =	ssyncadd.s32 $0xFFFFC000  }
0x29e: {  	_ =	swait.ge [sflag:s30], $0x400  }
0x29f: {  	[sflag:s30] =	ssyncset.done $0x0  }
0x2a0: {  	[sflag:s30] =	ssyncadd.s32 $0xFFFFFC00  }
0x2a1: {  	_ =	swait.ge [sflag:s30], $0x400  }
0x2a2: {  	[sflag:s30] =	ssyncset.done $0x0  }
0x2a3: {  	[sflag:s30] =	ssyncadd.s32 $0xFFFFFC00  }
0x2a4: {  	[tilespmem:s5], [sflag:$0x1] =	stream.indirect.gather [hbm4b:s25+s8], $0x80, s13, s8, $0xb8;
	[tilespmem:$0x1D000] =	vst v63  }
0x2a5: {  	_ =	swait.ge [sflag:s14], $0x4000  }
0x2a6: {  	[sflag:s14] =	ssyncset.done $0x0  }
0x2a7: {  	s2 =	simm.s32 $0xF80;
	[sflag:s14] =	ssyncadd.s32 $0xFFFFC000  }
0x2a8: {  	[spmem:s29] =	stream.indirect.scatter.add.f32 [tilespmem:s11], [sflag:$0x4], $0x80, s2, s8, $0xb8;
	[tilespmem:$0x1D000] =	vst v63  }
0x2a9: {  	_ =	swait.ge [sflag:s6], $0x4000  }
0x2aa: {  	[sflag:s6] =	ssyncset.done $0x0  }
0x2ab: {  	s24 =	rddreg [dreg:$0x16];
	[sflag:s6] =	ssyncadd.s32 $0xFFFFC000  }
0x2ac: {  	[tilespmem:s0], [sflag:$0x3] =	stream.linear.gather [hbm4b:s24+s13], $0x400, $0x38;
	[tilespmem:$0x1D000] =	vst v63  }
0x2ad: {  	s24 =	rddreg [dreg:$0x17]  }
0x2ae: {  	[tilespmem:s1], [sflag:$0x3] =	stream.linear.gather [hbm4b:s24+s13], $0x400, $0x38;
	[tilespmem:$0x1D000] =	vst v63  }
0x2af: {  	_ = 	snop  }
0x2b0: {  	[tilespmem:s11], [sflag:$0x2] =	stream.indirect.gather [hbm4b:s25+s8], $0x80, s8, s8, $0xb8;
	[tilespmem:$0x1D000] =	vst v63  }
0x2b1: {  	_ =	swait.ge [sflag:s12], $0x4000  }
0x2b2: {  	[sflag:s12] =	ssyncset.done $0x0  }
0x2b3: {  	[sflag:s12] =	ssyncadd.s32 $0xFFFFC000  }
0x2b4: {  	[spmem:s29] =	stream.indirect.scatter.add.f32 [tilespmem:s5], [sflag:$0x4], $0x80, s9, s8, $0xb8;
	[tilespmem:$0x1D000] =	vst v63  }
0x2b5: {  	_ =	swait.ge [sflag:s6], $0x4000  }
0x2b6: {  	[sflag:s6] =	ssyncset.done $0x0  }
0x2b7: {  	s1 =	simm.s32 $0x100;
	[sflag:s6] =	ssyncadd.s32 $0xFFFFC000  }
0x2b8: {  	[tilespmem:s5], [sflag:$0x1] =	stream.indirect.gather [hbm4b:s25+s8], $0x80, s1, s8, $0xb8;
	[tilespmem:$0x1D000] =	vst v63  }
0x2b9: {  	_ =	swait.ge [sflag:s14], $0x4000  }
0x2ba: {  	[sflag:s14] =	ssyncset.done $0x0  }
0x2bb: {  	s1 =	simm.s32 $0x480;
	[sflag:s14] =	ssyncadd.s32 $0xFFFFC000  }
0x2bc: {  	[spmem:s29] =	stream.indirect.scatter.add.f32 [tilespmem:s11], [sflag:$0x4], $0x80, s1, s8, $0xb8;
	[tilespmem:$0x1D000] =	vst v63  }
0x2bd: {  	_ =	swait.ge [sflag:s6], $0x4000  }
0x2be: {  	[sflag:s6] =	ssyncset.done $0x0  }
0x2bf: {  	s1 =	simm.s32 $0x180;
	[sflag:s6] =	ssyncadd.s32 $0xFFFFC000  }
0x2c0: {  	[tilespmem:s11], [sflag:$0x2] =	stream.indirect.gather [hbm4b:s25+s8], $0x80, s1, s8, $0xb8;
	[tilespmem:$0x1D000] =	vst v63  }
0x2c1: {  	_ =	swait.ge [sflag:s12], $0x4000  }
0x2c2: {  	[sflag:s12] =	ssyncset.done $0x0  }
0x2c3: {  	s1 =	simm.s32 $0x500;
	[sflag:s12] =	ssyncadd.s32 $0xFFFFC000  }
0x2c4: {  	[spmem:s29] =	stream.indirect.scatter.add.f32 [tilespmem:s5], [sflag:$0x4], $0x80, s1, s8, $0xb8;
	[tilespmem:$0x1D000] =	vst v63  }
0x2c5: {  	_ =	swait.ge [sflag:s6], $0x4000  }
0x2c6: {  	[sflag:s6] =	ssyncset.done $0x0  }
0x2c7: {  	s1 =	simm.s32 $0x200;
	[sflag:s6] =	ssyncadd.s32 $0xFFFFC000  }
0x2c8: {  	[tilespmem:s5], [sflag:$0x1] =	stream.indirect.gather [hbm4b:s25+s8], $0x80, s1, s8, $0xb8;
	[tilespmem:$0x1D000] =	vst v63  }
0x2c9: {  	_ =	swait.ge [sflag:s14], $0x4000  }
0x2ca: {  	[sflag:s14] =	ssyncset.done $0x0  }
0x2cb: {  	s1 =	simm.s32 $0x580;
	[sflag:s14] =	ssyncadd.s32 $0xFFFFC000  }
0x2cc: {  	[spmem:s29] =	stream.indirect.scatter.add.f32 [tilespmem:s11], [sflag:$0x4], $0x80, s1, s8, $0xb8;
	[tilespmem:$0x1D000] =	vst v63  }
0x2cd: {  	_ =	swait.ge [sflag:s6], $0x4000  }
0x2ce: {  	[sflag:s6] =	ssyncset.done $0x0  }
0x2cf: {  	s1 =	simm.s32 $0x280;
	[sflag:s6] =	ssyncadd.s32 $0xFFFFC000  }
0x2d0: {  	[tilespmem:s11], [sflag:$0x2] =	stream.indirect.gather [hbm4b:s25+s8], $0x80, s1, s8, $0xb8;
	[tilespmem:$0x1D000] =	vst v63  }
0x2d1: {  	_ =	swait.ge [sflag:s12], $0x4000  }
0x2d2: {  	[sflag:s12] =	ssyncset.done $0x0  }
0x2d3: {  	s1 =	simm.s32 $0x600;
	[sflag:s12] =	ssyncadd.s32 $0xFFFFC000  }
0x2d4: {  	[spmem:s29] =	stream.indirect.scatter.add.f32 [tilespmem:s5], [sflag:$0x4], $0x80, s1, s8, $0xb8;
	[tilespmem:$0x1D000] =	vst v63  }
0x2d5: {  	_ =	swait.ge [sflag:s6], $0x4000  }
0x2d6: {  	[sflag:s6] =	ssyncset.done $0x0  }
0x2d7: {  	s1 =	simm.s32 $0x300;
	[sflag:s6] =	ssyncadd.s32 $0xFFFFC000  }
0x2d8: {  	[tilespmem:s5], [sflag:$0x1] =	stream.indirect.gather [hbm4b:s25+s8], $0x80, s1, s8, $0xb8;
	[tilespmem:$0x1D000] =	vst v63  }
0x2d9: {  	_ =	swait.ge [sflag:s14], $0x4000  }
0x2da: {  	[sflag:s14] =	ssyncset.done $0x0  }
0x2db: {  	s1 =	simm.s32 $0x680;
	[sflag:s14] =	ssyncadd.s32 $0xFFFFC000  }
0x2dc: {  	[spmem:s29] =	stream.indirect.scatter.add.f32 [tilespmem:s11], [sflag:$0x4], $0x80, s1, s8, $0xb8;
	[tilespmem:$0x1D000] =	vst v63  }
0x2dd: {  	_ =	swait.ge [sflag:s6], $0x4000  }
0x2de: {  	[sflag:s6] =	ssyncset.done $0x0  }
0x2df: {  	s26 =	simm.s32 $0x380;
	[sflag:s6] =	ssyncadd.s32 $0xFFFFC000  }
0x2e0: {  	[tilespmem:s11], [sflag:$0x2] =	stream.indirect.gather [hbm4b:s25+s8], $0x80, s26, s8, $0xb8;
	[tilespmem:$0x1D000] =	vst v63  }
0x2e1: {  	_ =	swait.ge [sflag:s12], $0x4000  }
0x2e2: {  	[sflag:s12] =	ssyncset.done $0x0  }
0x2e3: {  	s28 =	simm.s32 $0x700;
	[sflag:s12] =	ssyncadd.s32 $0xFFFFC000  }
0x2e4: {  	[spmem:s29] =	stream.indirect.scatter.add.f32 [tilespmem:s5], [sflag:$0x4], $0x80, s28, s8, $0xb8;
	[tilespmem:$0x1D000] =	vst v63  }
0x2e5: {  	_ =	swait.ge [sflag:s6], $0x4000  }
0x2e6: {  	[sflag:s6] =	ssyncset.done $0x0  }
0x2e7: {  	[sflag:s6] =	ssyncadd.s32 $0xFFFFC000  }
0x2e8: {  	_ =	swait.ge [sflag:s30], $0x400  }
0x2e9: {  	[sflag:s30] =	ssyncset.done $0x0  }
0x2ea: {  	[sflag:s30] =	ssyncadd.s32 $0xFFFFFC00  }
0x2eb: {  	_ =	swait.ge [sflag:s30], $0x400  }
0x2ec: {  	[sflag:s30] =	ssyncset.done $0x0  }
0x2ed: {  	s0 =	simm.s32 $0x800;
	[sflag:s30] =	ssyncadd.s32 $0xFFFFFC00  }
0x2ee: {  	[tilespmem:s5], [sflag:$0x1] =	stream.indirect.gather [hbm4b:s25+s8], $0x80, s0, s8, $0xb8;
	[tilespmem:$0x1D000] =	vst v63  }
0x2ef: {  	_ =	swait.ge [sflag:s14], $0x4000  }
0x2f0: {  	[sflag:s14] =	ssyncset.done $0x0  }
0x2f1: {  	s31 =	simm.s32 $0x780;
	[sflag:s14] =	ssyncadd.s32 $0xFFFFC000  }
0x2f2: {  	[spmem:s29] =	stream.indirect.scatter.add.f32 [tilespmem:s11], [sflag:$0x4], $0x80, s31, s8, $0xb8;
	[tilespmem:$0x1D000] =	vst v63  }
0x2f3: {  	_ =	swait.ge [sflag:s6], $0x4000  }
0x2f4: {  	[sflag:s6] =	ssyncset.done $0x0  }
0x2f5: {  	[sflag:s6] =	ssyncadd.s32 $0xFFFFC000  }
0x2f6: {  	[tilespmem:s11], [sflag:$0x2] =	stream.indirect.gather [hbm4b:s25+s8], $0x80, s7, s8, $0xb8;
	[tilespmem:$0x1D000] =	vst v63  }
0x2f7: {  	_ =	swait.ge [sflag:s12], $0x4000  }
0x2f8: {  	[sflag:s12] =	ssyncset.done $0x0  }
0x2f9: {  	s24 =	simm.s32 $0xC00;
	[sflag:s12] =	ssyncadd.s32 $0xFFFFC000  }
0x2fa: {  	[spmem:s29] =	stream.indirect.scatter.add.f32 [tilespmem:s5], [sflag:$0x4], $0x80, s24, s8, $0xb8;
	[tilespmem:$0x1D000] =	vst v63  }
0x2fb: {  	_ =	swait.ge [sflag:s6], $0x4000  }
0x2fc: {  	[sflag:s6] =	ssyncset.done $0x0  }
0x2fd: {  	s23 =	simm.s32 $0x900;
	[sflag:s6] =	ssyncadd.s32 $0xFFFFC000  }
0x2fe: {  	[tilespmem:s5], [sflag:$0x1] =	stream.indirect.gather [hbm4b:s25+s8], $0x80, s23, s8, $0xb8;
	[tilespmem:$0x1D000] =	vst v63  }
0x2ff: {  	_ =	swait.ge [sflag:s14], $0x4000  }
0x300: {  	[sflag:s14] =	ssyncset.done $0x0  }
0x301: {  	[sflag:s14] =	ssyncadd.s32 $0xFFFFC000  }
0x302: {  	[spmem:s29] =	stream.indirect.scatter.add.f32 [tilespmem:s11], [sflag:$0x4], $0x80, s3, s8, $0xb8;
	[tilespmem:$0x1D000] =	vst v63  }
0x303: {  	_ =	swait.ge [sflag:s6], $0x4000  }
0x304: {  	[sflag:s6] =	ssyncset.done $0x0  }
0x305: {  	s4 =	simm.s32 $0x980;
	[sflag:s6] =	ssyncadd.s32 $0xFFFFC000  }
0x306: {  	[tilespmem:s11], [sflag:$0x2] =	stream.indirect.gather [hbm4b:s25+s8], $0x80, s4, s8, $0xb8;
	[tilespmem:$0x1D000] =	vst v63  }
0x307: {  	_ =	swait.ge [sflag:s12], $0x4000  }
0x308: {  	[sflag:s12] =	ssyncset.done $0x0  }
0x309: {  	s10 =	simm.s32 $0xD00;
	[sflag:s12] =	ssyncadd.s32 $0xFFFFC000  }
0x30a: {  	[spmem:s29] =	stream.indirect.scatter.add.f32 [tilespmem:s5], [sflag:$0x4], $0x80, s10, s8, $0xb8;
	[tilespmem:$0x1D000] =	vst v63  }
0x30b: {  	_ =	swait.ge [sflag:s6], $0x4000  }
0x30c: {  	[sflag:s6] =	ssyncset.done $0x0  }
0x30d: {  	s15 =	simm.s32 $0xA00;
	[sflag:s6] =	ssyncadd.s32 $0xFFFFC000  }
0x30e: {  	[tilespmem:s5], [sflag:$0x1] =	stream.indirect.gather [hbm4b:s25+s8], $0x80, s15, s8, $0xb8;
	[tilespmem:$0x1D000] =	vst v63  }
0x30f: {  	_ =	swait.ge [sflag:s14], $0x4000  }
0x310: {  	[sflag:s14] =	ssyncset.done $0x0  }
0x311: {  	s16 =	simm.s32 $0xD80;
	[sflag:s14] =	ssyncadd.s32 $0xFFFFC000  }
0x312: {  	[spmem:s29] =	stream.indirect.scatter.add.f32 [tilespmem:s11], [sflag:$0x4], $0x80, s16, s8, $0xb8;
	[tilespmem:$0x1D000] =	vst v63  }
0x313: {  	_ =	swait.ge [sflag:s6], $0x4000  }
0x314: {  	[sflag:s6] =	ssyncset.done $0x0  }
0x315: {  	s17 =	simm.s32 $0xA80;
	[sflag:s6] =	ssyncadd.s32 $0xFFFFC000  }
0x316: {  	[tilespmem:s11], [sflag:$0x2] =	stream.indirect.gather [hbm4b:s25+s8], $0x80, s17, s8, $0xb8;
	[tilespmem:$0x1D000] =	vst v63  }
0x317: {  	_ =	swait.ge [sflag:s12], $0x4000  }
0x318: {  	[sflag:s12] =	ssyncset.done $0x0  }
0x319: {  	s18 =	simm.s32 $0xE00;
	[sflag:s12] =	ssyncadd.s32 $0xFFFFC000  }
0x31a: {  	[spmem:s29] =	stream.indirect.scatter.add.f32 [tilespmem:s5], [sflag:$0x4], $0x80, s18, s8, $0xb8;
	[tilespmem:$0x1D000] =	vst v63  }
0x31b: {  	_ =	swait.ge [sflag:s6], $0x4000  }
0x31c: {  	[sflag:s6] =	ssyncset.done $0x0  }
0x31d: {  	s19 =	simm.s32 $0xB00;
	[sflag:s6] =	ssyncadd.s32 $0xFFFFC000  }
0x31e: {  	[tilespmem:s5], [sflag:$0x1] =	stream.indirect.gather [hbm4b:s25+s8], $0x80, s19, s8, $0xb8;
	[tilespmem:$0x1D000] =	vst v63  }
0x31f: {  	_ =	swait.ge [sflag:s14], $0x4000  }
0x320: {  	[sflag:s14] =	ssyncset.done $0x0  }
0x321: {  	s20 =	simm.s32 $0xE80;
	[sflag:s14] =	ssyncadd.s32 $0xFFFFC000  }
0x322: {  	[spmem:s29] =	stream.indirect.scatter.add.f32 [tilespmem:s11], [sflag:$0x4], $0x80, s20, s8, $0xb8;
	[tilespmem:$0x1D000] =	vst v63  }
0x323: {  	_ =	swait.ge [sflag:s6], $0x4000  }
0x324: {  	[sflag:s6] =	ssyncset.done $0x0  }
0x325: {  	s21 =	simm.s32 $0xB80;
	[sflag:s6] =	ssyncadd.s32 $0xFFFFC000  }
0x326: {  	[tilespmem:s11], [sflag:$0x2] =	stream.indirect.gather [hbm4b:s25+s8], $0x80, s21, s8, $0xb8;
	[tilespmem:$0x1D000] =	vst v63  }
0x327: {  	_ =	swait.ge [sflag:s12], $0x4000  }
0x328: {  	[sflag:s12] =	ssyncset.done $0x0  }
0x329: {  	s22 =	simm.s32 $0xF00;
	[sflag:s12] =	ssyncadd.s32 $0xFFFFC000  }
0x32a: {  	[spmem:s29] =	stream.indirect.scatter.add.f32 [tilespmem:s5], [sflag:$0x4], $0x80, s22, s8, $0xb8;
	[tilespmem:$0x1D000] =	vst v63  }
0x32b: {  	_ =	swait.ge [sflag:s6], $0x4000  }
0x32c: {  	[sflag:s6] =	ssyncset.done $0x0  }
0x32d: {  	[sflag:s6] =	ssyncadd.s32 $0xFFFFC000  }
0x32e: {  	_ =	swait.ge [sflag:s14], $0x4000  }
0x32f: {  	[sflag:s14] =	ssyncset.done $0x0  }
0x330: {  	[sflag:s14] =	ssyncadd.s32 $0xFFFFC000  }
0x331: {  	[spmem:s29] =	stream.indirect.scatter.add.f32 [tilespmem:s11], [sflag:$0x4], $0x80, s2, s8, $0xb8;
	[tilespmem:$0x1D000] =	vst v63  }
0x332: {  	_ =	swait.ge [sflag:s6], $0x4000  }
0x333: {  	[sflag:s6] =	ssyncset.done $0x0  }
0x334: {  	[sflag:s6] =	ssyncadd.s32 $0xFFFFC000  }
0x335: {  	s0 =	stileid.u32;
	[bflag:$0x0] =	sbarrier.arrive $0xFFFF  }
0x336: {  	s24 =	sshll.u32 s0, $0x6;
	s1 =	rddreg [dreg:$0x1d]  }
0x337: {  	s24 =	sor.u32 $0x1C04, s24;
	s3 =	rddreg [dreg:$0x18];
	s2 =	sshrl.u32 s1, $0x3  }
0x338: {  	[hbm:s3], [sflag:s24] =	dma.local [spmem:s2], $0x800  }
0x339: {  	_ =	swait.ge [sflag:s6], $0x800  }
0x33a: {  	[sflag:s6] =	ssyncset.done $0x0;
	s7 =	rddreg [dreg:$0x1e]  }
0x33b: {  	s15 =	rddreg [dreg:$0x19];
	[sflag:s6] =	ssyncadd.s32 $0xFFFFF800;
	s10 =	sshrl.u32 s7, $0x3  }
0x33c: {  	[hbm:s15], [sflag:s24] =	dma.local [spmem:s10], $0x800  }
0x33d: {  	_ =	swait.ge [sflag:s6], $0x800  }
0x33e: {  	[sflag:s6] =	ssyncset.done $0x0;
	s16 =	rddreg [dreg:$0x1f]  }
0x33f: {  	s18 =	rddreg [dreg:$0x1a];
	[sflag:s6] =	ssyncadd.s32 $0xFFFFF800;
	s17 =	sshrl.u32 s16, $0x3  }
0x340: {  	[hbm:s18], [sflag:s24] =	dma.local [spmem:s17], $0x800  }
0x341: {  	_ =	swait.ge [sflag:s6], $0x800  }
0x342: {  	s19 =	sld [smem:$0x7FB];
	_ =	sdelay $0x1  }
0x343: {  	[sflag:s6] =	ssyncset.done $0x0  }
0x344: {  	s21 =	rddreg [dreg:$0x1b];
	[sflag:s6] =	ssyncadd.s32 $0xFFFFF800;
	s20 =	sshrl.u32 s19, $0x3  }
0x345: {  	[hbm:s21], [sflag:s24] =	dma.local [spmem:s20], $0x800  }
0x346: {  	_ =	swait.ge [sflag:s6], $0x800  }
0x347: {  	s22 =	sld [smem:$0x7FC];
	_ =	sdelay $0x1  }
0x348: {  	[sflag:s6] =	ssyncset.done $0x0  }
0x349: {  	s26 =	rddreg [dreg:$0x1c];
	[sflag:s6] =	ssyncadd.s32 $0xFFFFF800;
	s23 =	sshrl.u32 s22, $0x3  }
0x34a: {  	[hbm:s26], [sflag:s24] =	dma.local [spmem:s23], $0x800  }
0x34b: {  	_ =	swait.ge [sflag:s6], $0x800  }
0x34c: {  	s28 =	sld [smem:$0x7FA]  }
0x34d: {  	s31 =	sld [smem:$0x7FD];
	_ =	sdelay $0x1  }
0x34e: {  	s2 =	sadd.s32 $0x1, s28  }
0x34f: {  	p0 =	sne.s32 s2, s31  }
.Ltmp1:
0x350: {  	_ = 	snop;
	(pc) =	sbr.rel @p0 .LBB2_1-.Ltmp1, $3  }
0x351: {  	_ =	sdelay $0x1  }
0x352: {  	[sflag:s6] =	ssyncset.done $0x0  }
0x353: {  	[sflag:s6] =	ssyncadd.s32 $0xFFFFF800  }
0x354: {  	_ =	sfence.sel $0x180000  }
0x355: {  	[bflag:$0x0] =	sbarrier.arrive $0xFFFF  }
0x356: {  	_ =	strace $0x9000004A  }
0x357: {  	s0 =	stileid.u32;
	[bflag:$0x2] =	sbarrier.arrive $0xFFFF  }
0x358: {  	p0 =	sne.s32 s0, $0x0;
	s0 =	rddreg [dreg:$0x3]  }
0x359: {  	s0 =	sadd.s32 @!p0 $0x100000, s0  }
0x35a: {  	[sflag:s0] =	ssyncadd.tile.s32 @!p0 $0x1;
	_ =	shalt  }
.Lfunc_end2:
_tile_overlayer_lowered:
.L_overlay_start_2:
0x35b: {  	(tag) =	ssettag $0x2  }
0x35c: {  	s0 =	rddreg [dreg:$0x0];
	s2 =	stileid.u32  }
0x35d: {  	s1 =	rddreg [dreg:$0x1];
	p0 =	sne.s32 s2, $0x0  }
0x35e: {  	s3 =	rddreg [dreg:$0x2];
	[bflag:$0x3] =	sbarrier.arrive $0xFFFF;
	s2 =	simm.s32 @!p0 $0x1C04  }
0x35f: {  	[timem:s3], [sflag:s2] =	dma.local @!p0 [hbm:s0], s1  }
0x360: {  	s0 =	simm.s32 @!p0 $0x4  }
0x361: {  	_ =	swait.ge @!p0 [sflag:s0], s1  }
0x362: {  	s1 =	ssub.s32 @!p0 $0x0, s1;
	[sflag:s0] =	ssyncset.done @!p0 $0x0  }
0x363: {  	[sflag:s0] =	ssyncadd.s32 @!p0 s1  }
0x364: {  	[bflag:$0x3] =	sbarrier.arrive $0xFFFF  }
0x365: {  	_ =	shalt  }

</sc_bundles>
